<compile_context>
chip_gen: v7x
topology: tpu7x:2x2x1
jax: 0.10.2.dev20260603
libtpu: 0.0.44.dev20260713+nightly
codegen_flags: <defaults>
</compile_context>

<pallas_src>
import functools

import jax
import jax.numpy as jnp
from jax import lax
from jax.experimental import pallas as pl
from jax.experimental.pallas import tpu as pltpu
from jax.experimental.pallas import tpu_sc as plsc

NUM_DIV = 4
_LANES = 16
_G = 16
_GD = 10
_SD = 9
_R = _GD + _SD


def _wh_body(f_ref, w_ref, n_ref, o_ref):
    f = f_ref[...]
    nm = n_ref[...]
    for d in range(NUM_DIV):
        wh = lax.dot_general(f, w_ref[d], (((1,), (1,)), ((), ())),
                             preferred_element_type=jnp.float32)
        o_ref[d] = wh * nm


def _post_body(a_ref, n_ref, o_ref):
    nm = n_ref[...]
    d_feat = a_ref.shape[-1]
    for d in range(NUM_DIV):
        o_ref[:, d * d_feat:(d + 1) * d_feat] = jnp.maximum(a_ref[d] * nm, 0.0)


def _sc_segment_sums(wh_flat, src, dst, div, zrows, n_nodes, n_edges, d_feat):
    n_tiles = 16
    ept = n_edges // n_tiles
    ec = 400
    nchunks = ept // ec
    pcap = _G + ec + _G
    nacc = ((n_nodes // n_tiles + 8) // 8 * 8) * n_tiles
    zpt = nacc // n_tiles
    mesh = plsc.VectorSubcoreMesh(core_axis_name="c", subcore_axis_name="s")

    @functools.partial(
        pl.kernel,
        out_type=jax.ShapeDtypeStruct((NUM_DIV * nacc, d_feat), jnp.float32),
        mesh=mesh,
        compiler_params=pltpu.CompilerParams(needs_layout_passes=False),
        scratch_types=[
            pltpu.VMEM((2 * ec,), jnp.int32),
            pltpu.VMEM((2 * ec,), jnp.int32),
            pltpu.VMEM((2 * ec,), jnp.int32),
            pltpu.VMEM((pcap,), jnp.int32),
            pltpu.VMEM((_R, _G), jnp.int32),
            pltpu.VMEM((_R, _G), jnp.int32),
            pltpu.VMEM((_R * _G, d_feat), jnp.float32),
            pltpu.VMEM_SHARED((nacc, d_feat), jnp.float32),
            pltpu.SemaphoreType.DMA,
            pltpu.SemaphoreType.DMA,
            pltpu.SemaphoreType.DMA,
            pltpu.SemaphoreType.DMA,
        ],
    )
    def k(wh_hbm, src_hbm, dst_hbm, div_hbm, z_hbm, out_hbm,
          src_v, dst_v, div_v, pbuf, gstage, sstage, rowbuf, acc,
          esem, gsem, ssem, zsem):
        cid = lax.axis_index("c")
        sid = lax.axis_index("s")
        base_e = sid * ept
        r0 = sid * zpt

        def edge_start(ci, b):
            eb = base_e + ci * ec
            vb = pl.ds(b * ec, ec)
            pltpu.async_copy(src_hbm.at[pl.ds(eb, ec)], src_v.at[vb], esem)
            pltpu.async_copy(dst_hbm.at[pl.ds(eb, ec)], dst_v.at[vb], esem)
            pltpu.async_copy(div_hbm.at[pl.ds(eb, ec)], div_v.at[vb], esem)

        def edge_wait(b):
            for _ in range(3):
                pltpu.make_async_copy(src_hbm.at[pl.ds(0, ec)],
                                      src_v.at[pl.ds(b * ec, ec)], esem).wait()

        def scatter_wait():
            pltpu.make_async_copy(z_hbm.at[pl.ds(0, _G)],
                                  rowbuf.at[pl.ds(0, _G)], ssem).wait()

        def gather_wait():
            pltpu.make_async_copy(z_hbm.at[pl.ds(0, _G)],
                                  rowbuf.at[pl.ds(0, _G)], gsem).wait()

        def issue_gather(g, t):
            b = g % _R
            for kk in range(_G // _LANES):
                pk = pbuf[pl.ds(t * _G + kk * _LANES, _LANES)]
                gstage[b, pl.ds(kk * _LANES, _LANES)] = pk >> 14
                sstage[b, pl.ds(kk * _LANES, _LANES)] = pk & 16383
            pltpu.async_copy(wh_hbm.at[gstage.at[b]],
                             rowbuf.at[pl.ds(b * _G, _G)], gsem)

        def issue_scatter(g):
            b = g % _R
            pltpu.async_copy(rowbuf.at[pl.ds(b * _G, _G)],
                             acc.at[sstage.at[b]], ssem, add=True)

        def group_step(t, base_g):
            g = base_g + t

            @pl.when(g >= _R)
            def _():
                scatter_wait()

            issue_gather(g, t)

            @pl.when(g >= _GD)
            def _():
                gather_wait()
                issue_scatter(g - _GD)

            return base_g

        def drain_groups(count, base_g):
            navail = count // _G
            lax.fori_loop(0, navail, group_step, base_g, unroll=False)

            @pl.when(navail > 0)
            def _():
                for kk in range(_G // _LANES):
                    res = pbuf[pl.ds(navail * _G + kk * _LANES, _LANES)]
                    pbuf[pl.ds(kk * _LANES, _LANES)] = res

            return count - navail * _G, base_g + navail

        for phase in range(NUM_DIV // 2):
            d = phase * 2 + cid

            edge_start(0, 0)
            edge_start(1, 1)
            if phase > 0:
                pltpu.make_async_copy(acc.at[pl.ds(r0, zpt)],
                                      out_hbm.at[pl.ds(r0, zpt)], zsem).wait()
            pltpu.async_copy(z_hbm, acc.at[pl.ds(r0, zpt)], zsem).wait()
            plsc.subcore_barrier()

            def scan_chunk(b, count):
                def vec_body(i, cnt):
                    sv = src_v[pl.ds(b * ec + i * _LANES, _LANES)]
                    dv = dst_v[pl.ds(b * ec + i * _LANES, _LANES)]
                    gv = div_v[pl.ds(b * ec + i * _LANES, _LANES)]
                    m = gv == d
                    packed = ((d * n_nodes + sv) << 14) | dv
                    plsc.store_compressed(pbuf.at[pl.ds(cnt, _LANES)], packed,
                                          mask=m)
                    return cnt + jnp.sum(m.astype(jnp.int32))

                return lax.fori_loop(0, ec // _LANES, vec_body, count,
                                     unroll=False)

            def pair_body(q, carry):
                count, base_g = carry
                edge_wait(0)
                count = scan_chunk(0, count)
                count, base_g = drain_groups(count, base_g)

                @pl.when(q < nchunks // 2 - 1)
                def _():
                    edge_start(2 * q + 2, 0)

                edge_wait(1)
                count = scan_chunk(1, count)
                count, base_g = drain_groups(count, base_g)

                @pl.when(q < nchunks // 2 - 1)
                def _():
                    edge_start(2 * q + 3, 1)

                return count, base_g

            count, base_g = lax.fori_loop(
                0, nchunks // 2, pair_body,
                (jnp.int32(0), jnp.int32(0)), unroll=False)

            dummy = jnp.full((_LANES,), jnp.int32(n_nodes), jnp.int32)
            for kk in range(_G // _LANES):
                pbuf[pl.ds(count + kk * _LANES, _LANES)] = dummy
            count = (count + _G - 1) // _G * _G
            count, ngroups = drain_groups(count, base_g)

            for kk in range(_GD, 0, -1):
                @pl.when(ngroups >= kk)
                def _(kk=kk):
                    gather_wait()
                    issue_scatter(ngroups - kk)

            for kk in range(_R, 0, -1):
                @pl.when(ngroups >= kk)
                def _():
                    scatter_wait()

            plsc.subcore_barrier()

            o0 = d * nacc + r0
            pltpu.async_copy(acc.at[pl.ds(r0, zpt)], out_hbm.at[pl.ds(o0, zpt)],
                             zsem)

        pltpu.make_async_copy(acc.at[pl.ds(r0, zpt)],
                              out_hbm.at[pl.ds(r0, zpt)], zsem).wait()

    return k(wh_flat, src, dst, div, zrows), nacc


def kernel(feature, edge_index, subgraph_idx, norm, W):
    n_nodes, d_feat = feature.shape
    n_edges = edge_index.shape[1]
    src = edge_index[0]
    dst = edge_index[1]

    bn = 2000
    wh4 = pl.pallas_call(
        _wh_body,
        grid=(n_nodes // bn,),
        in_specs=[
            pl.BlockSpec((bn, d_feat), lambda i: (i, 0)),
            pl.BlockSpec((NUM_DIV, d_feat, d_feat), lambda i: (0, 0, 0)),
            pl.BlockSpec((bn, 1), lambda i: (i, 0)),
        ],
        out_specs=pl.BlockSpec((NUM_DIV, bn, d_feat), lambda i: (0, i, 0)),
        out_shape=jax.ShapeDtypeStruct((NUM_DIV, n_nodes, d_feat), jnp.float32),
    )(feature, W, norm)

    zrows = jnp.zeros((632, d_feat), jnp.float32)
    acc_flat, nacc = _sc_segment_sums(wh4.reshape(NUM_DIV * n_nodes, d_feat),
                                      src, dst, subgraph_idx, zrows,
                                      n_nodes, n_edges, d_feat)
    acc4 = acc_flat.reshape(NUM_DIV, nacc, d_feat)

    out = pl.pallas_call(
        _post_body,
        grid=(n_nodes // bn,),
        in_specs=[
            pl.BlockSpec((NUM_DIV, bn, d_feat), lambda i: (0, i, 0)),
            pl.BlockSpec((bn, 1), lambda i: (i, 0)),
        ],
        out_specs=pl.BlockSpec((bn, NUM_DIV * d_feat), lambda i: (i, 0)),
        out_shape=jax.ShapeDtypeStruct((n_nodes, NUM_DIV * d_feat),
                                       jnp.float32),
    )(acc4, norm)
    return out

# --- scband reference (transcript-rebuilt; emitter-appended) ---
"""Pipeline reference for scband-wgcnsingle-channel-85048942395829 (READ-ONLY COPY).

The authoritative reference and input builder live on the scoring server;
editing this copy changes nothing except your own understanding.
"""

import jax, jax.numpy as jnp
import numpy as np

N = 10000
E = 320000
D = 128
NUM_DIV = 4

def setup_inputs(seed: int = 0) -> dict:
    key = jax.random.key(seed)
    k1, k2, k3, k4, k5 = jax.random.split(key, 5)
    feature = jax.random.normal(k1, (N, D), dtype=jnp.float32)
    edge_index = jax.random.randint(k2, (2, E), 0, N, dtype=jnp.int32)
    subgraph_idx = jax.random.randint(k3, (E,), 0, NUM_DIV, dtype=jnp.int32)
    norm = jax.random.uniform(k4, (N, 1), dtype=jnp.float32)
    # per-division linear weights (xavier-uniform style scale), stacked [NUM_DIV, D, D]
    limit = np.sqrt(6.0 / (D + D))
    W = jax.random.uniform(k5, (NUM_DIV, D, D), dtype=jnp.float32, minval=-limit, maxval=limit)
    return {"feature": feature, "edge_index": edge_index, "subgraph_idx": subgraph_idx, "norm": norm, "W": W}

def reference(feature, edge_index, subgraph_idx, norm, W):
    # WGCNSingleChannel forward with isFinal=True / attention=False, pairs=[], merge='cat',
    # dropout_prob=0.0 (eval), activation=relu.
    # For each division i: Wh_i = Linear_i(h) * norm on nodes, then copy_u + sum over the
    # edges belonging to division i (edge data 'subgraph_idx' == i), results concatenated,
    # scaled by norm, relu.
    src = edge_index[0]
    dst = edge_index[1]
    results = []
    for i in range(NUM_DIV):
        Wh = jnp.matmul(feature, W[i].T) * norm          # [N, D]
        mask = (subgraph_idx == i).astype(feature.dtype)[:, None]  # [E, 1]
        msgs = jnp.take(Wh, src, axis=0) * mask          # gather src feats, zero out other divisions
        h_i = jax.ops.segment_sum(msgs, dst, num_segments=N)      # scatter-add to dst
        results.append(h_i)
    h_new = jnp.concatenate(results, axis=-1)            # merge == 'cat' -> [N, NUM_DIV*D]
    h_new = h_new * norm
    return jax.nn.relu(h_new)

if __name__ == "__main__":
    import jax
    _d = setup_inputs()
    print(jax.jit(kernel)(*tuple(_d.values())))

</pallas_src>

<mosaic_0001>
#map = affine_map<(d0, d1) -> (0, 0)>
#map1 = affine_map<(d0, d1) -> (0)>
module attributes {stable_mosaic.version = 14 : i64} {
  func.func @k(%arg0: i32, %arg1: i32, %arg2: memref<40000x128xf32, #tpu.memory_space<hbm>>, %arg3: memref<320000xi32, #tpu.memory_space<hbm>>, %arg4: memref<320000xi32, #tpu.memory_space<hbm>>, %arg5: memref<320000xi32, #tpu.memory_space<hbm>>, %arg6: memref<632x128xf32, #tpu.memory_space<hbm>>, %arg7: memref<40448x128xf32, #tpu.memory_space<hbm>>, %arg8: memref<800xi32, #tpu.memory_space<vmem>>, %arg9: memref<800xi32, #tpu.memory_space<vmem>>, %arg10: memref<800xi32, #tpu.memory_space<vmem>>, %arg11: memref<432xi32, #tpu.memory_space<vmem>>, %arg12: memref<19x16xi32, #tpu.memory_space<vmem>>, %arg13: memref<19x16xi32, #tpu.memory_space<vmem>>, %arg14: memref<304x128xf32, #tpu.memory_space<vmem>>, %arg15: memref<10112x128xf32, #tpu.memory_space<vmem_shared>>, %arg16: memref<!tpu.dma_semaphore, #tpu.memory_space<semaphore_mem>>, %arg17: memref<!tpu.dma_semaphore, #tpu.memory_space<semaphore_mem>>, %arg18: memref<!tpu.dma_semaphore, #tpu.memory_space<semaphore_mem>>, %arg19: memref<!tpu.dma_semaphore, #tpu.memory_space<semaphore_mem>>) attributes {dimension_semantics = [#tpu.dimension_semantics<core_parallel>, #tpu.dimension_semantics<subcore_parallel>], iteration_bounds = array<i64: 2, 16>, scalar_prefetch = 0 : i64, scratch_operands = 12 : i64, tpu.core_type = #tpu.core_type<sc_vector_subcore>, window_params = [{transform_indices = #map}, {transform_indices = #map1}, {transform_indices = #map1}, {transform_indices = #map1}, {transform_indices = #map}, {transform_indices = #map}]} {
    %mul3A = arith.constant 20000 : i32
    %mul3A_0 = arith.muli %arg1, %mul3A : i32
    %mul3A_1 = arith.constant 632 : i32
    %mul3A_2 = arith.muli %arg1, %mul3A_1 : i32
    %add3A = arith.constant 0 : i32
    %add3A_3 = arith.addi %add3A, %arg0 : i32
    %add3A_4 = arith.constant 0 : i32
    %add3A_5 = arith.addi %mul3A_0, %add3A_4 : i32
    %dma_start3A = arith.constant 0 : i32
    %dma_start3A_6 = tpu.memref_slice %arg8[%dma_start3A] : memref<800xi32, #tpu.memory_space<vmem>> -> memref<400xi32, #tpu.memory_space<vmem>>
    %dma_start3A_7 = tpu.memref_slice %arg3[%add3A_5] : memref<320000xi32, #tpu.memory_space<hbm>> -> memref<400xi32, #tpu.memory_space<hbm>>
    %dma_start3A_8 = arith.constant 0 : i32
    %dma_start3A_9 = tpu.memref_slice %arg8[%dma_start3A_8] : memref<800xi32, #tpu.memory_space<vmem>> -> memref<400xi32, #tpu.memory_space<vmem>>
    %dma_start3A_10 = tpu.memref_slice %arg3[%add3A_5] : memref<320000xi32, #tpu.memory_space<hbm>> -> memref<400xi32, #tpu.memory_space<hbm>>
    tpu.enqueue_dma source(%dma_start3A_10 : memref<400xi32, #tpu.memory_space<hbm>>) target(%dma_start3A_9 : memref<400xi32, #tpu.memory_space<vmem>>) target_semaphore(%arg16 : memref<!tpu.dma_semaphore, #tpu.memory_space<semaphore_mem>>)
    %dma_start3A_11 = arith.constant 0 : i32
    %dma_start3A_12 = tpu.memref_slice %arg9[%dma_start3A_11] : memref<800xi32, #tpu.memory_space<vmem>> -> memref<400xi32, #tpu.memory_space<vmem>>
    %dma_start3A_13 = tpu.memref_slice %arg4[%add3A_5] : memref<320000xi32, #tpu.memory_space<hbm>> -> memref<400xi32, #tpu.memory_space<hbm>>
    %dma_start3A_14 = arith.constant 0 : i32
    %dma_start3A_15 = tpu.memref_slice %arg9[%dma_start3A_14] : memref<800xi32, #tpu.memory_space<vmem>> -> memref<400xi32, #tpu.memory_space<vmem>>
    %dma_start3A_16 = tpu.memref_slice %arg4[%add3A_5] : memref<320000xi32, #tpu.memory_space<hbm>> -> memref<400xi32, #tpu.memory_space<hbm>>
    tpu.enqueue_dma source(%dma_start3A_16 : memref<400xi32, #tpu.memory_space<hbm>>) target(%dma_start3A_15 : memref<400xi32, #tpu.memory_space<vmem>>) target_semaphore(%arg16 : memref<!tpu.dma_semaphore, #tpu.memory_space<semaphore_mem>>)
    %dma_start3A_17 = arith.constant 0 : i32
    %dma_start3A_18 = tpu.memref_slice %arg10[%dma_start3A_17] : memref<800xi32, #tpu.memory_space<vmem>> -> memref<400xi32, #tpu.memory_space<vmem>>
    %dma_start3A_19 = tpu.memref_slice %arg5[%add3A_5] : memref<320000xi32, #tpu.memory_space<hbm>> -> memref<400xi32, #tpu.memory_space<hbm>>
    %dma_start3A_20 = arith.constant 0 : i32
    %dma_start3A_21 = tpu.memref_slice %arg10[%dma_start3A_20] : memref<800xi32, #tpu.memory_space<vmem>> -> memref<400xi32, #tpu.memory_space<vmem>>
    %dma_start3A_22 = tpu.memref_slice %arg5[%add3A_5] : memref<320000xi32, #tpu.memory_space<hbm>> -> memref<400xi32, #tpu.memory_space<hbm>>
    tpu.enqueue_dma source(%dma_start3A_22 : memref<400xi32, #tpu.memory_space<hbm>>) target(%dma_start3A_21 : memref<400xi32, #tpu.memory_space<vmem>>) target_semaphore(%arg16 : memref<!tpu.dma_semaphore, #tpu.memory_space<semaphore_mem>>)
    %add3A_23 = arith.constant 400 : i32
    %add3A_24 = arith.addi %mul3A_0, %add3A_23 : i32
    %dma_start3A_25 = arith.constant 400 : i32
    %dma_start3A_26 = tpu.memref_slice %arg8[%dma_start3A_25] : memref<800xi32, #tpu.memory_space<vmem>> -> memref<400xi32, #tpu.memory_space<vmem>>
    %dma_start3A_27 = tpu.memref_slice %arg3[%add3A_24] : memref<320000xi32, #tpu.memory_space<hbm>> -> memref<400xi32, #tpu.memory_space<hbm>>
    %dma_start3A_28 = arith.constant 400 : i32
    %dma_start3A_29 = tpu.memref_slice %arg8[%dma_start3A_28] : memref<800xi32, #tpu.memory_space<vmem>> -> memref<400xi32, #tpu.memory_space<vmem>>
    %dma_start3A_30 = tpu.memref_slice %arg3[%add3A_24] : memref<320000xi32, #tpu.memory_space<hbm>> -> memref<400xi32, #tpu.memory_space<hbm>>
    tpu.enqueue_dma source(%dma_start3A_30 : memref<400xi32, #tpu.memory_space<hbm>>) target(%dma_start3A_29 : memref<400xi32, #tpu.memory_space<vmem>>) target_semaphore(%arg16 : memref<!tpu.dma_semaphore, #tpu.memory_space<semaphore_mem>>)
    %dma_start3A_31 = arith.constant 400 : i32
    %dma_start3A_32 = tpu.memref_slice %arg9[%dma_start3A_31] : memref<800xi32, #tpu.memory_space<vmem>> -> memref<400xi32, #tpu.memory_space<vmem>>
    %dma_start3A_33 = tpu.memref_slice %arg4[%add3A_24] : memref<320000xi32, #tpu.memory_space<hbm>> -> memref<400xi32, #tpu.memory_space<hbm>>
    %dma_start3A_34 = arith.constant 400 : i32
    %dma_start3A_35 = tpu.memref_slice %arg9[%dma_start3A_34] : memref<800xi32, #tpu.memory_space<vmem>> -> memref<400xi32, #tpu.memory_space<vmem>>
    %dma_start3A_36 = tpu.memref_slice %arg4[%add3A_24] : memref<320000xi32, #tpu.memory_space<hbm>> -> memref<400xi32, #tpu.memory_space<hbm>>
    tpu.enqueue_dma source(%dma_start3A_36 : memref<400xi32, #tpu.memory_space<hbm>>) target(%dma_start3A_35 : memref<400xi32, #tpu.memory_space<vmem>>) target_semaphore(%arg16 : memref<!tpu.dma_semaphore, #tpu.memory_space<semaphore_mem>>)
    %dma_start3A_37 = arith.constant 400 : i32
    %dma_start3A_38 = tpu.memref_slice %arg10[%dma_start3A_37] : memref<800xi32, #tpu.memory_space<vmem>> -> memref<400xi32, #tpu.memory_space<vmem>>
    %dma_start3A_39 = tpu.memref_slice %arg5[%add3A_24] : memref<320000xi32, #tpu.memory_space<hbm>> -> memref<400xi32, #tpu.memory_space<hbm>>
    %dma_start3A_40 = arith.constant 400 : i32
    %dma_start3A_41 = tpu.memref_slice %arg10[%dma_start3A_40] : memref<800xi32, #tpu.memory_space<vmem>> -> memref<400xi32, #tpu.memory_space<vmem>>
    %dma_start3A_42 = tpu.memref_slice %arg5[%add3A_24] : memref<320000xi32, #tpu.memory_space<hbm>> -> memref<400xi32, #tpu.memory_space<hbm>>
    tpu.enqueue_dma source(%dma_start3A_42 : memref<400xi32, #tpu.memory_space<hbm>>) target(%dma_start3A_41 : memref<400xi32, #tpu.memory_space<vmem>>) target_semaphore(%arg16 : memref<!tpu.dma_semaphore, #tpu.memory_space<semaphore_mem>>)
    %dma_start3A_43 = arith.constant 0 : i32
    %dma_start3A_44 = tpu.memref_slice %arg15[%mul3A_2, %dma_start3A_43] : memref<10112x128xf32, #tpu.memory_space<vmem_shared>> -> memref<632x128xf32, #tpu.memory_space<vmem_shared>>
    tpu.enqueue_dma source(%arg6 : memref<632x128xf32, #tpu.memory_space<hbm>>) target(%dma_start3A_44 : memref<632x128xf32, #tpu.memory_space<vmem_shared>>) target_semaphore(%arg19 : memref<!tpu.dma_semaphore, #tpu.memory_space<semaphore_mem>>)
    %dma_wait3A = arith.constant 0 : i32
    %dma_wait3A_45 = tpu.memref_slice %arg15[%mul3A_2, %dma_wait3A] : memref<10112x128xf32, #tpu.memory_space<vmem_shared>> -> memref<632x128xf32, #tpu.memory_space<vmem_shared>>
    tpu.wait_dma2 semaphore(%arg19 : memref<!tpu.dma_semaphore, #tpu.memory_space<semaphore_mem>>) src(%arg6 : memref<632x128xf32, #tpu.memory_space<hbm>>) dst(%dma_wait3A_45 : memref<632x128xf32, #tpu.memory_space<vmem_shared>>)
    %barrier3A = arith.constant 0 : index
    tpu.barrier barrier_id(%barrier3A)
    %scan3A = arith.constant 0 : i32
    %scan3A_46 = arith.constant 0 : i32
    %scan3A_47 = arith.constant 0 : i32
    %scan3A_48 = arith.constant 25 : i32
    %scan3A_49 = arith.addi %scan3A_47, %scan3A_48 : i32
    %scan3A_50 = arith.constant 1 : i32
    %scan3A_51:2 = scf.for %scan3A_563 = %scan3A_47 to %scan3A_49 step %scan3A_50 iter_args(%scan3A_564 = %scan3A, %scan3A_565 = %scan3A_46) -> (i32, i32)  : i32 {
      %dma_wait3A_566 = arith.constant 0 : i32
      %dma_wait3A_567 = tpu.memref_slice %arg8[%dma_wait3A_566] : memref<800xi32, #tpu.memory_space<vmem>> -> memref<400xi32, #tpu.memory_space<vmem>>
      %dma_wait3A_568 = arith.constant 0 : i32
      %dma_wait3A_569 = tpu.memref_slice %arg3[%dma_wait3A_568] : memref<320000xi32, #tpu.memory_space<hbm>> -> memref<400xi32, #tpu.memory_space<hbm>>
      %dma_wait3A_570 = arith.constant 0 : i32
      %dma_wait3A_571 = tpu.memref_slice %arg8[%dma_wait3A_570] : memref<800xi32, #tpu.memory_space<vmem>> -> memref<400xi32, #tpu.memory_space<vmem>>
      %dma_wait3A_572 = arith.constant 0 : i32
      %dma_wait3A_573 = tpu.memref_slice %arg3[%dma_wait3A_572] : memref<320000xi32, #tpu.memory_space<hbm>> -> memref<400xi32, #tpu.memory_space<hbm>>
      tpu.wait_dma2 semaphore(%arg16 : memref<!tpu.dma_semaphore, #tpu.memory_space<semaphore_mem>>) src(%dma_wait3A_573 : memref<400xi32, #tpu.memory_space<hbm>>) dst(%dma_wait3A_571 : memref<400xi32, #tpu.memory_space<vmem>>)
      %dma_wait3A_574 = arith.constant 0 : i32
      %dma_wait3A_575 = tpu.memref_slice %arg8[%dma_wait3A_574] : memref<800xi32, #tpu.memory_space<vmem>> -> memref<400xi32, #tpu.memory_space<vmem>>
      %dma_wait3A_576 = arith.constant 0 : i32
      %dma_wait3A_577 = tpu.memref_slice %arg3[%dma_wait3A_576] : memref<320000xi32, #tpu.memory_space<hbm>> -> memref<400xi32, #tpu.memory_space<hbm>>
      %dma_wait3A_578 = arith.constant 0 : i32
      %dma_wait3A_579 = tpu.memref_slice %arg8[%dma_wait3A_578] : memref<800xi32, #tpu.memory_space<vmem>> -> memref<400xi32, #tpu.memory_space<vmem>>
      %dma_wait3A_580 = arith.constant 0 : i32
      %dma_wait3A_581 = tpu.memref_slice %arg3[%dma_wait3A_580] : memref<320000xi32, #tpu.memory_space<hbm>> -> memref<400xi32, #tpu.memory_space<hbm>>
      tpu.wait_dma2 semaphore(%arg16 : memref<!tpu.dma_semaphore, #tpu.memory_space<semaphore_mem>>) src(%dma_wait3A_581 : memref<400xi32, #tpu.memory_space<hbm>>) dst(%dma_wait3A_579 : memref<400xi32, #tpu.memory_space<vmem>>)
      %dma_wait3A_582 = arith.constant 0 : i32
      %dma_wait3A_583 = tpu.memref_slice %arg8[%dma_wait3A_582] : memref<800xi32, #tpu.memory_space<vmem>> -> memref<400xi32, #tpu.memory_space<vmem>>
      %dma_wait3A_584 = arith.constant 0 : i32
      %dma_wait3A_585 = tpu.memref_slice %arg3[%dma_wait3A_584] : memref<320000xi32, #tpu.memory_space<hbm>> -> memref<400xi32, #tpu.memory_space<hbm>>
      %dma_wait3A_586 = arith.constant 0 : i32
      %dma_wait3A_587 = tpu.memref_slice %arg8[%dma_wait3A_586] : memref<800xi32, #tpu.memory_space<vmem>> -> memref<400xi32, #tpu.memory_space<vmem>>
      %dma_wait3A_588 = arith.constant 0 : i32
      %dma_wait3A_589 = tpu.memref_slice %arg3[%dma_wait3A_588] : memref<320000xi32, #tpu.memory_space<hbm>> -> memref<400xi32, #tpu.memory_space<hbm>>
      tpu.wait_dma2 semaphore(%arg16 : memref<!tpu.dma_semaphore, #tpu.memory_space<semaphore_mem>>) src(%dma_wait3A_589 : memref<400xi32, #tpu.memory_space<hbm>>) dst(%dma_wait3A_587 : memref<400xi32, #tpu.memory_space<vmem>>)
      %scan3A_590 = arith.constant 0 : i32
      %scan3A_591 = arith.constant 25 : i32
      %scan3A_592 = arith.addi %scan3A_590, %scan3A_591 : i32
      %scan3A_593 = arith.constant 1 : i32
      %scan3A_594 = scf.for %scan3A_719 = %scan3A_590 to %scan3A_592 step %scan3A_593 iter_args(%scan3A_720 = %scan3A_564) -> (i32)  : i32 {
        %mul3A_721 = arith.constant 16 : i32
        %mul3A_722 = arith.muli %scan3A_719, %mul3A_721 : i32
        %add3A_723 = arith.constant 0 : i32
        %add3A_724 = arith.addi %add3A_723, %mul3A_722 : i32
        %get3A = arith.index_cast %add3A_724 : i32 to index
        %get3A_725 = tpu.vector_load %arg8[%get3A] {strides = array<i32>} : memref<800xi32, #tpu.memory_space<vmem>>, vector<16xi32>,
        %mul3A_726 = arith.constant 16 : i32
        %mul3A_727 = arith.muli %scan3A_719, %mul3A_726 : i32
        %add3A_728 = arith.constant 0 : i32
        %add3A_729 = arith.addi %add3A_728, %mul3A_727 : i32
        %get3A_730 = arith.index_cast %add3A_729 : i32 to index
        %get3A_731 = tpu.vector_load %arg9[%get3A_730] {strides = array<i32>} : memref<800xi32, #tpu.memory_space<vmem>>, vector<16xi32>,
        %mul3A_732 = arith.constant 16 : i32
        %mul3A_733 = arith.muli %scan3A_719, %mul3A_732 : i32
        %add3A_734 = arith.constant 0 : i32
        %add3A_735 = arith.addi %add3A_734, %mul3A_733 : i32
        %get3A_736 = arith.index_cast %add3A_735 : i32 to index
        %get3A_737 = tpu.vector_load %arg10[%get3A_736] {strides = array<i32>} : memref<800xi32, #tpu.memory_space<vmem>>, vector<16xi32>,
        %eq3A = vector.broadcast %add3A_3 : i32 to vector<16xi32>
        %eq3A_738 = arith.cmpi eq, %get3A_737, %eq3A : vector<16xi32>
        %mul3A_739 = arith.constant 10000 : i32
        %mul3A_740 = arith.muli %add3A_3, %mul3A_739 : i32
        %add3A_741 = vector.broadcast %mul3A_740 : i32 to vector<16xi32>
        %add3A_742 = arith.addi %add3A_741, %get3A_725 : vector<16xi32>
        %shift_left3A = arith.constant 14 : i32
        %shift_left3A_743 = vector.broadcast %shift_left3A : i32 to vector<16xi32>
        %shift_left3A_744 = arith.shli %add3A_742, %shift_left3A_743 : vector<16xi32>
        %or3A = arith.ori %shift_left3A_744, %get3A_731 : vector<16xi32>
        %swap3A_745 = arith.index_cast %scan3A_720 : i32 to index
        %swap3A_746 = tpu.vector_load %arg11[%swap3A_745] masked %eq3A_738 {strides = array<i32>} : memref<432xi32, #tpu.memory_space<vmem>>, vector<16xi32>, vector<16xi1>
        tpu.vector_store %arg11[%swap3A_745], %or3A masked %eq3A_738 {strides = array<i32>} : memref<432xi32, #tpu.memory_space<vmem>>, vector<16xi32>, vector<16xi1>
        %convert_element_type3A_747 = arith.extui %eq3A_738 : vector<16xi1> to vector<16xi32>
        %reduce_sum3A = arith.constant true
        %reduce_sum3A_748 = vector.broadcast %reduce_sum3A : i1 to vector<16xi1>
        %reduce_sum3A_749 = tpu.scan <sum>, %convert_element_type3A_747 masked %reduce_sum3A_748 : vector<16xi32>, vector<16xi1> -> vector<16xi32>
        %reduce_sum3A_750 = vector.extract %reduce_sum3A_749[15] : i32 from vector<16xi32>
        %add3A_751 = arith.addi %scan3A_720, %reduce_sum3A_750 : i32
        scf.yield %add3A_751 : i32
      }
      %scan3A_595 = arith.constant 25 : i32
      %jit3A_596 = arith.constant 16 : i32
      %div3A_597 = arith.divsi %scan3A_594, %jit3A_596 : i32
      %sign3A_598 = arith.constant 0 : i32
      %sign3A_599 = arith.cmpi sgt, %scan3A_594, %sign3A_598 : i32
      %sign3A_600 = arith.extui %sign3A_599 : i1 to i32
      %sign3A_601 = arith.constant 0 : i32
      %sign3A_602 = arith.cmpi slt, %scan3A_594, %sign3A_601 : i32
      %sign3A_603 = arith.extui %sign3A_602 : i1 to i32
      %sign3A_604 = arith.subi %sign3A_600, %sign3A_603 : i32
      %sign3A_605 = arith.constant 0 : i32
      %sign3A_606 = arith.cmpi sgt, %jit3A_596, %sign3A_605 : i32
      %sign3A_607 = arith.extui %sign3A_606 : i1 to i32
      %sign3A_608 = arith.constant 0 : i32
      %sign3A_609 = arith.cmpi slt, %jit3A_596, %sign3A_608 : i32
      %sign3A_610 = arith.extui %sign3A_609 : i1 to i32
      %sign3A_611 = arith.subi %sign3A_607, %sign3A_610 : i32
      %ne3A_612 = arith.cmpi ne, %sign3A_604, %sign3A_611 : i32
      %rem3A_613 = arith.remsi %scan3A_594, %jit3A_596 : i32
      %ne3A_614 = arith.constant 0 : i32
      %ne3A_615 = arith.cmpi ne, %rem3A_613, %ne3A_614 : i32
      %and3A_616 = arith.andi %ne3A_612, %ne3A_615 : i1
      %sub3A_617 = arith.constant 1 : i32
      %sub3A_618 = arith.subi %div3A_597, %sub3A_617 : i32
      %select_n3A_619 = arith.select %and3A_616, %sub3A_618, %div3A_597 : i32
      %while3A_620 = arith.constant 0 : i32
      %while3A_621 = arith.subi %select_n3A_619, %while3A_620 : i32
      %while3A_622 = arith.addi %while3A_620, %while3A_621 : i32
      %while3A_623 = arith.constant 1 : i32
      %while3A_624 = arith.divsi %while3A_621, %while3A_623 : i32
      %while3A_625 = arith.muli %while3A_624, %while3A_623 : i32
      %while3A_626 = arith.addi %while3A_620, %while3A_625 : i32
      %while3A_627 = arith.constant 1 : i32
      scf.for %while3A_719 = %while3A_620 to %while3A_626 step %while3A_627  : i32 {
        %add3A_720 = arith.addi %scan3A_565, %while3A_719 : i32
        %ge3A_721 = arith.constant 19 : i32
        %ge3A_722 = arith.cmpi sge, %add3A_720, %ge3A_721 : i32
        %convert_element_type3A_723 = arith.extui %ge3A_722 : i1 to i32
        %cond3A_724 = arith.constant 0 : i32
        %cond3A_725 = arith.cmpi ne, %convert_element_type3A_723, %cond3A_724 : i32
        scf.if %cond3A_725 {
          %dma_wait3A_772 = arith.constant 0 : i32
          %dma_wait3A_773 = arith.constant 0 : i32
          %dma_wait3A_774 = tpu.memref_slice %arg14[%dma_wait3A_772, %dma_wait3A_773] : memref<304x128xf32, #tpu.memory_space<vmem>> -> memref<16x128xf32, #tpu.memory_space<vmem>>
          %dma_wait3A_775 = arith.constant 0 : i32
          %dma_wait3A_776 = arith.constant 0 : i32
          %dma_wait3A_777 = tpu.memref_slice %arg6[%dma_wait3A_775, %dma_wait3A_776] : memref<632x128xf32, #tpu.memory_space<hbm>> -> memref<16x128xf32, #tpu.memory_space<hbm>>
          %dma_wait3A_778 = arith.constant 0 : i32
          %dma_wait3A_779 = arith.constant 0 : i32
          %dma_wait3A_780 = tpu.memref_slice %arg14[%dma_wait3A_778, %dma_wait3A_779] : memref<304x128xf32, #tpu.memory_space<vmem>> -> memref<16x128xf32, #tpu.memory_space<vmem>>
          %dma_wait3A_781 = arith.constant 0 : i32
          %dma_wait3A_782 = arith.constant 0 : i32
          %dma_wait3A_783 = tpu.memref_slice %arg6[%dma_wait3A_781, %dma_wait3A_782] : memref<632x128xf32, #tpu.memory_space<hbm>> -> memref<16x128xf32, #tpu.memory_space<hbm>>
          tpu.wait_dma2 semaphore(%arg18 : memref<!tpu.dma_semaphore, #tpu.memory_space<semaphore_mem>>) src(%dma_wait3A_783 : memref<16x128xf32, #tpu.memory_space<hbm>>) dst(%dma_wait3A_780 : memref<16x128xf32, #tpu.memory_space<vmem>>)
        } else {
        }
        %jit3A_726 = arith.constant 19 : i32
        %eq3A = arith.constant 0 : i32
        %eq3A_727 = arith.cmpi eq, %jit3A_726, %eq3A : i32
        %jit3A_728 = arith.constant 1 : i32
        %select_n3A_729 = arith.select %eq3A_727, %jit3A_728, %jit3A_726 : i32
        %rem3A_730 = arith.remsi %add3A_720, %select_n3A_729 : i32
        %ne3A_731 = arith.constant 0 : i32
        %ne3A_732 = arith.cmpi ne, %rem3A_730, %ne3A_731 : i32
        %lt3A_733 = arith.constant 0 : i32
        %lt3A_734 = arith.cmpi slt, %rem3A_730, %lt3A_733 : i32
        %lt3A_735 = arith.constant 0 : i32
        %lt3A_736 = arith.cmpi slt, %select_n3A_729, %lt3A_735 : i32
        %ne3A_737 = arith.xori %lt3A_734, %lt3A_736 : i1
        %and3A_738 = arith.andi %ne3A_737, %ne3A_732 : i1
        %add3A_739 = arith.addi %rem3A_730, %select_n3A_729 : i32
        %select_n3A_740 = arith.select %and3A_738, %add3A_739, %rem3A_730 : i32
        %mul3A_741 = arith.constant 16 : i32
        %mul3A_742 = arith.muli %while3A_719, %mul3A_741 : i32
        %add3A_743 = arith.constant 0 : i32
        %add3A_744 = arith.addi %mul3A_742, %add3A_743 : i32
        %get3A = arith.index_cast %add3A_744 : i32 to index
        %get3A_745 = tpu.vector_load %arg11[%get3A] {strides = array<i32>} : memref<432xi32, #tpu.memory_space<vmem>>, vector<16xi32>,
        %shift_right_arithmetic3A = arith.constant 14 : i32
        %shift_right_arithmetic3A_746 = vector.broadcast %shift_right_arithmetic3A : i32 to vector<16xi32>
        %shift_right_arithmetic3A_747 = arith.shrsi %get3A_745, %shift_right_arithmetic3A_746 : vector<16xi32>
        %swap3A_748 = arith.index_cast %select_n3A_740 : i32 to index
        %swap3A_749 = arith.constant 0 : index
        %swap3A_750 = tpu.vector_load %arg12[%swap3A_748, %swap3A_749] {strides = array<i32>} : memref<19x16xi32, #tpu.memory_space<vmem>>, vector<16xi32>,
        tpu.vector_store %arg12[%swap3A_748, %swap3A_749], %shift_right_arithmetic3A_747 {strides = array<i32>} : memref<19x16xi32, #tpu.memory_space<vmem>>, vector<16xi32>,
        %and3A_751 = arith.constant 16383 : i32
        %and3A_752 = vector.broadcast %and3A_751 : i32 to vector<16xi32>
        %and3A_753 = arith.andi %get3A_745, %and3A_752 : vector<16xi32>
        %swap3A_754 = arith.index_cast %select_n3A_740 : i32 to index
        %swap3A_755 = arith.constant 0 : index
        %swap3A_756 = tpu.vector_load %arg13[%swap3A_754, %swap3A_755] {strides = array<i32>} : memref<19x16xi32, #tpu.memory_space<vmem>>, vector<16xi32>,
        tpu.vector_store %arg13[%swap3A_754, %swap3A_755], %and3A_753 {strides = array<i32>} : memref<19x16xi32, #tpu.memory_space<vmem>>, vector<16xi32>,
        %mul3A_757 = arith.constant 16 : i32
        %mul3A_758 = arith.muli %select_n3A_740, %mul3A_757 : i32
        %dma_start3A_759 = arith.constant 0 : i32
        %dma_start3A_760 = tpu.memref_slice %arg14[%mul3A_758, %dma_start3A_759] : memref<304x128xf32, #tpu.memory_space<vmem>> -> memref<16x128xf32, #tpu.memory_space<vmem>>
        %dma_start3A_761 = arith.constant 0 : i32
        %dma_start3A_762 = tpu.memref_slice %arg12[%select_n3A_740, %dma_start3A_761] : memref<19x16xi32, #tpu.memory_space<vmem>> -> memref<1x16xi32, #tpu.memory_space<vmem>>
        %dma_start3A_763 = tpu.memref_squeeze %dma_start3A_762 : memref<1x16xi32, #tpu.memory_space<vmem>> -> memref<16xi32, #tpu.memory_space<vmem>>
        %dma_start3A_764 = arith.constant 0 : i32
        %dma_start3A_765 = arith.constant 0 : i32
        %dma_start3A_766 = tpu.memref_slice %arg2[%dma_start3A_764, %dma_start3A_765] : memref<40000x128xf32, #tpu.memory_space<hbm>> -> memref<40000x128xf32, #tpu.memory_space<hbm>>
        tpu.enqueue_indirect_dma source(%dma_start3A_766 : memref<40000x128xf32, #tpu.memory_space<hbm>>) target(%dma_start3A_760 : memref<16x128xf32, #tpu.memory_space<vmem>>) offsets(%dma_start3A_763 : memref<16xi32, #tpu.memory_space<vmem>>) semaphore(%arg17 : memref<!tpu.dma_semaphore, #tpu.memory_space<semaphore_mem>>)
        %ge3A_767 = arith.constant 10 : i32
        %ge3A_768 = arith.cmpi sge, %add3A_720, %ge3A_767 : i32
        %convert_element_type3A_769 = arith.extui %ge3A_768 : i1 to i32
        %cond3A_770 = arith.constant 0 : i32
        %cond3A_771 = arith.cmpi ne, %convert_element_type3A_769, %cond3A_770 : i32
        scf.if %cond3A_771 {
          %dma_wait3A_772 = arith.constant 0 : i32
          %dma_wait3A_773 = arith.constant 0 : i32
          %dma_wait3A_774 = tpu.memref_slice %arg14[%dma_wait3A_772, %dma_wait3A_773] : memref<304x128xf32, #tpu.memory_space<vmem>> -> memref<16x128xf32, #tpu.memory_space<vmem>>
          %dma_wait3A_775 = arith.constant 0 : i32
          %dma_wait3A_776 = arith.constant 0 : i32
          %dma_wait3A_777 = tpu.memref_slice %arg6[%dma_wait3A_775, %dma_wait3A_776] : memref<632x128xf32, #tpu.memory_space<hbm>> -> memref<16x128xf32, #tpu.memory_space<hbm>>
          %dma_wait3A_778 = arith.constant 0 : i32
          %dma_wait3A_779 = arith.constant 0 : i32
          %dma_wait3A_780 = tpu.memref_slice %arg14[%dma_wait3A_778, %dma_wait3A_779] : memref<304x128xf32, #tpu.memory_space<vmem>> -> memref<16x128xf32, #tpu.memory_space<vmem>>
          %dma_wait3A_781 = arith.constant 0 : i32
          %dma_wait3A_782 = arith.constant 0 : i32
          %dma_wait3A_783 = tpu.memref_slice %arg6[%dma_wait3A_781, %dma_wait3A_782] : memref<632x128xf32, #tpu.memory_space<hbm>> -> memref<16x128xf32, #tpu.memory_space<hbm>>
          tpu.wait_dma2 semaphore(%arg17 : memref<!tpu.dma_semaphore, #tpu.memory_space<semaphore_mem>>) src(%dma_wait3A_783 : memref<16x128xf32, #tpu.memory_space<hbm>>) dst(%dma_wait3A_780 : memref<16x128xf32, #tpu.memory_space<vmem>>)
          %sub3A_784 = arith.constant 10 : i32
          %sub3A_785 = arith.subi %add3A_720, %sub3A_784 : i32
          %jit3A_786 = arith.constant 19 : i32
          %eq3A_787 = arith.constant 0 : i32
          %eq3A_788 = arith.cmpi eq, %jit3A_786, %eq3A_787 : i32
          %jit3A_789 = arith.constant 1 : i32
          %select_n3A_790 = arith.select %eq3A_788, %jit3A_789, %jit3A_786 : i32
          %rem3A_791 = arith.remsi %sub3A_785, %select_n3A_790 : i32
          %ne3A_792 = arith.constant 0 : i32
          %ne3A_793 = arith.cmpi ne, %rem3A_791, %ne3A_792 : i32
          %lt3A_794 = arith.constant 0 : i32
          %lt3A_795 = arith.cmpi slt, %rem3A_791, %lt3A_794 : i32
          %lt3A_796 = arith.constant 0 : i32
          %lt3A_797 = arith.cmpi slt, %select_n3A_790, %lt3A_796 : i32
          %ne3A_798 = arith.xori %lt3A_795, %lt3A_797 : i1
          %and3A_799 = arith.andi %ne3A_798, %ne3A_793 : i1
          %add3A_800 = arith.addi %rem3A_791, %select_n3A_790 : i32
          %select_n3A_801 = arith.select %and3A_799, %add3A_800, %rem3A_791 : i32
          %mul3A_802 = arith.constant 16 : i32
          %mul3A_803 = arith.muli %select_n3A_801, %mul3A_802 : i32
          %dma_start3A_804 = arith.constant 0 : i32
          %dma_start3A_805 = tpu.memref_slice %arg14[%mul3A_803, %dma_start3A_804] : memref<304x128xf32, #tpu.memory_space<vmem>> -> memref<16x128xf32, #tpu.memory_space<vmem>>
          %dma_start3A_806 = arith.constant 0 : i32
          %dma_start3A_807 = tpu.memref_slice %arg13[%select_n3A_801, %dma_start3A_806] : memref<19x16xi32, #tpu.memory_space<vmem>> -> memref<1x16xi32, #tpu.memory_space<vmem>>
          %dma_start3A_808 = tpu.memref_squeeze %dma_start3A_807 : memref<1x16xi32, #tpu.memory_space<vmem>> -> memref<16xi32, #tpu.memory_space<vmem>>
          %dma_start3A_809 = arith.constant 0 : i32
          %dma_start3A_810 = arith.constant 0 : i32
          %dma_start3A_811 = tpu.memref_slice %arg15[%dma_start3A_809, %dma_start3A_810] : memref<10112x128xf32, #tpu.memory_space<vmem_shared>> -> memref<10112x128xf32, #tpu.memory_space<vmem_shared>>
          tpu.enqueue_indirect_dma source(%dma_start3A_805 : memref<16x128xf32, #tpu.memory_space<vmem>>) target(%dma_start3A_811 : memref<10112x128xf32, #tpu.memory_space<vmem_shared>>) offsets(%dma_start3A_808 : memref<16xi32, #tpu.memory_space<vmem>>) semaphore(%arg18 : memref<!tpu.dma_semaphore, #tpu.memory_space<semaphore_mem>>) {add = true}
        } else {
        }
      }
      %while3A_628 = arith.constant 1 : i32
      scf.for %while3A_719 = %while3A_626 to %while3A_622 step %while3A_628  : i32 {
        %add3A_720 = arith.addi %scan3A_565, %while3A_719 : i32
        %ge3A_721 = arith.constant 19 : i32
        %ge3A_722 = arith.cmpi sge, %add3A_720, %ge3A_721 : i32
        %convert_element_type3A_723 = arith.extui %ge3A_722 : i1 to i32
        %cond3A_724 = arith.constant 0 : i32
        %cond3A_725 = arith.cmpi ne, %convert_element_type3A_723, %cond3A_724 : i32
        scf.if %cond3A_725 {
          %dma_wait3A_772 = arith.constant 0 : i32
          %dma_wait3A_773 = arith.constant 0 : i32
          %dma_wait3A_774 = tpu.memref_slice %arg14[%dma_wait3A_772, %dma_wait3A_773] : memref<304x128xf32, #tpu.memory_space<vmem>> -> memref<16x128xf32, #tpu.memory_space<vmem>>
          %dma_wait3A_775 = arith.constant 0 : i32
          %dma_wait3A_776 = arith.constant 0 : i32
          %dma_wait3A_777 = tpu.memref_slice %arg6[%dma_wait3A_775, %dma_wait3A_776] : memref<632x128xf32, #tpu.memory_space<hbm>> -> memref<16x128xf32, #tpu.memory_space<hbm>>
          %dma_wait3A_778 = arith.constant 0 : i32
          %dma_wait3A_779 = arith.constant 0 : i32
          %dma_wait3A_780 = tpu.memref_slice %arg14[%dma_wait3A_778, %dma_wait3A_779] : memref<304x128xf32, #tpu.memory_space<vmem>> -> memref<16x128xf32, #tpu.memory_space<vmem>>
          %dma_wait3A_781 = arith.constant 0 : i32
          %dma_wait3A_782 = arith.constant 0 : i32
          %dma_wait3A_783 = tpu.memref_slice %arg6[%dma_wait3A_781, %dma_wait3A_782] : memref<632x128xf32, #tpu.memory_space<hbm>> -> memref<16x128xf32, #tpu.memory_space<hbm>>
          tpu.wait_dma2 semaphore(%arg18 : memref<!tpu.dma_semaphore, #tpu.memory_space<semaphore_mem>>) src(%dma_wait3A_783 : memref<16x128xf32, #tpu.memory_space<hbm>>) dst(%dma_wait3A_780 : memref<16x128xf32, #tpu.memory_space<vmem>>)
        } else {
        }
        %jit3A_726 = arith.constant 19 : i32
        %eq3A = arith.constant 0 : i32
        %eq3A_727 = arith.cmpi eq, %jit3A_726, %eq3A : i32
        %jit3A_728 = arith.constant 1 : i32
        %select_n3A_729 = arith.select %eq3A_727, %jit3A_728, %jit3A_726 : i32
        %rem3A_730 = arith.remsi %add3A_720, %select_n3A_729 : i32
        %ne3A_731 = arith.constant 0 : i32
        %ne3A_732 = arith.cmpi ne, %rem3A_730, %ne3A_731 : i32
        %lt3A_733 = arith.constant 0 : i32
        %lt3A_734 = arith.cmpi slt, %rem3A_730, %lt3A_733 : i32
        %lt3A_735 = arith.constant 0 : i32
        %lt3A_736 = arith.cmpi slt, %select_n3A_729, %lt3A_735 : i32
        %ne3A_737 = arith.xori %lt3A_734, %lt3A_736 : i1
        %and3A_738 = arith.andi %ne3A_737, %ne3A_732 : i1
        %add3A_739 = arith.addi %rem3A_730, %select_n3A_729 : i32
        %select_n3A_740 = arith.select %and3A_738, %add3A_739, %rem3A_730 : i32
        %mul3A_741 = arith.constant 16 : i32
        %mul3A_742 = arith.muli %while3A_719, %mul3A_741 : i32
        %add3A_743 = arith.constant 0 : i32
        %add3A_744 = arith.addi %mul3A_742, %add3A_743 : i32
        %get3A = arith.index_cast %add3A_744 : i32 to index
        %get3A_745 = tpu.vector_load %arg11[%get3A] {strides = array<i32>} : memref<432xi32, #tpu.memory_space<vmem>>, vector<16xi32>,
        %shift_right_arithmetic3A = arith.constant 14 : i32
        %shift_right_arithmetic3A_746 = vector.broadcast %shift_right_arithmetic3A : i32 to vector<16xi32>
        %shift_right_arithmetic3A_747 = arith.shrsi %get3A_745, %shift_right_arithmetic3A_746 : vector<16xi32>
        %swap3A_748 = arith.index_cast %select_n3A_740 : i32 to index
        %swap3A_749 = arith.constant 0 : index
        %swap3A_750 = tpu.vector_load %arg12[%swap3A_748, %swap3A_749] {strides = array<i32>} : memref<19x16xi32, #tpu.memory_space<vmem>>, vector<16xi32>,
        tpu.vector_store %arg12[%swap3A_748, %swap3A_749], %shift_right_arithmetic3A_747 {strides = array<i32>} : memref<19x16xi32, #tpu.memory_space<vmem>>, vector<16xi32>,
        %and3A_751 = arith.constant 16383 : i32
        %and3A_752 = vector.broadcast %and3A_751 : i32 to vector<16xi32>
        %and3A_753 = arith.andi %get3A_745, %and3A_752 : vector<16xi32>
        %swap3A_754 = arith.index_cast %select_n3A_740 : i32 to index
        %swap3A_755 = arith.constant 0 : index
        %swap3A_756 = tpu.vector_load %arg13[%swap3A_754, %swap3A_755] {strides = array<i32>} : memref<19x16xi32, #tpu.memory_space<vmem>>, vector<16xi32>,
        tpu.vector_store %arg13[%swap3A_754, %swap3A_755], %and3A_753 {strides = array<i32>} : memref<19x16xi32, #tpu.memory_space<vmem>>, vector<16xi32>,
        %mul3A_757 = arith.constant 16 : i32
        %mul3A_758 = arith.muli %select_n3A_740, %mul3A_757 : i32
        %dma_start3A_759 = arith.constant 0 : i32
        %dma_start3A_760 = tpu.memref_slice %arg14[%mul3A_758, %dma_start3A_759] : memref<304x128xf32, #tpu.memory_space<vmem>> -> memref<16x128xf32, #tpu.memory_space<vmem>>
        %dma_start3A_761 = arith.constant 0 : i32
        %dma_start3A_762 = tpu.memref_slice %arg12[%select_n3A_740, %dma_start3A_761] : memref<19x16xi32, #tpu.memory_space<vmem>> -> memref<1x16xi32, #tpu.memory_space<vmem>>
        %dma_start3A_763 = tpu.memref_squeeze %dma_start3A_762 : memref<1x16xi32, #tpu.memory_space<vmem>> -> memref<16xi32, #tpu.memory_space<vmem>>
        %dma_start3A_764 = arith.constant 0 : i32
        %dma_start3A_765 = arith.constant 0 : i32
        %dma_start3A_766 = tpu.memref_slice %arg2[%dma_start3A_764, %dma_start3A_765] : memref<40000x128xf32, #tpu.memory_space<hbm>> -> memref<40000x128xf32, #tpu.memory_space<hbm>>
        tpu.enqueue_indirect_dma source(%dma_start3A_766 : memref<40000x128xf32, #tpu.memory_space<hbm>>) target(%dma_start3A_760 : memref<16x128xf32, #tpu.memory_space<vmem>>) offsets(%dma_start3A_763 : memref<16xi32, #tpu.memory_space<vmem>>) semaphore(%arg17 : memref<!tpu.dma_semaphore, #tpu.memory_space<semaphore_mem>>)
        %ge3A_767 = arith.constant 10 : i32
        %ge3A_768 = arith.cmpi sge, %add3A_720, %ge3A_767 : i32
        %convert_element_type3A_769 = arith.extui %ge3A_768 : i1 to i32
        %cond3A_770 = arith.constant 0 : i32
        %cond3A_771 = arith.cmpi ne, %convert_element_type3A_769, %cond3A_770 : i32
        scf.if %cond3A_771 {
          %dma_wait3A_772 = arith.constant 0 : i32
          %dma_wait3A_773 = arith.constant 0 : i32
          %dma_wait3A_774 = tpu.memref_slice %arg14[%dma_wait3A_772, %dma_wait3A_773] : memref<304x128xf32, #tpu.memory_space<vmem>> -> memref<16x128xf32, #tpu.memory_space<vmem>>
          %dma_wait3A_775 = arith.constant 0 : i32
          %dma_wait3A_776 = arith.constant 0 : i32
          %dma_wait3A_777 = tpu.memref_slice %arg6[%dma_wait3A_775, %dma_wait3A_776] : memref<632x128xf32, #tpu.memory_space<hbm>> -> memref<16x128xf32, #tpu.memory_space<hbm>>
          %dma_wait3A_778 = arith.constant 0 : i32
          %dma_wait3A_779 = arith.constant 0 : i32
          %dma_wait3A_780 = tpu.memref_slice %arg14[%dma_wait3A_778, %dma_wait3A_779] : memref<304x128xf32, #tpu.memory_space<vmem>> -> memref<16x128xf32, #tpu.memory_space<vmem>>
          %dma_wait3A_781 = arith.constant 0 : i32
          %dma_wait3A_782 = arith.constant 0 : i32
          %dma_wait3A_783 = tpu.memref_slice %arg6[%dma_wait3A_781, %dma_wait3A_782] : memref<632x128xf32, #tpu.memory_space<hbm>> -> memref<16x128xf32, #tpu.memory_space<hbm>>
          tpu.wait_dma2 semaphore(%arg17 : memref<!tpu.dma_semaphore, #tpu.memory_space<semaphore_mem>>) src(%dma_wait3A_783 : memref<16x128xf32, #tpu.memory_space<hbm>>) dst(%dma_wait3A_780 : memref<16x128xf32, #tpu.memory_space<vmem>>)
          %sub3A_784 = arith.constant 10 : i32
          %sub3A_785 = arith.subi %add3A_720, %sub3A_784 : i32
          %jit3A_786 = arith.constant 19 : i32
          %eq3A_787 = arith.constant 0 : i32
          %eq3A_788 = arith.cmpi eq, %jit3A_786, %eq3A_787 : i32
          %jit3A_789 = arith.constant 1 : i32
          %select_n3A_790 = arith.select %eq3A_788, %jit3A_789, %jit3A_786 : i32
          %rem3A_791 = arith.remsi %sub3A_785, %select_n3A_790 : i32
          %ne3A_792 = arith.constant 0 : i32
          %ne3A_793 = arith.cmpi ne, %rem3A_791, %ne3A_792 : i32
          %lt3A_794 = arith.constant 0 : i32
          %lt3A_795 = arith.cmpi slt, %rem3A_791, %lt3A_794 : i32
          %lt3A_796 = arith.constant 0 : i32
          %lt3A_797 = arith.cmpi slt, %select_n3A_790, %lt3A_796 : i32
          %ne3A_798 = arith.xori %lt3A_795, %lt3A_797 : i1
          %and3A_799 = arith.andi %ne3A_798, %ne3A_793 : i1
          %add3A_800 = arith.addi %rem3A_791, %select_n3A_790 : i32
          %select_n3A_801 = arith.select %and3A_799, %add3A_800, %rem3A_791 : i32
          %mul3A_802 = arith.constant 16 : i32
          %mul3A_803 = arith.muli %select_n3A_801, %mul3A_802 : i32
          %dma_start3A_804 = arith.constant 0 : i32
          %dma_start3A_805 = tpu.memref_slice %arg14[%mul3A_803, %dma_start3A_804] : memref<304x128xf32, #tpu.memory_space<vmem>> -> memref<16x128xf32, #tpu.memory_space<vmem>>
          %dma_start3A_806 = arith.constant 0 : i32
          %dma_start3A_807 = tpu.memref_slice %arg13[%select_n3A_801, %dma_start3A_806] : memref<19x16xi32, #tpu.memory_space<vmem>> -> memref<1x16xi32, #tpu.memory_space<vmem>>
          %dma_start3A_808 = tpu.memref_squeeze %dma_start3A_807 : memref<1x16xi32, #tpu.memory_space<vmem>> -> memref<16xi32, #tpu.memory_space<vmem>>
          %dma_start3A_809 = arith.constant 0 : i32
          %dma_start3A_810 = arith.constant 0 : i32
          %dma_start3A_811 = tpu.memref_slice %arg15[%dma_start3A_809, %dma_start3A_810] : memref<10112x128xf32, #tpu.memory_space<vmem_shared>> -> memref<10112x128xf32, #tpu.memory_space<vmem_shared>>
          tpu.enqueue_indirect_dma source(%dma_start3A_805 : memref<16x128xf32, #tpu.memory_space<vmem>>) target(%dma_start3A_811 : memref<10112x128xf32, #tpu.memory_space<vmem_shared>>) offsets(%dma_start3A_808 : memref<16xi32, #tpu.memory_space<vmem>>) semaphore(%arg18 : memref<!tpu.dma_semaphore, #tpu.memory_space<semaphore_mem>>) {add = true}
        } else {
        }
      }
      %gt3A_629 = arith.constant 0 : i32
      %gt3A_630 = arith.cmpi sgt, %select_n3A_619, %gt3A_629 : i32
      %convert_element_type3A_631 = arith.extui %gt3A_630 : i1 to i32
      %cond3A_632 = arith.constant 0 : i32
      %cond3A_633 = arith.cmpi ne, %convert_element_type3A_631, %cond3A_632 : i32
      scf.if %cond3A_633 {
        %mul3A_719 = arith.constant 16 : i32
        %mul3A_720 = arith.muli %select_n3A_619, %mul3A_719 : i32
        %add3A_721 = arith.constant 0 : i32
        %add3A_722 = arith.addi %mul3A_720, %add3A_721 : i32
        %get3A = arith.index_cast %add3A_722 : i32 to index
        %get3A_723 = tpu.vector_load %arg11[%get3A] {strides = array<i32>} : memref<432xi32, #tpu.memory_space<vmem>>, vector<16xi32>,
        %swap3A_724 = arith.constant 0 : index
        %swap3A_725 = tpu.vector_load %arg11[%swap3A_724] {strides = array<i32>} : memref<432xi32, #tpu.memory_space<vmem>>, vector<16xi32>,
        tpu.vector_store %arg11[%swap3A_724], %get3A_723 {strides = array<i32>} : memref<432xi32, #tpu.memory_space<vmem>>, vector<16xi32>,
      } else {
      }
      %mul3A_634 = arith.constant 16 : i32
      %mul3A_635 = arith.muli %select_n3A_619, %mul3A_634 : i32
      %sub3A_636 = arith.subi %scan3A_594, %mul3A_635 : i32
      %add3A_637 = arith.addi %scan3A_565, %select_n3A_619 : i32
      %lt3A = arith.constant 24 : i32
      %lt3A_638 = arith.cmpi slt, %scan3A_563, %lt3A : i32
      %convert_element_type3A_639 = arith.extui %lt3A_638 : i1 to i32
      %cond3A_640 = arith.constant 0 : i32
      %cond3A_641 = arith.cmpi ne, %convert_element_type3A_639, %cond3A_640 : i32
      scf.if %cond3A_641 {
        %mul3A_719 = arith.constant 2 : i32
        %mul3A_720 = arith.muli %mul3A_719, %scan3A_563 : i32
        %add3A_721 = arith.constant 2 : i32
        %add3A_722 = arith.addi %mul3A_720, %add3A_721 : i32
        %mul3A_723 = arith.constant 400 : i32
        %mul3A_724 = arith.muli %add3A_722, %mul3A_723 : i32
        %add3A_725 = arith.addi %mul3A_0, %mul3A_724 : i32
        %dma_start3A_726 = arith.constant 0 : i32
        %dma_start3A_727 = tpu.memref_slice %arg8[%dma_start3A_726] : memref<800xi32, #tpu.memory_space<vmem>> -> memref<400xi32, #tpu.memory_space<vmem>>
        %dma_start3A_728 = tpu.memref_slice %arg3[%add3A_725] : memref<320000xi32, #tpu.memory_space<hbm>> -> memref<400xi32, #tpu.memory_space<hbm>>
        %dma_start3A_729 = arith.constant 0 : i32
        %dma_start3A_730 = tpu.memref_slice %arg8[%dma_start3A_729] : memref<800xi32, #tpu.memory_space<vmem>> -> memref<400xi32, #tpu.memory_space<vmem>>
        %dma_start3A_731 = tpu.memref_slice %arg3[%add3A_725] : memref<320000xi32, #tpu.memory_space<hbm>> -> memref<400xi32, #tpu.memory_space<hbm>>
        tpu.enqueue_dma source(%dma_start3A_731 : memref<400xi32, #tpu.memory_space<hbm>>) target(%dma_start3A_730 : memref<400xi32, #tpu.memory_space<vmem>>) target_semaphore(%arg16 : memref<!tpu.dma_semaphore, #tpu.memory_space<semaphore_mem>>)
        %dma_start3A_732 = arith.constant 0 : i32
        %dma_start3A_733 = tpu.memref_slice %arg9[%dma_start3A_732] : memref<800xi32, #tpu.memory_space<vmem>> -> memref<400xi32, #tpu.memory_space<vmem>>
        %dma_start3A_734 = tpu.memref_slice %arg4[%add3A_725] : memref<320000xi32, #tpu.memory_space<hbm>> -> memref<400xi32, #tpu.memory_space<hbm>>
        %dma_start3A_735 = arith.constant 0 : i32
        %dma_start3A_736 = tpu.memref_slice %arg9[%dma_start3A_735] : memref<800xi32, #tpu.memory_space<vmem>> -> memref<400xi32, #tpu.memory_space<vmem>>
        %dma_start3A_737 = tpu.memref_slice %arg4[%add3A_725] : memref<320000xi32, #tpu.memory_space<hbm>> -> memref<400xi32, #tpu.memory_space<hbm>>
        tpu.enqueue_dma source(%dma_start3A_737 : memref<400xi32, #tpu.memory_space<hbm>>) target(%dma_start3A_736 : memref<400xi32, #tpu.memory_space<vmem>>) target_semaphore(%arg16 : memref<!tpu.dma_semaphore, #tpu.memory_space<semaphore_mem>>)
        %dma_start3A_738 = arith.constant 0 : i32
        %dma_start3A_739 = tpu.memref_slice %arg10[%dma_start3A_738] : memref<800xi32, #tpu.memory_space<vmem>> -> memref<400xi32, #tpu.memory_space<vmem>>
        %dma_start3A_740 = tpu.memref_slice %arg5[%add3A_725] : memref<320000xi32, #tpu.memory_space<hbm>> -> memref<400xi32, #tpu.memory_space<hbm>>
        %dma_start3A_741 = arith.constant 0 : i32
        %dma_start3A_742 = tpu.memref_slice %arg10[%dma_start3A_741] : memref<800xi32, #tpu.memory_space<vmem>> -> memref<400xi32, #tpu.memory_space<vmem>>
        %dma_start3A_743 = tpu.memref_slice %arg5[%add3A_725] : memref<320000xi32, #tpu.memory_space<hbm>> -> memref<400xi32, #tpu.memory_space<hbm>>
        tpu.enqueue_dma source(%dma_start3A_743 : memref<400xi32, #tpu.memory_space<hbm>>) target(%dma_start3A_742 : memref<400xi32, #tpu.memory_space<vmem>>) target_semaphore(%arg16 : memref<!tpu.dma_semaphore, #tpu.memory_space<semaphore_mem>>)
      } else {
      }
      %dma_wait3A_642 = arith.constant 400 : i32
      %dma_wait3A_643 = tpu.memref_slice %arg8[%dma_wait3A_642] : memref<800xi32, #tpu.memory_space<vmem>> -> memref<400xi32, #tpu.memory_space<vmem>>
      %dma_wait3A_644 = arith.constant 0 : i32
      %dma_wait3A_645 = tpu.memref_slice %arg3[%dma_wait3A_644] : memref<320000xi32, #tpu.memory_space<hbm>> -> memref<400xi32, #tpu.memory_space<hbm>>
      %dma_wait3A_646 = arith.constant 400 : i32
      %dma_wait3A_647 = tpu.memref_slice %arg8[%dma_wait3A_646] : memref<800xi32, #tpu.memory_space<vmem>> -> memref<400xi32, #tpu.memory_space<vmem>>
      %dma_wait3A_648 = arith.constant 0 : i32
      %dma_wait3A_649 = tpu.memref_slice %arg3[%dma_wait3A_648] : memref<320000xi32, #tpu.memory_space<hbm>> -> memref<400xi32, #tpu.memory_space<hbm>>
      tpu.wait_dma2 semaphore(%arg16 : memref<!tpu.dma_semaphore, #tpu.memory_space<semaphore_mem>>) src(%dma_wait3A_649 : memref<400xi32, #tpu.memory_space<hbm>>) dst(%dma_wait3A_647 : memref<400xi32, #tpu.memory_space<vmem>>)
      %dma_wait3A_650 = arith.constant 400 : i32
      %dma_wait3A_651 = tpu.memref_slice %arg8[%dma_wait3A_650] : memref<800xi32, #tpu.memory_space<vmem>> -> memref<400xi32, #tpu.memory_space<vmem>>
      %dma_wait3A_652 = arith.constant 0 : i32
      %dma_wait3A_653 = tpu.memref_slice %arg3[%dma_wait3A_652] : memref<320000xi32, #tpu.memory_space<hbm>> -> memref<400xi32, #tpu.memory_space<hbm>>
      %dma_wait3A_654 = arith.constant 400 : i32
      %dma_wait3A_655 = tpu.memref_slice %arg8[%dma_wait3A_654] : memref<800xi32, #tpu.memory_space<vmem>> -> memref<400xi32, #tpu.memory_space<vmem>>
      %dma_wait3A_656 = arith.constant 0 : i32
      %dma_wait3A_657 = tpu.memref_slice %arg3[%dma_wait3A_656] : memref<320000xi32, #tpu.memory_space<hbm>> -> memref<400xi32, #tpu.memory_space<hbm>>
      tpu.wait_dma2 semaphore(%arg16 : memref<!tpu.dma_semaphore, #tpu.memory_space<semaphore_mem>>) src(%dma_wait3A_657 : memref<400xi32, #tpu.memory_space<hbm>>) dst(%dma_wait3A_655 : memref<400xi32, #tpu.memory_space<vmem>>)
      %dma_wait3A_658 = arith.constant 400 : i32
      %dma_wait3A_659 = tpu.memref_slice %arg8[%dma_wait3A_658] : memref<800xi32, #tpu.memory_space<vmem>> -> memref<400xi32, #tpu.memory_space<vmem>>
      %dma_wait3A_660 = arith.constant 0 : i32
      %dma_wait3A_661 = tpu.memref_slice %arg3[%dma_wait3A_660] : memref<320000xi32, #tpu.memory_space<hbm>> -> memref<400xi32, #tpu.memory_space<hbm>>
      %dma_wait3A_662 = arith.constant 400 : i32
      %dma_wait3A_663 = tpu.memref_slice %arg8[%dma_wait3A_662] : memref<800xi32, #tpu.memory_space<vmem>> -> memref<400xi32, #tpu.memory_space<vmem>>
      %dma_wait3A_664 = arith.constant 0 : i32
      %dma_wait3A_665 = tpu.memref_slice %arg3[%dma_wait3A_664] : memref<320000xi32, #tpu.memory_space<hbm>> -> memref<400xi32, #tpu.memory_space<hbm>>
      tpu.wait_dma2 semaphore(%arg16 : memref<!tpu.dma_semaphore, #tpu.memory_space<semaphore_mem>>) src(%dma_wait3A_665 : memref<400xi32, #tpu.memory_space<hbm>>) dst(%dma_wait3A_663 : memref<400xi32, #tpu.memory_space<vmem>>)
      %scan3A_666 = arith.constant 0 : i32
      %scan3A_667 = arith.constant 25 : i32
      %scan3A_668 = arith.addi %scan3A_666, %scan3A_667 : i32
      %scan3A_669 = arith.constant 1 : i32
      %scan3A_670 = scf.for %scan3A_719 = %scan3A_666 to %scan3A_668 step %scan3A_669 iter_args(%scan3A_720 = %sub3A_636) -> (i32)  : i32 {
        %mul3A_721 = arith.constant 16 : i32
        %mul3A_722 = arith.muli %scan3A_719, %mul3A_721 : i32
        %add3A_723 = arith.constant 400 : i32
        %add3A_724 = arith.addi %add3A_723, %mul3A_722 : i32
        %get3A = arith.index_cast %add3A_724 : i32 to index
        %get3A_725 = tpu.vector_load %arg8[%get3A] {strides = array<i32>} : memref<800xi32, #tpu.memory_space<vmem>>, vector<16xi32>,
        %mul3A_726 = arith.constant 16 : i32
        %mul3A_727 = arith.muli %scan3A_719, %mul3A_726 : i32
        %add3A_728 = arith.constant 400 : i32
        %add3A_729 = arith.addi %add3A_728, %mul3A_727 : i32
        %get3A_730 = arith.index_cast %add3A_729 : i32 to index
        %get3A_731 = tpu.vector_load %arg9[%get3A_730] {strides = array<i32>} : memref<800xi32, #tpu.memory_space<vmem>>, vector<16xi32>,
        %mul3A_732 = arith.constant 16 : i32
        %mul3A_733 = arith.muli %scan3A_719, %mul3A_732 : i32
        %add3A_734 = arith.constant 400 : i32
        %add3A_735 = arith.addi %add3A_734, %mul3A_733 : i32
        %get3A_736 = arith.index_cast %add3A_735 : i32 to index
        %get3A_737 = tpu.vector_load %arg10[%get3A_736] {strides = array<i32>} : memref<800xi32, #tpu.memory_space<vmem>>, vector<16xi32>,
        %eq3A = vector.broadcast %add3A_3 : i32 to vector<16xi32>
        %eq3A_738 = arith.cmpi eq, %get3A_737, %eq3A : vector<16xi32>
        %mul3A_739 = arith.constant 10000 : i32
        %mul3A_740 = arith.muli %add3A_3, %mul3A_739 : i32
        %add3A_741 = vector.broadcast %mul3A_740 : i32 to vector<16xi32>
        %add3A_742 = arith.addi %add3A_741, %get3A_725 : vector<16xi32>
        %shift_left3A = arith.constant 14 : i32
        %shift_left3A_743 = vector.broadcast %shift_left3A : i32 to vector<16xi32>
        %shift_left3A_744 = arith.shli %add3A_742, %shift_left3A_743 : vector<16xi32>
        %or3A = arith.ori %shift_left3A_744, %get3A_731 : vector<16xi32>
        %swap3A_745 = arith.index_cast %scan3A_720 : i32 to index
        %swap3A_746 = tpu.vector_load %arg11[%swap3A_745] masked %eq3A_738 {strides = array<i32>} : memref<432xi32, #tpu.memory_space<vmem>>, vector<16xi32>, vector<16xi1>
        tpu.vector_store %arg11[%swap3A_745], %or3A masked %eq3A_738 {strides = array<i32>} : memref<432xi32, #tpu.memory_space<vmem>>, vector<16xi32>, vector<16xi1>
        %convert_element_type3A_747 = arith.extui %eq3A_738 : vector<16xi1> to vector<16xi32>
        %reduce_sum3A = arith.constant true
        %reduce_sum3A_748 = vector.broadcast %reduce_sum3A : i1 to vector<16xi1>
        %reduce_sum3A_749 = tpu.scan <sum>, %convert_element_type3A_747 masked %reduce_sum3A_748 : vector<16xi32>, vector<16xi1> -> vector<16xi32>
        %reduce_sum3A_750 = vector.extract %reduce_sum3A_749[15] : i32 from vector<16xi32>
        %add3A_751 = arith.addi %scan3A_720, %reduce_sum3A_750 : i32
        scf.yield %add3A_751 : i32
      }
      %scan3A_671 = arith.constant 25 : i32
      %jit3A_672 = arith.constant 16 : i32
      %div3A_673 = arith.divsi %scan3A_670, %jit3A_672 : i32
      %sign3A_674 = arith.constant 0 : i32
      %sign3A_675 = arith.cmpi sgt, %scan3A_670, %sign3A_674 : i32
      %sign3A_676 = arith.extui %sign3A_675 : i1 to i32
      %sign3A_677 = arith.constant 0 : i32
      %sign3A_678 = arith.cmpi slt, %scan3A_670, %sign3A_677 : i32
      %sign3A_679 = arith.extui %sign3A_678 : i1 to i32
      %sign3A_680 = arith.subi %sign3A_676, %sign3A_679 : i32
      %sign3A_681 = arith.constant 0 : i32
      %sign3A_682 = arith.cmpi sgt, %jit3A_672, %sign3A_681 : i32
      %sign3A_683 = arith.extui %sign3A_682 : i1 to i32
      %sign3A_684 = arith.constant 0 : i32
      %sign3A_685 = arith.cmpi slt, %jit3A_672, %sign3A_684 : i32
      %sign3A_686 = arith.extui %sign3A_685 : i1 to i32
      %sign3A_687 = arith.subi %sign3A_683, %sign3A_686 : i32
      %ne3A_688 = arith.cmpi ne, %sign3A_680, %sign3A_687 : i32
      %rem3A_689 = arith.remsi %scan3A_670, %jit3A_672 : i32
      %ne3A_690 = arith.constant 0 : i32
      %ne3A_691 = arith.cmpi ne, %rem3A_689, %ne3A_690 : i32
      %and3A_692 = arith.andi %ne3A_688, %ne3A_691 : i1
      %sub3A_693 = arith.constant 1 : i32
      %sub3A_694 = arith.subi %div3A_673, %sub3A_693 : i32
      %select_n3A_695 = arith.select %and3A_692, %sub3A_694, %div3A_673 : i32
      %while3A_696 = arith.constant 0 : i32
      %while3A_697 = arith.subi %select_n3A_695, %while3A_696 : i32
      %while3A_698 = arith.addi %while3A_696, %while3A_697 : i32
      %while3A_699 = arith.constant 1 : i32
      %while3A_700 = arith.divsi %while3A_697, %while3A_699 : i32
      %while3A_701 = arith.muli %while3A_700, %while3A_699 : i32
      %while3A_702 = arith.addi %while3A_696, %while3A_701 : i32
      %while3A_703 = arith.constant 1 : i32
      scf.for %while3A_719 = %while3A_696 to %while3A_702 step %while3A_703  : i32 {
        %add3A_720 = arith.addi %add3A_637, %while3A_719 : i32
        %ge3A_721 = arith.constant 19 : i32
        %ge3A_722 = arith.cmpi sge, %add3A_720, %ge3A_721 : i32
        %convert_element_type3A_723 = arith.extui %ge3A_722 : i1 to i32
        %cond3A_724 = arith.constant 0 : i32
        %cond3A_725 = arith.cmpi ne, %convert_element_type3A_723, %cond3A_724 : i32
        scf.if %cond3A_725 {
          %dma_wait3A_772 = arith.constant 0 : i32
          %dma_wait3A_773 = arith.constant 0 : i32
          %dma_wait3A_774 = tpu.memref_slice %arg14[%dma_wait3A_772, %dma_wait3A_773] : memref<304x128xf32, #tpu.memory_space<vmem>> -> memref<16x128xf32, #tpu.memory_space<vmem>>
          %dma_wait3A_775 = arith.constant 0 : i32
          %dma_wait3A_776 = arith.constant 0 : i32
          %dma_wait3A_777 = tpu.memref_slice %arg6[%dma_wait3A_775, %dma_wait3A_776] : memref<632x128xf32, #tpu.memory_space<hbm>> -> memref<16x128xf32, #tpu.memory_space<hbm>>
          %dma_wait3A_778 = arith.constant 0 : i32
          %dma_wait3A_779 = arith.constant 0 : i32
          %dma_wait3A_780 = tpu.memref_slice %arg14[%dma_wait3A_778, %dma_wait3A_779] : memref<304x128xf32, #tpu.memory_space<vmem>> -> memref<16x128xf32, #tpu.memory_space<vmem>>
          %dma_wait3A_781 = arith.constant 0 : i32
          %dma_wait3A_782 = arith.constant 0 : i32
          %dma_wait3A_783 = tpu.memref_slice %arg6[%dma_wait3A_781, %dma_wait3A_782] : memref<632x128xf32, #tpu.memory_space<hbm>> -> memref<16x128xf32, #tpu.memory_space<hbm>>
          tpu.wait_dma2 semaphore(%arg18 : memref<!tpu.dma_semaphore, #tpu.memory_space<semaphore_mem>>) src(%dma_wait3A_783 : memref<16x128xf32, #tpu.memory_space<hbm>>) dst(%dma_wait3A_780 : memref<16x128xf32, #tpu.memory_space<vmem>>)
        } else {
        }
        %jit3A_726 = arith.constant 19 : i32
        %eq3A = arith.constant 0 : i32
        %eq3A_727 = arith.cmpi eq, %jit3A_726, %eq3A : i32
        %jit3A_728 = arith.constant 1 : i32
        %select_n3A_729 = arith.select %eq3A_727, %jit3A_728, %jit3A_726 : i32
        %rem3A_730 = arith.remsi %add3A_720, %select_n3A_729 : i32
        %ne3A_731 = arith.constant 0 : i32
        %ne3A_732 = arith.cmpi ne, %rem3A_730, %ne3A_731 : i32
        %lt3A_733 = arith.constant 0 : i32
        %lt3A_734 = arith.cmpi slt, %rem3A_730, %lt3A_733 : i32
        %lt3A_735 = arith.constant 0 : i32
        %lt3A_736 = arith.cmpi slt, %select_n3A_729, %lt3A_735 : i32
        %ne3A_737 = arith.xori %lt3A_734, %lt3A_736 : i1
        %and3A_738 = arith.andi %ne3A_737, %ne3A_732 : i1
        %add3A_739 = arith.addi %rem3A_730, %select_n3A_729 : i32
        %select_n3A_740 = arith.select %and3A_738, %add3A_739, %rem3A_730 : i32
        %mul3A_741 = arith.constant 16 : i32
        %mul3A_742 = arith.muli %while3A_719, %mul3A_741 : i32
        %add3A_743 = arith.constant 0 : i32
        %add3A_744 = arith.addi %mul3A_742, %add3A_743 : i32
        %get3A = arith.index_cast %add3A_744 : i32 to index
        %get3A_745 = tpu.vector_load %arg11[%get3A] {strides = array<i32>} : memref<432xi32, #tpu.memory_space<vmem>>, vector<16xi32>,
        %shift_right_arithmetic3A = arith.constant 14 : i32
        %shift_right_arithmetic3A_746 = vector.broadcast %shift_right_arithmetic3A : i32 to vector<16xi32>
        %shift_right_arithmetic3A_747 = arith.shrsi %get3A_745, %shift_right_arithmetic3A_746 : vector<16xi32>
        %swap3A_748 = arith.index_cast %select_n3A_740 : i32 to index
        %swap3A_749 = arith.constant 0 : index
        %swap3A_750 = tpu.vector_load %arg12[%swap3A_748, %swap3A_749] {strides = array<i32>} : memref<19x16xi32, #tpu.memory_space<vmem>>, vector<16xi32>,
        tpu.vector_store %arg12[%swap3A_748, %swap3A_749], %shift_right_arithmetic3A_747 {strides = array<i32>} : memref<19x16xi32, #tpu.memory_space<vmem>>, vector<16xi32>,
        %and3A_751 = arith.constant 16383 : i32
        %and3A_752 = vector.broadcast %and3A_751 : i32 to vector<16xi32>
        %and3A_753 = arith.andi %get3A_745, %and3A_752 : vector<16xi32>
        %swap3A_754 = arith.index_cast %select_n3A_740 : i32 to index
        %swap3A_755 = arith.constant 0 : index
        %swap3A_756 = tpu.vector_load %arg13[%swap3A_754, %swap3A_755] {strides = array<i32>} : memref<19x16xi32, #tpu.memory_space<vmem>>, vector<16xi32>,
        tpu.vector_store %arg13[%swap3A_754, %swap3A_755], %and3A_753 {strides = array<i32>} : memref<19x16xi32, #tpu.memory_space<vmem>>, vector<16xi32>,
        %mul3A_757 = arith.constant 16 : i32
        %mul3A_758 = arith.muli %select_n3A_740, %mul3A_757 : i32
        %dma_start3A_759 = arith.constant 0 : i32
        %dma_start3A_760 = tpu.memref_slice %arg14[%mul3A_758, %dma_start3A_759] : memref<304x128xf32, #tpu.memory_space<vmem>> -> memref<16x128xf32, #tpu.memory_space<vmem>>
        %dma_start3A_761 = arith.constant 0 : i32
        %dma_start3A_762 = tpu.memref_slice %arg12[%select_n3A_740, %dma_start3A_761] : memref<19x16xi32, #tpu.memory_space<vmem>> -> memref<1x16xi32, #tpu.memory_space<vmem>>
        %dma_start3A_763 = tpu.memref_squeeze %dma_start3A_762 : memref<1x16xi32, #tpu.memory_space<vmem>> -> memref<16xi32, #tpu.memory_space<vmem>>
        %dma_start3A_764 = arith.constant 0 : i32
        %dma_start3A_765 = arith.constant 0 : i32
        %dma_start3A_766 = tpu.memref_slice %arg2[%dma_start3A_764, %dma_start3A_765] : memref<40000x128xf32, #tpu.memory_space<hbm>> -> memref<40000x128xf32, #tpu.memory_space<hbm>>
        tpu.enqueue_indirect_dma source(%dma_start3A_766 : memref<40000x128xf32, #tpu.memory_space<hbm>>) target(%dma_start3A_760 : memref<16x128xf32, #tpu.memory_space<vmem>>) offsets(%dma_start3A_763 : memref<16xi32, #tpu.memory_space<vmem>>) semaphore(%arg17 : memref<!tpu.dma_semaphore, #tpu.memory_space<semaphore_mem>>)
        %ge3A_767 = arith.constant 10 : i32
        %ge3A_768 = arith.cmpi sge, %add3A_720, %ge3A_767 : i32
        %convert_element_type3A_769 = arith.extui %ge3A_768 : i1 to i32
        %cond3A_770 = arith.constant 0 : i32
        %cond3A_771 = arith.cmpi ne, %convert_element_type3A_769, %cond3A_770 : i32
        scf.if %cond3A_771 {
          %dma_wait3A_772 = arith.constant 0 : i32
          %dma_wait3A_773 = arith.constant 0 : i32
          %dma_wait3A_774 = tpu.memref_slice %arg14[%dma_wait3A_772, %dma_wait3A_773] : memref<304x128xf32, #tpu.memory_space<vmem>> -> memref<16x128xf32, #tpu.memory_space<vmem>>
          %dma_wait3A_775 = arith.constant 0 : i32
          %dma_wait3A_776 = arith.constant 0 : i32
          %dma_wait3A_777 = tpu.memref_slice %arg6[%dma_wait3A_775, %dma_wait3A_776] : memref<632x128xf32, #tpu.memory_space<hbm>> -> memref<16x128xf32, #tpu.memory_space<hbm>>
          %dma_wait3A_778 = arith.constant 0 : i32
          %dma_wait3A_779 = arith.constant 0 : i32
          %dma_wait3A_780 = tpu.memref_slice %arg14[%dma_wait3A_778, %dma_wait3A_779] : memref<304x128xf32, #tpu.memory_space<vmem>> -> memref<16x128xf32, #tpu.memory_space<vmem>>
          %dma_wait3A_781 = arith.constant 0 : i32
          %dma_wait3A_782 = arith.constant 0 : i32
          %dma_wait3A_783 = tpu.memref_slice %arg6[%dma_wait3A_781, %dma_wait3A_782] : memref<632x128xf32, #tpu.memory_space<hbm>> -> memref<16x128xf32, #tpu.memory_space<hbm>>
          tpu.wait_dma2 semaphore(%arg17 : memref<!tpu.dma_semaphore, #tpu.memory_space<semaphore_mem>>) src(%dma_wait3A_783 : memref<16x128xf32, #tpu.memory_space<hbm>>) dst(%dma_wait3A_780 : memref<16x128xf32, #tpu.memory_space<vmem>>)
          %sub3A_784 = arith.constant 10 : i32
          %sub3A_785 = arith.subi %add3A_720, %sub3A_784 : i32
          %jit3A_786 = arith.constant 19 : i32
          %eq3A_787 = arith.constant 0 : i32
          %eq3A_788 = arith.cmpi eq, %jit3A_786, %eq3A_787 : i32
          %jit3A_789 = arith.constant 1 : i32
          %select_n3A_790 = arith.select %eq3A_788, %jit3A_789, %jit3A_786 : i32
          %rem3A_791 = arith.remsi %sub3A_785, %select_n3A_790 : i32
          %ne3A_792 = arith.constant 0 : i32
          %ne3A_793 = arith.cmpi ne, %rem3A_791, %ne3A_792 : i32
          %lt3A_794 = arith.constant 0 : i32
          %lt3A_795 = arith.cmpi slt, %rem3A_791, %lt3A_794 : i32
          %lt3A_796 = arith.constant 0 : i32
          %lt3A_797 = arith.cmpi slt, %select_n3A_790, %lt3A_796 : i32
          %ne3A_798 = arith.xori %lt3A_795, %lt3A_797 : i1
          %and3A_799 = arith.andi %ne3A_798, %ne3A_793 : i1
          %add3A_800 = arith.addi %rem3A_791, %select_n3A_790 : i32
          %select_n3A_801 = arith.select %and3A_799, %add3A_800, %rem3A_791 : i32
          %mul3A_802 = arith.constant 16 : i32
          %mul3A_803 = arith.muli %select_n3A_801, %mul3A_802 : i32
          %dma_start3A_804 = arith.constant 0 : i32
          %dma_start3A_805 = tpu.memref_slice %arg14[%mul3A_803, %dma_start3A_804] : memref<304x128xf32, #tpu.memory_space<vmem>> -> memref<16x128xf32, #tpu.memory_space<vmem>>
          %dma_start3A_806 = arith.constant 0 : i32
          %dma_start3A_807 = tpu.memref_slice %arg13[%select_n3A_801, %dma_start3A_806] : memref<19x16xi32, #tpu.memory_space<vmem>> -> memref<1x16xi32, #tpu.memory_space<vmem>>
          %dma_start3A_808 = tpu.memref_squeeze %dma_start3A_807 : memref<1x16xi32, #tpu.memory_space<vmem>> -> memref<16xi32, #tpu.memory_space<vmem>>
          %dma_start3A_809 = arith.constant 0 : i32
          %dma_start3A_810 = arith.constant 0 : i32
          %dma_start3A_811 = tpu.memref_slice %arg15[%dma_start3A_809, %dma_start3A_810] : memref<10112x128xf32, #tpu.memory_space<vmem_shared>> -> memref<10112x128xf32, #tpu.memory_space<vmem_shared>>
          tpu.enqueue_indirect_dma source(%dma_start3A_805 : memref<16x128xf32, #tpu.memory_space<vmem>>) target(%dma_start3A_811 : memref<10112x128xf32, #tpu.memory_space<vmem_shared>>) offsets(%dma_start3A_808 : memref<16xi32, #tpu.memory_space<vmem>>) semaphore(%arg18 : memref<!tpu.dma_semaphore, #tpu.memory_space<semaphore_mem>>) {add = true}
        } else {
        }
      }
      %while3A_704 = arith.constant 1 : i32
      scf.for %while3A_719 = %while3A_702 to %while3A_698 step %while3A_704  : i32 {
        %add3A_720 = arith.addi %add3A_637, %while3A_719 : i32
        %ge3A_721 = arith.constant 19 : i32
        %ge3A_722 = arith.cmpi sge, %add3A_720, %ge3A_721 : i32
        %convert_element_type3A_723 = arith.extui %ge3A_722 : i1 to i32
        %cond3A_724 = arith.constant 0 : i32
        %cond3A_725 = arith.cmpi ne, %convert_element_type3A_723, %cond3A_724 : i32
        scf.if %cond3A_725 {
          %dma_wait3A_772 = arith.constant 0 : i32
          %dma_wait3A_773 = arith.constant 0 : i32
          %dma_wait3A_774 = tpu.memref_slice %arg14[%dma_wait3A_772, %dma_wait3A_773] : memref<304x128xf32, #tpu.memory_space<vmem>> -> memref<16x128xf32, #tpu.memory_space<vmem>>
          %dma_wait3A_775 = arith.constant 0 : i32
          %dma_wait3A_776 = arith.constant 0 : i32
          %dma_wait3A_777 = tpu.memref_slice %arg6[%dma_wait3A_775, %dma_wait3A_776] : memref<632x128xf32, #tpu.memory_space<hbm>> -> memref<16x128xf32, #tpu.memory_space<hbm>>
          %dma_wait3A_778 = arith.constant 0 : i32
          %dma_wait3A_779 = arith.constant 0 : i32
          %dma_wait3A_780 = tpu.memref_slice %arg14[%dma_wait3A_778, %dma_wait3A_779] : memref<304x128xf32, #tpu.memory_space<vmem>> -> memref<16x128xf32, #tpu.memory_space<vmem>>
          %dma_wait3A_781 = arith.constant 0 : i32
          %dma_wait3A_782 = arith.constant 0 : i32
          %dma_wait3A_783 = tpu.memref_slice %arg6[%dma_wait3A_781, %dma_wait3A_782] : memref<632x128xf32, #tpu.memory_space<hbm>> -> memref<16x128xf32, #tpu.memory_space<hbm>>
          tpu.wait_dma2 semaphore(%arg18 : memref<!tpu.dma_semaphore, #tpu.memory_space<semaphore_mem>>) src(%dma_wait3A_783 : memref<16x128xf32, #tpu.memory_space<hbm>>) dst(%dma_wait3A_780 : memref<16x128xf32, #tpu.memory_space<vmem>>)
        } else {
        }
        %jit3A_726 = arith.constant 19 : i32
        %eq3A = arith.constant 0 : i32
        %eq3A_727 = arith.cmpi eq, %jit3A_726, %eq3A : i32
        %jit3A_728 = arith.constant 1 : i32
        %select_n3A_729 = arith.select %eq3A_727, %jit3A_728, %jit3A_726 : i32
        %rem3A_730 = arith.remsi %add3A_720, %select_n3A_729 : i32
        %ne3A_731 = arith.constant 0 : i32
        %ne3A_732 = arith.cmpi ne, %rem3A_730, %ne3A_731 : i32
        %lt3A_733 = arith.constant 0 : i32
        %lt3A_734 = arith.cmpi slt, %rem3A_730, %lt3A_733 : i32
        %lt3A_735 = arith.constant 0 : i32
        %lt3A_736 = arith.cmpi slt, %select_n3A_729, %lt3A_735 : i32
        %ne3A_737 = arith.xori %lt3A_734, %lt3A_736 : i1
        %and3A_738 = arith.andi %ne3A_737, %ne3A_732 : i1
        %add3A_739 = arith.addi %rem3A_730, %select_n3A_729 : i32
        %select_n3A_740 = arith.select %and3A_738, %add3A_739, %rem3A_730 : i32
        %mul3A_741 = arith.constant 16 : i32
        %mul3A_742 = arith.muli %while3A_719, %mul3A_741 : i32
        %add3A_743 = arith.constant 0 : i32
        %add3A_744 = arith.addi %mul3A_742, %add3A_743 : i32
        %get3A = arith.index_cast %add3A_744 : i32 to index
        %get3A_745 = tpu.vector_load %arg11[%get3A] {strides = array<i32>} : memref<432xi32, #tpu.memory_space<vmem>>, vector<16xi32>,
        %shift_right_arithmetic3A = arith.constant 14 : i32
        %shift_right_arithmetic3A_746 = vector.broadcast %shift_right_arithmetic3A : i32 to vector<16xi32>
        %shift_right_arithmetic3A_747 = arith.shrsi %get3A_745, %shift_right_arithmetic3A_746 : vector<16xi32>
        %swap3A_748 = arith.index_cast %select_n3A_740 : i32 to index
        %swap3A_749 = arith.constant 0 : index
        %swap3A_750 = tpu.vector_load %arg12[%swap3A_748, %swap3A_749] {strides = array<i32>} : memref<19x16xi32, #tpu.memory_space<vmem>>, vector<16xi32>,
        tpu.vector_store %arg12[%swap3A_748, %swap3A_749], %shift_right_arithmetic3A_747 {strides = array<i32>} : memref<19x16xi32, #tpu.memory_space<vmem>>, vector<16xi32>,
        %and3A_751 = arith.constant 16383 : i32
        %and3A_752 = vector.broadcast %and3A_751 : i32 to vector<16xi32>
        %and3A_753 = arith.andi %get3A_745, %and3A_752 : vector<16xi32>
        %swap3A_754 = arith.index_cast %select_n3A_740 : i32 to index
        %swap3A_755 = arith.constant 0 : index
        %swap3A_756 = tpu.vector_load %arg13[%swap3A_754, %swap3A_755] {strides = array<i32>} : memref<19x16xi32, #tpu.memory_space<vmem>>, vector<16xi32>,
        tpu.vector_store %arg13[%swap3A_754, %swap3A_755], %and3A_753 {strides = array<i32>} : memref<19x16xi32, #tpu.memory_space<vmem>>, vector<16xi32>,
        %mul3A_757 = arith.constant 16 : i32
        %mul3A_758 = arith.muli %select_n3A_740, %mul3A_757 : i32
        %dma_start3A_759 = arith.constant 0 : i32
        %dma_start3A_760 = tpu.memref_slice %arg14[%mul3A_758, %dma_start3A_759] : memref<304x128xf32, #tpu.memory_space<vmem>> -> memref<16x128xf32, #tpu.memory_space<vmem>>
        %dma_start3A_761 = arith.constant 0 : i32
        %dma_start3A_762 = tpu.memref_slice %arg12[%select_n3A_740, %dma_start3A_761] : memref<19x16xi32, #tpu.memory_space<vmem>> -> memref<1x16xi32, #tpu.memory_space<vmem>>
        %dma_start3A_763 = tpu.memref_squeeze %dma_start3A_762 : memref<1x16xi32, #tpu.memory_space<vmem>> -> memref<16xi32, #tpu.memory_space<vmem>>
        %dma_start3A_764 = arith.constant 0 : i32
        %dma_start3A_765 = arith.constant 0 : i32
        %dma_start3A_766 = tpu.memref_slice %arg2[%dma_start3A_764, %dma_start3A_765] : memref<40000x128xf32, #tpu.memory_space<hbm>> -> memref<40000x128xf32, #tpu.memory_space<hbm>>
        tpu.enqueue_indirect_dma source(%dma_start3A_766 : memref<40000x128xf32, #tpu.memory_space<hbm>>) target(%dma_start3A_760 : memref<16x128xf32, #tpu.memory_space<vmem>>) offsets(%dma_start3A_763 : memref<16xi32, #tpu.memory_space<vmem>>) semaphore(%arg17 : memref<!tpu.dma_semaphore, #tpu.memory_space<semaphore_mem>>)
        %ge3A_767 = arith.constant 10 : i32
        %ge3A_768 = arith.cmpi sge, %add3A_720, %ge3A_767 : i32
        %convert_element_type3A_769 = arith.extui %ge3A_768 : i1 to i32
        %cond3A_770 = arith.constant 0 : i32
        %cond3A_771 = arith.cmpi ne, %convert_element_type3A_769, %cond3A_770 : i32
        scf.if %cond3A_771 {
          %dma_wait3A_772 = arith.constant 0 : i32
          %dma_wait3A_773 = arith.constant 0 : i32
          %dma_wait3A_774 = tpu.memref_slice %arg14[%dma_wait3A_772, %dma_wait3A_773] : memref<304x128xf32, #tpu.memory_space<vmem>> -> memref<16x128xf32, #tpu.memory_space<vmem>>
          %dma_wait3A_775 = arith.constant 0 : i32
          %dma_wait3A_776 = arith.constant 0 : i32
          %dma_wait3A_777 = tpu.memref_slice %arg6[%dma_wait3A_775, %dma_wait3A_776] : memref<632x128xf32, #tpu.memory_space<hbm>> -> memref<16x128xf32, #tpu.memory_space<hbm>>
          %dma_wait3A_778 = arith.constant 0 : i32
          %dma_wait3A_779 = arith.constant 0 : i32
          %dma_wait3A_780 = tpu.memref_slice %arg14[%dma_wait3A_778, %dma_wait3A_779] : memref<304x128xf32, #tpu.memory_space<vmem>> -> memref<16x128xf32, #tpu.memory_space<vmem>>
          %dma_wait3A_781 = arith.constant 0 : i32
          %dma_wait3A_782 = arith.constant 0 : i32
          %dma_wait3A_783 = tpu.memref_slice %arg6[%dma_wait3A_781, %dma_wait3A_782] : memref<632x128xf32, #tpu.memory_space<hbm>> -> memref<16x128xf32, #tpu.memory_space<hbm>>
          tpu.wait_dma2 semaphore(%arg17 : memref<!tpu.dma_semaphore, #tpu.memory_space<semaphore_mem>>) src(%dma_wait3A_783 : memref<16x128xf32, #tpu.memory_space<hbm>>) dst(%dma_wait3A_780 : memref<16x128xf32, #tpu.memory_space<vmem>>)
          %sub3A_784 = arith.constant 10 : i32
          %sub3A_785 = arith.subi %add3A_720, %sub3A_784 : i32
          %jit3A_786 = arith.constant 19 : i32
          %eq3A_787 = arith.constant 0 : i32
          %eq3A_788 = arith.cmpi eq, %jit3A_786, %eq3A_787 : i32
          %jit3A_789 = arith.constant 1 : i32
          %select_n3A_790 = arith.select %eq3A_788, %jit3A_789, %jit3A_786 : i32
          %rem3A_791 = arith.remsi %sub3A_785, %select_n3A_790 : i32
          %ne3A_792 = arith.constant 0 : i32
          %ne3A_793 = arith.cmpi ne, %rem3A_791, %ne3A_792 : i32
          %lt3A_794 = arith.constant 0 : i32
          %lt3A_795 = arith.cmpi slt, %rem3A_791, %lt3A_794 : i32
          %lt3A_796 = arith.constant 0 : i32
          %lt3A_797 = arith.cmpi slt, %select_n3A_790, %lt3A_796 : i32
          %ne3A_798 = arith.xori %lt3A_795, %lt3A_797 : i1
          %and3A_799 = arith.andi %ne3A_798, %ne3A_793 : i1
          %add3A_800 = arith.addi %rem3A_791, %select_n3A_790 : i32
          %select_n3A_801 = arith.select %and3A_799, %add3A_800, %rem3A_791 : i32
          %mul3A_802 = arith.constant 16 : i32
          %mul3A_803 = arith.muli %select_n3A_801, %mul3A_802 : i32
          %dma_start3A_804 = arith.constant 0 : i32
          %dma_start3A_805 = tpu.memref_slice %arg14[%mul3A_803, %dma_start3A_804] : memref<304x128xf32, #tpu.memory_space<vmem>> -> memref<16x128xf32, #tpu.memory_space<vmem>>
          %dma_start3A_806 = arith.constant 0 : i32
          %dma_start3A_807 = tpu.memref_slice %arg13[%select_n3A_801, %dma_start3A_806] : memref<19x16xi32, #tpu.memory_space<vmem>> -> memref<1x16xi32, #tpu.memory_space<vmem>>
          %dma_start3A_808 = tpu.memref_squeeze %dma_start3A_807 : memref<1x16xi32, #tpu.memory_space<vmem>> -> memref<16xi32, #tpu.memory_space<vmem>>
          %dma_start3A_809 = arith.constant 0 : i32
          %dma_start3A_810 = arith.constant 0 : i32
          %dma_start3A_811 = tpu.memref_slice %arg15[%dma_start3A_809, %dma_start3A_810] : memref<10112x128xf32, #tpu.memory_space<vmem_shared>> -> memref<10112x128xf32, #tpu.memory_space<vmem_shared>>
          tpu.enqueue_indirect_dma source(%dma_start3A_805 : memref<16x128xf32, #tpu.memory_space<vmem>>) target(%dma_start3A_811 : memref<10112x128xf32, #tpu.memory_space<vmem_shared>>) offsets(%dma_start3A_808 : memref<16xi32, #tpu.memory_space<vmem>>) semaphore(%arg18 : memref<!tpu.dma_semaphore, #tpu.memory_space<semaphore_mem>>) {add = true}
        } else {
        }
      }
      %gt3A_705 = arith.constant 0 : i32
      %gt3A_706 = arith.cmpi sgt, %select_n3A_695, %gt3A_705 : i32
      %convert_element_type3A_707 = arith.extui %gt3A_706 : i1 to i32
      %cond3A_708 = arith.constant 0 : i32
      %cond3A_709 = arith.cmpi ne, %convert_element_type3A_707, %cond3A_708 : i32
      scf.if %cond3A_709 {
        %mul3A_719 = arith.constant 16 : i32
        %mul3A_720 = arith.muli %select_n3A_695, %mul3A_719 : i32
        %add3A_721 = arith.constant 0 : i32
        %add3A_722 = arith.addi %mul3A_720, %add3A_721 : i32
        %get3A = arith.index_cast %add3A_722 : i32 to index
        %get3A_723 = tpu.vector_load %arg11[%get3A] {strides = array<i32>} : memref<432xi32, #tpu.memory_space<vmem>>, vector<16xi32>,
        %swap3A_724 = arith.constant 0 : index
        %swap3A_725 = tpu.vector_load %arg11[%swap3A_724] {strides = array<i32>} : memref<432xi32, #tpu.memory_space<vmem>>, vector<16xi32>,
        tpu.vector_store %arg11[%swap3A_724], %get3A_723 {strides = array<i32>} : memref<432xi32, #tpu.memory_space<vmem>>, vector<16xi32>,
      } else {
      }
      %mul3A_710 = arith.constant 16 : i32
      %mul3A_711 = arith.muli %select_n3A_695, %mul3A_710 : i32
      %sub3A_712 = arith.subi %scan3A_670, %mul3A_711 : i32
      %add3A_713 = arith.addi %add3A_637, %select_n3A_695 : i32
      %lt3A_714 = arith.constant 24 : i32
      %lt3A_715 = arith.cmpi slt, %scan3A_563, %lt3A_714 : i32
      %convert_element_type3A_716 = arith.extui %lt3A_715 : i1 to i32
      %cond3A_717 = arith.constant 0 : i32
      %cond3A_718 = arith.cmpi ne, %convert_element_type3A_716, %cond3A_717 : i32
      scf.if %cond3A_718 {
        %mul3A_719 = arith.constant 2 : i32
        %mul3A_720 = arith.muli %mul3A_719, %scan3A_563 : i32
        %add3A_721 = arith.constant 3 : i32
        %add3A_722 = arith.addi %mul3A_720, %add3A_721 : i32
        %mul3A_723 = arith.constant 400 : i32
        %mul3A_724 = arith.muli %add3A_722, %mul3A_723 : i32
        %add3A_725 = arith.addi %mul3A_0, %mul3A_724 : i32
        %dma_start3A_726 = arith.constant 400 : i32
        %dma_start3A_727 = tpu.memref_slice %arg8[%dma_start3A_726] : memref<800xi32, #tpu.memory_space<vmem>> -> memref<400xi32, #tpu.memory_space<vmem>>
        %dma_start3A_728 = tpu.memref_slice %arg3[%add3A_725] : memref<320000xi32, #tpu.memory_space<hbm>> -> memref<400xi32, #tpu.memory_space<hbm>>
        %dma_start3A_729 = arith.constant 400 : i32
        %dma_start3A_730 = tpu.memref_slice %arg8[%dma_start3A_729] : memref<800xi32, #tpu.memory_space<vmem>> -> memref<400xi32, #tpu.memory_space<vmem>>
        %dma_start3A_731 = tpu.memref_slice %arg3[%add3A_725] : memref<320000xi32, #tpu.memory_space<hbm>> -> memref<400xi32, #tpu.memory_space<hbm>>
        tpu.enqueue_dma source(%dma_start3A_731 : memref<400xi32, #tpu.memory_space<hbm>>) target(%dma_start3A_730 : memref<400xi32, #tpu.memory_space<vmem>>) target_semaphore(%arg16 : memref<!tpu.dma_semaphore, #tpu.memory_space<semaphore_mem>>)
        %dma_start3A_732 = arith.constant 400 : i32
        %dma_start3A_733 = tpu.memref_slice %arg9[%dma_start3A_732] : memref<800xi32, #tpu.memory_space<vmem>> -> memref<400xi32, #tpu.memory_space<vmem>>
        %dma_start3A_734 = tpu.memref_slice %arg4[%add3A_725] : memref<320000xi32, #tpu.memory_space<hbm>> -> memref<400xi32, #tpu.memory_space<hbm>>
        %dma_start3A_735 = arith.constant 400 : i32
        %dma_start3A_736 = tpu.memref_slice %arg9[%dma_start3A_735] : memref<800xi32, #tpu.memory_space<vmem>> -> memref<400xi32, #tpu.memory_space<vmem>>
        %dma_start3A_737 = tpu.memref_slice %arg4[%add3A_725] : memref<320000xi32, #tpu.memory_space<hbm>> -> memref<400xi32, #tpu.memory_space<hbm>>
        tpu.enqueue_dma source(%dma_start3A_737 : memref<400xi32, #tpu.memory_space<hbm>>) target(%dma_start3A_736 : memref<400xi32, #tpu.memory_space<vmem>>) target_semaphore(%arg16 : memref<!tpu.dma_semaphore, #tpu.memory_space<semaphore_mem>>)
        %dma_start3A_738 = arith.constant 400 : i32
        %dma_start3A_739 = tpu.memref_slice %arg10[%dma_start3A_738] : memref<800xi32, #tpu.memory_space<vmem>> -> memref<400xi32, #tpu.memory_space<vmem>>
        %dma_start3A_740 = tpu.memref_slice %arg5[%add3A_725] : memref<320000xi32, #tpu.memory_space<hbm>> -> memref<400xi32, #tpu.memory_space<hbm>>
        %dma_start3A_741 = arith.constant 400 : i32
        %dma_start3A_742 = tpu.memref_slice %arg10[%dma_start3A_741] : memref<800xi32, #tpu.memory_space<vmem>> -> memref<400xi32, #tpu.memory_space<vmem>>
        %dma_start3A_743 = tpu.memref_slice %arg5[%add3A_725] : memref<320000xi32, #tpu.memory_space<hbm>> -> memref<400xi32, #tpu.memory_space<hbm>>
        tpu.enqueue_dma source(%dma_start3A_743 : memref<400xi32, #tpu.memory_space<hbm>>) target(%dma_start3A_742 : memref<400xi32, #tpu.memory_space<vmem>>) target_semaphore(%arg16 : memref<!tpu.dma_semaphore, #tpu.memory_space<semaphore_mem>>)
      } else {
      }
      scf.yield %sub3A_712, %add3A_713 : i32, i32
    }
    %scan3A_52 = arith.constant 25 : i32
    %broadcast_in_dim3A = arith.constant 10000 : i32
    %broadcast_in_dim3A_53 = vector.broadcast %broadcast_in_dim3A : i32 to vector<16xi32>
    %add3A_54 = arith.constant 0 : i32
    %add3A_55 = arith.addi %scan3A_51#0, %add3A_54 : i32
    %swap3A = arith.index_cast %add3A_55 : i32 to index
    %swap3A_56 = tpu.vector_load %arg11[%swap3A] {strides = array<i32>} : memref<432xi32, #tpu.memory_space<vmem>>, vector<16xi32>,
    tpu.vector_store %arg11[%swap3A], %broadcast_in_dim3A_53 {strides = array<i32>} : memref<432xi32, #tpu.memory_space<vmem>>, vector<16xi32>,
    %add3A_57 = arith.constant 16 : i32
    %add3A_58 = arith.addi %scan3A_51#0, %add3A_57 : i32
    %sub3A = arith.constant 1 : i32
    %sub3A_59 = arith.subi %add3A_58, %sub3A : i32
    %jit3A = arith.constant 16 : i32
    %div3A = arith.divsi %sub3A_59, %jit3A : i32
    %sign3A = arith.constant 0 : i32
    %sign3A_60 = arith.cmpi sgt, %sub3A_59, %sign3A : i32
    %sign3A_61 = arith.extui %sign3A_60 : i1 to i32
    %sign3A_62 = arith.constant 0 : i32
    %sign3A_63 = arith.cmpi slt, %sub3A_59, %sign3A_62 : i32
    %sign3A_64 = arith.extui %sign3A_63 : i1 to i32
    %sign3A_65 = arith.subi %sign3A_61, %sign3A_64 : i32
    %sign3A_66 = arith.constant 0 : i32
    %sign3A_67 = arith.cmpi sgt, %jit3A, %sign3A_66 : i32
    %sign3A_68 = arith.extui %sign3A_67 : i1 to i32
    %sign3A_69 = arith.constant 0 : i32
    %sign3A_70 = arith.cmpi slt, %jit3A, %sign3A_69 : i32
    %sign3A_71 = arith.extui %sign3A_70 : i1 to i32
    %sign3A_72 = arith.subi %sign3A_68, %sign3A_71 : i32
    %ne3A = arith.cmpi ne, %sign3A_65, %sign3A_72 : i32
    %rem3A = arith.remsi %sub3A_59, %jit3A : i32
    %ne3A_73 = arith.constant 0 : i32
    %ne3A_74 = arith.cmpi ne, %rem3A, %ne3A_73 : i32
    %and3A = arith.andi %ne3A, %ne3A_74 : i1
    %sub3A_75 = arith.constant 1 : i32
    %sub3A_76 = arith.subi %div3A, %sub3A_75 : i32
    %select_n3A = arith.select %and3A, %sub3A_76, %div3A : i32
    %mul3A_77 = arith.constant 16 : i32
    %mul3A_78 = arith.muli %select_n3A, %mul3A_77 : i32
    %jit3A_79 = arith.constant 16 : i32
    %div3A_80 = arith.divsi %mul3A_78, %jit3A_79 : i32
    %sign3A_81 = arith.constant 0 : i32
    %sign3A_82 = arith.cmpi sgt, %mul3A_78, %sign3A_81 : i32
    %sign3A_83 = arith.extui %sign3A_82 : i1 to i32
    %sign3A_84 = arith.constant 0 : i32
    %sign3A_85 = arith.cmpi slt, %mul3A_78, %sign3A_84 : i32
    %sign3A_86 = arith.extui %sign3A_85 : i1 to i32
    %sign3A_87 = arith.subi %sign3A_83, %sign3A_86 : i32
    %sign3A_88 = arith.constant 0 : i32
    %sign3A_89 = arith.cmpi sgt, %jit3A_79, %sign3A_88 : i32
    %sign3A_90 = arith.extui %sign3A_89 : i1 to i32
    %sign3A_91 = arith.constant 0 : i32
    %sign3A_92 = arith.cmpi slt, %jit3A_79, %sign3A_91 : i32
    %sign3A_93 = arith.extui %sign3A_92 : i1 to i32
    %sign3A_94 = arith.subi %sign3A_90, %sign3A_93 : i32
    %ne3A_95 = arith.cmpi ne, %sign3A_87, %sign3A_94 : i32
    %rem3A_96 = arith.remsi %mul3A_78, %jit3A_79 : i32
    %ne3A_97 = arith.constant 0 : i32
    %ne3A_98 = arith.cmpi ne, %rem3A_96, %ne3A_97 : i32
    %and3A_99 = arith.andi %ne3A_95, %ne3A_98 : i1
    %sub3A_100 = arith.constant 1 : i32
    %sub3A_101 = arith.subi %div3A_80, %sub3A_100 : i32
    %select_n3A_102 = arith.select %and3A_99, %sub3A_101, %div3A_80 : i32
    %while3A = arith.constant 0 : i32
    %while3A_103 = arith.subi %select_n3A_102, %while3A : i32
    %while3A_104 = arith.addi %while3A, %while3A_103 : i32
    %while3A_105 = arith.constant 1 : i32
    %while3A_106 = arith.divsi %while3A_103, %while3A_105 : i32
    %while3A_107 = arith.muli %while3A_106, %while3A_105 : i32
    %while3A_108 = arith.addi %while3A, %while3A_107 : i32
    %while3A_109 = arith.constant 1 : i32
    scf.for %while3A_563 = %while3A to %while3A_108 step %while3A_109  : i32 {
      %add3A_564 = arith.addi %scan3A_51#1, %while3A_563 : i32
      %ge3A_565 = arith.constant 19 : i32
      %ge3A_566 = arith.cmpi sge, %add3A_564, %ge3A_565 : i32
      %convert_element_type3A_567 = arith.extui %ge3A_566 : i1 to i32
      %cond3A_568 = arith.constant 0 : i32
      %cond3A_569 = arith.cmpi ne, %convert_element_type3A_567, %cond3A_568 : i32
      scf.if %cond3A_569 {
        %dma_wait3A_615 = arith.constant 0 : i32
        %dma_wait3A_616 = arith.constant 0 : i32
        %dma_wait3A_617 = tpu.memref_slice %arg14[%dma_wait3A_615, %dma_wait3A_616] : memref<304x128xf32, #tpu.memory_space<vmem>> -> memref<16x128xf32, #tpu.memory_space<vmem>>
        %dma_wait3A_618 = arith.constant 0 : i32
        %dma_wait3A_619 = arith.constant 0 : i32
        %dma_wait3A_620 = tpu.memref_slice %arg6[%dma_wait3A_618, %dma_wait3A_619] : memref<632x128xf32, #tpu.memory_space<hbm>> -> memref<16x128xf32, #tpu.memory_space<hbm>>
        %dma_wait3A_621 = arith.constant 0 : i32
        %dma_wait3A_622 = arith.constant 0 : i32
        %dma_wait3A_623 = tpu.memref_slice %arg14[%dma_wait3A_621, %dma_wait3A_622] : memref<304x128xf32, #tpu.memory_space<vmem>> -> memref<16x128xf32, #tpu.memory_space<vmem>>
        %dma_wait3A_624 = arith.constant 0 : i32
        %dma_wait3A_625 = arith.constant 0 : i32
        %dma_wait3A_626 = tpu.memref_slice %arg6[%dma_wait3A_624, %dma_wait3A_625] : memref<632x128xf32, #tpu.memory_space<hbm>> -> memref<16x128xf32, #tpu.memory_space<hbm>>
        tpu.wait_dma2 semaphore(%arg18 : memref<!tpu.dma_semaphore, #tpu.memory_space<semaphore_mem>>) src(%dma_wait3A_626 : memref<16x128xf32, #tpu.memory_space<hbm>>) dst(%dma_wait3A_623 : memref<16x128xf32, #tpu.memory_space<vmem>>)
      } else {
      }
      %jit3A_570 = arith.constant 19 : i32
      %eq3A = arith.constant 0 : i32
      %eq3A_571 = arith.cmpi eq, %jit3A_570, %eq3A : i32
      %jit3A_572 = arith.constant 1 : i32
      %select_n3A_573 = arith.select %eq3A_571, %jit3A_572, %jit3A_570 : i32
      %rem3A_574 = arith.remsi %add3A_564, %select_n3A_573 : i32
      %ne3A_575 = arith.constant 0 : i32
      %ne3A_576 = arith.cmpi ne, %rem3A_574, %ne3A_575 : i32
      %lt3A = arith.constant 0 : i32
      %lt3A_577 = arith.cmpi slt, %rem3A_574, %lt3A : i32
      %lt3A_578 = arith.constant 0 : i32
      %lt3A_579 = arith.cmpi slt, %select_n3A_573, %lt3A_578 : i32
      %ne3A_580 = arith.xori %lt3A_577, %lt3A_579 : i1
      %and3A_581 = arith.andi %ne3A_580, %ne3A_576 : i1
      %add3A_582 = arith.addi %rem3A_574, %select_n3A_573 : i32
      %select_n3A_583 = arith.select %and3A_581, %add3A_582, %rem3A_574 : i32
      %mul3A_584 = arith.constant 16 : i32
      %mul3A_585 = arith.muli %while3A_563, %mul3A_584 : i32
      %add3A_586 = arith.constant 0 : i32
      %add3A_587 = arith.addi %mul3A_585, %add3A_586 : i32
      %get3A = arith.index_cast %add3A_587 : i32 to index
      %get3A_588 = tpu.vector_load %arg11[%get3A] {strides = array<i32>} : memref<432xi32, #tpu.memory_space<vmem>>, vector<16xi32>,
      %shift_right_arithmetic3A = arith.constant 14 : i32
      %shift_right_arithmetic3A_589 = vector.broadcast %shift_right_arithmetic3A : i32 to vector<16xi32>
      %shift_right_arithmetic3A_590 = arith.shrsi %get3A_588, %shift_right_arithmetic3A_589 : vector<16xi32>
      %swap3A_591 = arith.index_cast %select_n3A_583 : i32 to index
      %swap3A_592 = arith.constant 0 : index
      %swap3A_593 = tpu.vector_load %arg12[%swap3A_591, %swap3A_592] {strides = array<i32>} : memref<19x16xi32, #tpu.memory_space<vmem>>, vector<16xi32>,
      tpu.vector_store %arg12[%swap3A_591, %swap3A_592], %shift_right_arithmetic3A_590 {strides = array<i32>} : memref<19x16xi32, #tpu.memory_space<vmem>>, vector<16xi32>,
      %and3A_594 = arith.constant 16383 : i32
      %and3A_595 = vector.broadcast %and3A_594 : i32 to vector<16xi32>
      %and3A_596 = arith.andi %get3A_588, %and3A_595 : vector<16xi32>
      %swap3A_597 = arith.index_cast %select_n3A_583 : i32 to index
      %swap3A_598 = arith.constant 0 : index
      %swap3A_599 = tpu.vector_load %arg13[%swap3A_597, %swap3A_598] {strides = array<i32>} : memref<19x16xi32, #tpu.memory_space<vmem>>, vector<16xi32>,
      tpu.vector_store %arg13[%swap3A_597, %swap3A_598], %and3A_596 {strides = array<i32>} : memref<19x16xi32, #tpu.memory_space<vmem>>, vector<16xi32>,
      %mul3A_600 = arith.constant 16 : i32
      %mul3A_601 = arith.muli %select_n3A_583, %mul3A_600 : i32
      %dma_start3A_602 = arith.constant 0 : i32
      %dma_start3A_603 = tpu.memref_slice %arg14[%mul3A_601, %dma_start3A_602] : memref<304x128xf32, #tpu.memory_space<vmem>> -> memref<16x128xf32, #tpu.memory_space<vmem>>
      %dma_start3A_604 = arith.constant 0 : i32
      %dma_start3A_605 = tpu.memref_slice %arg12[%select_n3A_583, %dma_start3A_604] : memref<19x16xi32, #tpu.memory_space<vmem>> -> memref<1x16xi32, #tpu.memory_space<vmem>>
      %dma_start3A_606 = tpu.memref_squeeze %dma_start3A_605 : memref<1x16xi32, #tpu.memory_space<vmem>> -> memref<16xi32, #tpu.memory_space<vmem>>
      %dma_start3A_607 = arith.constant 0 : i32
      %dma_start3A_608 = arith.constant 0 : i32
      %dma_start3A_609 = tpu.memref_slice %arg2[%dma_start3A_607, %dma_start3A_608] : memref<40000x128xf32, #tpu.memory_space<hbm>> -> memref<40000x128xf32, #tpu.memory_space<hbm>>
      tpu.enqueue_indirect_dma source(%dma_start3A_609 : memref<40000x128xf32, #tpu.memory_space<hbm>>) target(%dma_start3A_603 : memref<16x128xf32, #tpu.memory_space<vmem>>) offsets(%dma_start3A_606 : memref<16xi32, #tpu.memory_space<vmem>>) semaphore(%arg17 : memref<!tpu.dma_semaphore, #tpu.memory_space<semaphore_mem>>)
      %ge3A_610 = arith.constant 10 : i32
      %ge3A_611 = arith.cmpi sge, %add3A_564, %ge3A_610 : i32
      %convert_element_type3A_612 = arith.extui %ge3A_611 : i1 to i32
      %cond3A_613 = arith.constant 0 : i32
      %cond3A_614 = arith.cmpi ne, %convert_element_type3A_612, %cond3A_613 : i32
      scf.if %cond3A_614 {
        %dma_wait3A_615 = arith.constant 0 : i32
        %dma_wait3A_616 = arith.constant 0 : i32
        %dma_wait3A_617 = tpu.memref_slice %arg14[%dma_wait3A_615, %dma_wait3A_616] : memref<304x128xf32, #tpu.memory_space<vmem>> -> memref<16x128xf32, #tpu.memory_space<vmem>>
        %dma_wait3A_618 = arith.constant 0 : i32
        %dma_wait3A_619 = arith.constant 0 : i32
        %dma_wait3A_620 = tpu.memref_slice %arg6[%dma_wait3A_618, %dma_wait3A_619] : memref<632x128xf32, #tpu.memory_space<hbm>> -> memref<16x128xf32, #tpu.memory_space<hbm>>
        %dma_wait3A_621 = arith.constant 0 : i32
        %dma_wait3A_622 = arith.constant 0 : i32
        %dma_wait3A_623 = tpu.memref_slice %arg14[%dma_wait3A_621, %dma_wait3A_622] : memref<304x128xf32, #tpu.memory_space<vmem>> -> memref<16x128xf32, #tpu.memory_space<vmem>>
        %dma_wait3A_624 = arith.constant 0 : i32
        %dma_wait3A_625 = arith.constant 0 : i32
        %dma_wait3A_626 = tpu.memref_slice %arg6[%dma_wait3A_624, %dma_wait3A_625] : memref<632x128xf32, #tpu.memory_space<hbm>> -> memref<16x128xf32, #tpu.memory_space<hbm>>
        tpu.wait_dma2 semaphore(%arg17 : memref<!tpu.dma_semaphore, #tpu.memory_space<semaphore_mem>>) src(%dma_wait3A_626 : memref<16x128xf32, #tpu.memory_space<hbm>>) dst(%dma_wait3A_623 : memref<16x128xf32, #tpu.memory_space<vmem>>)
        %sub3A_627 = arith.constant 10 : i32
        %sub3A_628 = arith.subi %add3A_564, %sub3A_627 : i32
        %jit3A_629 = arith.constant 19 : i32
        %eq3A_630 = arith.constant 0 : i32
        %eq3A_631 = arith.cmpi eq, %jit3A_629, %eq3A_630 : i32
        %jit3A_632 = arith.constant 1 : i32
        %select_n3A_633 = arith.select %eq3A_631, %jit3A_632, %jit3A_629 : i32
        %rem3A_634 = arith.remsi %sub3A_628, %select_n3A_633 : i32
        %ne3A_635 = arith.constant 0 : i32
        %ne3A_636 = arith.cmpi ne, %rem3A_634, %ne3A_635 : i32
        %lt3A_637 = arith.constant 0 : i32
        %lt3A_638 = arith.cmpi slt, %rem3A_634, %lt3A_637 : i32
        %lt3A_639 = arith.constant 0 : i32
        %lt3A_640 = arith.cmpi slt, %select_n3A_633, %lt3A_639 : i32
        %ne3A_641 = arith.xori %lt3A_638, %lt3A_640 : i1
        %and3A_642 = arith.andi %ne3A_641, %ne3A_636 : i1
        %add3A_643 = arith.addi %rem3A_634, %select_n3A_633 : i32
        %select_n3A_644 = arith.select %and3A_642, %add3A_643, %rem3A_634 : i32
        %mul3A_645 = arith.constant 16 : i32
        %mul3A_646 = arith.muli %select_n3A_644, %mul3A_645 : i32
        %dma_start3A_647 = arith.constant 0 : i32
        %dma_start3A_648 = tpu.memref_slice %arg14[%mul3A_646, %dma_start3A_647] : memref<304x128xf32, #tpu.memory_space<vmem>> -> memref<16x128xf32, #tpu.memory_space<vmem>>
        %dma_start3A_649 = arith.constant 0 : i32
        %dma_start3A_650 = tpu.memref_slice %arg13[%select_n3A_644, %dma_start3A_649] : memref<19x16xi32, #tpu.memory_space<vmem>> -> memref<1x16xi32, #tpu.memory_space<vmem>>
        %dma_start3A_651 = tpu.memref_squeeze %dma_start3A_650 : memref<1x16xi32, #tpu.memory_space<vmem>> -> memref<16xi32, #tpu.memory_space<vmem>>
        %dma_start3A_652 = arith.constant 0 : i32
        %dma_start3A_653 = arith.constant 0 : i32
        %dma_start3A_654 = tpu.memref_slice %arg15[%dma_start3A_652, %dma_start3A_653] : memref<10112x128xf32, #tpu.memory_space<vmem_shared>> -> memref<10112x128xf32, #tpu.memory_space<vmem_shared>>
        tpu.enqueue_indirect_dma source(%dma_start3A_648 : memref<16x128xf32, #tpu.memory_space<vmem>>) target(%dma_start3A_654 : memref<10112x128xf32, #tpu.memory_space<vmem_shared>>) offsets(%dma_start3A_651 : memref<16xi32, #tpu.memory_space<vmem>>) semaphore(%arg18 : memref<!tpu.dma_semaphore, #tpu.memory_space<semaphore_mem>>) {add = true}
      } else {
      }
    }
    %while3A_110 = arith.constant 1 : i32
    scf.for %while3A_563 = %while3A_108 to %while3A_104 step %while3A_110  : i32 {
      %add3A_564 = arith.addi %scan3A_51#1, %while3A_563 : i32
      %ge3A_565 = arith.constant 19 : i32
      %ge3A_566 = arith.cmpi sge, %add3A_564, %ge3A_565 : i32
      %convert_element_type3A_567 = arith.extui %ge3A_566 : i1 to i32
      %cond3A_568 = arith.constant 0 : i32
      %cond3A_569 = arith.cmpi ne, %convert_element_type3A_567, %cond3A_568 : i32
      scf.if %cond3A_569 {
        %dma_wait3A_615 = arith.constant 0 : i32
        %dma_wait3A_616 = arith.constant 0 : i32
        %dma_wait3A_617 = tpu.memref_slice %arg14[%dma_wait3A_615, %dma_wait3A_616] : memref<304x128xf32, #tpu.memory_space<vmem>> -> memref<16x128xf32, #tpu.memory_space<vmem>>
        %dma_wait3A_618 = arith.constant 0 : i32
        %dma_wait3A_619 = arith.constant 0 : i32
        %dma_wait3A_620 = tpu.memref_slice %arg6[%dma_wait3A_618, %dma_wait3A_619] : memref<632x128xf32, #tpu.memory_space<hbm>> -> memref<16x128xf32, #tpu.memory_space<hbm>>
        %dma_wait3A_621 = arith.constant 0 : i32
        %dma_wait3A_622 = arith.constant 0 : i32
        %dma_wait3A_623 = tpu.memref_slice %arg14[%dma_wait3A_621, %dma_wait3A_622] : memref<304x128xf32, #tpu.memory_space<vmem>> -> memref<16x128xf32, #tpu.memory_space<vmem>>
        %dma_wait3A_624 = arith.constant 0 : i32
        %dma_wait3A_625 = arith.constant 0 : i32
        %dma_wait3A_626 = tpu.memref_slice %arg6[%dma_wait3A_624, %dma_wait3A_625] : memref<632x128xf32, #tpu.memory_space<hbm>> -> memref<16x128xf32, #tpu.memory_space<hbm>>
        tpu.wait_dma2 semaphore(%arg18 : memref<!tpu.dma_semaphore, #tpu.memory_space<semaphore_mem>>) src(%dma_wait3A_626 : memref<16x128xf32, #tpu.memory_space<hbm>>) dst(%dma_wait3A_623 : memref<16x128xf32, #tpu.memory_space<vmem>>)
      } else {
      }
      %jit3A_570 = arith.constant 19 : i32
      %eq3A = arith.constant 0 : i32
      %eq3A_571 = arith.cmpi eq, %jit3A_570, %eq3A : i32
      %jit3A_572 = arith.constant 1 : i32
      %select_n3A_573 = arith.select %eq3A_571, %jit3A_572, %jit3A_570 : i32
      %rem3A_574 = arith.remsi %add3A_564, %select_n3A_573 : i32
      %ne3A_575 = arith.constant 0 : i32
      %ne3A_576 = arith.cmpi ne, %rem3A_574, %ne3A_575 : i32
      %lt3A = arith.constant 0 : i32
      %lt3A_577 = arith.cmpi slt, %rem3A_574, %lt3A : i32
      %lt3A_578 = arith.constant 0 : i32
      %lt3A_579 = arith.cmpi slt, %select_n3A_573, %lt3A_578 : i32
      %ne3A_580 = arith.xori %lt3A_577, %lt3A_579 : i1
      %and3A_581 = arith.andi %ne3A_580, %ne3A_576 : i1
      %add3A_582 = arith.addi %rem3A_574, %select_n3A_573 : i32
      %select_n3A_583 = arith.select %and3A_581, %add3A_582, %rem3A_574 : i32
      %mul3A_584 = arith.constant 16 : i32
      %mul3A_585 = arith.muli %while3A_563, %mul3A_584 : i32
      %add3A_586 = arith.constant 0 : i32
      %add3A_587 = arith.addi %mul3A_585, %add3A_586 : i32
      %get3A = arith.index_cast %add3A_587 : i32 to index
      %get3A_588 = tpu.vector_load %arg11[%get3A] {strides = array<i32>} : memref<432xi32, #tpu.memory_space<vmem>>, vector<16xi32>,
      %shift_right_arithmetic3A = arith.constant 14 : i32
      %shift_right_arithmetic3A_589 = vector.broadcast %shift_right_arithmetic3A : i32 to vector<16xi32>
      %shift_right_arithmetic3A_590 = arith.shrsi %get3A_588, %shift_right_arithmetic3A_589 : vector<16xi32>
      %swap3A_591 = arith.index_cast %select_n3A_583 : i32 to index
      %swap3A_592 = arith.constant 0 : index
      %swap3A_593 = tpu.vector_load %arg12[%swap3A_591, %swap3A_592] {strides = array<i32>} : memref<19x16xi32, #tpu.memory_space<vmem>>, vector<16xi32>,
      tpu.vector_store %arg12[%swap3A_591, %swap3A_592], %shift_right_arithmetic3A_590 {strides = array<i32>} : memref<19x16xi32, #tpu.memory_space<vmem>>, vector<16xi32>,
      %and3A_594 = arith.constant 16383 : i32
      %and3A_595 = vector.broadcast %and3A_594 : i32 to vector<16xi32>
      %and3A_596 = arith.andi %get3A_588, %and3A_595 : vector<16xi32>
      %swap3A_597 = arith.index_cast %select_n3A_583 : i32 to index
      %swap3A_598 = arith.constant 0 : index
      %swap3A_599 = tpu.vector_load %arg13[%swap3A_597, %swap3A_598] {strides = array<i32>} : memref<19x16xi32, #tpu.memory_space<vmem>>, vector<16xi32>,
      tpu.vector_store %arg13[%swap3A_597, %swap3A_598], %and3A_596 {strides = array<i32>} : memref<19x16xi32, #tpu.memory_space<vmem>>, vector<16xi32>,
      %mul3A_600 = arith.constant 16 : i32
      %mul3A_601 = arith.muli %select_n3A_583, %mul3A_600 : i32
      %dma_start3A_602 = arith.constant 0 : i32
      %dma_start3A_603 = tpu.memref_slice %arg14[%mul3A_601, %dma_start3A_602] : memref<304x128xf32, #tpu.memory_space<vmem>> -> memref<16x128xf32, #tpu.memory_space<vmem>>
      %dma_start3A_604 = arith.constant 0 : i32
      %dma_start3A_605 = tpu.memref_slice %arg12[%select_n3A_583, %dma_start3A_604] : memref<19x16xi32, #tpu.memory_space<vmem>> -> memref<1x16xi32, #tpu.memory_space<vmem>>
      %dma_start3A_606 = tpu.memref_squeeze %dma_start3A_605 : memref<1x16xi32, #tpu.memory_space<vmem>> -> memref<16xi32, #tpu.memory_space<vmem>>
      %dma_start3A_607 = arith.constant 0 : i32
      %dma_start3A_608 = arith.constant 0 : i32
      %dma_start3A_609 = tpu.memref_slice %arg2[%dma_start3A_607, %dma_start3A_608] : memref<40000x128xf32, #tpu.memory_space<hbm>> -> memref<40000x128xf32, #tpu.memory_space<hbm>>
      tpu.enqueue_indirect_dma source(%dma_start3A_609 : memref<40000x128xf32, #tpu.memory_space<hbm>>) target(%dma_start3A_603 : memref<16x128xf32, #tpu.memory_space<vmem>>) offsets(%dma_start3A_606 : memref<16xi32, #tpu.memory_space<vmem>>) semaphore(%arg17 : memref<!tpu.dma_semaphore, #tpu.memory_space<semaphore_mem>>)
      %ge3A_610 = arith.constant 10 : i32
      %ge3A_611 = arith.cmpi sge, %add3A_564, %ge3A_610 : i32
      %convert_element_type3A_612 = arith.extui %ge3A_611 : i1 to i32
      %cond3A_613 = arith.constant 0 : i32
      %cond3A_614 = arith.cmpi ne, %convert_element_type3A_612, %cond3A_613 : i32
      scf.if %cond3A_614 {
        %dma_wait3A_615 = arith.constant 0 : i32
        %dma_wait3A_616 = arith.constant 0 : i32
        %dma_wait3A_617 = tpu.memref_slice %arg14[%dma_wait3A_615, %dma_wait3A_616] : memref<304x128xf32, #tpu.memory_space<vmem>> -> memref<16x128xf32, #tpu.memory_space<vmem>>
        %dma_wait3A_618 = arith.constant 0 : i32
        %dma_wait3A_619 = arith.constant 0 : i32
        %dma_wait3A_620 = tpu.memref_slice %arg6[%dma_wait3A_618, %dma_wait3A_619] : memref<632x128xf32, #tpu.memory_space<hbm>> -> memref<16x128xf32, #tpu.memory_space<hbm>>
        %dma_wait3A_621 = arith.constant 0 : i32
        %dma_wait3A_622 = arith.constant 0 : i32
        %dma_wait3A_623 = tpu.memref_slice %arg14[%dma_wait3A_621, %dma_wait3A_622] : memref<304x128xf32, #tpu.memory_space<vmem>> -> memref<16x128xf32, #tpu.memory_space<vmem>>
        %dma_wait3A_624 = arith.constant 0 : i32
        %dma_wait3A_625 = arith.constant 0 : i32
        %dma_wait3A_626 = tpu.memref_slice %arg6[%dma_wait3A_624, %dma_wait3A_625] : memref<632x128xf32, #tpu.memory_space<hbm>> -> memref<16x128xf32, #tpu.memory_space<hbm>>
        tpu.wait_dma2 semaphore(%arg17 : memref<!tpu.dma_semaphore, #tpu.memory_space<semaphore_mem>>) src(%dma_wait3A_626 : memref<16x128xf32, #tpu.memory_space<hbm>>) dst(%dma_wait3A_623 : memref<16x128xf32, #tpu.memory_space<vmem>>)
        %sub3A_627 = arith.constant 10 : i32
        %sub3A_628 = arith.subi %add3A_564, %sub3A_627 : i32
        %jit3A_629 = arith.constant 19 : i32
        %eq3A_630 = arith.constant 0 : i32
        %eq3A_631 = arith.cmpi eq, %jit3A_629, %eq3A_630 : i32
        %jit3A_632 = arith.constant 1 : i32
        %select_n3A_633 = arith.select %eq3A_631, %jit3A_632, %jit3A_629 : i32
        %rem3A_634 = arith.remsi %sub3A_628, %select_n3A_633 : i32
        %ne3A_635 = arith.constant 0 : i32
        %ne3A_636 = arith.cmpi ne, %rem3A_634, %ne3A_635 : i32
        %lt3A_637 = arith.constant 0 : i32
        %lt3A_638 = arith.cmpi slt, %rem3A_634, %lt3A_637 : i32
        %lt3A_639 = arith.constant 0 : i32
        %lt3A_640 = arith.cmpi slt, %select_n3A_633, %lt3A_639 : i32
        %ne3A_641 = arith.xori %lt3A_638, %lt3A_640 : i1
        %and3A_642 = arith.andi %ne3A_641, %ne3A_636 : i1
        %add3A_643 = arith.addi %rem3A_634, %select_n3A_633 : i32
        %select_n3A_644 = arith.select %and3A_642, %add3A_643, %rem3A_634 : i32
        %mul3A_645 = arith.constant 16 : i32
        %mul3A_646 = arith.muli %select_n3A_644, %mul3A_645 : i32
        %dma_start3A_647 = arith.constant 0 : i32
        %dma_start3A_648 = tpu.memref_slice %arg14[%mul3A_646, %dma_start3A_647] : memref<304x128xf32, #tpu.memory_space<vmem>> -> memref<16x128xf32, #tpu.memory_space<vmem>>
        %dma_start3A_649 = arith.constant 0 : i32
        %dma_start3A_650 = tpu.memref_slice %arg13[%select_n3A_644, %dma_start3A_649] : memref<19x16xi32, #tpu.memory_space<vmem>> -> memref<1x16xi32, #tpu.memory_space<vmem>>
        %dma_start3A_651 = tpu.memref_squeeze %dma_start3A_650 : memref<1x16xi32, #tpu.memory_space<vmem>> -> memref<16xi32, #tpu.memory_space<vmem>>
        %dma_start3A_652 = arith.constant 0 : i32
        %dma_start3A_653 = arith.constant 0 : i32
        %dma_start3A_654 = tpu.memref_slice %arg15[%dma_start3A_652, %dma_start3A_653] : memref<10112x128xf32, #tpu.memory_space<vmem_shared>> -> memref<10112x128xf32, #tpu.memory_space<vmem_shared>>
        tpu.enqueue_indirect_dma source(%dma_start3A_648 : memref<16x128xf32, #tpu.memory_space<vmem>>) target(%dma_start3A_654 : memref<10112x128xf32, #tpu.memory_space<vmem_shared>>) offsets(%dma_start3A_651 : memref<16xi32, #tpu.memory_space<vmem>>) semaphore(%arg18 : memref<!tpu.dma_semaphore, #tpu.memory_space<semaphore_mem>>) {add = true}
      } else {
      }
    }
    %gt3A = arith.constant 0 : i32
    %gt3A_111 = arith.cmpi sgt, %select_n3A_102, %gt3A : i32
    %convert_element_type3A = arith.extui %gt3A_111 : i1 to i32
    %cond3A = arith.constant 0 : i32
    %cond3A_112 = arith.cmpi ne, %convert_element_type3A, %cond3A : i32
    scf.if %cond3A_112 {
      %mul3A_563 = arith.constant 16 : i32
      %mul3A_564 = arith.muli %select_n3A_102, %mul3A_563 : i32
      %add3A_565 = arith.constant 0 : i32
      %add3A_566 = arith.addi %mul3A_564, %add3A_565 : i32
      %get3A = arith.index_cast %add3A_566 : i32 to index
      %get3A_567 = tpu.vector_load %arg11[%get3A] {strides = array<i32>} : memref<432xi32, #tpu.memory_space<vmem>>, vector<16xi32>,
      %swap3A_568 = arith.constant 0 : index
      %swap3A_569 = tpu.vector_load %arg11[%swap3A_568] {strides = array<i32>} : memref<432xi32, #tpu.memory_space<vmem>>, vector<16xi32>,
      tpu.vector_store %arg11[%swap3A_568], %get3A_567 {strides = array<i32>} : memref<432xi32, #tpu.memory_space<vmem>>, vector<16xi32>,
    } else {
    }
    %mul3A_113 = arith.constant 16 : i32
    %mul3A_114 = arith.muli %select_n3A_102, %mul3A_113 : i32
    %sub3A_115 = arith.subi %mul3A_78, %mul3A_114 : i32
    %add3A_116 = arith.addi %scan3A_51#1, %select_n3A_102 : i32
    %ge3A = arith.constant 10 : i32
    %ge3A_117 = arith.cmpi sge, %add3A_116, %ge3A : i32
    %convert_element_type3A_118 = arith.extui %ge3A_117 : i1 to i32
    %cond3A_119 = arith.constant 0 : i32
    %cond3A_120 = arith.cmpi ne, %convert_element_type3A_118, %cond3A_119 : i32
    scf.if %cond3A_120 {
      %dma_wait3A_563 = arith.constant 0 : i32
      %dma_wait3A_564 = arith.constant 0 : i32
      %dma_wait3A_565 = tpu.memref_slice %arg14[%dma_wait3A_563, %dma_wait3A_564] : memref<304x128xf32, #tpu.memory_space<vmem>> -> memref<16x128xf32, #tpu.memory_space<vmem>>
      %dma_wait3A_566 = arith.constant 0 : i32
      %dma_wait3A_567 = arith.constant 0 : i32
      %dma_wait3A_568 = tpu.memref_slice %arg6[%dma_wait3A_566, %dma_wait3A_567] : memref<632x128xf32, #tpu.memory_space<hbm>> -> memref<16x128xf32, #tpu.memory_space<hbm>>
      %dma_wait3A_569 = arith.constant 0 : i32
      %dma_wait3A_570 = arith.constant 0 : i32
      %dma_wait3A_571 = tpu.memref_slice %arg14[%dma_wait3A_569, %dma_wait3A_570] : memref<304x128xf32, #tpu.memory_space<vmem>> -> memref<16x128xf32, #tpu.memory_space<vmem>>
      %dma_wait3A_572 = arith.constant 0 : i32
      %dma_wait3A_573 = arith.constant 0 : i32
      %dma_wait3A_574 = tpu.memref_slice %arg6[%dma_wait3A_572, %dma_wait3A_573] : memref<632x128xf32, #tpu.memory_space<hbm>> -> memref<16x128xf32, #tpu.memory_space<hbm>>
      tpu.wait_dma2 semaphore(%arg17 : memref<!tpu.dma_semaphore, #tpu.memory_space<semaphore_mem>>) src(%dma_wait3A_574 : memref<16x128xf32, #tpu.memory_space<hbm>>) dst(%dma_wait3A_571 : memref<16x128xf32, #tpu.memory_space<vmem>>)
      %sub3A_575 = arith.constant 10 : i32
      %sub3A_576 = arith.subi %add3A_116, %sub3A_575 : i32
      %jit3A_577 = arith.constant 19 : i32
      %eq3A = arith.constant 0 : i32
      %eq3A_578 = arith.cmpi eq, %jit3A_577, %eq3A : i32
      %jit3A_579 = arith.constant 1 : i32
      %select_n3A_580 = arith.select %eq3A_578, %jit3A_579, %jit3A_577 : i32
      %rem3A_581 = arith.remsi %sub3A_576, %select_n3A_580 : i32
      %ne3A_582 = arith.constant 0 : i32
      %ne3A_583 = arith.cmpi ne, %rem3A_581, %ne3A_582 : i32
      %lt3A = arith.constant 0 : i32
      %lt3A_584 = arith.cmpi slt, %rem3A_581, %lt3A : i32
      %lt3A_585 = arith.constant 0 : i32
      %lt3A_586 = arith.cmpi slt, %select_n3A_580, %lt3A_585 : i32
      %ne3A_587 = arith.xori %lt3A_584, %lt3A_586 : i1
      %and3A_588 = arith.andi %ne3A_587, %ne3A_583 : i1
      %add3A_589 = arith.addi %rem3A_581, %select_n3A_580 : i32
      %select_n3A_590 = arith.select %and3A_588, %add3A_589, %rem3A_581 : i32
      %mul3A_591 = arith.constant 16 : i32
      %mul3A_592 = arith.muli %select_n3A_590, %mul3A_591 : i32
      %dma_start3A_593 = arith.constant 0 : i32
      %dma_start3A_594 = tpu.memref_slice %arg14[%mul3A_592, %dma_start3A_593] : memref<304x128xf32, #tpu.memory_space<vmem>> -> memref<16x128xf32, #tpu.memory_space<vmem>>
      %dma_start3A_595 = arith.constant 0 : i32
      %dma_start3A_596 = tpu.memref_slice %arg13[%select_n3A_590, %dma_start3A_595] : memref<19x16xi32, #tpu.memory_space<vmem>> -> memref<1x16xi32, #tpu.memory_space<vmem>>
      %dma_start3A_597 = tpu.memref_squeeze %dma_start3A_596 : memref<1x16xi32, #tpu.memory_space<vmem>> -> memref<16xi32, #tpu.memory_space<vmem>>
      %dma_start3A_598 = arith.constant 0 : i32
      %dma_start3A_599 = arith.constant 0 : i32
      %dma_start3A_600 = tpu.memref_slice %arg15[%dma_start3A_598, %dma_start3A_599] : memref<10112x128xf32, #tpu.memory_space<vmem_shared>> -> memref<10112x128xf32, #tpu.memory_space<vmem_shared>>
      tpu.enqueue_indirect_dma source(%dma_start3A_594 : memref<16x128xf32, #tpu.memory_space<vmem>>) target(%dma_start3A_600 : memref<10112x128xf32, #tpu.memory_space<vmem_shared>>) offsets(%dma_start3A_597 : memref<16xi32, #tpu.memory_space<vmem>>) semaphore(%arg18 : memref<!tpu.dma_semaphore, #tpu.memory_space<semaphore_mem>>) {add = true}
    } else {
    }
    %ge3A_121 = arith.constant 9 : i32
    %ge3A_122 = arith.cmpi sge, %add3A_116, %ge3A_121 : i32
    %convert_element_type3A_123 = arith.extui %ge3A_122 : i1 to i32
    %cond3A_124 = arith.constant 0 : i32
    %cond3A_125 = arith.cmpi ne, %convert_element_type3A_123, %cond3A_124 : i32
    scf.if %cond3A_125 {
      %dma_wait3A_563 = arith.constant 0 : i32
      %dma_wait3A_564 = arith.constant 0 : i32
      %dma_wait3A_565 = tpu.memref_slice %arg14[%dma_wait3A_563, %dma_wait3A_564] : memref<304x128xf32, #tpu.memory_space<vmem>> -> memref<16x128xf32, #tpu.memory_space<vmem>>
      %dma_wait3A_566 = arith.constant 0 : i32
      %dma_wait3A_567 = arith.constant 0 : i32
      %dma_wait3A_568 = tpu.memref_slice %arg6[%dma_wait3A_566, %dma_wait3A_567] : memref<632x128xf32, #tpu.memory_space<hbm>> -> memref<16x128xf32, #tpu.memory_space<hbm>>
      %dma_wait3A_569 = arith.constant 0 : i32
      %dma_wait3A_570 = arith.constant 0 : i32
      %dma_wait3A_571 = tpu.memref_slice %arg14[%dma_wait3A_569, %dma_wait3A_570] : memref<304x128xf32, #tpu.memory_space<vmem>> -> memref<16x128xf32, #tpu.memory_space<vmem>>
      %dma_wait3A_572 = arith.constant 0 : i32
      %dma_wait3A_573 = arith.constant 0 : i32
      %dma_wait3A_574 = tpu.memref_slice %arg6[%dma_wait3A_572, %dma_wait3A_573] : memref<632x128xf32, #tpu.memory_space<hbm>> -> memref<16x128xf32, #tpu.memory_space<hbm>>
      tpu.wait_dma2 semaphore(%arg17 : memref<!tpu.dma_semaphore, #tpu.memory_space<semaphore_mem>>) src(%dma_wait3A_574 : memref<16x128xf32, #tpu.memory_space<hbm>>) dst(%dma_wait3A_571 : memref<16x128xf32, #tpu.memory_space<vmem>>)
      %sub3A_575 = arith.constant 9 : i32
      %sub3A_576 = arith.subi %add3A_116, %sub3A_575 : i32
      %jit3A_577 = arith.constant 19 : i32
      %eq3A = arith.constant 0 : i32
      %eq3A_578 = arith.cmpi eq, %jit3A_577, %eq3A : i32
      %jit3A_579 = arith.constant 1 : i32
      %select_n3A_580 = arith.select %eq3A_578, %jit3A_579, %jit3A_577 : i32
      %rem3A_581 = arith.remsi %sub3A_576, %select_n3A_580 : i32
      %ne3A_582 = arith.constant 0 : i32
      %ne3A_583 = arith.cmpi ne, %rem3A_581, %ne3A_582 : i32
      %lt3A = arith.constant 0 : i32
      %lt3A_584 = arith.cmpi slt, %rem3A_581, %lt3A : i32
      %lt3A_585 = arith.constant 0 : i32
      %lt3A_586 = arith.cmpi slt, %select_n3A_580, %lt3A_585 : i32
      %ne3A_587 = arith.xori %lt3A_584, %lt3A_586 : i1
      %and3A_588 = arith.andi %ne3A_587, %ne3A_583 : i1
      %add3A_589 = arith.addi %rem3A_581, %select_n3A_580 : i32
      %select_n3A_590 = arith.select %and3A_588, %add3A_589, %rem3A_581 : i32
      %mul3A_591 = arith.constant 16 : i32
      %mul3A_592 = arith.muli %select_n3A_590, %mul3A_591 : i32
      %dma_start3A_593 = arith.constant 0 : i32
      %dma_start3A_594 = tpu.memref_slice %arg14[%mul3A_592, %dma_start3A_593] : memref<304x128xf32, #tpu.memory_space<vmem>> -> memref<16x128xf32, #tpu.memory_space<vmem>>
      %dma_start3A_595 = arith.constant 0 : i32
      %dma_start3A_596 = tpu.memref_slice %arg13[%select_n3A_590, %dma_start3A_595] : memref<19x16xi32, #tpu.memory_space<vmem>> -> memref<1x16xi32, #tpu.memory_space<vmem>>
      %dma_start3A_597 = tpu.memref_squeeze %dma_start3A_596 : memref<1x16xi32, #tpu.memory_space<vmem>> -> memref<16xi32, #tpu.memory_space<vmem>>
      %dma_start3A_598 = arith.constant 0 : i32
      %dma_start3A_599 = arith.constant 0 : i32
      %dma_start3A_600 = tpu.memref_slice %arg15[%dma_start3A_598, %dma_start3A_599] : memref<10112x128xf32, #tpu.memory_space<vmem_shared>> -> memref<10112x128xf32, #tpu.memory_space<vmem_shared>>
      tpu.enqueue_indirect_dma source(%dma_start3A_594 : memref<16x128xf32, #tpu.memory_space<vmem>>) target(%dma_start3A_600 : memref<10112x128xf32, #tpu.memory_space<vmem_shared>>) offsets(%dma_start3A_597 : memref<16xi32, #tpu.memory_space<vmem>>) semaphore(%arg18 : memref<!tpu.dma_semaphore, #tpu.memory_space<semaphore_mem>>) {add = true}
    } else {
    }
    %ge3A_126 = arith.constant 8 : i32
    %ge3A_127 = arith.cmpi sge, %add3A_116, %ge3A_126 : i32
    %convert_element_type3A_128 = arith.extui %ge3A_127 : i1 to i32
    %cond3A_129 = arith.constant 0 : i32
    %cond3A_130 = arith.cmpi ne, %convert_element_type3A_128, %cond3A_129 : i32
    scf.if %cond3A_130 {
      %dma_wait3A_563 = arith.constant 0 : i32
      %dma_wait3A_564 = arith.constant 0 : i32
      %dma_wait3A_565 = tpu.memref_slice %arg14[%dma_wait3A_563, %dma_wait3A_564] : memref<304x128xf32, #tpu.memory_space<vmem>> -> memref<16x128xf32, #tpu.memory_space<vmem>>
      %dma_wait3A_566 = arith.constant 0 : i32
      %dma_wait3A_567 = arith.constant 0 : i32
      %dma_wait3A_568 = tpu.memref_slice %arg6[%dma_wait3A_566, %dma_wait3A_567] : memref<632x128xf32, #tpu.memory_space<hbm>> -> memref<16x128xf32, #tpu.memory_space<hbm>>
      %dma_wait3A_569 = arith.constant 0 : i32
      %dma_wait3A_570 = arith.constant 0 : i32
      %dma_wait3A_571 = tpu.memref_slice %arg14[%dma_wait3A_569, %dma_wait3A_570] : memref<304x128xf32, #tpu.memory_space<vmem>> -> memref<16x128xf32, #tpu.memory_space<vmem>>
      %dma_wait3A_572 = arith.constant 0 : i32
      %dma_wait3A_573 = arith.constant 0 : i32
      %dma_wait3A_574 = tpu.memref_slice %arg6[%dma_wait3A_572, %dma_wait3A_573] : memref<632x128xf32, #tpu.memory_space<hbm>> -> memref<16x128xf32, #tpu.memory_space<hbm>>
      tpu.wait_dma2 semaphore(%arg17 : memref<!tpu.dma_semaphore, #tpu.memory_space<semaphore_mem>>) src(%dma_wait3A_574 : memref<16x128xf32, #tpu.memory_space<hbm>>) dst(%dma_wait3A_571 : memref<16x128xf32, #tpu.memory_space<vmem>>)
      %sub3A_575 = arith.constant 8 : i32
      %sub3A_576 = arith.subi %add3A_116, %sub3A_575 : i32
      %jit3A_577 = arith.constant 19 : i32
      %eq3A = arith.constant 0 : i32
      %eq3A_578 = arith.cmpi eq, %jit3A_577, %eq3A : i32
      %jit3A_579 = arith.constant 1 : i32
      %select_n3A_580 = arith.select %eq3A_578, %jit3A_579, %jit3A_577 : i32
      %rem3A_581 = arith.remsi %sub3A_576, %select_n3A_580 : i32
      %ne3A_582 = arith.constant 0 : i32
      %ne3A_583 = arith.cmpi ne, %rem3A_581, %ne3A_582 : i32
      %lt3A = arith.constant 0 : i32
      %lt3A_584 = arith.cmpi slt, %rem3A_581, %lt3A : i32
      %lt3A_585 = arith.constant 0 : i32
      %lt3A_586 = arith.cmpi slt, %select_n3A_580, %lt3A_585 : i32
      %ne3A_587 = arith.xori %lt3A_584, %lt3A_586 : i1
      %and3A_588 = arith.andi %ne3A_587, %ne3A_583 : i1
      %add3A_589 = arith.addi %rem3A_581, %select_n3A_580 : i32
      %select_n3A_590 = arith.select %and3A_588, %add3A_589, %rem3A_581 : i32
      %mul3A_591 = arith.constant 16 : i32
      %mul3A_592 = arith.muli %select_n3A_590, %mul3A_591 : i32
      %dma_start3A_593 = arith.constant 0 : i32
      %dma_start3A_594 = tpu.memref_slice %arg14[%mul3A_592, %dma_start3A_593] : memref<304x128xf32, #tpu.memory_space<vmem>> -> memref<16x128xf32, #tpu.memory_space<vmem>>
      %dma_start3A_595 = arith.constant 0 : i32
      %dma_start3A_596 = tpu.memref_slice %arg13[%select_n3A_590, %dma_start3A_595] : memref<19x16xi32, #tpu.memory_space<vmem>> -> memref<1x16xi32, #tpu.memory_space<vmem>>
      %dma_start3A_597 = tpu.memref_squeeze %dma_start3A_596 : memref<1x16xi32, #tpu.memory_space<vmem>> -> memref<16xi32, #tpu.memory_space<vmem>>
      %dma_start3A_598 = arith.constant 0 : i32
      %dma_start3A_599 = arith.constant 0 : i32
      %dma_start3A_600 = tpu.memref_slice %arg15[%dma_start3A_598, %dma_start3A_599] : memref<10112x128xf32, #tpu.memory_space<vmem_shared>> -> memref<10112x128xf32, #tpu.memory_space<vmem_shared>>
      tpu.enqueue_indirect_dma source(%dma_start3A_594 : memref<16x128xf32, #tpu.memory_space<vmem>>) target(%dma_start3A_600 : memref<10112x128xf32, #tpu.memory_space<vmem_shared>>) offsets(%dma_start3A_597 : memref<16xi32, #tpu.memory_space<vmem>>) semaphore(%arg18 : memref<!tpu.dma_semaphore, #tpu.memory_space<semaphore_mem>>) {add = true}
    } else {
    }
    %ge3A_131 = arith.constant 7 : i32
    %ge3A_132 = arith.cmpi sge, %add3A_116, %ge3A_131 : i32
    %convert_element_type3A_133 = arith.extui %ge3A_132 : i1 to i32
    %cond3A_134 = arith.constant 0 : i32
    %cond3A_135 = arith.cmpi ne, %convert_element_type3A_133, %cond3A_134 : i32
    scf.if %cond3A_135 {
      %dma_wait3A_563 = arith.constant 0 : i32
      %dma_wait3A_564 = arith.constant 0 : i32
      %dma_wait3A_565 = tpu.memref_slice %arg14[%dma_wait3A_563, %dma_wait3A_564] : memref<304x128xf32, #tpu.memory_space<vmem>> -> memref<16x128xf32, #tpu.memory_space<vmem>>
      %dma_wait3A_566 = arith.constant 0 : i32
      %dma_wait3A_567 = arith.constant 0 : i32
      %dma_wait3A_568 = tpu.memref_slice %arg6[%dma_wait3A_566, %dma_wait3A_567] : memref<632x128xf32, #tpu.memory_space<hbm>> -> memref<16x128xf32, #tpu.memory_space<hbm>>
      %dma_wait3A_569 = arith.constant 0 : i32
      %dma_wait3A_570 = arith.constant 0 : i32
      %dma_wait3A_571 = tpu.memref_slice %arg14[%dma_wait3A_569, %dma_wait3A_570] : memref<304x128xf32, #tpu.memory_space<vmem>> -> memref<16x128xf32, #tpu.memory_space<vmem>>
      %dma_wait3A_572 = arith.constant 0 : i32
      %dma_wait3A_573 = arith.constant 0 : i32
      %dma_wait3A_574 = tpu.memref_slice %arg6[%dma_wait3A_572, %dma_wait3A_573] : memref<632x128xf32, #tpu.memory_space<hbm>> -> memref<16x128xf32, #tpu.memory_space<hbm>>
      tpu.wait_dma2 semaphore(%arg17 : memref<!tpu.dma_semaphore, #tpu.memory_space<semaphore_mem>>) src(%dma_wait3A_574 : memref<16x128xf32, #tpu.memory_space<hbm>>) dst(%dma_wait3A_571 : memref<16x128xf32, #tpu.memory_space<vmem>>)
      %sub3A_575 = arith.constant 7 : i32
      %sub3A_576 = arith.subi %add3A_116, %sub3A_575 : i32
      %jit3A_577 = arith.constant 19 : i32
      %eq3A = arith.constant 0 : i32
      %eq3A_578 = arith.cmpi eq, %jit3A_577, %eq3A : i32
      %jit3A_579 = arith.constant 1 : i32
      %select_n3A_580 = arith.select %eq3A_578, %jit3A_579, %jit3A_577 : i32
      %rem3A_581 = arith.remsi %sub3A_576, %select_n3A_580 : i32
      %ne3A_582 = arith.constant 0 : i32
      %ne3A_583 = arith.cmpi ne, %rem3A_581, %ne3A_582 : i32
      %lt3A = arith.constant 0 : i32
      %lt3A_584 = arith.cmpi slt, %rem3A_581, %lt3A : i32
      %lt3A_585 = arith.constant 0 : i32
      %lt3A_586 = arith.cmpi slt, %select_n3A_580, %lt3A_585 : i32
      %ne3A_587 = arith.xori %lt3A_584, %lt3A_586 : i1
      %and3A_588 = arith.andi %ne3A_587, %ne3A_583 : i1
      %add3A_589 = arith.addi %rem3A_581, %select_n3A_580 : i32
      %select_n3A_590 = arith.select %and3A_588, %add3A_589, %rem3A_581 : i32
      %mul3A_591 = arith.constant 16 : i32
      %mul3A_592 = arith.muli %select_n3A_590, %mul3A_591 : i32
      %dma_start3A_593 = arith.constant 0 : i32
      %dma_start3A_594 = tpu.memref_slice %arg14[%mul3A_592, %dma_start3A_593] : memref<304x128xf32, #tpu.memory_space<vmem>> -> memref<16x128xf32, #tpu.memory_space<vmem>>
      %dma_start3A_595 = arith.constant 0 : i32
      %dma_start3A_596 = tpu.memref_slice %arg13[%select_n3A_590, %dma_start3A_595] : memref<19x16xi32, #tpu.memory_space<vmem>> -> memref<1x16xi32, #tpu.memory_space<vmem>>
      %dma_start3A_597 = tpu.memref_squeeze %dma_start3A_596 : memref<1x16xi32, #tpu.memory_space<vmem>> -> memref<16xi32, #tpu.memory_space<vmem>>
      %dma_start3A_598 = arith.constant 0 : i32
      %dma_start3A_599 = arith.constant 0 : i32
      %dma_start3A_600 = tpu.memref_slice %arg15[%dma_start3A_598, %dma_start3A_599] : memref<10112x128xf32, #tpu.memory_space<vmem_shared>> -> memref<10112x128xf32, #tpu.memory_space<vmem_shared>>
      tpu.enqueue_indirect_dma source(%dma_start3A_594 : memref<16x128xf32, #tpu.memory_space<vmem>>) target(%dma_start3A_600 : memref<10112x128xf32, #tpu.memory_space<vmem_shared>>) offsets(%dma_start3A_597 : memref<16xi32, #tpu.memory_space<vmem>>) semaphore(%arg18 : memref<!tpu.dma_semaphore, #tpu.memory_space<semaphore_mem>>) {add = true}
    } else {
    }
    %ge3A_136 = arith.constant 6 : i32
    %ge3A_137 = arith.cmpi sge, %add3A_116, %ge3A_136 : i32
    %convert_element_type3A_138 = arith.extui %ge3A_137 : i1 to i32
    %cond3A_139 = arith.constant 0 : i32
    %cond3A_140 = arith.cmpi ne, %convert_element_type3A_138, %cond3A_139 : i32
    scf.if %cond3A_140 {
      %dma_wait3A_563 = arith.constant 0 : i32
      %dma_wait3A_564 = arith.constant 0 : i32
      %dma_wait3A_565 = tpu.memref_slice %arg14[%dma_wait3A_563, %dma_wait3A_564] : memref<304x128xf32, #tpu.memory_space<vmem>> -> memref<16x128xf32, #tpu.memory_space<vmem>>
      %dma_wait3A_566 = arith.constant 0 : i32
      %dma_wait3A_567 = arith.constant 0 : i32
      %dma_wait3A_568 = tpu.memref_slice %arg6[%dma_wait3A_566, %dma_wait3A_567] : memref<632x128xf32, #tpu.memory_space<hbm>> -> memref<16x128xf32, #tpu.memory_space<hbm>>
      %dma_wait3A_569 = arith.constant 0 : i32
      %dma_wait3A_570 = arith.constant 0 : i32
      %dma_wait3A_571 = tpu.memref_slice %arg14[%dma_wait3A_569, %dma_wait3A_570] : memref<304x128xf32, #tpu.memory_space<vmem>> -> memref<16x128xf32, #tpu.memory_space<vmem>>
      %dma_wait3A_572 = arith.constant 0 : i32
      %dma_wait3A_573 = arith.constant 0 : i32
      %dma_wait3A_574 = tpu.memref_slice %arg6[%dma_wait3A_572, %dma_wait3A_573] : memref<632x128xf32, #tpu.memory_space<hbm>> -> memref<16x128xf32, #tpu.memory_space<hbm>>
      tpu.wait_dma2 semaphore(%arg17 : memref<!tpu.dma_semaphore, #tpu.memory_space<semaphore_mem>>) src(%dma_wait3A_574 : memref<16x128xf32, #tpu.memory_space<hbm>>) dst(%dma_wait3A_571 : memref<16x128xf32, #tpu.memory_space<vmem>>)
      %sub3A_575 = arith.constant 6 : i32
      %sub3A_576 = arith.subi %add3A_116, %sub3A_575 : i32
      %jit3A_577 = arith.constant 19 : i32
      %eq3A = arith.constant 0 : i32
      %eq3A_578 = arith.cmpi eq, %jit3A_577, %eq3A : i32
      %jit3A_579 = arith.constant 1 : i32
      %select_n3A_580 = arith.select %eq3A_578, %jit3A_579, %jit3A_577 : i32
      %rem3A_581 = arith.remsi %sub3A_576, %select_n3A_580 : i32
      %ne3A_582 = arith.constant 0 : i32
      %ne3A_583 = arith.cmpi ne, %rem3A_581, %ne3A_582 : i32
      %lt3A = arith.constant 0 : i32
      %lt3A_584 = arith.cmpi slt, %rem3A_581, %lt3A : i32
      %lt3A_585 = arith.constant 0 : i32
      %lt3A_586 = arith.cmpi slt, %select_n3A_580, %lt3A_585 : i32
      %ne3A_587 = arith.xori %lt3A_584, %lt3A_586 : i1
      %and3A_588 = arith.andi %ne3A_587, %ne3A_583 : i1
      %add3A_589 = arith.addi %rem3A_581, %select_n3A_580 : i32
      %select_n3A_590 = arith.select %and3A_588, %add3A_589, %rem3A_581 : i32
      %mul3A_591 = arith.constant 16 : i32
      %mul3A_592 = arith.muli %select_n3A_590, %mul3A_591 : i32
      %dma_start3A_593 = arith.constant 0 : i32
      %dma_start3A_594 = tpu.memref_slice %arg14[%mul3A_592, %dma_start3A_593] : memref<304x128xf32, #tpu.memory_space<vmem>> -> memref<16x128xf32, #tpu.memory_space<vmem>>
      %dma_start3A_595 = arith.constant 0 : i32
      %dma_start3A_596 = tpu.memref_slice %arg13[%select_n3A_590, %dma_start3A_595] : memref<19x16xi32, #tpu.memory_space<vmem>> -> memref<1x16xi32, #tpu.memory_space<vmem>>
      %dma_start3A_597 = tpu.memref_squeeze %dma_start3A_596 : memref<1x16xi32, #tpu.memory_space<vmem>> -> memref<16xi32, #tpu.memory_space<vmem>>
      %dma_start3A_598 = arith.constant 0 : i32
      %dma_start3A_599 = arith.constant 0 : i32
      %dma_start3A_600 = tpu.memref_slice %arg15[%dma_start3A_598, %dma_start3A_599] : memref<10112x128xf32, #tpu.memory_space<vmem_shared>> -> memref<10112x128xf32, #tpu.memory_space<vmem_shared>>
      tpu.enqueue_indirect_dma source(%dma_start3A_594 : memref<16x128xf32, #tpu.memory_space<vmem>>) target(%dma_start3A_600 : memref<10112x128xf32, #tpu.memory_space<vmem_shared>>) offsets(%dma_start3A_597 : memref<16xi32, #tpu.memory_space<vmem>>) semaphore(%arg18 : memref<!tpu.dma_semaphore, #tpu.memory_space<semaphore_mem>>) {add = true}
    } else {
    }
    %ge3A_141 = arith.constant 5 : i32
    %ge3A_142 = arith.cmpi sge, %add3A_116, %ge3A_141 : i32
    %convert_element_type3A_143 = arith.extui %ge3A_142 : i1 to i32
    %cond3A_144 = arith.constant 0 : i32
    %cond3A_145 = arith.cmpi ne, %convert_element_type3A_143, %cond3A_144 : i32
    scf.if %cond3A_145 {
      %dma_wait3A_563 = arith.constant 0 : i32
      %dma_wait3A_564 = arith.constant 0 : i32
      %dma_wait3A_565 = tpu.memref_slice %arg14[%dma_wait3A_563, %dma_wait3A_564] : memref<304x128xf32, #tpu.memory_space<vmem>> -> memref<16x128xf32, #tpu.memory_space<vmem>>
      %dma_wait3A_566 = arith.constant 0 : i32
      %dma_wait3A_567 = arith.constant 0 : i32
      %dma_wait3A_568 = tpu.memref_slice %arg6[%dma_wait3A_566, %dma_wait3A_567] : memref<632x128xf32, #tpu.memory_space<hbm>> -> memref<16x128xf32, #tpu.memory_space<hbm>>
      %dma_wait3A_569 = arith.constant 0 : i32
      %dma_wait3A_570 = arith.constant 0 : i32
      %dma_wait3A_571 = tpu.memref_slice %arg14[%dma_wait3A_569, %dma_wait3A_570] : memref<304x128xf32, #tpu.memory_space<vmem>> -> memref<16x128xf32, #tpu.memory_space<vmem>>
      %dma_wait3A_572 = arith.constant 0 : i32
      %dma_wait3A_573 = arith.constant 0 : i32
      %dma_wait3A_574 = tpu.memref_slice %arg6[%dma_wait3A_572, %dma_wait3A_573] : memref<632x128xf32, #tpu.memory_space<hbm>> -> memref<16x128xf32, #tpu.memory_space<hbm>>
      tpu.wait_dma2 semaphore(%arg17 : memref<!tpu.dma_semaphore, #tpu.memory_space<semaphore_mem>>) src(%dma_wait3A_574 : memref<16x128xf32, #tpu.memory_space<hbm>>) dst(%dma_wait3A_571 : memref<16x128xf32, #tpu.memory_space<vmem>>)
      %sub3A_575 = arith.constant 5 : i32
      %sub3A_576 = arith.subi %add3A_116, %sub3A_575 : i32
      %jit3A_577 = arith.constant 19 : i32
      %eq3A = arith.constant 0 : i32
      %eq3A_578 = arith.cmpi eq, %jit3A_577, %eq3A : i32
      %jit3A_579 = arith.constant 1 : i32
      %select_n3A_580 = arith.select %eq3A_578, %jit3A_579, %jit3A_577 : i32
      %rem3A_581 = arith.remsi %sub3A_576, %select_n3A_580 : i32
      %ne3A_582 = arith.constant 0 : i32
      %ne3A_583 = arith.cmpi ne, %rem3A_581, %ne3A_582 : i32
      %lt3A = arith.constant 0 : i32
      %lt3A_584 = arith.cmpi slt, %rem3A_581, %lt3A : i32
      %lt3A_585 = arith.constant 0 : i32
      %lt3A_586 = arith.cmpi slt, %select_n3A_580, %lt3A_585 : i32
      %ne3A_587 = arith.xori %lt3A_584, %lt3A_586 : i1
      %and3A_588 = arith.andi %ne3A_587, %ne3A_583 : i1
      %add3A_589 = arith.addi %rem3A_581, %select_n3A_580 : i32
      %select_n3A_590 = arith.select %and3A_588, %add3A_589, %rem3A_581 : i32
      %mul3A_591 = arith.constant 16 : i32
      %mul3A_592 = arith.muli %select_n3A_590, %mul3A_591 : i32
      %dma_start3A_593 = arith.constant 0 : i32
      %dma_start3A_594 = tpu.memref_slice %arg14[%mul3A_592, %dma_start3A_593] : memref<304x128xf32, #tpu.memory_space<vmem>> -> memref<16x128xf32, #tpu.memory_space<vmem>>
      %dma_start3A_595 = arith.constant 0 : i32
      %dma_start3A_596 = tpu.memref_slice %arg13[%select_n3A_590, %dma_start3A_595] : memref<19x16xi32, #tpu.memory_space<vmem>> -> memref<1x16xi32, #tpu.memory_space<vmem>>
      %dma_start3A_597 = tpu.memref_squeeze %dma_start3A_596 : memref<1x16xi32, #tpu.memory_space<vmem>> -> memref<16xi32, #tpu.memory_space<vmem>>
      %dma_start3A_598 = arith.constant 0 : i32
      %dma_start3A_599 = arith.constant 0 : i32
      %dma_start3A_600 = tpu.memref_slice %arg15[%dma_start3A_598, %dma_start3A_599] : memref<10112x128xf32, #tpu.memory_space<vmem_shared>> -> memref<10112x128xf32, #tpu.memory_space<vmem_shared>>
      tpu.enqueue_indirect_dma source(%dma_start3A_594 : memref<16x128xf32, #tpu.memory_space<vmem>>) target(%dma_start3A_600 : memref<10112x128xf32, #tpu.memory_space<vmem_shared>>) offsets(%dma_start3A_597 : memref<16xi32, #tpu.memory_space<vmem>>) semaphore(%arg18 : memref<!tpu.dma_semaphore, #tpu.memory_space<semaphore_mem>>) {add = true}
    } else {
    }
    %ge3A_146 = arith.constant 4 : i32
    %ge3A_147 = arith.cmpi sge, %add3A_116, %ge3A_146 : i32
    %convert_element_type3A_148 = arith.extui %ge3A_147 : i1 to i32
    %cond3A_149 = arith.constant 0 : i32
    %cond3A_150 = arith.cmpi ne, %convert_element_type3A_148, %cond3A_149 : i32
    scf.if %cond3A_150 {
      %dma_wait3A_563 = arith.constant 0 : i32
      %dma_wait3A_564 = arith.constant 0 : i32
      %dma_wait3A_565 = tpu.memref_slice %arg14[%dma_wait3A_563, %dma_wait3A_564] : memref<304x128xf32, #tpu.memory_space<vmem>> -> memref<16x128xf32, #tpu.memory_space<vmem>>
      %dma_wait3A_566 = arith.constant 0 : i32
      %dma_wait3A_567 = arith.constant 0 : i32
      %dma_wait3A_568 = tpu.memref_slice %arg6[%dma_wait3A_566, %dma_wait3A_567] : memref<632x128xf32, #tpu.memory_space<hbm>> -> memref<16x128xf32, #tpu.memory_space<hbm>>
      %dma_wait3A_569 = arith.constant 0 : i32
      %dma_wait3A_570 = arith.constant 0 : i32
      %dma_wait3A_571 = tpu.memref_slice %arg14[%dma_wait3A_569, %dma_wait3A_570] : memref<304x128xf32, #tpu.memory_space<vmem>> -> memref<16x128xf32, #tpu.memory_space<vmem>>
      %dma_wait3A_572 = arith.constant 0 : i32
      %dma_wait3A_573 = arith.constant 0 : i32
      %dma_wait3A_574 = tpu.memref_slice %arg6[%dma_wait3A_572, %dma_wait3A_573] : memref<632x128xf32, #tpu.memory_space<hbm>> -> memref<16x128xf32, #tpu.memory_space<hbm>>
      tpu.wait_dma2 semaphore(%arg17 : memref<!tpu.dma_semaphore, #tpu.memory_space<semaphore_mem>>) src(%dma_wait3A_574 : memref<16x128xf32, #tpu.memory_space<hbm>>) dst(%dma_wait3A_571 : memref<16x128xf32, #tpu.memory_space<vmem>>)
      %sub3A_575 = arith.constant 4 : i32
      %sub3A_576 = arith.subi %add3A_116, %sub3A_575 : i32
      %jit3A_577 = arith.constant 19 : i32
      %eq3A = arith.constant 0 : i32
      %eq3A_578 = arith.cmpi eq, %jit3A_577, %eq3A : i32
      %jit3A_579 = arith.constant 1 : i32
      %select_n3A_580 = arith.select %eq3A_578, %jit3A_579, %jit3A_577 : i32
      %rem3A_581 = arith.remsi %sub3A_576, %select_n3A_580 : i32
      %ne3A_582 = arith.constant 0 : i32
      %ne3A_583 = arith.cmpi ne, %rem3A_581, %ne3A_582 : i32
      %lt3A = arith.constant 0 : i32
      %lt3A_584 = arith.cmpi slt, %rem3A_581, %lt3A : i32
      %lt3A_585 = arith.constant 0 : i32
      %lt3A_586 = arith.cmpi slt, %select_n3A_580, %lt3A_585 : i32
      %ne3A_587 = arith.xori %lt3A_584, %lt3A_586 : i1
      %and3A_588 = arith.andi %ne3A_587, %ne3A_583 : i1
      %add3A_589 = arith.addi %rem3A_581, %select_n3A_580 : i32
      %select_n3A_590 = arith.select %and3A_588, %add3A_589, %rem3A_581 : i32
      %mul3A_591 = arith.constant 16 : i32
      %mul3A_592 = arith.muli %select_n3A_590, %mul3A_591 : i32
      %dma_start3A_593 = arith.constant 0 : i32
      %dma_start3A_594 = tpu.memref_slice %arg14[%mul3A_592, %dma_start3A_593] : memref<304x128xf32, #tpu.memory_space<vmem>> -> memref<16x128xf32, #tpu.memory_space<vmem>>
      %dma_start3A_595 = arith.constant 0 : i32
      %dma_start3A_596 = tpu.memref_slice %arg13[%select_n3A_590, %dma_start3A_595] : memref<19x16xi32, #tpu.memory_space<vmem>> -> memref<1x16xi32, #tpu.memory_space<vmem>>
      %dma_start3A_597 = tpu.memref_squeeze %dma_start3A_596 : memref<1x16xi32, #tpu.memory_space<vmem>> -> memref<16xi32, #tpu.memory_space<vmem>>
      %dma_start3A_598 = arith.constant 0 : i32
      %dma_start3A_599 = arith.constant 0 : i32
      %dma_start3A_600 = tpu.memref_slice %arg15[%dma_start3A_598, %dma_start3A_599] : memref<10112x128xf32, #tpu.memory_space<vmem_shared>> -> memref<10112x128xf32, #tpu.memory_space<vmem_shared>>
      tpu.enqueue_indirect_dma source(%dma_start3A_594 : memref<16x128xf32, #tpu.memory_space<vmem>>) target(%dma_start3A_600 : memref<10112x128xf32, #tpu.memory_space<vmem_shared>>) offsets(%dma_start3A_597 : memref<16xi32, #tpu.memory_space<vmem>>) semaphore(%arg18 : memref<!tpu.dma_semaphore, #tpu.memory_space<semaphore_mem>>) {add = true}
    } else {
    }
    %ge3A_151 = arith.constant 3 : i32
    %ge3A_152 = arith.cmpi sge, %add3A_116, %ge3A_151 : i32
    %convert_element_type3A_153 = arith.extui %ge3A_152 : i1 to i32
    %cond3A_154 = arith.constant 0 : i32
    %cond3A_155 = arith.cmpi ne, %convert_element_type3A_153, %cond3A_154 : i32
    scf.if %cond3A_155 {
      %dma_wait3A_563 = arith.constant 0 : i32
      %dma_wait3A_564 = arith.constant 0 : i32
      %dma_wait3A_565 = tpu.memref_slice %arg14[%dma_wait3A_563, %dma_wait3A_564] : memref<304x128xf32, #tpu.memory_space<vmem>> -> memref<16x128xf32, #tpu.memory_space<vmem>>
      %dma_wait3A_566 = arith.constant 0 : i32
      %dma_wait3A_567 = arith.constant 0 : i32
      %dma_wait3A_568 = tpu.memref_slice %arg6[%dma_wait3A_566, %dma_wait3A_567] : memref<632x128xf32, #tpu.memory_space<hbm>> -> memref<16x128xf32, #tpu.memory_space<hbm>>
      %dma_wait3A_569 = arith.constant 0 : i32
      %dma_wait3A_570 = arith.constant 0 : i32
      %dma_wait3A_571 = tpu.memref_slice %arg14[%dma_wait3A_569, %dma_wait3A_570] : memref<304x128xf32, #tpu.memory_space<vmem>> -> memref<16x128xf32, #tpu.memory_space<vmem>>
      %dma_wait3A_572 = arith.constant 0 : i32
      %dma_wait3A_573 = arith.constant 0 : i32
      %dma_wait3A_574 = tpu.memref_slice %arg6[%dma_wait3A_572, %dma_wait3A_573] : memref<632x128xf32, #tpu.memory_space<hbm>> -> memref<16x128xf32, #tpu.memory_space<hbm>>
      tpu.wait_dma2 semaphore(%arg17 : memref<!tpu.dma_semaphore, #tpu.memory_space<semaphore_mem>>) src(%dma_wait3A_574 : memref<16x128xf32, #tpu.memory_space<hbm>>) dst(%dma_wait3A_571 : memref<16x128xf32, #tpu.memory_space<vmem>>)
      %sub3A_575 = arith.constant 3 : i32
      %sub3A_576 = arith.subi %add3A_116, %sub3A_575 : i32
      %jit3A_577 = arith.constant 19 : i32
      %eq3A = arith.constant 0 : i32
      %eq3A_578 = arith.cmpi eq, %jit3A_577, %eq3A : i32
      %jit3A_579 = arith.constant 1 : i32
      %select_n3A_580 = arith.select %eq3A_578, %jit3A_579, %jit3A_577 : i32
      %rem3A_581 = arith.remsi %sub3A_576, %select_n3A_580 : i32
      %ne3A_582 = arith.constant 0 : i32
      %ne3A_583 = arith.cmpi ne, %rem3A_581, %ne3A_582 : i32
      %lt3A = arith.constant 0 : i32
      %lt3A_584 = arith.cmpi slt, %rem3A_581, %lt3A : i32
      %lt3A_585 = arith.constant 0 : i32
      %lt3A_586 = arith.cmpi slt, %select_n3A_580, %lt3A_585 : i32
      %ne3A_587 = arith.xori %lt3A_584, %lt3A_586 : i1
      %and3A_588 = arith.andi %ne3A_587, %ne3A_583 : i1
      %add3A_589 = arith.addi %rem3A_581, %select_n3A_580 : i32
      %select_n3A_590 = arith.select %and3A_588, %add3A_589, %rem3A_581 : i32
      %mul3A_591 = arith.constant 16 : i32
      %mul3A_592 = arith.muli %select_n3A_590, %mul3A_591 : i32
      %dma_start3A_593 = arith.constant 0 : i32
      %dma_start3A_594 = tpu.memref_slice %arg14[%mul3A_592, %dma_start3A_593] : memref<304x128xf32, #tpu.memory_space<vmem>> -> memref<16x128xf32, #tpu.memory_space<vmem>>
      %dma_start3A_595 = arith.constant 0 : i32
      %dma_start3A_596 = tpu.memref_slice %arg13[%select_n3A_590, %dma_start3A_595] : memref<19x16xi32, #tpu.memory_space<vmem>> -> memref<1x16xi32, #tpu.memory_space<vmem>>
      %dma_start3A_597 = tpu.memref_squeeze %dma_start3A_596 : memref<1x16xi32, #tpu.memory_space<vmem>> -> memref<16xi32, #tpu.memory_space<vmem>>
      %dma_start3A_598 = arith.constant 0 : i32
      %dma_start3A_599 = arith.constant 0 : i32
      %dma_start3A_600 = tpu.memref_slice %arg15[%dma_start3A_598, %dma_start3A_599] : memref<10112x128xf32, #tpu.memory_space<vmem_shared>> -> memref<10112x128xf32, #tpu.memory_space<vmem_shared>>
      tpu.enqueue_indirect_dma source(%dma_start3A_594 : memref<16x128xf32, #tpu.memory_space<vmem>>) target(%dma_start3A_600 : memref<10112x128xf32, #tpu.memory_space<vmem_shared>>) offsets(%dma_start3A_597 : memref<16xi32, #tpu.memory_space<vmem>>) semaphore(%arg18 : memref<!tpu.dma_semaphore, #tpu.memory_space<semaphore_mem>>) {add = true}
    } else {
    }
    %ge3A_156 = arith.constant 2 : i32
    %ge3A_157 = arith.cmpi sge, %add3A_116, %ge3A_156 : i32
    %convert_element_type3A_158 = arith.extui %ge3A_157 : i1 to i32
    %cond3A_159 = arith.constant 0 : i32
    %cond3A_160 = arith.cmpi ne, %convert_element_type3A_158, %cond3A_159 : i32
    scf.if %cond3A_160 {
      %dma_wait3A_563 = arith.constant 0 : i32
      %dma_wait3A_564 = arith.constant 0 : i32
      %dma_wait3A_565 = tpu.memref_slice %arg14[%dma_wait3A_563, %dma_wait3A_564] : memref<304x128xf32, #tpu.memory_space<vmem>> -> memref<16x128xf32, #tpu.memory_space<vmem>>
      %dma_wait3A_566 = arith.constant 0 : i32
      %dma_wait3A_567 = arith.constant 0 : i32
      %dma_wait3A_568 = tpu.memref_slice %arg6[%dma_wait3A_566, %dma_wait3A_567] : memref<632x128xf32, #tpu.memory_space<hbm>> -> memref<16x128xf32, #tpu.memory_space<hbm>>
      %dma_wait3A_569 = arith.constant 0 : i32
      %dma_wait3A_570 = arith.constant 0 : i32
      %dma_wait3A_571 = tpu.memref_slice %arg14[%dma_wait3A_569, %dma_wait3A_570] : memref<304x128xf32, #tpu.memory_space<vmem>> -> memref<16x128xf32, #tpu.memory_space<vmem>>
      %dma_wait3A_572 = arith.constant 0 : i32
      %dma_wait3A_573 = arith.constant 0 : i32
      %dma_wait3A_574 = tpu.memref_slice %arg6[%dma_wait3A_572, %dma_wait3A_573] : memref<632x128xf32, #tpu.memory_space<hbm>> -> memref<16x128xf32, #tpu.memory_space<hbm>>
      tpu.wait_dma2 semaphore(%arg17 : memref<!tpu.dma_semaphore, #tpu.memory_space<semaphore_mem>>) src(%dma_wait3A_574 : memref<16x128xf32, #tpu.memory_space<hbm>>) dst(%dma_wait3A_571 : memref<16x128xf32, #tpu.memory_space<vmem>>)
      %sub3A_575 = arith.constant 2 : i32
      %sub3A_576 = arith.subi %add3A_116, %sub3A_575 : i32
      %jit3A_577 = arith.constant 19 : i32
      %eq3A = arith.constant 0 : i32
      %eq3A_578 = arith.cmpi eq, %jit3A_577, %eq3A : i32
      %jit3A_579 = arith.constant 1 : i32
      %select_n3A_580 = arith.select %eq3A_578, %jit3A_579, %jit3A_577 : i32
      %rem3A_581 = arith.remsi %sub3A_576, %select_n3A_580 : i32
      %ne3A_582 = arith.constant 0 : i32
      %ne3A_583 = arith.cmpi ne, %rem3A_581, %ne3A_582 : i32
      %lt3A = arith.constant 0 : i32
      %lt3A_584 = arith.cmpi slt, %rem3A_581, %lt3A : i32
      %lt3A_585 = arith.constant 0 : i32
      %lt3A_586 = arith.cmpi slt, %select_n3A_580, %lt3A_585 : i32
      %ne3A_587 = arith.xori %lt3A_584, %lt3A_586 : i1
      %and3A_588 = arith.andi %ne3A_587, %ne3A_583 : i1
      %add3A_589 = arith.addi %rem3A_581, %select_n3A_580 : i32
      %select_n3A_590 = arith.select %and3A_588, %add3A_589, %rem3A_581 : i32
      %mul3A_591 = arith.constant 16 : i32
      %mul3A_592 = arith.muli %select_n3A_590, %mul3A_591 : i32
      %dma_start3A_593 = arith.constant 0 : i32
      %dma_start3A_594 = tpu.memref_slice %arg14[%mul3A_592, %dma_start3A_593] : memref<304x128xf32, #tpu.memory_space<vmem>> -> memref<16x128xf32, #tpu.memory_space<vmem>>
      %dma_start3A_595 = arith.constant 0 : i32
      %dma_start3A_596 = tpu.memref_slice %arg13[%select_n3A_590, %dma_start3A_595] : memref<19x16xi32, #tpu.memory_space<vmem>> -> memref<1x16xi32, #tpu.memory_space<vmem>>
      %dma_start3A_597 = tpu.memref_squeeze %dma_start3A_596 : memref<1x16xi32, #tpu.memory_space<vmem>> -> memref<16xi32, #tpu.memory_space<vmem>>
      %dma_start3A_598 = arith.constant 0 : i32
      %dma_start3A_599 = arith.constant 0 : i32
      %dma_start3A_600 = tpu.memref_slice %arg15[%dma_start3A_598, %dma_start3A_599] : memref<10112x128xf32, #tpu.memory_space<vmem_shared>> -> memref<10112x128xf32, #tpu.memory_space<vmem_shared>>
      tpu.enqueue_indirect_dma source(%dma_start3A_594 : memref<16x128xf32, #tpu.memory_space<vmem>>) target(%dma_start3A_600 : memref<10112x128xf32, #tpu.memory_space<vmem_shared>>) offsets(%dma_start3A_597 : memref<16xi32, #tpu.memory_space<vmem>>) semaphore(%arg18 : memref<!tpu.dma_semaphore, #tpu.memory_space<semaphore_mem>>) {add = true}
    } else {
    }
    %ge3A_161 = arith.constant 1 : i32
    %ge3A_162 = arith.cmpi sge, %add3A_116, %ge3A_161 : i32
    %convert_element_type3A_163 = arith.extui %ge3A_162 : i1 to i32
    %cond3A_164 = arith.constant 0 : i32
    %cond3A_165 = arith.cmpi ne, %convert_element_type3A_163, %cond3A_164 : i32
    scf.if %cond3A_165 {
      %dma_wait3A_563 = arith.constant 0 : i32
      %dma_wait3A_564 = arith.constant 0 : i32
      %dma_wait3A_565 = tpu.memref_slice %arg14[%dma_wait3A_563, %dma_wait3A_564] : memref<304x128xf32, #tpu.memory_space<vmem>> -> memref<16x128xf32, #tpu.memory_space<vmem>>
      %dma_wait3A_566 = arith.constant 0 : i32
      %dma_wait3A_567 = arith.constant 0 : i32
      %dma_wait3A_568 = tpu.memref_slice %arg6[%dma_wait3A_566, %dma_wait3A_567] : memref<632x128xf32, #tpu.memory_space<hbm>> -> memref<16x128xf32, #tpu.memory_space<hbm>>
      %dma_wait3A_569 = arith.constant 0 : i32
      %dma_wait3A_570 = arith.constant 0 : i32
      %dma_wait3A_571 = tpu.memref_slice %arg14[%dma_wait3A_569, %dma_wait3A_570] : memref<304x128xf32, #tpu.memory_space<vmem>> -> memref<16x128xf32, #tpu.memory_space<vmem>>
      %dma_wait3A_572 = arith.constant 0 : i32
      %dma_wait3A_573 = arith.constant 0 : i32
      %dma_wait3A_574 = tpu.memref_slice %arg6[%dma_wait3A_572, %dma_wait3A_573] : memref<632x128xf32, #tpu.memory_space<hbm>> -> memref<16x128xf32, #tpu.memory_space<hbm>>
      tpu.wait_dma2 semaphore(%arg17 : memref<!tpu.dma_semaphore, #tpu.memory_space<semaphore_mem>>) src(%dma_wait3A_574 : memref<16x128xf32, #tpu.memory_space<hbm>>) dst(%dma_wait3A_571 : memref<16x128xf32, #tpu.memory_space<vmem>>)
      %sub3A_575 = arith.constant 1 : i32
      %sub3A_576 = arith.subi %add3A_116, %sub3A_575 : i32
      %jit3A_577 = arith.constant 19 : i32
      %eq3A = arith.constant 0 : i32
      %eq3A_578 = arith.cmpi eq, %jit3A_577, %eq3A : i32
      %jit3A_579 = arith.constant 1 : i32
      %select_n3A_580 = arith.select %eq3A_578, %jit3A_579, %jit3A_577 : i32
      %rem3A_581 = arith.remsi %sub3A_576, %select_n3A_580 : i32
      %ne3A_582 = arith.constant 0 : i32
      %ne3A_583 = arith.cmpi ne, %rem3A_581, %ne3A_582 : i32
      %lt3A = arith.constant 0 : i32
      %lt3A_584 = arith.cmpi slt, %rem3A_581, %lt3A : i32
      %lt3A_585 = arith.constant 0 : i32
      %lt3A_586 = arith.cmpi slt, %select_n3A_580, %lt3A_585 : i32
      %ne3A_587 = arith.xori %lt3A_584, %lt3A_586 : i1
      %and3A_588 = arith.andi %ne3A_587, %ne3A_583 : i1
      %add3A_589 = arith.addi %rem3A_581, %select_n3A_580 : i32
      %select_n3A_590 = arith.select %and3A_588, %add3A_589, %rem3A_581 : i32
      %mul3A_591 = arith.constant 16 : i32
      %mul3A_592 = arith.muli %select_n3A_590, %mul3A_591 : i32
      %dma_start3A_593 = arith.constant 0 : i32
      %dma_start3A_594 = tpu.memref_slice %arg14[%mul3A_592, %dma_start3A_593] : memref<304x128xf32, #tpu.memory_space<vmem>> -> memref<16x128xf32, #tpu.memory_space<vmem>>
      %dma_start3A_595 = arith.constant 0 : i32
      %dma_start3A_596 = tpu.memref_slice %arg13[%select_n3A_590, %dma_start3A_595] : memref<19x16xi32, #tpu.memory_space<vmem>> -> memref<1x16xi32, #tpu.memory_space<vmem>>
      %dma_start3A_597 = tpu.memref_squeeze %dma_start3A_596 : memref<1x16xi32, #tpu.memory_space<vmem>> -> memref<16xi32, #tpu.memory_space<vmem>>
      %dma_start3A_598 = arith.constant 0 : i32
      %dma_start3A_599 = arith.constant 0 : i32
      %dma_start3A_600 = tpu.memref_slice %arg15[%dma_start3A_598, %dma_start3A_599] : memref<10112x128xf32, #tpu.memory_space<vmem_shared>> -> memref<10112x128xf32, #tpu.memory_space<vmem_shared>>
      tpu.enqueue_indirect_dma source(%dma_start3A_594 : memref<16x128xf32, #tpu.memory_space<vmem>>) target(%dma_start3A_600 : memref<10112x128xf32, #tpu.memory_space<vmem_shared>>) offsets(%dma_start3A_597 : memref<16xi32, #tpu.memory_space<vmem>>) semaphore(%arg18 : memref<!tpu.dma_semaphore, #tpu.memory_space<semaphore_mem>>) {add = true}
    } else {
    }
    %ge3A_166 = arith.constant 19 : i32
    %ge3A_167 = arith.cmpi sge, %add3A_116, %ge3A_166 : i32
    %convert_element_type3A_168 = arith.extui %ge3A_167 : i1 to i32
    %cond3A_169 = arith.constant 0 : i32
    %cond3A_170 = arith.cmpi ne, %convert_element_type3A_168, %cond3A_169 : i32
    scf.if %cond3A_170 {
      %dma_wait3A_563 = arith.constant 0 : i32
      %dma_wait3A_564 = arith.constant 0 : i32
      %dma_wait3A_565 = tpu.memref_slice %arg14[%dma_wait3A_563, %dma_wait3A_564] : memref<304x128xf32, #tpu.memory_space<vmem>> -> memref<16x128xf32, #tpu.memory_space<vmem>>
      %dma_wait3A_566 = arith.constant 0 : i32
      %dma_wait3A_567 = arith.constant 0 : i32
      %dma_wait3A_568 = tpu.memref_slice %arg6[%dma_wait3A_566, %dma_wait3A_567] : memref<632x128xf32, #tpu.memory_space<hbm>> -> memref<16x128xf32, #tpu.memory_space<hbm>>
      %dma_wait3A_569 = arith.constant 0 : i32
      %dma_wait3A_570 = arith.constant 0 : i32
      %dma_wait3A_571 = tpu.memref_slice %arg14[%dma_wait3A_569, %dma_wait3A_570] : memref<304x128xf32, #tpu.memory_space<vmem>> -> memref<16x128xf32, #tpu.memory_space<vmem>>
      %dma_wait3A_572 = arith.constant 0 : i32
      %dma_wait3A_573 = arith.constant 0 : i32
      %dma_wait3A_574 = tpu.memref_slice %arg6[%dma_wait3A_572, %dma_wait3A_573] : memref<632x128xf32, #tpu.memory_space<hbm>> -> memref<16x128xf32, #tpu.memory_space<hbm>>
      tpu.wait_dma2 semaphore(%arg18 : memref<!tpu.dma_semaphore, #tpu.memory_space<semaphore_mem>>) src(%dma_wait3A_574 : memref<16x128xf32, #tpu.memory_space<hbm>>) dst(%dma_wait3A_571 : memref<16x128xf32, #tpu.memory_space<vmem>>)
    } else {
    }
    %ge3A_171 = arith.constant 18 : i32
    %ge3A_172 = arith.cmpi sge, %add3A_116, %ge3A_171 : i32
    %convert_element_type3A_173 = arith.extui %ge3A_172 : i1 to i32
    %cond3A_174 = arith.constant 0 : i32
    %cond3A_175 = arith.cmpi ne, %convert_element_type3A_173, %cond3A_174 : i32
    scf.if %cond3A_175 {
      %dma_wait3A_563 = arith.constant 0 : i32
      %dma_wait3A_564 = arith.constant 0 : i32
      %dma_wait3A_565 = tpu.memref_slice %arg14[%dma_wait3A_563, %dma_wait3A_564] : memref<304x128xf32, #tpu.memory_space<vmem>> -> memref<16x128xf32, #tpu.memory_space<vmem>>
      %dma_wait3A_566 = arith.constant 0 : i32
      %dma_wait3A_567 = arith.constant 0 : i32
      %dma_wait3A_568 = tpu.memref_slice %arg6[%dma_wait3A_566, %dma_wait3A_567] : memref<632x128xf32, #tpu.memory_space<hbm>> -> memref<16x128xf32, #tpu.memory_space<hbm>>
      %dma_wait3A_569 = arith.constant 0 : i32
      %dma_wait3A_570 = arith.constant 0 : i32
      %dma_wait3A_571 = tpu.memref_slice %arg14[%dma_wait3A_569, %dma_wait3A_570] : memref<304x128xf32, #tpu.memory_space<vmem>> -> memref<16x128xf32, #tpu.memory_space<vmem>>
      %dma_wait3A_572 = arith.constant 0 : i32
      %dma_wait3A_573 = arith.constant 0 : i32
      %dma_wait3A_574 = tpu.memref_slice %arg6[%dma_wait3A_572, %dma_wait3A_573] : memref<632x128xf32, #tpu.memory_space<hbm>> -> memref<16x128xf32, #tpu.memory_space<hbm>>
      tpu.wait_dma2 semaphore(%arg18 : memref<!tpu.dma_semaphore, #tpu.memory_space<semaphore_mem>>) src(%dma_wait3A_574 : memref<16x128xf32, #tpu.memory_space<hbm>>) dst(%dma_wait3A_571 : memref<16x128xf32, #tpu.memory_space<vmem>>)
    } else {
    }
    %ge3A_176 = arith.constant 17 : i32
    %ge3A_177 = arith.cmpi sge, %add3A_116, %ge3A_176 : i32
    %convert_element_type3A_178 = arith.extui %ge3A_177 : i1 to i32
    %cond3A_179 = arith.constant 0 : i32
    %cond3A_180 = arith.cmpi ne, %convert_element_type3A_178, %cond3A_179 : i32
    scf.if %cond3A_180 {
      %dma_wait3A_563 = arith.constant 0 : i32
      %dma_wait3A_564 = arith.constant 0 : i32
      %dma_wait3A_565 = tpu.memref_slice %arg14[%dma_wait3A_563, %dma_wait3A_564] : memref<304x128xf32, #tpu.memory_space<vmem>> -> memref<16x128xf32, #tpu.memory_space<vmem>>
      %dma_wait3A_566 = arith.constant 0 : i32
      %dma_wait3A_567 = arith.constant 0 : i32
      %dma_wait3A_568 = tpu.memref_slice %arg6[%dma_wait3A_566, %dma_wait3A_567] : memref<632x128xf32, #tpu.memory_space<hbm>> -> memref<16x128xf32, #tpu.memory_space<hbm>>
      %dma_wait3A_569 = arith.constant 0 : i32
      %dma_wait3A_570 = arith.constant 0 : i32
      %dma_wait3A_571 = tpu.memref_slice %arg14[%dma_wait3A_569, %dma_wait3A_570] : memref<304x128xf32, #tpu.memory_space<vmem>> -> memref<16x128xf32, #tpu.memory_space<vmem>>
      %dma_wait3A_572 = arith.constant 0 : i32
      %dma_wait3A_573 = arith.constant 0 : i32
      %dma_wait3A_574 = tpu.memref_slice %arg6[%dma_wait3A_572, %dma_wait3A_573] : memref<632x128xf32, #tpu.memory_space<hbm>> -> memref<16x128xf32, #tpu.memory_space<hbm>>
      tpu.wait_dma2 semaphore(%arg18 : memref<!tpu.dma_semaphore, #tpu.memory_space<semaphore_mem>>) src(%dma_wait3A_574 : memref<16x128xf32, #tpu.memory_space<hbm>>) dst(%dma_wait3A_571 : memref<16x128xf32, #tpu.memory_space<vmem>>)
    } else {
    }
    %ge3A_181 = arith.constant 16 : i32
    %ge3A_182 = arith.cmpi sge, %add3A_116, %ge3A_181 : i32
    %convert_element_type3A_183 = arith.extui %ge3A_182 : i1 to i32
    %cond3A_184 = arith.constant 0 : i32
    %cond3A_185 = arith.cmpi ne, %convert_element_type3A_183, %cond3A_184 : i32
    scf.if %cond3A_185 {
      %dma_wait3A_563 = arith.constant 0 : i32
      %dma_wait3A_564 = arith.constant 0 : i32
      %dma_wait3A_565 = tpu.memref_slice %arg14[%dma_wait3A_563, %dma_wait3A_564] : memref<304x128xf32, #tpu.memory_space<vmem>> -> memref<16x128xf32, #tpu.memory_space<vmem>>
      %dma_wait3A_566 = arith.constant 0 : i32
      %dma_wait3A_567 = arith.constant 0 : i32
      %dma_wait3A_568 = tpu.memref_slice %arg6[%dma_wait3A_566, %dma_wait3A_567] : memref<632x128xf32, #tpu.memory_space<hbm>> -> memref<16x128xf32, #tpu.memory_space<hbm>>
      %dma_wait3A_569 = arith.constant 0 : i32
      %dma_wait3A_570 = arith.constant 0 : i32
      %dma_wait3A_571 = tpu.memref_slice %arg14[%dma_wait3A_569, %dma_wait3A_570] : memref<304x128xf32, #tpu.memory_space<vmem>> -> memref<16x128xf32, #tpu.memory_space<vmem>>
      %dma_wait3A_572 = arith.constant 0 : i32
      %dma_wait3A_573 = arith.constant 0 : i32
      %dma_wait3A_574 = tpu.memref_slice %arg6[%dma_wait3A_572, %dma_wait3A_573] : memref<632x128xf32, #tpu.memory_space<hbm>> -> memref<16x128xf32, #tpu.memory_space<hbm>>
      tpu.wait_dma2 semaphore(%arg18 : memref<!tpu.dma_semaphore, #tpu.memory_space<semaphore_mem>>) src(%dma_wait3A_574 : memref<16x128xf32, #tpu.memory_space<hbm>>) dst(%dma_wait3A_571 : memref<16x128xf32, #tpu.memory_space<vmem>>)
    } else {
    }
    %ge3A_186 = arith.constant 15 : i32
    %ge3A_187 = arith.cmpi sge, %add3A_116, %ge3A_186 : i32
    %convert_element_type3A_188 = arith.extui %ge3A_187 : i1 to i32
    %cond3A_189 = arith.constant 0 : i32
    %cond3A_190 = arith.cmpi ne, %convert_element_type3A_188, %cond3A_189 : i32
    scf.if %cond3A_190 {
      %dma_wait3A_563 = arith.constant 0 : i32
      %dma_wait3A_564 = arith.constant 0 : i32
      %dma_wait3A_565 = tpu.memref_slice %arg14[%dma_wait3A_563, %dma_wait3A_564] : memref<304x128xf32, #tpu.memory_space<vmem>> -> memref<16x128xf32, #tpu.memory_space<vmem>>
      %dma_wait3A_566 = arith.constant 0 : i32
      %dma_wait3A_567 = arith.constant 0 : i32
      %dma_wait3A_568 = tpu.memref_slice %arg6[%dma_wait3A_566, %dma_wait3A_567] : memref<632x128xf32, #tpu.memory_space<hbm>> -> memref<16x128xf32, #tpu.memory_space<hbm>>
      %dma_wait3A_569 = arith.constant 0 : i32
      %dma_wait3A_570 = arith.constant 0 : i32
      %dma_wait3A_571 = tpu.memref_slice %arg14[%dma_wait3A_569, %dma_wait3A_570] : memref<304x128xf32, #tpu.memory_space<vmem>> -> memref<16x128xf32, #tpu.memory_space<vmem>>
      %dma_wait3A_572 = arith.constant 0 : i32
      %dma_wait3A_573 = arith.constant 0 : i32
      %dma_wait3A_574 = tpu.memref_slice %arg6[%dma_wait3A_572, %dma_wait3A_573] : memref<632x128xf32, #tpu.memory_space<hbm>> -> memref<16x128xf32, #tpu.memory_space<hbm>>
      tpu.wait_dma2 semaphore(%arg18 : memref<!tpu.dma_semaphore, #tpu.memory_space<semaphore_mem>>) src(%dma_wait3A_574 : memref<16x128xf32, #tpu.memory_space<hbm>>) dst(%dma_wait3A_571 : memref<16x128xf32, #tpu.memory_space<vmem>>)
    } else {
    }
    %ge3A_191 = arith.constant 14 : i32
    %ge3A_192 = arith.cmpi sge, %add3A_116, %ge3A_191 : i32
    %convert_element_type3A_193 = arith.extui %ge3A_192 : i1 to i32
    %cond3A_194 = arith.constant 0 : i32
    %cond3A_195 = arith.cmpi ne, %convert_element_type3A_193, %cond3A_194 : i32
    scf.if %cond3A_195 {
      %dma_wait3A_563 = arith.constant 0 : i32
      %dma_wait3A_564 = arith.constant 0 : i32
      %dma_wait3A_565 = tpu.memref_slice %arg14[%dma_wait3A_563, %dma_wait3A_564] : memref<304x128xf32, #tpu.memory_space<vmem>> -> memref<16x128xf32, #tpu.memory_space<vmem>>
      %dma_wait3A_566 = arith.constant 0 : i32
      %dma_wait3A_567 = arith.constant 0 : i32
      %dma_wait3A_568 = tpu.memref_slice %arg6[%dma_wait3A_566, %dma_wait3A_567] : memref<632x128xf32, #tpu.memory_space<hbm>> -> memref<16x128xf32, #tpu.memory_space<hbm>>
      %dma_wait3A_569 = arith.constant 0 : i32
      %dma_wait3A_570 = arith.constant 0 : i32
      %dma_wait3A_571 = tpu.memref_slice %arg14[%dma_wait3A_569, %dma_wait3A_570] : memref<304x128xf32, #tpu.memory_space<vmem>> -> memref<16x128xf32, #tpu.memory_space<vmem>>
      %dma_wait3A_572 = arith.constant 0 : i32
      %dma_wait3A_573 = arith.constant 0 : i32
      %dma_wait3A_574 = tpu.memref_slice %arg6[%dma_wait3A_572, %dma_wait3A_573] : memref<632x128xf32, #tpu.memory_space<hbm>> -> memref<16x128xf32, #tpu.memory_space<hbm>>
      tpu.wait_dma2 semaphore(%arg18 : memref<!tpu.dma_semaphore, #tpu.memory_space<semaphore_mem>>) src(%dma_wait3A_574 : memref<16x128xf32, #tpu.memory_space<hbm>>) dst(%dma_wait3A_571 : memref<16x128xf32, #tpu.memory_space<vmem>>)
    } else {
    }
    %ge3A_196 = arith.constant 13 : i32
    %ge3A_197 = arith.cmpi sge, %add3A_116, %ge3A_196 : i32
    %convert_element_type3A_198 = arith.extui %ge3A_197 : i1 to i32
    %cond3A_199 = arith.constant 0 : i32
    %cond3A_200 = arith.cmpi ne, %convert_element_type3A_198, %cond3A_199 : i32
    scf.if %cond3A_200 {
      %dma_wait3A_563 = arith.constant 0 : i32
      %dma_wait3A_564 = arith.constant 0 : i32
      %dma_wait3A_565 = tpu.memref_slice %arg14[%dma_wait3A_563, %dma_wait3A_564] : memref<304x128xf32, #tpu.memory_space<vmem>> -> memref<16x128xf32, #tpu.memory_space<vmem>>
      %dma_wait3A_566 = arith.constant 0 : i32
      %dma_wait3A_567 = arith.constant 0 : i32
      %dma_wait3A_568 = tpu.memref_slice %arg6[%dma_wait3A_566, %dma_wait3A_567] : memref<632x128xf32, #tpu.memory_space<hbm>> -> memref<16x128xf32, #tpu.memory_space<hbm>>
      %dma_wait3A_569 = arith.constant 0 : i32
      %dma_wait3A_570 = arith.constant 0 : i32
      %dma_wait3A_571 = tpu.memref_slice %arg14[%dma_wait3A_569, %dma_wait3A_570] : memref<304x128xf32, #tpu.memory_space<vmem>> -> memref<16x128xf32, #tpu.memory_space<vmem>>
      %dma_wait3A_572 = arith.constant 0 : i32
      %dma_wait3A_573 = arith.constant 0 : i32
      %dma_wait3A_574 = tpu.memref_slice %arg6[%dma_wait3A_572, %dma_wait3A_573] : memref<632x128xf32, #tpu.memory_space<hbm>> -> memref<16x128xf32, #tpu.memory_space<hbm>>
      tpu.wait_dma2 semaphore(%arg18 : memref<!tpu.dma_semaphore, #tpu.memory_space<semaphore_mem>>) src(%dma_wait3A_574 : memref<16x128xf32, #tpu.memory_space<hbm>>) dst(%dma_wait3A_571 : memref<16x128xf32, #tpu.memory_space<vmem>>)
    } else {
    }
    %ge3A_201 = arith.constant 12 : i32
    %ge3A_202 = arith.cmpi sge, %add3A_116, %ge3A_201 : i32
    %convert_element_type3A_203 = arith.extui %ge3A_202 : i1 to i32
    %cond3A_204 = arith.constant 0 : i32
    %cond3A_205 = arith.cmpi ne, %convert_element_type3A_203, %cond3A_204 : i32
    scf.if %cond3A_205 {
      %dma_wait3A_563 = arith.constant 0 : i32
      %dma_wait3A_564 = arith.constant 0 : i32
      %dma_wait3A_565 = tpu.memref_slice %arg14[%dma_wait3A_563, %dma_wait3A_564] : memref<304x128xf32, #tpu.memory_space<vmem>> -> memref<16x128xf32, #tpu.memory_space<vmem>>
      %dma_wait3A_566 = arith.constant 0 : i32
      %dma_wait3A_567 = arith.constant 0 : i32
      %dma_wait3A_568 = tpu.memref_slice %arg6[%dma_wait3A_566, %dma_wait3A_567] : memref<632x128xf32, #tpu.memory_space<hbm>> -> memref<16x128xf32, #tpu.memory_space<hbm>>
      %dma_wait3A_569 = arith.constant 0 : i32
      %dma_wait3A_570 = arith.constant 0 : i32
      %dma_wait3A_571 = tpu.memref_slice %arg14[%dma_wait3A_569, %dma_wait3A_570] : memref<304x128xf32, #tpu.memory_space<vmem>> -> memref<16x128xf32, #tpu.memory_space<vmem>>
      %dma_wait3A_572 = arith.constant 0 : i32
      %dma_wait3A_573 = arith.constant 0 : i32
      %dma_wait3A_574 = tpu.memref_slice %arg6[%dma_wait3A_572, %dma_wait3A_573] : memref<632x128xf32, #tpu.memory_space<hbm>> -> memref<16x128xf32, #tpu.memory_space<hbm>>
      tpu.wait_dma2 semaphore(%arg18 : memref<!tpu.dma_semaphore, #tpu.memory_space<semaphore_mem>>) src(%dma_wait3A_574 : memref<16x128xf32, #tpu.memory_space<hbm>>) dst(%dma_wait3A_571 : memref<16x128xf32, #tpu.memory_space<vmem>>)
    } else {
    }
    %ge3A_206 = arith.constant 11 : i32
    %ge3A_207 = arith.cmpi sge, %add3A_116, %ge3A_206 : i32
    %convert_element_type3A_208 = arith.extui %ge3A_207 : i1 to i32
    %cond3A_209 = arith.constant 0 : i32
    %cond3A_210 = arith.cmpi ne, %convert_element_type3A_208, %cond3A_209 : i32
    scf.if %cond3A_210 {
      %dma_wait3A_563 = arith.constant 0 : i32
      %dma_wait3A_564 = arith.constant 0 : i32
      %dma_wait3A_565 = tpu.memref_slice %arg14[%dma_wait3A_563, %dma_wait3A_564] : memref<304x128xf32, #tpu.memory_space<vmem>> -> memref<16x128xf32, #tpu.memory_space<vmem>>
      %dma_wait3A_566 = arith.constant 0 : i32
      %dma_wait3A_567 = arith.constant 0 : i32
      %dma_wait3A_568 = tpu.memref_slice %arg6[%dma_wait3A_566, %dma_wait3A_567] : memref<632x128xf32, #tpu.memory_space<hbm>> -> memref<16x128xf32, #tpu.memory_space<hbm>>
      %dma_wait3A_569 = arith.constant 0 : i32
      %dma_wait3A_570 = arith.constant 0 : i32
      %dma_wait3A_571 = tpu.memref_slice %arg14[%dma_wait3A_569, %dma_wait3A_570] : memref<304x128xf32, #tpu.memory_space<vmem>> -> memref<16x128xf32, #tpu.memory_space<vmem>>
      %dma_wait3A_572 = arith.constant 0 : i32
      %dma_wait3A_573 = arith.constant 0 : i32
      %dma_wait3A_574 = tpu.memref_slice %arg6[%dma_wait3A_572, %dma_wait3A_573] : memref<632x128xf32, #tpu.memory_space<hbm>> -> memref<16x128xf32, #tpu.memory_space<hbm>>
      tpu.wait_dma2 semaphore(%arg18 : memref<!tpu.dma_semaphore, #tpu.memory_space<semaphore_mem>>) src(%dma_wait3A_574 : memref<16x128xf32, #tpu.memory_space<hbm>>) dst(%dma_wait3A_571 : memref<16x128xf32, #tpu.memory_space<vmem>>)
    } else {
    }
    %ge3A_211 = arith.constant 10 : i32
    %ge3A_212 = arith.cmpi sge, %add3A_116, %ge3A_211 : i32
    %convert_element_type3A_213 = arith.extui %ge3A_212 : i1 to i32
    %cond3A_214 = arith.constant 0 : i32
    %cond3A_215 = arith.cmpi ne, %convert_element_type3A_213, %cond3A_214 : i32
    scf.if %cond3A_215 {
      %dma_wait3A_563 = arith.constant 0 : i32
      %dma_wait3A_564 = arith.constant 0 : i32
      %dma_wait3A_565 = tpu.memref_slice %arg14[%dma_wait3A_563, %dma_wait3A_564] : memref<304x128xf32, #tpu.memory_space<vmem>> -> memref<16x128xf32, #tpu.memory_space<vmem>>
      %dma_wait3A_566 = arith.constant 0 : i32
      %dma_wait3A_567 = arith.constant 0 : i32
      %dma_wait3A_568 = tpu.memref_slice %arg6[%dma_wait3A_566, %dma_wait3A_567] : memref<632x128xf32, #tpu.memory_space<hbm>> -> memref<16x128xf32, #tpu.memory_space<hbm>>
      %dma_wait3A_569 = arith.constant 0 : i32
      %dma_wait3A_570 = arith.constant 0 : i32
      %dma_wait3A_571 = tpu.memref_slice %arg14[%dma_wait3A_569, %dma_wait3A_570] : memref<304x128xf32, #tpu.memory_space<vmem>> -> memref<16x128xf32, #tpu.memory_space<vmem>>
      %dma_wait3A_572 = arith.constant 0 : i32
      %dma_wait3A_573 = arith.constant 0 : i32
      %dma_wait3A_574 = tpu.memref_slice %arg6[%dma_wait3A_572, %dma_wait3A_573] : memref<632x128xf32, #tpu.memory_space<hbm>> -> memref<16x128xf32, #tpu.memory_space<hbm>>
      tpu.wait_dma2 semaphore(%arg18 : memref<!tpu.dma_semaphore, #tpu.memory_space<semaphore_mem>>) src(%dma_wait3A_574 : memref<16x128xf32, #tpu.memory_space<hbm>>) dst(%dma_wait3A_571 : memref<16x128xf32, #tpu.memory_space<vmem>>)
    } else {
    }
    %ge3A_216 = arith.constant 9 : i32
    %ge3A_217 = arith.cmpi sge, %add3A_116, %ge3A_216 : i32
    %convert_element_type3A_218 = arith.extui %ge3A_217 : i1 to i32
    %cond3A_219 = arith.constant 0 : i32
    %cond3A_220 = arith.cmpi ne, %convert_element_type3A_218, %cond3A_219 : i32
    scf.if %cond3A_220 {
      %dma_wait3A_563 = arith.constant 0 : i32
      %dma_wait3A_564 = arith.constant 0 : i32
      %dma_wait3A_565 = tpu.memref_slice %arg14[%dma_wait3A_563, %dma_wait3A_564] : memref<304x128xf32, #tpu.memory_space<vmem>> -> memref<16x128xf32, #tpu.memory_space<vmem>>
      %dma_wait3A_566 = arith.constant 0 : i32
      %dma_wait3A_567 = arith.constant 0 : i32
      %dma_wait3A_568 = tpu.memref_slice %arg6[%dma_wait3A_566, %dma_wait3A_567] : memref<632x128xf32, #tpu.memory_space<hbm>> -> memref<16x128xf32, #tpu.memory_space<hbm>>
      %dma_wait3A_569 = arith.constant 0 : i32
      %dma_wait3A_570 = arith.constant 0 : i32
      %dma_wait3A_571 = tpu.memref_slice %arg14[%dma_wait3A_569, %dma_wait3A_570] : memref<304x128xf32, #tpu.memory_space<vmem>> -> memref<16x128xf32, #tpu.memory_space<vmem>>
      %dma_wait3A_572 = arith.constant 0 : i32
      %dma_wait3A_573 = arith.constant 0 : i32
      %dma_wait3A_574 = tpu.memref_slice %arg6[%dma_wait3A_572, %dma_wait3A_573] : memref<632x128xf32, #tpu.memory_space<hbm>> -> memref<16x128xf32, #tpu.memory_space<hbm>>
      tpu.wait_dma2 semaphore(%arg18 : memref<!tpu.dma_semaphore, #tpu.memory_space<semaphore_mem>>) src(%dma_wait3A_574 : memref<16x128xf32, #tpu.memory_space<hbm>>) dst(%dma_wait3A_571 : memref<16x128xf32, #tpu.memory_space<vmem>>)
    } else {
    }
    %ge3A_221 = arith.constant 8 : i32
    %ge3A_222 = arith.cmpi sge, %add3A_116, %ge3A_221 : i32
    %convert_element_type3A_223 = arith.extui %ge3A_222 : i1 to i32
    %cond3A_224 = arith.constant 0 : i32
    %cond3A_225 = arith.cmpi ne, %convert_element_type3A_223, %cond3A_224 : i32
    scf.if %cond3A_225 {
      %dma_wait3A_563 = arith.constant 0 : i32
      %dma_wait3A_564 = arith.constant 0 : i32
      %dma_wait3A_565 = tpu.memref_slice %arg14[%dma_wait3A_563, %dma_wait3A_564] : memref<304x128xf32, #tpu.memory_space<vmem>> -> memref<16x128xf32, #tpu.memory_space<vmem>>
      %dma_wait3A_566 = arith.constant 0 : i32
      %dma_wait3A_567 = arith.constant 0 : i32
      %dma_wait3A_568 = tpu.memref_slice %arg6[%dma_wait3A_566, %dma_wait3A_567] : memref<632x128xf32, #tpu.memory_space<hbm>> -> memref<16x128xf32, #tpu.memory_space<hbm>>
      %dma_wait3A_569 = arith.constant 0 : i32
      %dma_wait3A_570 = arith.constant 0 : i32
      %dma_wait3A_571 = tpu.memref_slice %arg14[%dma_wait3A_569, %dma_wait3A_570] : memref<304x128xf32, #tpu.memory_space<vmem>> -> memref<16x128xf32, #tpu.memory_space<vmem>>
      %dma_wait3A_572 = arith.constant 0 : i32
      %dma_wait3A_573 = arith.constant 0 : i32
      %dma_wait3A_574 = tpu.memref_slice %arg6[%dma_wait3A_572, %dma_wait3A_573] : memref<632x128xf32, #tpu.memory_space<hbm>> -> memref<16x128xf32, #tpu.memory_space<hbm>>
      tpu.wait_dma2 semaphore(%arg18 : memref<!tpu.dma_semaphore, #tpu.memory_space<semaphore_mem>>) src(%dma_wait3A_574 : memref<16x128xf32, #tpu.memory_space<hbm>>) dst(%dma_wait3A_571 : memref<16x128xf32, #tpu.memory_space<vmem>>)
    } else {
    }
    %ge3A_226 = arith.constant 7 : i32
    %ge3A_227 = arith.cmpi sge, %add3A_116, %ge3A_226 : i32
    %convert_element_type3A_228 = arith.extui %ge3A_227 : i1 to i32
    %cond3A_229 = arith.constant 0 : i32
    %cond3A_230 = arith.cmpi ne, %convert_element_type3A_228, %cond3A_229 : i32
    scf.if %cond3A_230 {
      %dma_wait3A_563 = arith.constant 0 : i32
      %dma_wait3A_564 = arith.constant 0 : i32
      %dma_wait3A_565 = tpu.memref_slice %arg14[%dma_wait3A_563, %dma_wait3A_564] : memref<304x128xf32, #tpu.memory_space<vmem>> -> memref<16x128xf32, #tpu.memory_space<vmem>>
      %dma_wait3A_566 = arith.constant 0 : i32
      %dma_wait3A_567 = arith.constant 0 : i32
      %dma_wait3A_568 = tpu.memref_slice %arg6[%dma_wait3A_566, %dma_wait3A_567] : memref<632x128xf32, #tpu.memory_space<hbm>> -> memref<16x128xf32, #tpu.memory_space<hbm>>
      %dma_wait3A_569 = arith.constant 0 : i32
      %dma_wait3A_570 = arith.constant 0 : i32
      %dma_wait3A_571 = tpu.memref_slice %arg14[%dma_wait3A_569, %dma_wait3A_570] : memref<304x128xf32, #tpu.memory_space<vmem>> -> memref<16x128xf32, #tpu.memory_space<vmem>>
      %dma_wait3A_572 = arith.constant 0 : i32
      %dma_wait3A_573 = arith.constant 0 : i32
      %dma_wait3A_574 = tpu.memref_slice %arg6[%dma_wait3A_572, %dma_wait3A_573] : memref<632x128xf32, #tpu.memory_space<hbm>> -> memref<16x128xf32, #tpu.memory_space<hbm>>
      tpu.wait_dma2 semaphore(%arg18 : memref<!tpu.dma_semaphore, #tpu.memory_space<semaphore_mem>>) src(%dma_wait3A_574 : memref<16x128xf32, #tpu.memory_space<hbm>>) dst(%dma_wait3A_571 : memref<16x128xf32, #tpu.memory_space<vmem>>)
    } else {
    }
    %ge3A_231 = arith.constant 6 : i32
    %ge3A_232 = arith.cmpi sge, %add3A_116, %ge3A_231 : i32
    %convert_element_type3A_233 = arith.extui %ge3A_232 : i1 to i32
    %cond3A_234 = arith.constant 0 : i32
    %cond3A_235 = arith.cmpi ne, %convert_element_type3A_233, %cond3A_234 : i32
    scf.if %cond3A_235 {
      %dma_wait3A_563 = arith.constant 0 : i32
      %dma_wait3A_564 = arith.constant 0 : i32
      %dma_wait3A_565 = tpu.memref_slice %arg14[%dma_wait3A_563, %dma_wait3A_564] : memref<304x128xf32, #tpu.memory_space<vmem>> -> memref<16x128xf32, #tpu.memory_space<vmem>>
      %dma_wait3A_566 = arith.constant 0 : i32
      %dma_wait3A_567 = arith.constant 0 : i32
      %dma_wait3A_568 = tpu.memref_slice %arg6[%dma_wait3A_566, %dma_wait3A_567] : memref<632x128xf32, #tpu.memory_space<hbm>> -> memref<16x128xf32, #tpu.memory_space<hbm>>
      %dma_wait3A_569 = arith.constant 0 : i32
      %dma_wait3A_570 = arith.constant 0 : i32
      %dma_wait3A_571 = tpu.memref_slice %arg14[%dma_wait3A_569, %dma_wait3A_570] : memref<304x128xf32, #tpu.memory_space<vmem>> -> memref<16x128xf32, #tpu.memory_space<vmem>>
      %dma_wait3A_572 = arith.constant 0 : i32
      %dma_wait3A_573 = arith.constant 0 : i32
      %dma_wait3A_574 = tpu.memref_slice %arg6[%dma_wait3A_572, %dma_wait3A_573] : memref<632x128xf32, #tpu.memory_space<hbm>> -> memref<16x128xf32, #tpu.memory_space<hbm>>
      tpu.wait_dma2 semaphore(%arg18 : memref<!tpu.dma_semaphore, #tpu.memory_space<semaphore_mem>>) src(%dma_wait3A_574 : memref<16x128xf32, #tpu.memory_space<hbm>>) dst(%dma_wait3A_571 : memref<16x128xf32, #tpu.memory_space<vmem>>)
    } else {
    }
    %ge3A_236 = arith.constant 5 : i32
    %ge3A_237 = arith.cmpi sge, %add3A_116, %ge3A_236 : i32
    %convert_element_type3A_238 = arith.extui %ge3A_237 : i1 to i32
    %cond3A_239 = arith.constant 0 : i32
    %cond3A_240 = arith.cmpi ne, %convert_element_type3A_238, %cond3A_239 : i32
    scf.if %cond3A_240 {
      %dma_wait3A_563 = arith.constant 0 : i32
      %dma_wait3A_564 = arith.constant 0 : i32
      %dma_wait3A_565 = tpu.memref_slice %arg14[%dma_wait3A_563, %dma_wait3A_564] : memref<304x128xf32, #tpu.memory_space<vmem>> -> memref<16x128xf32, #tpu.memory_space<vmem>>
      %dma_wait3A_566 = arith.constant 0 : i32
      %dma_wait3A_567 = arith.constant 0 : i32
      %dma_wait3A_568 = tpu.memref_slice %arg6[%dma_wait3A_566, %dma_wait3A_567] : memref<632x128xf32, #tpu.memory_space<hbm>> -> memref<16x128xf32, #tpu.memory_space<hbm>>
      %dma_wait3A_569 = arith.constant 0 : i32
      %dma_wait3A_570 = arith.constant 0 : i32
      %dma_wait3A_571 = tpu.memref_slice %arg14[%dma_wait3A_569, %dma_wait3A_570] : memref<304x128xf32, #tpu.memory_space<vmem>> -> memref<16x128xf32, #tpu.memory_space<vmem>>
      %dma_wait3A_572 = arith.constant 0 : i32
      %dma_wait3A_573 = arith.constant 0 : i32
      %dma_wait3A_574 = tpu.memref_slice %arg6[%dma_wait3A_572, %dma_wait3A_573] : memref<632x128xf32, #tpu.memory_space<hbm>> -> memref<16x128xf32, #tpu.memory_space<hbm>>
      tpu.wait_dma2 semaphore(%arg18 : memref<!tpu.dma_semaphore, #tpu.memory_space<semaphore_mem>>) src(%dma_wait3A_574 : memref<16x128xf32, #tpu.memory_space<hbm>>) dst(%dma_wait3A_571 : memref<16x128xf32, #tpu.memory_space<vmem>>)
    } else {
    }
    %ge3A_241 = arith.constant 4 : i32
    %ge3A_242 = arith.cmpi sge, %add3A_116, %ge3A_241 : i32
    %convert_element_type3A_243 = arith.extui %ge3A_242 : i1 to i32
    %cond3A_244 = arith.constant 0 : i32
    %cond3A_245 = arith.cmpi ne, %convert_element_type3A_243, %cond3A_244 : i32
    scf.if %cond3A_245 {
      %dma_wait3A_563 = arith.constant 0 : i32
      %dma_wait3A_564 = arith.constant 0 : i32
      %dma_wait3A_565 = tpu.memref_slice %arg14[%dma_wait3A_563, %dma_wait3A_564] : memref<304x128xf32, #tpu.memory_space<vmem>> -> memref<16x128xf32, #tpu.memory_space<vmem>>
      %dma_wait3A_566 = arith.constant 0 : i32
      %dma_wait3A_567 = arith.constant 0 : i32
      %dma_wait3A_568 = tpu.memref_slice %arg6[%dma_wait3A_566, %dma_wait3A_567] : memref<632x128xf32, #tpu.memory_space<hbm>> -> memref<16x128xf32, #tpu.memory_space<hbm>>
      %dma_wait3A_569 = arith.constant 0 : i32
      %dma_wait3A_570 = arith.constant 0 : i32
      %dma_wait3A_571 = tpu.memref_slice %arg14[%dma_wait3A_569, %dma_wait3A_570] : memref<304x128xf32, #tpu.memory_space<vmem>> -> memref<16x128xf32, #tpu.memory_space<vmem>>
      %dma_wait3A_572 = arith.constant 0 : i32
      %dma_wait3A_573 = arith.constant 0 : i32
      %dma_wait3A_574 = tpu.memref_slice %arg6[%dma_wait3A_572, %dma_wait3A_573] : memref<632x128xf32, #tpu.memory_space<hbm>> -> memref<16x128xf32, #tpu.memory_space<hbm>>
      tpu.wait_dma2 semaphore(%arg18 : memref<!tpu.dma_semaphore, #tpu.memory_space<semaphore_mem>>) src(%dma_wait3A_574 : memref<16x128xf32, #tpu.memory_space<hbm>>) dst(%dma_wait3A_571 : memref<16x128xf32, #tpu.memory_space<vmem>>)
    } else {
    }
    %ge3A_246 = arith.constant 3 : i32
    %ge3A_247 = arith.cmpi sge, %add3A_116, %ge3A_246 : i32
    %convert_element_type3A_248 = arith.extui %ge3A_247 : i1 to i32
    %cond3A_249 = arith.constant 0 : i32
    %cond3A_250 = arith.cmpi ne, %convert_element_type3A_248, %cond3A_249 : i32
    scf.if %cond3A_250 {
      %dma_wait3A_563 = arith.constant 0 : i32
      %dma_wait3A_564 = arith.constant 0 : i32
      %dma_wait3A_565 = tpu.memref_slice %arg14[%dma_wait3A_563, %dma_wait3A_564] : memref<304x128xf32, #tpu.memory_space<vmem>> -> memref<16x128xf32, #tpu.memory_space<vmem>>
      %dma_wait3A_566 = arith.constant 0 : i32
      %dma_wait3A_567 = arith.constant 0 : i32
      %dma_wait3A_568 = tpu.memref_slice %arg6[%dma_wait3A_566, %dma_wait3A_567] : memref<632x128xf32, #tpu.memory_space<hbm>> -> memref<16x128xf32, #tpu.memory_space<hbm>>
      %dma_wait3A_569 = arith.constant 0 : i32
      %dma_wait3A_570 = arith.constant 0 : i32
      %dma_wait3A_571 = tpu.memref_slice %arg14[%dma_wait3A_569, %dma_wait3A_570] : memref<304x128xf32, #tpu.memory_space<vmem>> -> memref<16x128xf32, #tpu.memory_space<vmem>>
      %dma_wait3A_572 = arith.constant 0 : i32
      %dma_wait3A_573 = arith.constant 0 : i32
      %dma_wait3A_574 = tpu.memref_slice %arg6[%dma_wait3A_572, %dma_wait3A_573] : memref<632x128xf32, #tpu.memory_space<hbm>> -> memref<16x128xf32, #tpu.memory_space<hbm>>
      tpu.wait_dma2 semaphore(%arg18 : memref<!tpu.dma_semaphore, #tpu.memory_space<semaphore_mem>>) src(%dma_wait3A_574 : memref<16x128xf32, #tpu.memory_space<hbm>>) dst(%dma_wait3A_571 : memref<16x128xf32, #tpu.memory_space<vmem>>)
    } else {
    }
    %ge3A_251 = arith.constant 2 : i32
    %ge3A_252 = arith.cmpi sge, %add3A_116, %ge3A_251 : i32
    %convert_element_type3A_253 = arith.extui %ge3A_252 : i1 to i32
    %cond3A_254 = arith.constant 0 : i32
    %cond3A_255 = arith.cmpi ne, %convert_element_type3A_253, %cond3A_254 : i32
    scf.if %cond3A_255 {
      %dma_wait3A_563 = arith.constant 0 : i32
      %dma_wait3A_564 = arith.constant 0 : i32
      %dma_wait3A_565 = tpu.memref_slice %arg14[%dma_wait3A_563, %dma_wait3A_564] : memref<304x128xf32, #tpu.memory_space<vmem>> -> memref<16x128xf32, #tpu.memory_space<vmem>>
      %dma_wait3A_566 = arith.constant 0 : i32
      %dma_wait3A_567 = arith.constant 0 : i32
      %dma_wait3A_568 = tpu.memref_slice %arg6[%dma_wait3A_566, %dma_wait3A_567] : memref<632x128xf32, #tpu.memory_space<hbm>> -> memref<16x128xf32, #tpu.memory_space<hbm>>
      %dma_wait3A_569 = arith.constant 0 : i32
      %dma_wait3A_570 = arith.constant 0 : i32
      %dma_wait3A_571 = tpu.memref_slice %arg14[%dma_wait3A_569, %dma_wait3A_570] : memref<304x128xf32, #tpu.memory_space<vmem>> -> memref<16x128xf32, #tpu.memory_space<vmem>>
      %dma_wait3A_572 = arith.constant 0 : i32
      %dma_wait3A_573 = arith.constant 0 : i32
      %dma_wait3A_574 = tpu.memref_slice %arg6[%dma_wait3A_572, %dma_wait3A_573] : memref<632x128xf32, #tpu.memory_space<hbm>> -> memref<16x128xf32, #tpu.memory_space<hbm>>
      tpu.wait_dma2 semaphore(%arg18 : memref<!tpu.dma_semaphore, #tpu.memory_space<semaphore_mem>>) src(%dma_wait3A_574 : memref<16x128xf32, #tpu.memory_space<hbm>>) dst(%dma_wait3A_571 : memref<16x128xf32, #tpu.memory_space<vmem>>)
    } else {
    }
    %ge3A_256 = arith.constant 1 : i32
    %ge3A_257 = arith.cmpi sge, %add3A_116, %ge3A_256 : i32
    %convert_element_type3A_258 = arith.extui %ge3A_257 : i1 to i32
    %cond3A_259 = arith.constant 0 : i32
    %cond3A_260 = arith.cmpi ne, %convert_element_type3A_258, %cond3A_259 : i32
    scf.if %cond3A_260 {
      %dma_wait3A_563 = arith.constant 0 : i32
      %dma_wait3A_564 = arith.constant 0 : i32
      %dma_wait3A_565 = tpu.memref_slice %arg14[%dma_wait3A_563, %dma_wait3A_564] : memref<304x128xf32, #tpu.memory_space<vmem>> -> memref<16x128xf32, #tpu.memory_space<vmem>>
      %dma_wait3A_566 = arith.constant 0 : i32
      %dma_wait3A_567 = arith.constant 0 : i32
      %dma_wait3A_568 = tpu.memref_slice %arg6[%dma_wait3A_566, %dma_wait3A_567] : memref<632x128xf32, #tpu.memory_space<hbm>> -> memref<16x128xf32, #tpu.memory_space<hbm>>
      %dma_wait3A_569 = arith.constant 0 : i32
      %dma_wait3A_570 = arith.constant 0 : i32
      %dma_wait3A_571 = tpu.memref_slice %arg14[%dma_wait3A_569, %dma_wait3A_570] : memref<304x128xf32, #tpu.memory_space<vmem>> -> memref<16x128xf32, #tpu.memory_space<vmem>>
      %dma_wait3A_572 = arith.constant 0 : i32
      %dma_wait3A_573 = arith.constant 0 : i32
      %dma_wait3A_574 = tpu.memref_slice %arg6[%dma_wait3A_572, %dma_wait3A_573] : memref<632x128xf32, #tpu.memory_space<hbm>> -> memref<16x128xf32, #tpu.memory_space<hbm>>
      tpu.wait_dma2 semaphore(%arg18 : memref<!tpu.dma_semaphore, #tpu.memory_space<semaphore_mem>>) src(%dma_wait3A_574 : memref<16x128xf32, #tpu.memory_space<hbm>>) dst(%dma_wait3A_571 : memref<16x128xf32, #tpu.memory_space<vmem>>)
    } else {
    }
    %barrier3A_261 = arith.constant 0 : index
    tpu.barrier barrier_id(%barrier3A_261)
    %mul3A_262 = arith.constant 10112 : i32
    %mul3A_263 = arith.muli %add3A_3, %mul3A_262 : i32
    %add3A_264 = arith.addi %mul3A_263, %mul3A_2 : i32
    %dma_start3A_265 = arith.constant 0 : i32
    %dma_start3A_266 = tpu.memref_slice %arg7[%add3A_264, %dma_start3A_265] : memref<40448x128xf32, #tpu.memory_space<hbm>> -> memref<632x128xf32, #tpu.memory_space<hbm>>
    %dma_start3A_267 = arith.constant 0 : i32
    %dma_start3A_268 = tpu.memref_slice %arg15[%mul3A_2, %dma_start3A_267] : memref<10112x128xf32, #tpu.memory_space<vmem_shared>> -> memref<632x128xf32, #tpu.memory_space<vmem_shared>>
    tpu.enqueue_dma source(%dma_start3A_268 : memref<632x128xf32, #tpu.memory_space<vmem_shared>>) target(%dma_start3A_266 : memref<632x128xf32, #tpu.memory_space<hbm>>) target_semaphore(%arg19 : memref<!tpu.dma_semaphore, #tpu.memory_space<semaphore_mem>>)
    %add3A_269 = arith.constant 2 : i32
    %add3A_270 = arith.addi %add3A_269, %arg0 : i32
    %add3A_271 = arith.constant 0 : i32
    %add3A_272 = arith.addi %mul3A_0, %add3A_271 : i32
    %dma_start3A_273 = arith.constant 0 : i32
    %dma_start3A_274 = tpu.memref_slice %arg8[%dma_start3A_273] : memref<800xi32, #tpu.memory_space<vmem>> -> memref<400xi32, #tpu.memory_space<vmem>>
    %dma_start3A_275 = tpu.memref_slice %arg3[%add3A_272] : memref<320000xi32, #tpu.memory_space<hbm>> -> memref<400xi32, #tpu.memory_space<hbm>>
    %dma_start3A_276 = arith.constant 0 : i32
    %dma_start3A_277 = tpu.memref_slice %arg8[%dma_start3A_276] : memref<800xi32, #tpu.memory_space<vmem>> -> memref<400xi32, #tpu.memory_space<vmem>>
    %dma_start3A_278 = tpu.memref_slice %arg3[%add3A_272] : memref<320000xi32, #tpu.memory_space<hbm>> -> memref<400xi32, #tpu.memory_space<hbm>>
    tpu.enqueue_dma source(%dma_start3A_278 : memref<400xi32, #tpu.memory_space<hbm>>) target(%dma_start3A_277 : memref<400xi32, #tpu.memory_space<vmem>>) target_semaphore(%arg16 : memref<!tpu.dma_semaphore, #tpu.memory_space<semaphore_mem>>)
    %dma_start3A_279 = arith.constant 0 : i32
    %dma_start3A_280 = tpu.memref_slice %arg9[%dma_start3A_279] : memref<800xi32, #tpu.memory_space<vmem>> -> memref<400xi32, #tpu.memory_space<vmem>>
    %dma_start3A_281 = tpu.memref_slice %arg4[%add3A_272] : memref<320000xi32, #tpu.memory_space<hbm>> -> memref<400xi32, #tpu.memory_space<hbm>>
    %dma_start3A_282 = arith.constant 0 : i32
    %dma_start3A_283 = tpu.memref_slice %arg9[%dma_start3A_282] : memref<800xi32, #tpu.memory_space<vmem>> -> memref<400xi32, #tpu.memory_space<vmem>>
    %dma_start3A_284 = tpu.memref_slice %arg4[%add3A_272] : memref<320000xi32, #tpu.memory_space<hbm>> -> memref<400xi32, #tpu.memory_space<hbm>>
    tpu.enqueue_dma source(%dma_start3A_284 : memref<400xi32, #tpu.memory_space<hbm>>) target(%dma_start3A_283 : memref<400xi32, #tpu.memory_space<vmem>>) target_semaphore(%arg16 : memref<!tpu.dma_semaphore, #tpu.memory_space<semaphore_mem>>)
    %dma_start3A_285 = arith.constant 0 : i32
    %dma_start3A_286 = tpu.memref_slice %arg10[%dma_start3A_285] : memref<800xi32, #tpu.memory_space<vmem>> -> memref<400xi32, #tpu.memory_space<vmem>>
    %dma_start3A_287 = tpu.memref_slice %arg5[%add3A_272] : memref<320000xi32, #tpu.memory_space<hbm>> -> memref<400xi32, #tpu.memory_space<hbm>>
    %dma_start3A_288 = arith.constant 0 : i32
    %dma_start3A_289 = tpu.memref_slice %arg10[%dma_start3A_288] : memref<800xi32, #tpu.memory_space<vmem>> -> memref<400xi32, #tpu.memory_space<vmem>>
    %dma_start3A_290 = tpu.memref_slice %arg5[%add3A_272] : memref<320000xi32, #tpu.memory_space<hbm>> -> memref<400xi32, #tpu.memory_space<hbm>>
    tpu.enqueue_dma source(%dma_start3A_290 : memref<400xi32, #tpu.memory_space<hbm>>) target(%dma_start3A_289 : memref<400xi32, #tpu.memory_space<vmem>>) target_semaphore(%arg16 : memref<!tpu.dma_semaphore, #tpu.memory_space<semaphore_mem>>)
    %add3A_291 = arith.constant 400 : i32
    %add3A_292 = arith.addi %mul3A_0, %add3A_291 : i32
    %dma_start3A_293 = arith.constant 400 : i32
    %dma_start3A_294 = tpu.memref_slice %arg8[%dma_start3A_293] : memref<800xi32, #tpu.memory_space<vmem>> -> memref<400xi32, #tpu.memory_space<vmem>>
    %dma_start3A_295 = tpu.memref_slice %arg3[%add3A_292] : memref<320000xi32, #tpu.memory_space<hbm>> -> memref<400xi32, #tpu.memory_space<hbm>>
    %dma_start3A_296 = arith.constant 400 : i32
    %dma_start3A_297 = tpu.memref_slice %arg8[%dma_start3A_296] : memref<800xi32, #tpu.memory_space<vmem>> -> memref<400xi32, #tpu.memory_space<vmem>>
    %dma_start3A_298 = tpu.memref_slice %arg3[%add3A_292] : memref<320000xi32, #tpu.memory_space<hbm>> -> memref<400xi32, #tpu.memory_space<hbm>>
    tpu.enqueue_dma source(%dma_start3A_298 : memref<400xi32, #tpu.memory_space<hbm>>) target(%dma_start3A_297 : memref<400xi32, #tpu.memory_space<vmem>>) target_semaphore(%arg16 : memref<!tpu.dma_semaphore, #tpu.memory_space<semaphore_mem>>)
    %dma_start3A_299 = arith.constant 400 : i32
    %dma_start3A_300 = tpu.memref_slice %arg9[%dma_start3A_299] : memref<800xi32, #tpu.memory_space<vmem>> -> memref<400xi32, #tpu.memory_space<vmem>>
    %dma_start3A_301 = tpu.memref_slice %arg4[%add3A_292] : memref<320000xi32, #tpu.memory_space<hbm>> -> memref<400xi32, #tpu.memory_space<hbm>>
    %dma_start3A_302 = arith.constant 400 : i32
    %dma_start3A_303 = tpu.memref_slice %arg9[%dma_start3A_302] : memref<800xi32, #tpu.memory_space<vmem>> -> memref<400xi32, #tpu.memory_space<vmem>>
    %dma_start3A_304 = tpu.memref_slice %arg4[%add3A_292] : memref<320000xi32, #tpu.memory_space<hbm>> -> memref<400xi32, #tpu.memory_space<hbm>>
    tpu.enqueue_dma source(%dma_start3A_304 : memref<400xi32, #tpu.memory_space<hbm>>) target(%dma_start3A_303 : memref<400xi32, #tpu.memory_space<vmem>>) target_semaphore(%arg16 : memref<!tpu.dma_semaphore, #tpu.memory_space<semaphore_mem>>)
    %dma_start3A_305 = arith.constant 400 : i32
    %dma_start3A_306 = tpu.memref_slice %arg10[%dma_start3A_305] : memref<800xi32, #tpu.memory_space<vmem>> -> memref<400xi32, #tpu.memory_space<vmem>>
    %dma_start3A_307 = tpu.memref_slice %arg5[%add3A_292] : memref<320000xi32, #tpu.memory_space<hbm>> -> memref<400xi32, #tpu.memory_space<hbm>>
    %dma_start3A_308 = arith.constant 400 : i32
    %dma_start3A_309 = tpu.memref_slice %arg10[%dma_start3A_308] : memref<800xi32, #tpu.memory_space<vmem>> -> memref<400xi32, #tpu.memory_space<vmem>>
    %dma_start3A_310 = tpu.memref_slice %arg5[%add3A_292] : memref<320000xi32, #tpu.memory_space<hbm>> -> memref<400xi32, #tpu.memory_space<hbm>>
    tpu.enqueue_dma source(%dma_start3A_310 : memref<400xi32, #tpu.memory_space<hbm>>) target(%dma_start3A_309 : memref<400xi32, #tpu.memory_space<vmem>>) target_semaphore(%arg16 : memref<!tpu.dma_semaphore, #tpu.memory_space<semaphore_mem>>)
    %dma_wait3A_311 = arith.constant 0 : i32
    %dma_wait3A_312 = tpu.memref_slice %arg7[%mul3A_2, %dma_wait3A_311] : memref<40448x128xf32, #tpu.memory_space<hbm>> -> memref<632x128xf32, #tpu.memory_space<hbm>>
    %dma_wait3A_313 = arith.constant 0 : i32
    %dma_wait3A_314 = tpu.memref_slice %arg15[%mul3A_2, %dma_wait3A_313] : memref<10112x128xf32, #tpu.memory_space<vmem_shared>> -> memref<632x128xf32, #tpu.memory_space<vmem_shared>>
    tpu.wait_dma2 semaphore(%arg19 : memref<!tpu.dma_semaphore, #tpu.memory_space<semaphore_mem>>) src(%dma_wait3A_314 : memref<632x128xf32, #tpu.memory_space<vmem_shared>>) dst(%dma_wait3A_312 : memref<632x128xf32, #tpu.memory_space<hbm>>)
    %dma_start3A_315 = arith.constant 0 : i32
    %dma_start3A_316 = tpu.memref_slice %arg15[%mul3A_2, %dma_start3A_315] : memref<10112x128xf32, #tpu.memory_space<vmem_shared>> -> memref<632x128xf32, #tpu.memory_space<vmem_shared>>
    tpu.enqueue_dma source(%arg6 : memref<632x128xf32, #tpu.memory_space<hbm>>) target(%dma_start3A_316 : memref<632x128xf32, #tpu.memory_space<vmem_shared>>) target_semaphore(%arg19 : memref<!tpu.dma_semaphore, #tpu.memory_space<semaphore_mem>>)
    %dma_wait3A_317 = arith.constant 0 : i32
    %dma_wait3A_318 = tpu.memref_slice %arg15[%mul3A_2, %dma_wait3A_317] : memref<10112x128xf32, #tpu.memory_space<vmem_shared>> -> memref<632x128xf32, #tpu.memory_space<vmem_shared>>
    tpu.wait_dma2 semaphore(%arg19 : memref<!tpu.dma_semaphore, #tpu.memory_space<semaphore_mem>>) src(%arg6 : memref<632x128xf32, #tpu.memory_space<hbm>>) dst(%dma_wait3A_318 : memref<632x128xf32, #tpu.memory_space<vmem_shared>>)
    %barrier3A_319 = arith.constant 0 : index
    tpu.barrier barrier_id(%barrier3A_319)
    %scan3A_320 = arith.constant 0 : i32
    %scan3A_321 = arith.constant 0 : i32
    %scan3A_322 = arith.constant 0 : i32
    %scan3A_323 = arith.constant 25 : i32
    %scan3A_324 = arith.addi %scan3A_322, %scan3A_323 : i32
    %scan3A_325 = arith.constant 1 : i32
    %scan3A_326:2 = scf.for %scan3A_563 = %scan3A_322 to %scan3A_324 step %scan3A_325 iter_args(%scan3A_564 = %scan3A_320, %scan3A_565 = %scan3A_321) -> (i32, i32)  : i32 {
      %dma_wait3A_566 = arith.constant 0 : i32
      %dma_wait3A_567 = tpu.memref_slice %arg8[%dma_wait3A_566] : memref<800xi32, #tpu.memory_space<vmem>> -> memref<400xi32, #tpu.memory_space<vmem>>
      %dma_wait3A_568 = arith.constant 0 : i32
      %dma_wait3A_569 = tpu.memref_slice %arg3[%dma_wait3A_568] : memref<320000xi32, #tpu.memory_space<hbm>> -> memref<400xi32, #tpu.memory_space<hbm>>
      %dma_wait3A_570 = arith.constant 0 : i32
      %dma_wait3A_571 = tpu.memref_slice %arg8[%dma_wait3A_570] : memref<800xi32, #tpu.memory_space<vmem>> -> memref<400xi32, #tpu.memory_space<vmem>>
      %dma_wait3A_572 = arith.constant 0 : i32
      %dma_wait3A_573 = tpu.memref_slice %arg3[%dma_wait3A_572] : memref<320000xi32, #tpu.memory_space<hbm>> -> memref<400xi32, #tpu.memory_space<hbm>>
      tpu.wait_dma2 semaphore(%arg16 : memref<!tpu.dma_semaphore, #tpu.memory_space<semaphore_mem>>) src(%dma_wait3A_573 : memref<400xi32, #tpu.memory_space<hbm>>) dst(%dma_wait3A_571 : memref<400xi32, #tpu.memory_space<vmem>>)
      %dma_wait3A_574 = arith.constant 0 : i32
      %dma_wait3A_575 = tpu.memref_slice %arg8[%dma_wait3A_574] : memref<800xi32, #tpu.memory_space<vmem>> -> memref<400xi32, #tpu.memory_space<vmem>>
      %dma_wait3A_576 = arith.constant 0 : i32
      %dma_wait3A_577 = tpu.memref_slice %arg3[%dma_wait3A_576] : memref<320000xi32, #tpu.memory_space<hbm>> -> memref<400xi32, #tpu.memory_space<hbm>>
      %dma_wait3A_578 = arith.constant 0 : i32
      %dma_wait3A_579 = tpu.memref_slice %arg8[%dma_wait3A_578] : memref<800xi32, #tpu.memory_space<vmem>> -> memref<400xi32, #tpu.memory_space<vmem>>
      %dma_wait3A_580 = arith.constant 0 : i32
      %dma_wait3A_581 = tpu.memref_slice %arg3[%dma_wait3A_580] : memref<320000xi32, #tpu.memory_space<hbm>> -> memref<400xi32, #tpu.memory_space<hbm>>
      tpu.wait_dma2 semaphore(%arg16 : memref<!tpu.dma_semaphore, #tpu.memory_space<semaphore_mem>>) src(%dma_wait3A_581 : memref<400xi32, #tpu.memory_space<hbm>>) dst(%dma_wait3A_579 : memref<400xi32, #tpu.memory_space<vmem>>)
      %dma_wait3A_582 = arith.constant 0 : i32
      %dma_wait3A_583 = tpu.memref_slice %arg8[%dma_wait3A_582] : memref<800xi32, #tpu.memory_space<vmem>> -> memref<400xi32, #tpu.memory_space<vmem>>
      %dma_wait3A_584 = arith.constant 0 : i32
      %dma_wait3A_585 = tpu.memref_slice %arg3[%dma_wait3A_584] : memref<320000xi32, #tpu.memory_space<hbm>> -> memref<400xi32, #tpu.memory_space<hbm>>
      %dma_wait3A_586 = arith.constant 0 : i32
      %dma_wait3A_587 = tpu.memref_slice %arg8[%dma_wait3A_586] : memref<800xi32, #tpu.memory_space<vmem>> -> memref<400xi32, #tpu.memory_space<vmem>>
      %dma_wait3A_588 = arith.constant 0 : i32
      %dma_wait3A_589 = tpu.memref_slice %arg3[%dma_wait3A_588] : memref<320000xi32, #tpu.memory_space<hbm>> -> memref<400xi32, #tpu.memory_space<hbm>>
      tpu.wait_dma2 semaphore(%arg16 : memref<!tpu.dma_semaphore, #tpu.memory_space<semaphore_mem>>) src(%dma_wait3A_589 : memref<400xi32, #tpu.memory_space<hbm>>) dst(%dma_wait3A_587 : memref<400xi32, #tpu.memory_space<vmem>>)
      %scan3A_590 = arith.constant 0 : i32
      %scan3A_591 = arith.constant 25 : i32
      %scan3A_592 = arith.addi %scan3A_590, %scan3A_591 : i32
      %scan3A_593 = arith.constant 1 : i32
      %scan3A_594 = scf.for %scan3A_719 = %scan3A_590 to %scan3A_592 step %scan3A_593 iter_args(%scan3A_720 = %scan3A_564) -> (i32)  : i32 {
        %mul3A_721 = arith.constant 16 : i32
        %mul3A_722 = arith.muli %scan3A_719, %mul3A_721 : i32
        %add3A_723 = arith.constant 0 : i32
        %add3A_724 = arith.addi %add3A_723, %mul3A_722 : i32
        %get3A = arith.index_cast %add3A_724 : i32 to index
        %get3A_725 = tpu.vector_load %arg8[%get3A] {strides = array<i32>} : memref<800xi32, #tpu.memory_space<vmem>>, vector<16xi32>,
        %mul3A_726 = arith.constant 16 : i32
        %mul3A_727 = arith.muli %scan3A_719, %mul3A_726 : i32
        %add3A_728 = arith.constant 0 : i32
        %add3A_729 = arith.addi %add3A_728, %mul3A_727 : i32
        %get3A_730 = arith.index_cast %add3A_729 : i32 to index
        %get3A_731 = tpu.vector_load %arg9[%get3A_730] {strides = array<i32>} : memref<800xi32, #tpu.memory_space<vmem>>, vector<16xi32>,
        %mul3A_732 = arith.constant 16 : i32
        %mul3A_733 = arith.muli %scan3A_719, %mul3A_732 : i32
        %add3A_734 = arith.constant 0 : i32
        %add3A_735 = arith.addi %add3A_734, %mul3A_733 : i32
        %get3A_736 = arith.index_cast %add3A_735 : i32 to index
        %get3A_737 = tpu.vector_load %arg10[%get3A_736] {strides = array<i32>} : memref<800xi32, #tpu.memory_space<vmem>>, vector<16xi32>,
        %eq3A = vector.broadcast %add3A_270 : i32 to vector<16xi32>
        %eq3A_738 = arith.cmpi eq, %get3A_737, %eq3A : vector<16xi32>
        %mul3A_739 = arith.constant 10000 : i32
        %mul3A_740 = arith.muli %add3A_270, %mul3A_739 : i32
        %add3A_741 = vector.broadcast %mul3A_740 : i32 to vector<16xi32>
        %add3A_742 = arith.addi %add3A_741, %get3A_725 : vector<16xi32>
        %shift_left3A = arith.constant 14 : i32
        %shift_left3A_743 = vector.broadcast %shift_left3A : i32 to vector<16xi32>
        %shift_left3A_744 = arith.shli %add3A_742, %shift_left3A_743 : vector<16xi32>
        %or3A = arith.ori %shift_left3A_744, %get3A_731 : vector<16xi32>
        %swap3A_745 = arith.index_cast %scan3A_720 : i32 to index
        %swap3A_746 = tpu.vector_load %arg11[%swap3A_745] masked %eq3A_738 {strides = array<i32>} : memref<432xi32, #tpu.memory_space<vmem>>, vector<16xi32>, vector<16xi1>
        tpu.vector_store %arg11[%swap3A_745], %or3A masked %eq3A_738 {strides = array<i32>} : memref<432xi32, #tpu.memory_space<vmem>>, vector<16xi32>, vector<16xi1>
        %convert_element_type3A_747 = arith.extui %eq3A_738 : vector<16xi1> to vector<16xi32>
        %reduce_sum3A = arith.constant true
        %reduce_sum3A_748 = vector.broadcast %reduce_sum3A : i1 to vector<16xi1>
        %reduce_sum3A_749 = tpu.scan <sum>, %convert_element_type3A_747 masked %reduce_sum3A_748 : vector<16xi32>, vector<16xi1> -> vector<16xi32>
        %reduce_sum3A_750 = vector.extract %reduce_sum3A_749[15] : i32 from vector<16xi32>
        %add3A_751 = arith.addi %scan3A_720, %reduce_sum3A_750 : i32
        scf.yield %add3A_751 : i32
      }
      %scan3A_595 = arith.constant 25 : i32
      %jit3A_596 = arith.constant 16 : i32
      %div3A_597 = arith.divsi %scan3A_594, %jit3A_596 : i32
      %sign3A_598 = arith.constant 0 : i32
      %sign3A_599 = arith.cmpi sgt, %scan3A_594, %sign3A_598 : i32
      %sign3A_600 = arith.extui %sign3A_599 : i1 to i32
      %sign3A_601 = arith.constant 0 : i32
      %sign3A_602 = arith.cmpi slt, %scan3A_594, %sign3A_601 : i32
      %sign3A_603 = arith.extui %sign3A_602 : i1 to i32
      %sign3A_604 = arith.subi %sign3A_600, %sign3A_603 : i32
      %sign3A_605 = arith.constant 0 : i32
      %sign3A_606 = arith.cmpi sgt, %jit3A_596, %sign3A_605 : i32
      %sign3A_607 = arith.extui %sign3A_606 : i1 to i32
      %sign3A_608 = arith.constant 0 : i32
      %sign3A_609 = arith.cmpi slt, %jit3A_596, %sign3A_608 : i32
      %sign3A_610 = arith.extui %sign3A_609 : i1 to i32
      %sign3A_611 = arith.subi %sign3A_607, %sign3A_610 : i32
      %ne3A_612 = arith.cmpi ne, %sign3A_604, %sign3A_611 : i32
      %rem3A_613 = arith.remsi %scan3A_594, %jit3A_596 : i32
      %ne3A_614 = arith.constant 0 : i32
      %ne3A_615 = arith.cmpi ne, %rem3A_613, %ne3A_614 : i32
      %and3A_616 = arith.andi %ne3A_612, %ne3A_615 : i1
      %sub3A_617 = arith.constant 1 : i32
      %sub3A_618 = arith.subi %div3A_597, %sub3A_617 : i32
      %select_n3A_619 = arith.select %and3A_616, %sub3A_618, %div3A_597 : i32
      %while3A_620 = arith.constant 0 : i32
      %while3A_621 = arith.subi %select_n3A_619, %while3A_620 : i32
      %while3A_622 = arith.addi %while3A_620, %while3A_621 : i32
      %while3A_623 = arith.constant 1 : i32
      %while3A_624 = arith.divsi %while3A_621, %while3A_623 : i32
      %while3A_625 = arith.muli %while3A_624, %while3A_623 : i32
      %while3A_626 = arith.addi %while3A_620, %while3A_625 : i32
      %while3A_627 = arith.constant 1 : i32
      scf.for %while3A_719 = %while3A_620 to %while3A_626 step %while3A_627  : i32 {
        %add3A_720 = arith.addi %scan3A_565, %while3A_719 : i32
        %ge3A_721 = arith.constant 19 : i32
        %ge3A_722 = arith.cmpi sge, %add3A_720, %ge3A_721 : i32
        %convert_element_type3A_723 = arith.extui %ge3A_722 : i1 to i32
        %cond3A_724 = arith.constant 0 : i32
        %cond3A_725 = arith.cmpi ne, %convert_element_type3A_723, %cond3A_724 : i32
        scf.if %cond3A_725 {
          %dma_wait3A_772 = arith.constant 0 : i32
          %dma_wait3A_773 = arith.constant 0 : i32
          %dma_wait3A_774 = tpu.memref_slice %arg14[%dma_wait3A_772, %dma_wait3A_773] : memref<304x128xf32, #tpu.memory_space<vmem>> -> memref<16x128xf32, #tpu.memory_space<vmem>>
          %dma_wait3A_775 = arith.constant 0 : i32
          %dma_wait3A_776 = arith.constant 0 : i32
          %dma_wait3A_777 = tpu.memref_slice %arg6[%dma_wait3A_775, %dma_wait3A_776] : memref<632x128xf32, #tpu.memory_space<hbm>> -> memref<16x128xf32, #tpu.memory_space<hbm>>
          %dma_wait3A_778 = arith.constant 0 : i32
          %dma_wait3A_779 = arith.constant 0 : i32
          %dma_wait3A_780 = tpu.memref_slice %arg14[%dma_wait3A_778, %dma_wait3A_779] : memref<304x128xf32, #tpu.memory_space<vmem>> -> memref<16x128xf32, #tpu.memory_space<vmem>>
          %dma_wait3A_781 = arith.constant 0 : i32
          %dma_wait3A_782 = arith.constant 0 : i32
          %dma_wait3A_783 = tpu.memref_slice %arg6[%dma_wait3A_781, %dma_wait3A_782] : memref<632x128xf32, #tpu.memory_space<hbm>> -> memref<16x128xf32, #tpu.memory_space<hbm>>
          tpu.wait_dma2 semaphore(%arg18 : memref<!tpu.dma_semaphore, #tpu.memory_space<semaphore_mem>>) src(%dma_wait3A_783 : memref<16x128xf32, #tpu.memory_space<hbm>>) dst(%dma_wait3A_780 : memref<16x128xf32, #tpu.memory_space<vmem>>)
        } else {
        }
        %jit3A_726 = arith.constant 19 : i32
        %eq3A = arith.constant 0 : i32
        %eq3A_727 = arith.cmpi eq, %jit3A_726, %eq3A : i32
        %jit3A_728 = arith.constant 1 : i32
        %select_n3A_729 = arith.select %eq3A_727, %jit3A_728, %jit3A_726 : i32
        %rem3A_730 = arith.remsi %add3A_720, %select_n3A_729 : i32
        %ne3A_731 = arith.constant 0 : i32
        %ne3A_732 = arith.cmpi ne, %rem3A_730, %ne3A_731 : i32
        %lt3A_733 = arith.constant 0 : i32
        %lt3A_734 = arith.cmpi slt, %rem3A_730, %lt3A_733 : i32
        %lt3A_735 = arith.constant 0 : i32
        %lt3A_736 = arith.cmpi slt, %select_n3A_729, %lt3A_735 : i32
        %ne3A_737 = arith.xori %lt3A_734, %lt3A_736 : i1
        %and3A_738 = arith.andi %ne3A_737, %ne3A_732 : i1
        %add3A_739 = arith.addi %rem3A_730, %select_n3A_729 : i32
        %select_n3A_740 = arith.select %and3A_738, %add3A_739, %rem3A_730 : i32
        %mul3A_741 = arith.constant 16 : i32
        %mul3A_742 = arith.muli %while3A_719, %mul3A_741 : i32
        %add3A_743 = arith.constant 0 : i32
        %add3A_744 = arith.addi %mul3A_742, %add3A_743 : i32
        %get3A = arith.index_cast %add3A_744 : i32 to index
        %get3A_745 = tpu.vector_load %arg11[%get3A] {strides = array<i32>} : memref<432xi32, #tpu.memory_space<vmem>>, vector<16xi32>,
        %shift_right_arithmetic3A = arith.constant 14 : i32
        %shift_right_arithmetic3A_746 = vector.broadcast %shift_right_arithmetic3A : i32 to vector<16xi32>
        %shift_right_arithmetic3A_747 = arith.shrsi %get3A_745, %shift_right_arithmetic3A_746 : vector<16xi32>
        %swap3A_748 = arith.index_cast %select_n3A_740 : i32 to index
        %swap3A_749 = arith.constant 0 : index
        %swap3A_750 = tpu.vector_load %arg12[%swap3A_748, %swap3A_749] {strides = array<i32>} : memref<19x16xi32, #tpu.memory_space<vmem>>, vector<16xi32>,
        tpu.vector_store %arg12[%swap3A_748, %swap3A_749], %shift_right_arithmetic3A_747 {strides = array<i32>} : memref<19x16xi32, #tpu.memory_space<vmem>>, vector<16xi32>,
        %and3A_751 = arith.constant 16383 : i32
        %and3A_752 = vector.broadcast %and3A_751 : i32 to vector<16xi32>
        %and3A_753 = arith.andi %get3A_745, %and3A_752 : vector<16xi32>
        %swap3A_754 = arith.index_cast %select_n3A_740 : i32 to index
        %swap3A_755 = arith.constant 0 : index
        %swap3A_756 = tpu.vector_load %arg13[%swap3A_754, %swap3A_755] {strides = array<i32>} : memref<19x16xi32, #tpu.memory_space<vmem>>, vector<16xi32>,
        tpu.vector_store %arg13[%swap3A_754, %swap3A_755], %and3A_753 {strides = array<i32>} : memref<19x16xi32, #tpu.memory_space<vmem>>, vector<16xi32>,
        %mul3A_757 = arith.constant 16 : i32
        %mul3A_758 = arith.muli %select_n3A_740, %mul3A_757 : i32
        %dma_start3A_759 = arith.constant 0 : i32
        %dma_start3A_760 = tpu.memref_slice %arg14[%mul3A_758, %dma_start3A_759] : memref<304x128xf32, #tpu.memory_space<vmem>> -> memref<16x128xf32, #tpu.memory_space<vmem>>
        %dma_start3A_761 = arith.constant 0 : i32
        %dma_start3A_762 = tpu.memref_slice %arg12[%select_n3A_740, %dma_start3A_761] : memref<19x16xi32, #tpu.memory_space<vmem>> -> memref<1x16xi32, #tpu.memory_space<vmem>>
        %dma_start3A_763 = tpu.memref_squeeze %dma_start3A_762 : memref<1x16xi32, #tpu.memory_space<vmem>> -> memref<16xi32, #tpu.memory_space<vmem>>
        %dma_start3A_764 = arith.constant 0 : i32
        %dma_start3A_765 = arith.constant 0 : i32
        %dma_start3A_766 = tpu.memref_slice %arg2[%dma_start3A_764, %dma_start3A_765] : memref<40000x128xf32, #tpu.memory_space<hbm>> -> memref<40000x128xf32, #tpu.memory_space<hbm>>
        tpu.enqueue_indirect_dma source(%dma_start3A_766 : memref<40000x128xf32, #tpu.memory_space<hbm>>) target(%dma_start3A_760 : memref<16x128xf32, #tpu.memory_space<vmem>>) offsets(%dma_start3A_763 : memref<16xi32, #tpu.memory_space<vmem>>) semaphore(%arg17 : memref<!tpu.dma_semaphore, #tpu.memory_space<semaphore_mem>>)
        %ge3A_767 = arith.constant 10 : i32
        %ge3A_768 = arith.cmpi sge, %add3A_720, %ge3A_767 : i32
        %convert_element_type3A_769 = arith.extui %ge3A_768 : i1 to i32
        %cond3A_770 = arith.constant 0 : i32
        %cond3A_771 = arith.cmpi ne, %convert_element_type3A_769, %cond3A_770 : i32
        scf.if %cond3A_771 {
          %dma_wait3A_772 = arith.constant 0 : i32
          %dma_wait3A_773 = arith.constant 0 : i32
          %dma_wait3A_774 = tpu.memref_slice %arg14[%dma_wait3A_772, %dma_wait3A_773] : memref<304x128xf32, #tpu.memory_space<vmem>> -> memref<16x128xf32, #tpu.memory_space<vmem>>
          %dma_wait3A_775 = arith.constant 0 : i32
          %dma_wait3A_776 = arith.constant 0 : i32
          %dma_wait3A_777 = tpu.memref_slice %arg6[%dma_wait3A_775, %dma_wait3A_776] : memref<632x128xf32, #tpu.memory_space<hbm>> -> memref<16x128xf32, #tpu.memory_space<hbm>>
          %dma_wait3A_778 = arith.constant 0 : i32
          %dma_wait3A_779 = arith.constant 0 : i32
          %dma_wait3A_780 = tpu.memref_slice %arg14[%dma_wait3A_778, %dma_wait3A_779] : memref<304x128xf32, #tpu.memory_space<vmem>> -> memref<16x128xf32, #tpu.memory_space<vmem>>
          %dma_wait3A_781 = arith.constant 0 : i32
          %dma_wait3A_782 = arith.constant 0 : i32
          %dma_wait3A_783 = tpu.memref_slice %arg6[%dma_wait3A_781, %dma_wait3A_782] : memref<632x128xf32, #tpu.memory_space<hbm>> -> memref<16x128xf32, #tpu.memory_space<hbm>>
          tpu.wait_dma2 semaphore(%arg17 : memref<!tpu.dma_semaphore, #tpu.memory_space<semaphore_mem>>) src(%dma_wait3A_783 : memref<16x128xf32, #tpu.memory_space<hbm>>) dst(%dma_wait3A_780 : memref<16x128xf32, #tpu.memory_space<vmem>>)
          %sub3A_784 = arith.constant 10 : i32
          %sub3A_785 = arith.subi %add3A_720, %sub3A_784 : i32
          %jit3A_786 = arith.constant 19 : i32
          %eq3A_787 = arith.constant 0 : i32
          %eq3A_788 = arith.cmpi eq, %jit3A_786, %eq3A_787 : i32
          %jit3A_789 = arith.constant 1 : i32
          %select_n3A_790 = arith.select %eq3A_788, %jit3A_789, %jit3A_786 : i32
          %rem3A_791 = arith.remsi %sub3A_785, %select_n3A_790 : i32
          %ne3A_792 = arith.constant 0 : i32
          %ne3A_793 = arith.cmpi ne, %rem3A_791, %ne3A_792 : i32
          %lt3A_794 = arith.constant 0 : i32
          %lt3A_795 = arith.cmpi slt, %rem3A_791, %lt3A_794 : i32
          %lt3A_796 = arith.constant 0 : i32
          %lt3A_797 = arith.cmpi slt, %select_n3A_790, %lt3A_796 : i32
          %ne3A_798 = arith.xori %lt3A_795, %lt3A_797 : i1
          %and3A_799 = arith.andi %ne3A_798, %ne3A_793 : i1
          %add3A_800 = arith.addi %rem3A_791, %select_n3A_790 : i32
          %select_n3A_801 = arith.select %and3A_799, %add3A_800, %rem3A_791 : i32
          %mul3A_802 = arith.constant 16 : i32
          %mul3A_803 = arith.muli %select_n3A_801, %mul3A_802 : i32
          %dma_start3A_804 = arith.constant 0 : i32
          %dma_start3A_805 = tpu.memref_slice %arg14[%mul3A_803, %dma_start3A_804] : memref<304x128xf32, #tpu.memory_space<vmem>> -> memref<16x128xf32, #tpu.memory_space<vmem>>
          %dma_start3A_806 = arith.constant 0 : i32
          %dma_start3A_807 = tpu.memref_slice %arg13[%select_n3A_801, %dma_start3A_806] : memref<19x16xi32, #tpu.memory_space<vmem>> -> memref<1x16xi32, #tpu.memory_space<vmem>>
          %dma_start3A_808 = tpu.memref_squeeze %dma_start3A_807 : memref<1x16xi32, #tpu.memory_space<vmem>> -> memref<16xi32, #tpu.memory_space<vmem>>
          %dma_start3A_809 = arith.constant 0 : i32
          %dma_start3A_810 = arith.constant 0 : i32
          %dma_start3A_811 = tpu.memref_slice %arg15[%dma_start3A_809, %dma_start3A_810] : memref<10112x128xf32, #tpu.memory_space<vmem_shared>> -> memref<10112x128xf32, #tpu.memory_space<vmem_shared>>
          tpu.enqueue_indirect_dma source(%dma_start3A_805 : memref<16x128xf32, #tpu.memory_space<vmem>>) target(%dma_start3A_811 : memref<10112x128xf32, #tpu.memory_space<vmem_shared>>) offsets(%dma_start3A_808 : memref<16xi32, #tpu.memory_space<vmem>>) semaphore(%arg18 : memref<!tpu.dma_semaphore, #tpu.memory_space<semaphore_mem>>) {add = true}
        } else {
        }
      }
      %while3A_628 = arith.constant 1 : i32
      scf.for %while3A_719 = %while3A_626 to %while3A_622 step %while3A_628  : i32 {
        %add3A_720 = arith.addi %scan3A_565, %while3A_719 : i32
        %ge3A_721 = arith.constant 19 : i32
        %ge3A_722 = arith.cmpi sge, %add3A_720, %ge3A_721 : i32
        %convert_element_type3A_723 = arith.extui %ge3A_722 : i1 to i32
        %cond3A_724 = arith.constant 0 : i32
        %cond3A_725 = arith.cmpi ne, %convert_element_type3A_723, %cond3A_724 : i32
        scf.if %cond3A_725 {
          %dma_wait3A_772 = arith.constant 0 : i32
          %dma_wait3A_773 = arith.constant 0 : i32
          %dma_wait3A_774 = tpu.memref_slice %arg14[%dma_wait3A_772, %dma_wait3A_773] : memref<304x128xf32, #tpu.memory_space<vmem>> -> memref<16x128xf32, #tpu.memory_space<vmem>>
          %dma_wait3A_775 = arith.constant 0 : i32
          %dma_wait3A_776 = arith.constant 0 : i32
          %dma_wait3A_777 = tpu.memref_slice %arg6[%dma_wait3A_775, %dma_wait3A_776] : memref<632x128xf32, #tpu.memory_space<hbm>> -> memref<16x128xf32, #tpu.memory_space<hbm>>
          %dma_wait3A_778 = arith.constant 0 : i32
          %dma_wait3A_779 = arith.constant 0 : i32
          %dma_wait3A_780 = tpu.memref_slice %arg14[%dma_wait3A_778, %dma_wait3A_779] : memref<304x128xf32, #tpu.memory_space<vmem>> -> memref<16x128xf32, #tpu.memory_space<vmem>>
          %dma_wait3A_781 = arith.constant 0 : i32
          %dma_wait3A_782 = arith.constant 0 : i32
          %dma_wait3A_783 = tpu.memref_slice %arg6[%dma_wait3A_781, %dma_wait3A_782] : memref<632x128xf32, #tpu.memory_space<hbm>> -> memref<16x128xf32, #tpu.memory_space<hbm>>
          tpu.wait_dma2 semaphore(%arg18 : memref<!tpu.dma_semaphore, #tpu.memory_space<semaphore_mem>>) src(%dma_wait3A_783 : memref<16x128xf32, #tpu.memory_space<hbm>>) dst(%dma_wait3A_780 : memref<16x128xf32, #tpu.memory_space<vmem>>)
        } else {
        }
        %jit3A_726 = arith.constant 19 : i32
        %eq3A = arith.constant 0 : i32
        %eq3A_727 = arith.cmpi eq, %jit3A_726, %eq3A : i32
        %jit3A_728 = arith.constant 1 : i32
        %select_n3A_729 = arith.select %eq3A_727, %jit3A_728, %jit3A_726 : i32
        %rem3A_730 = arith.remsi %add3A_720, %select_n3A_729 : i32
        %ne3A_731 = arith.constant 0 : i32
        %ne3A_732 = arith.cmpi ne, %rem3A_730, %ne3A_731 : i32
        %lt3A_733 = arith.constant 0 : i32
        %lt3A_734 = arith.cmpi slt, %rem3A_730, %lt3A_733 : i32
        %lt3A_735 = arith.constant 0 : i32
        %lt3A_736 = arith.cmpi slt, %select_n3A_729, %lt3A_735 : i32
        %ne3A_737 = arith.xori %lt3A_734, %lt3A_736 : i1
        %and3A_738 = arith.andi %ne3A_737, %ne3A_732 : i1
        %add3A_739 = arith.addi %rem3A_730, %select_n3A_729 : i32
        %select_n3A_740 = arith.select %and3A_738, %add3A_739, %rem3A_730 : i32
        %mul3A_741 = arith.constant 16 : i32
        %mul3A_742 = arith.muli %while3A_719, %mul3A_741 : i32
        %add3A_743 = arith.constant 0 : i32
        %add3A_744 = arith.addi %mul3A_742, %add3A_743 : i32
        %get3A = arith.index_cast %add3A_744 : i32 to index
        %get3A_745 = tpu.vector_load %arg11[%get3A] {strides = array<i32>} : memref<432xi32, #tpu.memory_space<vmem>>, vector<16xi32>,
        %shift_right_arithmetic3A = arith.constant 14 : i32
        %shift_right_arithmetic3A_746 = vector.broadcast %shift_right_arithmetic3A : i32 to vector<16xi32>
        %shift_right_arithmetic3A_747 = arith.shrsi %get3A_745, %shift_right_arithmetic3A_746 : vector<16xi32>
        %swap3A_748 = arith.index_cast %select_n3A_740 : i32 to index
        %swap3A_749 = arith.constant 0 : index
        %swap3A_750 = tpu.vector_load %arg12[%swap3A_748, %swap3A_749] {strides = array<i32>} : memref<19x16xi32, #tpu.memory_space<vmem>>, vector<16xi32>,
        tpu.vector_store %arg12[%swap3A_748, %swap3A_749], %shift_right_arithmetic3A_747 {strides = array<i32>} : memref<19x16xi32, #tpu.memory_space<vmem>>, vector<16xi32>,
        %and3A_751 = arith.constant 16383 : i32
        %and3A_752 = vector.broadcast %and3A_751 : i32 to vector<16xi32>
        %and3A_753 = arith.andi %get3A_745, %and3A_752 : vector<16xi32>
        %swap3A_754 = arith.index_cast %select_n3A_740 : i32 to index
        %swap3A_755 = arith.constant 0 : index
        %swap3A_756 = tpu.vector_load %arg13[%swap3A_754, %swap3A_755] {strides = array<i32>} : memref<19x16xi32, #tpu.memory_space<vmem>>, vector<16xi32>,
        tpu.vector_store %arg13[%swap3A_754, %swap3A_755], %and3A_753 {strides = array<i32>} : memref<19x16xi32, #tpu.memory_space<vmem>>, vector<16xi32>,
        %mul3A_757 = arith.constant 16 : i32
        %mul3A_758 = arith.muli %select_n3A_740, %mul3A_757 : i32
        %dma_start3A_759 = arith.constant 0 : i32
        %dma_start3A_760 = tpu.memref_slice %arg14[%mul3A_758, %dma_start3A_759] : memref<304x128xf32, #tpu.memory_space<vmem>> -> memref<16x128xf32, #tpu.memory_space<vmem>>
        %dma_start3A_761 = arith.constant 0 : i32
        %dma_start3A_762 = tpu.memref_slice %arg12[%select_n3A_740, %dma_start3A_761] : memref<19x16xi32, #tpu.memory_space<vmem>> -> memref<1x16xi32, #tpu.memory_space<vmem>>
        %dma_start3A_763 = tpu.memref_squeeze %dma_start3A_762 : memref<1x16xi32, #tpu.memory_space<vmem>> -> memref<16xi32, #tpu.memory_space<vmem>>
        %dma_start3A_764 = arith.constant 0 : i32
        %dma_start3A_765 = arith.constant 0 : i32
        %dma_start3A_766 = tpu.memref_slice %arg2[%dma_start3A_764, %dma_start3A_765] : memref<40000x128xf32, #tpu.memory_space<hbm>> -> memref<40000x128xf32, #tpu.memory_space<hbm>>
        tpu.enqueue_indirect_dma source(%dma_start3A_766 : memref<40000x128xf32, #tpu.memory_space<hbm>>) target(%dma_start3A_760 : memref<16x128xf32, #tpu.memory_space<vmem>>) offsets(%dma_start3A_763 : memref<16xi32, #tpu.memory_space<vmem>>) semaphore(%arg17 : memref<!tpu.dma_semaphore, #tpu.memory_space<semaphore_mem>>)
        %ge3A_767 = arith.constant 10 : i32
        %ge3A_768 = arith.cmpi sge, %add3A_720, %ge3A_767 : i32
        %convert_element_type3A_769 = arith.extui %ge3A_768 : i1 to i32
        %cond3A_770 = arith.constant 0 : i32
        %cond3A_771 = arith.cmpi ne, %convert_element_type3A_769, %cond3A_770 : i32
        scf.if %cond3A_771 {
          %dma_wait3A_772 = arith.constant 0 : i32
          %dma_wait3A_773 = arith.constant 0 : i32
          %dma_wait3A_774 = tpu.memref_slice %arg14[%dma_wait3A_772, %dma_wait3A_773] : memref<304x128xf32, #tpu.memory_space<vmem>> -> memref<16x128xf32, #tpu.memory_space<vmem>>
          %dma_wait3A_775 = arith.constant 0 : i32
          %dma_wait3A_776 = arith.constant 0 : i32
          %dma_wait3A_777 = tpu.memref_slice %arg6[%dma_wait3A_775, %dma_wait3A_776] : memref<632x128xf32, #tpu.memory_space<hbm>> -> memref<16x128xf32, #tpu.memory_space<hbm>>
          %dma_wait3A_778 = arith.constant 0 : i32
          %dma_wait3A_779 = arith.constant 0 : i32
          %dma_wait3A_780 = tpu.memref_slice %arg14[%dma_wait3A_778, %dma_wait3A_779] : memref<304x128xf32, #tpu.memory_space<vmem>> -> memref<16x128xf32, #tpu.memory_space<vmem>>
          %dma_wait3A_781 = arith.constant 0 : i32
          %dma_wait3A_782 = arith.constant 0 : i32
          %dma_wait3A_783 = tpu.memref_slice %arg6[%dma_wait3A_781, %dma_wait3A_782] : memref<632x128xf32, #tpu.memory_space<hbm>> -> memref<16x128xf32, #tpu.memory_space<hbm>>
          tpu.wait_dma2 semaphore(%arg17 : memref<!tpu.dma_semaphore, #tpu.memory_space<semaphore_mem>>) src(%dma_wait3A_783 : memref<16x128xf32, #tpu.memory_space<hbm>>) dst(%dma_wait3A_780 : memref<16x128xf32, #tpu.memory_space<vmem>>)
          %sub3A_784 = arith.constant 10 : i32
          %sub3A_785 = arith.subi %add3A_720, %sub3A_784 : i32
          %jit3A_786 = arith.constant 19 : i32
          %eq3A_787 = arith.constant 0 : i32
          %eq3A_788 = arith.cmpi eq, %jit3A_786, %eq3A_787 : i32
          %jit3A_789 = arith.constant 1 : i32
          %select_n3A_790 = arith.select %eq3A_788, %jit3A_789, %jit3A_786 : i32
          %rem3A_791 = arith.remsi %sub3A_785, %select_n3A_790 : i32
          %ne3A_792 = arith.constant 0 : i32
          %ne3A_793 = arith.cmpi ne, %rem3A_791, %ne3A_792 : i32
          %lt3A_794 = arith.constant 0 : i32
          %lt3A_795 = arith.cmpi slt, %rem3A_791, %lt3A_794 : i32
          %lt3A_796 = arith.constant 0 : i32
          %lt3A_797 = arith.cmpi slt, %select_n3A_790, %lt3A_796 : i32
          %ne3A_798 = arith.xori %lt3A_795, %lt3A_797 : i1
          %and3A_799 = arith.andi %ne3A_798, %ne3A_793 : i1
          %add3A_800 = arith.addi %rem3A_791, %select_n3A_790 : i32
          %select_n3A_801 = arith.select %and3A_799, %add3A_800, %rem3A_791 : i32
          %mul3A_802 = arith.constant 16 : i32
          %mul3A_803 = arith.muli %select_n3A_801, %mul3A_802 : i32
          %dma_start3A_804 = arith.constant 0 : i32
          %dma_start3A_805 = tpu.memref_slice %arg14[%mul3A_803, %dma_start3A_804] : memref<304x128xf32, #tpu.memory_space<vmem>> -> memref<16x128xf32, #tpu.memory_space<vmem>>
          %dma_start3A_806 = arith.constant 0 : i32
          %dma_start3A_807 = tpu.memref_slice %arg13[%select_n3A_801, %dma_start3A_806] : memref<19x16xi32, #tpu.memory_space<vmem>> -> memref<1x16xi32, #tpu.memory_space<vmem>>
          %dma_start3A_808 = tpu.memref_squeeze %dma_start3A_807 : memref<1x16xi32, #tpu.memory_space<vmem>> -> memref<16xi32, #tpu.memory_space<vmem>>
          %dma_start3A_809 = arith.constant 0 : i32
          %dma_start3A_810 = arith.constant 0 : i32
          %dma_start3A_811 = tpu.memref_slice %arg15[%dma_start3A_809, %dma_start3A_810] : memref<10112x128xf32, #tpu.memory_space<vmem_shared>> -> memref<10112x128xf32, #tpu.memory_space<vmem_shared>>
          tpu.enqueue_indirect_dma source(%dma_start3A_805 : memref<16x128xf32, #tpu.memory_space<vmem>>) target(%dma_start3A_811 : memref<10112x128xf32, #tpu.memory_space<vmem_shared>>) offsets(%dma_start3A_808 : memref<16xi32, #tpu.memory_space<vmem>>) semaphore(%arg18 : memref<!tpu.dma_semaphore, #tpu.memory_space<semaphore_mem>>) {add = true}
        } else {
        }
      }
      %gt3A_629 = arith.constant 0 : i32
      %gt3A_630 = arith.cmpi sgt, %select_n3A_619, %gt3A_629 : i32
      %convert_element_type3A_631 = arith.extui %gt3A_630 : i1 to i32
      %cond3A_632 = arith.constant 0 : i32
      %cond3A_633 = arith.cmpi ne, %convert_element_type3A_631, %cond3A_632 : i32
      scf.if %cond3A_633 {
        %mul3A_719 = arith.constant 16 : i32
        %mul3A_720 = arith.muli %select_n3A_619, %mul3A_719 : i32
        %add3A_721 = arith.constant 0 : i32
        %add3A_722 = arith.addi %mul3A_720, %add3A_721 : i32
        %get3A = arith.index_cast %add3A_722 : i32 to index
        %get3A_723 = tpu.vector_load %arg11[%get3A] {strides = array<i32>} : memref<432xi32, #tpu.memory_space<vmem>>, vector<16xi32>,
        %swap3A_724 = arith.constant 0 : index
        %swap3A_725 = tpu.vector_load %arg11[%swap3A_724] {strides = array<i32>} : memref<432xi32, #tpu.memory_space<vmem>>, vector<16xi32>,
        tpu.vector_store %arg11[%swap3A_724], %get3A_723 {strides = array<i32>} : memref<432xi32, #tpu.memory_space<vmem>>, vector<16xi32>,
      } else {
      }
      %mul3A_634 = arith.constant 16 : i32
      %mul3A_635 = arith.muli %select_n3A_619, %mul3A_634 : i32
      %sub3A_636 = arith.subi %scan3A_594, %mul3A_635 : i32
      %add3A_637 = arith.addi %scan3A_565, %select_n3A_619 : i32
      %lt3A = arith.constant 24 : i32
      %lt3A_638 = arith.cmpi slt, %scan3A_563, %lt3A : i32
      %convert_element_type3A_639 = arith.extui %lt3A_638 : i1 to i32
      %cond3A_640 = arith.constant 0 : i32
      %cond3A_641 = arith.cmpi ne, %convert_element_type3A_639, %cond3A_640 : i32
      scf.if %cond3A_641 {
        %mul3A_719 = arith.constant 2 : i32
        %mul3A_720 = arith.muli %mul3A_719, %scan3A_563 : i32
        %add3A_721 = arith.constant 2 : i32
        %add3A_722 = arith.addi %mul3A_720, %add3A_721 : i32
        %mul3A_723 = arith.constant 400 : i32
        %mul3A_724 = arith.muli %add3A_722, %mul3A_723 : i32
        %add3A_725 = arith.addi %mul3A_0, %mul3A_724 : i32
        %dma_start3A_726 = arith.constant 0 : i32
        %dma_start3A_727 = tpu.memref_slice %arg8[%dma_start3A_726] : memref<800xi32, #tpu.memory_space<vmem>> -> memref<400xi32, #tpu.memory_space<vmem>>
        %dma_start3A_728 = tpu.memref_slice %arg3[%add3A_725] : memref<320000xi32, #tpu.memory_space<hbm>> -> memref<400xi32, #tpu.memory_space<hbm>>
        %dma_start3A_729 = arith.constant 0 : i32
        %dma_start3A_730 = tpu.memref_slice %arg8[%dma_start3A_729] : memref<800xi32, #tpu.memory_space<vmem>> -> memref<400xi32, #tpu.memory_space<vmem>>
        %dma_start3A_731 = tpu.memref_slice %arg3[%add3A_725] : memref<320000xi32, #tpu.memory_space<hbm>> -> memref<400xi32, #tpu.memory_space<hbm>>
        tpu.enqueue_dma source(%dma_start3A_731 : memref<400xi32, #tpu.memory_space<hbm>>) target(%dma_start3A_730 : memref<400xi32, #tpu.memory_space<vmem>>) target_semaphore(%arg16 : memref<!tpu.dma_semaphore, #tpu.memory_space<semaphore_mem>>)
        %dma_start3A_732 = arith.constant 0 : i32
        %dma_start3A_733 = tpu.memref_slice %arg9[%dma_start3A_732] : memref<800xi32, #tpu.memory_space<vmem>> -> memref<400xi32, #tpu.memory_space<vmem>>
        %dma_start3A_734 = tpu.memref_slice %arg4[%add3A_725] : memref<320000xi32, #tpu.memory_space<hbm>> -> memref<400xi32, #tpu.memory_space<hbm>>
        %dma_start3A_735 = arith.constant 0 : i32
        %dma_start3A_736 = tpu.memref_slice %arg9[%dma_start3A_735] : memref<800xi32, #tpu.memory_space<vmem>> -> memref<400xi32, #tpu.memory_space<vmem>>
        %dma_start3A_737 = tpu.memref_slice %arg4[%add3A_725] : memref<320000xi32, #tpu.memory_space<hbm>> -> memref<400xi32, #tpu.memory_space<hbm>>
        tpu.enqueue_dma source(%dma_start3A_737 : memref<400xi32, #tpu.memory_space<hbm>>) target(%dma_start3A_736 : memref<400xi32, #tpu.memory_space<vmem>>) target_semaphore(%arg16 : memref<!tpu.dma_semaphore, #tpu.memory_space<semaphore_mem>>)
        %dma_start3A_738 = arith.constant 0 : i32
        %dma_start3A_739 = tpu.memref_slice %arg10[%dma_start3A_738] : memref<800xi32, #tpu.memory_space<vmem>> -> memref<400xi32, #tpu.memory_space<vmem>>
        %dma_start3A_740 = tpu.memref_slice %arg5[%add3A_725] : memref<320000xi32, #tpu.memory_space<hbm>> -> memref<400xi32, #tpu.memory_space<hbm>>
        %dma_start3A_741 = arith.constant 0 : i32
        %dma_start3A_742 = tpu.memref_slice %arg10[%dma_start3A_741] : memref<800xi32, #tpu.memory_space<vmem>> -> memref<400xi32, #tpu.memory_space<vmem>>
        %dma_start3A_743 = tpu.memref_slice %arg5[%add3A_725] : memref<320000xi32, #tpu.memory_space<hbm>> -> memref<400xi32, #tpu.memory_space<hbm>>
        tpu.enqueue_dma source(%dma_start3A_743 : memref<400xi32, #tpu.memory_space<hbm>>) target(%dma_start3A_742 : memref<400xi32, #tpu.memory_space<vmem>>) target_semaphore(%arg16 : memref<!tpu.dma_semaphore, #tpu.memory_space<semaphore_mem>>)
      } else {
      }
      %dma_wait3A_642 = arith.constant 400 : i32
      %dma_wait3A_643 = tpu.memref_slice %arg8[%dma_wait3A_642] : memref<800xi32, #tpu.memory_space<vmem>> -> memref<400xi32, #tpu.memory_space<vmem>>
      %dma_wait3A_644 = arith.constant 0 : i32
      %dma_wait3A_645 = tpu.memref_slice %arg3[%dma_wait3A_644] : memref<320000xi32, #tpu.memory_space<hbm>> -> memref<400xi32, #tpu.memory_space<hbm>>
      %dma_wait3A_646 = arith.constant 400 : i32
      %dma_wait3A_647 = tpu.memref_slice %arg8[%dma_wait3A_646] : memref<800xi32, #tpu.memory_space<vmem>> -> memref<400xi32, #tpu.memory_space<vmem>>
      %dma_wait3A_648 = arith.constant 0 : i32
      %dma_wait3A_649 = tpu.memref_slice %arg3[%dma_wait3A_648] : memref<320000xi32, #tpu.memory_space<hbm>> -> memref<400xi32, #tpu.memory_space<hbm>>
      tpu.wait_dma2 semaphore(%arg16 : memref<!tpu.dma_semaphore, #tpu.memory_space<semaphore_mem>>) src(%dma_wait3A_649 : memref<400xi32, #tpu.memory_space<hbm>>) dst(%dma_wait3A_647 : memref<400xi32, #tpu.memory_space<vmem>>)
      %dma_wait3A_650 = arith.constant 400 : i32
      %dma_wait3A_651 = tpu.memref_slice %arg8[%dma_wait3A_650] : memref<800xi32, #tpu.memory_space<vmem>> -> memref<400xi32, #tpu.memory_space<vmem>>
      %dma_wait3A_652 = arith.constant 0 : i32
      %dma_wait3A_653 = tpu.memref_slice %arg3[%dma_wait3A_652] : memref<320000xi32, #tpu.memory_space<hbm>> -> memref<400xi32, #tpu.memory_space<hbm>>
      %dma_wait3A_654 = arith.constant 400 : i32
      %dma_wait3A_655 = tpu.memref_slice %arg8[%dma_wait3A_654] : memref<800xi32, #tpu.memory_space<vmem>> -> memref<400xi32, #tpu.memory_space<vmem>>
      %dma_wait3A_656 = arith.constant 0 : i32
      %dma_wait3A_657 = tpu.memref_slice %arg3[%dma_wait3A_656] : memref<320000xi32, #tpu.memory_space<hbm>> -> memref<400xi32, #tpu.memory_space<hbm>>
      tpu.wait_dma2 semaphore(%arg16 : memref<!tpu.dma_semaphore, #tpu.memory_space<semaphore_mem>>) src(%dma_wait3A_657 : memref<400xi32, #tpu.memory_space<hbm>>) dst(%dma_wait3A_655 : memref<400xi32, #tpu.memory_space<vmem>>)
      %dma_wait3A_658 = arith.constant 400 : i32
      %dma_wait3A_659 = tpu.memref_slice %arg8[%dma_wait3A_658] : memref<800xi32, #tpu.memory_space<vmem>> -> memref<400xi32, #tpu.memory_space<vmem>>
      %dma_wait3A_660 = arith.constant 0 : i32
      %dma_wait3A_661 = tpu.memref_slice %arg3[%dma_wait3A_660] : memref<320000xi32, #tpu.memory_space<hbm>> -> memref<400xi32, #tpu.memory_space<hbm>>
      %dma_wait3A_662 = arith.constant 400 : i32
      %dma_wait3A_663 = tpu.memref_slice %arg8[%dma_wait3A_662] : memref<800xi32, #tpu.memory_space<vmem>> -> memref<400xi32, #tpu.memory_space<vmem>>
      %dma_wait3A_664 = arith.constant 0 : i32
      %dma_wait3A_665 = tpu.memref_slice %arg3[%dma_wait3A_664] : memref<320000xi32, #tpu.memory_space<hbm>> -> memref<400xi32, #tpu.memory_space<hbm>>
      tpu.wait_dma2 semaphore(%arg16 : memref<!tpu.dma_semaphore, #tpu.memory_space<semaphore_mem>>) src(%dma_wait3A_665 : memref<400xi32, #tpu.memory_space<hbm>>) dst(%dma_wait3A_663 : memref<400xi32, #tpu.memory_space<vmem>>)
      %scan3A_666 = arith.constant 0 : i32
      %scan3A_667 = arith.constant 25 : i32
      %scan3A_668 = arith.addi %scan3A_666, %scan3A_667 : i32
      %scan3A_669 = arith.constant 1 : i32
      %scan3A_670 = scf.for %scan3A_719 = %scan3A_666 to %scan3A_668 step %scan3A_669 iter_args(%scan3A_720 = %sub3A_636) -> (i32)  : i32 {
        %mul3A_721 = arith.constant 16 : i32
        %mul3A_722 = arith.muli %scan3A_719, %mul3A_721 : i32
        %add3A_723 = arith.constant 400 : i32
        %add3A_724 = arith.addi %add3A_723, %mul3A_722 : i32
        %get3A = arith.index_cast %add3A_724 : i32 to index
        %get3A_725 = tpu.vector_load %arg8[%get3A] {strides = array<i32>} : memref<800xi32, #tpu.memory_space<vmem>>, vector<16xi32>,
        %mul3A_726 = arith.constant 16 : i32
        %mul3A_727 = arith.muli %scan3A_719, %mul3A_726 : i32
        %add3A_728 = arith.constant 400 : i32
        %add3A_729 = arith.addi %add3A_728, %mul3A_727 : i32
        %get3A_730 = arith.index_cast %add3A_729 : i32 to index
        %get3A_731 = tpu.vector_load %arg9[%get3A_730] {strides = array<i32>} : memref<800xi32, #tpu.memory_space<vmem>>, vector<16xi32>,
        %mul3A_732 = arith.constant 16 : i32
        %mul3A_733 = arith.muli %scan3A_719, %mul3A_732 : i32
        %add3A_734 = arith.constant 400 : i32
        %add3A_735 = arith.addi %add3A_734, %mul3A_733 : i32
        %get3A_736 = arith.index_cast %add3A_735 : i32 to index
        %get3A_737 = tpu.vector_load %arg10[%get3A_736] {strides = array<i32>} : memref<800xi32, #tpu.memory_space<vmem>>, vector<16xi32>,
        %eq3A = vector.broadcast %add3A_270 : i32 to vector<16xi32>
        %eq3A_738 = arith.cmpi eq, %get3A_737, %eq3A : vector<16xi32>
        %mul3A_739 = arith.constant 10000 : i32
        %mul3A_740 = arith.muli %add3A_270, %mul3A_739 : i32
        %add3A_741 = vector.broadcast %mul3A_740 : i32 to vector<16xi32>
        %add3A_742 = arith.addi %add3A_741, %get3A_725 : vector<16xi32>
        %shift_left3A = arith.constant 14 : i32
        %shift_left3A_743 = vector.broadcast %shift_left3A : i32 to vector<16xi32>
        %shift_left3A_744 = arith.shli %add3A_742, %shift_left3A_743 : vector<16xi32>
        %or3A = arith.ori %shift_left3A_744, %get3A_731 : vector<16xi32>
        %swap3A_745 = arith.index_cast %scan3A_720 : i32 to index
        %swap3A_746 = tpu.vector_load %arg11[%swap3A_745] masked %eq3A_738 {strides = array<i32>} : memref<432xi32, #tpu.memory_space<vmem>>, vector<16xi32>, vector<16xi1>
        tpu.vector_store %arg11[%swap3A_745], %or3A masked %eq3A_738 {strides = array<i32>} : memref<432xi32, #tpu.memory_space<vmem>>, vector<16xi32>, vector<16xi1>
        %convert_element_type3A_747 = arith.extui %eq3A_738 : vector<16xi1> to vector<16xi32>
        %reduce_sum3A = arith.constant true
        %reduce_sum3A_748 = vector.broadcast %reduce_sum3A : i1 to vector<16xi1>
        %reduce_sum3A_749 = tpu.scan <sum>, %convert_element_type3A_747 masked %reduce_sum3A_748 : vector<16xi32>, vector<16xi1> -> vector<16xi32>
        %reduce_sum3A_750 = vector.extract %reduce_sum3A_749[15] : i32 from vector<16xi32>
        %add3A_751 = arith.addi %scan3A_720, %reduce_sum3A_750 : i32
        scf.yield %add3A_751 : i32
      }
      %scan3A_671 = arith.constant 25 : i32
      %jit3A_672 = arith.constant 16 : i32
      %div3A_673 = arith.divsi %scan3A_670, %jit3A_672 : i32
      %sign3A_674 = arith.constant 0 : i32
      %sign3A_675 = arith.cmpi sgt, %scan3A_670, %sign3A_674 : i32
      %sign3A_676 = arith.extui %sign3A_675 : i1 to i32
      %sign3A_677 = arith.constant 0 : i32
      %sign3A_678 = arith.cmpi slt, %scan3A_670, %sign3A_677 : i32
      %sign3A_679 = arith.extui %sign3A_678 : i1 to i32
      %sign3A_680 = arith.subi %sign3A_676, %sign3A_679 : i32
      %sign3A_681 = arith.constant 0 : i32
      %sign3A_682 = arith.cmpi sgt, %jit3A_672, %sign3A_681 : i32
      %sign3A_683 = arith.extui %sign3A_682 : i1 to i32
      %sign3A_684 = arith.constant 0 : i32
      %sign3A_685 = arith.cmpi slt, %jit3A_672, %sign3A_684 : i32
      %sign3A_686 = arith.extui %sign3A_685 : i1 to i32
      %sign3A_687 = arith.subi %sign3A_683, %sign3A_686 : i32
      %ne3A_688 = arith.cmpi ne, %sign3A_680, %sign3A_687 : i32
      %rem3A_689 = arith.remsi %scan3A_670, %jit3A_672 : i32
      %ne3A_690 = arith.constant 0 : i32
      %ne3A_691 = arith.cmpi ne, %rem3A_689, %ne3A_690 : i32
      %and3A_692 = arith.andi %ne3A_688, %ne3A_691 : i1
      %sub3A_693 = arith.constant 1 : i32
      %sub3A_694 = arith.subi %div3A_673, %sub3A_693 : i32
      %select_n3A_695 = arith.select %and3A_692, %sub3A_694, %div3A_673 : i32
      %while3A_696 = arith.constant 0 : i32
      %while3A_697 = arith.subi %select_n3A_695, %while3A_696 : i32
      %while3A_698 = arith.addi %while3A_696, %while3A_697 : i32
      %while3A_699 = arith.constant 1 : i32
      %while3A_700 = arith.divsi %while3A_697, %while3A_699 : i32
      %while3A_701 = arith.muli %while3A_700, %while3A_699 : i32
      %while3A_702 = arith.addi %while3A_696, %while3A_701 : i32
      %while3A_703 = arith.constant 1 : i32
      scf.for %while3A_719 = %while3A_696 to %while3A_702 step %while3A_703  : i32 {
        %add3A_720 = arith.addi %add3A_637, %while3A_719 : i32
        %ge3A_721 = arith.constant 19 : i32
        %ge3A_722 = arith.cmpi sge, %add3A_720, %ge3A_721 : i32
        %convert_element_type3A_723 = arith.extui %ge3A_722 : i1 to i32
        %cond3A_724 = arith.constant 0 : i32
        %cond3A_725 = arith.cmpi ne, %convert_element_type3A_723, %cond3A_724 : i32
        scf.if %cond3A_725 {
          %dma_wait3A_772 = arith.constant 0 : i32
          %dma_wait3A_773 = arith.constant 0 : i32
          %dma_wait3A_774 = tpu.memref_slice %arg14[%dma_wait3A_772, %dma_wait3A_773] : memref<304x128xf32, #tpu.memory_space<vmem>> -> memref<16x128xf32, #tpu.memory_space<vmem>>
          %dma_wait3A_775 = arith.constant 0 : i32
          %dma_wait3A_776 = arith.constant 0 : i32
          %dma_wait3A_777 = tpu.memref_slice %arg6[%dma_wait3A_775, %dma_wait3A_776] : memref<632x128xf32, #tpu.memory_space<hbm>> -> memref<16x128xf32, #tpu.memory_space<hbm>>
          %dma_wait3A_778 = arith.constant 0 : i32
          %dma_wait3A_779 = arith.constant 0 : i32
          %dma_wait3A_780 = tpu.memref_slice %arg14[%dma_wait3A_778, %dma_wait3A_779] : memref<304x128xf32, #tpu.memory_space<vmem>> -> memref<16x128xf32, #tpu.memory_space<vmem>>
          %dma_wait3A_781 = arith.constant 0 : i32
          %dma_wait3A_782 = arith.constant 0 : i32
          %dma_wait3A_783 = tpu.memref_slice %arg6[%dma_wait3A_781, %dma_wait3A_782] : memref<632x128xf32, #tpu.memory_space<hbm>> -> memref<16x128xf32, #tpu.memory_space<hbm>>
          tpu.wait_dma2 semaphore(%arg18 : memref<!tpu.dma_semaphore, #tpu.memory_space<semaphore_mem>>) src(%dma_wait3A_783 : memref<16x128xf32, #tpu.memory_space<hbm>>) dst(%dma_wait3A_780 : memref<16x128xf32, #tpu.memory_space<vmem>>)
        } else {
        }
        %jit3A_726 = arith.constant 19 : i32
        %eq3A = arith.constant 0 : i32
        %eq3A_727 = arith.cmpi eq, %jit3A_726, %eq3A : i32
        %jit3A_728 = arith.constant 1 : i32
        %select_n3A_729 = arith.select %eq3A_727, %jit3A_728, %jit3A_726 : i32
        %rem3A_730 = arith.remsi %add3A_720, %select_n3A_729 : i32
        %ne3A_731 = arith.constant 0 : i32
        %ne3A_732 = arith.cmpi ne, %rem3A_730, %ne3A_731 : i32
        %lt3A_733 = arith.constant 0 : i32
        %lt3A_734 = arith.cmpi slt, %rem3A_730, %lt3A_733 : i32
        %lt3A_735 = arith.constant 0 : i32
        %lt3A_736 = arith.cmpi slt, %select_n3A_729, %lt3A_735 : i32
        %ne3A_737 = arith.xori %lt3A_734, %lt3A_736 : i1
        %and3A_738 = arith.andi %ne3A_737, %ne3A_732 : i1
        %add3A_739 = arith.addi %rem3A_730, %select_n3A_729 : i32
        %select_n3A_740 = arith.select %and3A_738, %add3A_739, %rem3A_730 : i32
        %mul3A_741 = arith.constant 16 : i32
        %mul3A_742 = arith.muli %while3A_719, %mul3A_741 : i32
        %add3A_743 = arith.constant 0 : i32
        %add3A_744 = arith.addi %mul3A_742, %add3A_743 : i32
        %get3A = arith.index_cast %add3A_744 : i32 to index
        %get3A_745 = tpu.vector_load %arg11[%get3A] {strides = array<i32>} : memref<432xi32, #tpu.memory_space<vmem>>, vector<16xi32>,
        %shift_right_arithmetic3A = arith.constant 14 : i32
        %shift_right_arithmetic3A_746 = vector.broadcast %shift_right_arithmetic3A : i32 to vector<16xi32>
        %shift_right_arithmetic3A_747 = arith.shrsi %get3A_745, %shift_right_arithmetic3A_746 : vector<16xi32>
        %swap3A_748 = arith.index_cast %select_n3A_740 : i32 to index
        %swap3A_749 = arith.constant 0 : index
        %swap3A_750 = tpu.vector_load %arg12[%swap3A_748, %swap3A_749] {strides = array<i32>} : memref<19x16xi32, #tpu.memory_space<vmem>>, vector<16xi32>,
        tpu.vector_store %arg12[%swap3A_748, %swap3A_749], %shift_right_arithmetic3A_747 {strides = array<i32>} : memref<19x16xi32, #tpu.memory_space<vmem>>, vector<16xi32>,
        %and3A_751 = arith.constant 16383 : i32
        %and3A_752 = vector.broadcast %and3A_751 : i32 to vector<16xi32>
        %and3A_753 = arith.andi %get3A_745, %and3A_752 : vector<16xi32>
        %swap3A_754 = arith.index_cast %select_n3A_740 : i32 to index
        %swap3A_755 = arith.constant 0 : index
        %swap3A_756 = tpu.vector_load %arg13[%swap3A_754, %swap3A_755] {strides = array<i32>} : memref<19x16xi32, #tpu.memory_space<vmem>>, vector<16xi32>,
        tpu.vector_store %arg13[%swap3A_754, %swap3A_755], %and3A_753 {strides = array<i32>} : memref<19x16xi32, #tpu.memory_space<vmem>>, vector<16xi32>,
        %mul3A_757 = arith.constant 16 : i32
        %mul3A_758 = arith.muli %select_n3A_740, %mul3A_757 : i32
        %dma_start3A_759 = arith.constant 0 : i32
        %dma_start3A_760 = tpu.memref_slice %arg14[%mul3A_758, %dma_start3A_759] : memref<304x128xf32, #tpu.memory_space<vmem>> -> memref<16x128xf32, #tpu.memory_space<vmem>>
        %dma_start3A_761 = arith.constant 0 : i32
        %dma_start3A_762 = tpu.memref_slice %arg12[%select_n3A_740, %dma_start3A_761] : memref<19x16xi32, #tpu.memory_space<vmem>> -> memref<1x16xi32, #tpu.memory_space<vmem>>
        %dma_start3A_763 = tpu.memref_squeeze %dma_start3A_762 : memref<1x16xi32, #tpu.memory_space<vmem>> -> memref<16xi32, #tpu.memory_space<vmem>>
        %dma_start3A_764 = arith.constant 0 : i32
        %dma_start3A_765 = arith.constant 0 : i32
        %dma_start3A_766 = tpu.memref_slice %arg2[%dma_start3A_764, %dma_start3A_765] : memref<40000x128xf32, #tpu.memory_space<hbm>> -> memref<40000x128xf32, #tpu.memory_space<hbm>>
        tpu.enqueue_indirect_dma source(%dma_start3A_766 : memref<40000x128xf32, #tpu.memory_space<hbm>>) target(%dma_start3A_760 : memref<16x128xf32, #tpu.memory_space<vmem>>) offsets(%dma_start3A_763 : memref<16xi32, #tpu.memory_space<vmem>>) semaphore(%arg17 : memref<!tpu.dma_semaphore, #tpu.memory_space<semaphore_mem>>)
        %ge3A_767 = arith.constant 10 : i32
        %ge3A_768 = arith.cmpi sge, %add3A_720, %ge3A_767 : i32
        %convert_element_type3A_769 = arith.extui %ge3A_768 : i1 to i32
        %cond3A_770 = arith.constant 0 : i32
        %cond3A_771 = arith.cmpi ne, %convert_element_type3A_769, %cond3A_770 : i32
        scf.if %cond3A_771 {
          %dma_wait3A_772 = arith.constant 0 : i32
          %dma_wait3A_773 = arith.constant 0 : i32
          %dma_wait3A_774 = tpu.memref_slice %arg14[%dma_wait3A_772, %dma_wait3A_773] : memref<304x128xf32, #tpu.memory_space<vmem>> -> memref<16x128xf32, #tpu.memory_space<vmem>>
          %dma_wait3A_775 = arith.constant 0 : i32
          %dma_wait3A_776 = arith.constant 0 : i32
          %dma_wait3A_777 = tpu.memref_slice %arg6[%dma_wait3A_775, %dma_wait3A_776] : memref<632x128xf32, #tpu.memory_space<hbm>> -> memref<16x128xf32, #tpu.memory_space<hbm>>
          %dma_wait3A_778 = arith.constant 0 : i32
          %dma_wait3A_779 = arith.constant 0 : i32
          %dma_wait3A_780 = tpu.memref_slice %arg14[%dma_wait3A_778, %dma_wait3A_779] : memref<304x128xf32, #tpu.memory_space<vmem>> -> memref<16x128xf32, #tpu.memory_space<vmem>>
          %dma_wait3A_781 = arith.constant 0 : i32
          %dma_wait3A_782 = arith.constant 0 : i32
          %dma_wait3A_783 = tpu.memref_slice %arg6[%dma_wait3A_781, %dma_wait3A_782] : memref<632x128xf32, #tpu.memory_space<hbm>> -> memref<16x128xf32, #tpu.memory_space<hbm>>
          tpu.wait_dma2 semaphore(%arg17 : memref<!tpu.dma_semaphore, #tpu.memory_space<semaphore_mem>>) src(%dma_wait3A_783 : memref<16x128xf32, #tpu.memory_space<hbm>>) dst(%dma_wait3A_780 : memref<16x128xf32, #tpu.memory_space<vmem>>)
          %sub3A_784 = arith.constant 10 : i32
          %sub3A_785 = arith.subi %add3A_720, %sub3A_784 : i32
          %jit3A_786 = arith.constant 19 : i32
          %eq3A_787 = arith.constant 0 : i32
          %eq3A_788 = arith.cmpi eq, %jit3A_786, %eq3A_787 : i32
          %jit3A_789 = arith.constant 1 : i32
          %select_n3A_790 = arith.select %eq3A_788, %jit3A_789, %jit3A_786 : i32
          %rem3A_791 = arith.remsi %sub3A_785, %select_n3A_790 : i32
          %ne3A_792 = arith.constant 0 : i32
          %ne3A_793 = arith.cmpi ne, %rem3A_791, %ne3A_792 : i32
          %lt3A_794 = arith.constant 0 : i32
          %lt3A_795 = arith.cmpi slt, %rem3A_791, %lt3A_794 : i32
          %lt3A_796 = arith.constant 0 : i32
          %lt3A_797 = arith.cmpi slt, %select_n3A_790, %lt3A_796 : i32
          %ne3A_798 = arith.xori %lt3A_795, %lt3A_797 : i1
          %and3A_799 = arith.andi %ne3A_798, %ne3A_793 : i1
          %add3A_800 = arith.addi %rem3A_791, %select_n3A_790 : i32
          %select_n3A_801 = arith.select %and3A_799, %add3A_800, %rem3A_791 : i32
          %mul3A_802 = arith.constant 16 : i32
          %mul3A_803 = arith.muli %select_n3A_801, %mul3A_802 : i32
          %dma_start3A_804 = arith.constant 0 : i32
          %dma_start3A_805 = tpu.memref_slice %arg14[%mul3A_803, %dma_start3A_804] : memref<304x128xf32, #tpu.memory_space<vmem>> -> memref<16x128xf32, #tpu.memory_space<vmem>>
          %dma_start3A_806 = arith.constant 0 : i32
          %dma_start3A_807 = tpu.memref_slice %arg13[%select_n3A_801, %dma_start3A_806] : memref<19x16xi32, #tpu.memory_space<vmem>> -> memref<1x16xi32, #tpu.memory_space<vmem>>
          %dma_start3A_808 = tpu.memref_squeeze %dma_start3A_807 : memref<1x16xi32, #tpu.memory_space<vmem>> -> memref<16xi32, #tpu.memory_space<vmem>>
          %dma_start3A_809 = arith.constant 0 : i32
          %dma_start3A_810 = arith.constant 0 : i32
          %dma_start3A_811 = tpu.memref_slice %arg15[%dma_start3A_809, %dma_start3A_810] : memref<10112x128xf32, #tpu.memory_space<vmem_shared>> -> memref<10112x128xf32, #tpu.memory_space<vmem_shared>>
          tpu.enqueue_indirect_dma source(%dma_start3A_805 : memref<16x128xf32, #tpu.memory_space<vmem>>) target(%dma_start3A_811 : memref<10112x128xf32, #tpu.memory_space<vmem_shared>>) offsets(%dma_start3A_808 : memref<16xi32, #tpu.memory_space<vmem>>) semaphore(%arg18 : memref<!tpu.dma_semaphore, #tpu.memory_space<semaphore_mem>>) {add = true}
        } else {
        }
      }
      %while3A_704 = arith.constant 1 : i32
      scf.for %while3A_719 = %while3A_702 to %while3A_698 step %while3A_704  : i32 {
        %add3A_720 = arith.addi %add3A_637, %while3A_719 : i32
        %ge3A_721 = arith.constant 19 : i32
        %ge3A_722 = arith.cmpi sge, %add3A_720, %ge3A_721 : i32
        %convert_element_type3A_723 = arith.extui %ge3A_722 : i1 to i32
        %cond3A_724 = arith.constant 0 : i32
        %cond3A_725 = arith.cmpi ne, %convert_element_type3A_723, %cond3A_724 : i32
        scf.if %cond3A_725 {
          %dma_wait3A_772 = arith.constant 0 : i32
          %dma_wait3A_773 = arith.constant 0 : i32
          %dma_wait3A_774 = tpu.memref_slice %arg14[%dma_wait3A_772, %dma_wait3A_773] : memref<304x128xf32, #tpu.memory_space<vmem>> -> memref<16x128xf32, #tpu.memory_space<vmem>>
          %dma_wait3A_775 = arith.constant 0 : i32
          %dma_wait3A_776 = arith.constant 0 : i32
          %dma_wait3A_777 = tpu.memref_slice %arg6[%dma_wait3A_775, %dma_wait3A_776] : memref<632x128xf32, #tpu.memory_space<hbm>> -> memref<16x128xf32, #tpu.memory_space<hbm>>
          %dma_wait3A_778 = arith.constant 0 : i32
          %dma_wait3A_779 = arith.constant 0 : i32
          %dma_wait3A_780 = tpu.memref_slice %arg14[%dma_wait3A_778, %dma_wait3A_779] : memref<304x128xf32, #tpu.memory_space<vmem>> -> memref<16x128xf32, #tpu.memory_space<vmem>>
          %dma_wait3A_781 = arith.constant 0 : i32
          %dma_wait3A_782 = arith.constant 0 : i32
          %dma_wait3A_783 = tpu.memref_slice %arg6[%dma_wait3A_781, %dma_wait3A_782] : memref<632x128xf32, #tpu.memory_space<hbm>> -> memref<16x128xf32, #tpu.memory_space<hbm>>
          tpu.wait_dma2 semaphore(%arg18 : memref<!tpu.dma_semaphore, #tpu.memory_space<semaphore_mem>>) src(%dma_wait3A_783 : memref<16x128xf32, #tpu.memory_space<hbm>>) dst(%dma_wait3A_780 : memref<16x128xf32, #tpu.memory_space<vmem>>)
        } else {
        }
        %jit3A_726 = arith.constant 19 : i32
        %eq3A = arith.constant 0 : i32
        %eq3A_727 = arith.cmpi eq, %jit3A_726, %eq3A : i32
        %jit3A_728 = arith.constant 1 : i32
        %select_n3A_729 = arith.select %eq3A_727, %jit3A_728, %jit3A_726 : i32
        %rem3A_730 = arith.remsi %add3A_720, %select_n3A_729 : i32
        %ne3A_731 = arith.constant 0 : i32
        %ne3A_732 = arith.cmpi ne, %rem3A_730, %ne3A_731 : i32
        %lt3A_733 = arith.constant 0 : i32
        %lt3A_734 = arith.cmpi slt, %rem3A_730, %lt3A_733 : i32
        %lt3A_735 = arith.constant 0 : i32
        %lt3A_736 = arith.cmpi slt, %select_n3A_729, %lt3A_735 : i32
        %ne3A_737 = arith.xori %lt3A_734, %lt3A_736 : i1
        %and3A_738 = arith.andi %ne3A_737, %ne3A_732 : i1
        %add3A_739 = arith.addi %rem3A_730, %select_n3A_729 : i32
        %select_n3A_740 = arith.select %and3A_738, %add3A_739, %rem3A_730 : i32
        %mul3A_741 = arith.constant 16 : i32
        %mul3A_742 = arith.muli %while3A_719, %mul3A_741 : i32
        %add3A_743 = arith.constant 0 : i32
        %add3A_744 = arith.addi %mul3A_742, %add3A_743 : i32
        %get3A = arith.index_cast %add3A_744 : i32 to index
        %get3A_745 = tpu.vector_load %arg11[%get3A] {strides = array<i32>} : memref<432xi32, #tpu.memory_space<vmem>>, vector<16xi32>,
        %shift_right_arithmetic3A = arith.constant 14 : i32
        %shift_right_arithmetic3A_746 = vector.broadcast %shift_right_arithmetic3A : i32 to vector<16xi32>
        %shift_right_arithmetic3A_747 = arith.shrsi %get3A_745, %shift_right_arithmetic3A_746 : vector<16xi32>
        %swap3A_748 = arith.index_cast %select_n3A_740 : i32 to index
        %swap3A_749 = arith.constant 0 : index
        %swap3A_750 = tpu.vector_load %arg12[%swap3A_748, %swap3A_749] {strides = array<i32>} : memref<19x16xi32, #tpu.memory_space<vmem>>, vector<16xi32>,
        tpu.vector_store %arg12[%swap3A_748, %swap3A_749], %shift_right_arithmetic3A_747 {strides = array<i32>} : memref<19x16xi32, #tpu.memory_space<vmem>>, vector<16xi32>,
        %and3A_751 = arith.constant 16383 : i32
        %and3A_752 = vector.broadcast %and3A_751 : i32 to vector<16xi32>
        %and3A_753 = arith.andi %get3A_745, %and3A_752 : vector<16xi32>
        %swap3A_754 = arith.index_cast %select_n3A_740 : i32 to index
        %swap3A_755 = arith.constant 0 : index
        %swap3A_756 = tpu.vector_load %arg13[%swap3A_754, %swap3A_755] {strides = array<i32>} : memref<19x16xi32, #tpu.memory_space<vmem>>, vector<16xi32>,
        tpu.vector_store %arg13[%swap3A_754, %swap3A_755], %and3A_753 {strides = array<i32>} : memref<19x16xi32, #tpu.memory_space<vmem>>, vector<16xi32>,
        %mul3A_757 = arith.constant 16 : i32
        %mul3A_758 = arith.muli %select_n3A_740, %mul3A_757 : i32
        %dma_start3A_759 = arith.constant 0 : i32
        %dma_start3A_760 = tpu.memref_slice %arg14[%mul3A_758, %dma_start3A_759] : memref<304x128xf32, #tpu.memory_space<vmem>> -> memref<16x128xf32, #tpu.memory_space<vmem>>
        %dma_start3A_761 = arith.constant 0 : i32
        %dma_start3A_762 = tpu.memref_slice %arg12[%select_n3A_740, %dma_start3A_761] : memref<19x16xi32, #tpu.memory_space<vmem>> -> memref<1x16xi32, #tpu.memory_space<vmem>>
        %dma_start3A_763 = tpu.memref_squeeze %dma_start3A_762 : memref<1x16xi32, #tpu.memory_space<vmem>> -> memref<16xi32, #tpu.memory_space<vmem>>
        %dma_start3A_764 = arith.constant 0 : i32
        %dma_start3A_765 = arith.constant 0 : i32
        %dma_start3A_766 = tpu.memref_slice %arg2[%dma_start3A_764, %dma_start3A_765] : memref<40000x128xf32, #tpu.memory_space<hbm>> -> memref<40000x128xf32, #tpu.memory_space<hbm>>
        tpu.enqueue_indirect_dma source(%dma_start3A_766 : memref<40000x128xf32, #tpu.memory_space<hbm>>) target(%dma_start3A_760 : memref<16x128xf32, #tpu.memory_space<vmem>>) offsets(%dma_start3A_763 : memref<16xi32, #tpu.memory_space<vmem>>) semaphore(%arg17 : memref<!tpu.dma_semaphore, #tpu.memory_space<semaphore_mem>>)
        %ge3A_767 = arith.constant 10 : i32
        %ge3A_768 = arith.cmpi sge, %add3A_720, %ge3A_767 : i32
        %convert_element_type3A_769 = arith.extui %ge3A_768 : i1 to i32
        %cond3A_770 = arith.constant 0 : i32
        %cond3A_771 = arith.cmpi ne, %convert_element_type3A_769, %cond3A_770 : i32
        scf.if %cond3A_771 {
          %dma_wait3A_772 = arith.constant 0 : i32
          %dma_wait3A_773 = arith.constant 0 : i32
          %dma_wait3A_774 = tpu.memref_slice %arg14[%dma_wait3A_772, %dma_wait3A_773] : memref<304x128xf32, #tpu.memory_space<vmem>> -> memref<16x128xf32, #tpu.memory_space<vmem>>
          %dma_wait3A_775 = arith.constant 0 : i32
          %dma_wait3A_776 = arith.constant 0 : i32
          %dma_wait3A_777 = tpu.memref_slice %arg6[%dma_wait3A_775, %dma_wait3A_776] : memref<632x128xf32, #tpu.memory_space<hbm>> -> memref<16x128xf32, #tpu.memory_space<hbm>>
          %dma_wait3A_778 = arith.constant 0 : i32
          %dma_wait3A_779 = arith.constant 0 : i32
          %dma_wait3A_780 = tpu.memref_slice %arg14[%dma_wait3A_778, %dma_wait3A_779] : memref<304x128xf32, #tpu.memory_space<vmem>> -> memref<16x128xf32, #tpu.memory_space<vmem>>
          %dma_wait3A_781 = arith.constant 0 : i32
          %dma_wait3A_782 = arith.constant 0 : i32
          %dma_wait3A_783 = tpu.memref_slice %arg6[%dma_wait3A_781, %dma_wait3A_782] : memref<632x128xf32, #tpu.memory_space<hbm>> -> memref<16x128xf32, #tpu.memory_space<hbm>>
          tpu.wait_dma2 semaphore(%arg17 : memref<!tpu.dma_semaphore, #tpu.memory_space<semaphore_mem>>) src(%dma_wait3A_783 : memref<16x128xf32, #tpu.memory_space<hbm>>) dst(%dma_wait3A_780 : memref<16x128xf32, #tpu.memory_space<vmem>>)
          %sub3A_784 = arith.constant 10 : i32
          %sub3A_785 = arith.subi %add3A_720, %sub3A_784 : i32
          %jit3A_786 = arith.constant 19 : i32
          %eq3A_787 = arith.constant 0 : i32
          %eq3A_788 = arith.cmpi eq, %jit3A_786, %eq3A_787 : i32
          %jit3A_789 = arith.constant 1 : i32
          %select_n3A_790 = arith.select %eq3A_788, %jit3A_789, %jit3A_786 : i32
          %rem3A_791 = arith.remsi %sub3A_785, %select_n3A_790 : i32
          %ne3A_792 = arith.constant 0 : i32
          %ne3A_793 = arith.cmpi ne, %rem3A_791, %ne3A_792 : i32
          %lt3A_794 = arith.constant 0 : i32
          %lt3A_795 = arith.cmpi slt, %rem3A_791, %lt3A_794 : i32
          %lt3A_796 = arith.constant 0 : i32
          %lt3A_797 = arith.cmpi slt, %select_n3A_790, %lt3A_796 : i32
          %ne3A_798 = arith.xori %lt3A_795, %lt3A_797 : i1
          %and3A_799 = arith.andi %ne3A_798, %ne3A_793 : i1
          %add3A_800 = arith.addi %rem3A_791, %select_n3A_790 : i32
          %select_n3A_801 = arith.select %and3A_799, %add3A_800, %rem3A_791 : i32
          %mul3A_802 = arith.constant 16 : i32
          %mul3A_803 = arith.muli %select_n3A_801, %mul3A_802 : i32
          %dma_start3A_804 = arith.constant 0 : i32
          %dma_start3A_805 = tpu.memref_slice %arg14[%mul3A_803, %dma_start3A_804] : memref<304x128xf32, #tpu.memory_space<vmem>> -> memref<16x128xf32, #tpu.memory_space<vmem>>
          %dma_start3A_806 = arith.constant 0 : i32
          %dma_start3A_807 = tpu.memref_slice %arg13[%select_n3A_801, %dma_start3A_806] : memref<19x16xi32, #tpu.memory_space<vmem>> -> memref<1x16xi32, #tpu.memory_space<vmem>>
          %dma_start3A_808 = tpu.memref_squeeze %dma_start3A_807 : memref<1x16xi32, #tpu.memory_space<vmem>> -> memref<16xi32, #tpu.memory_space<vmem>>
          %dma_start3A_809 = arith.constant 0 : i32
          %dma_start3A_810 = arith.constant 0 : i32
          %dma_start3A_811 = tpu.memref_slice %arg15[%dma_start3A_809, %dma_start3A_810] : memref<10112x128xf32, #tpu.memory_space<vmem_shared>> -> memref<10112x128xf32, #tpu.memory_space<vmem_shared>>
          tpu.enqueue_indirect_dma source(%dma_start3A_805 : memref<16x128xf32, #tpu.memory_space<vmem>>) target(%dma_start3A_811 : memref<10112x128xf32, #tpu.memory_space<vmem_shared>>) offsets(%dma_start3A_808 : memref<16xi32, #tpu.memory_space<vmem>>) semaphore(%arg18 : memref<!tpu.dma_semaphore, #tpu.memory_space<semaphore_mem>>) {add = true}
        } else {
        }
      }
      %gt3A_705 = arith.constant 0 : i32
      %gt3A_706 = arith.cmpi sgt, %select_n3A_695, %gt3A_705 : i32
      %convert_element_type3A_707 = arith.extui %gt3A_706 : i1 to i32
      %cond3A_708 = arith.constant 0 : i32
      %cond3A_709 = arith.cmpi ne, %convert_element_type3A_707, %cond3A_708 : i32
      scf.if %cond3A_709 {
        %mul3A_719 = arith.constant 16 : i32
        %mul3A_720 = arith.muli %select_n3A_695, %mul3A_719 : i32
        %add3A_721 = arith.constant 0 : i32
        %add3A_722 = arith.addi %mul3A_720, %add3A_721 : i32
        %get3A = arith.index_cast %add3A_722 : i32 to index
        %get3A_723 = tpu.vector_load %arg11[%get3A] {strides = array<i32>} : memref<432xi32, #tpu.memory_space<vmem>>, vector<16xi32>,
        %swap3A_724 = arith.constant 0 : index
        %swap3A_725 = tpu.vector_load %arg11[%swap3A_724] {strides = array<i32>} : memref<432xi32, #tpu.memory_space<vmem>>, vector<16xi32>,
        tpu.vector_store %arg11[%swap3A_724], %get3A_723 {strides = array<i32>} : memref<432xi32, #tpu.memory_space<vmem>>, vector<16xi32>,
      } else {
      }
      %mul3A_710 = arith.constant 16 : i32
      %mul3A_711 = arith.muli %select_n3A_695, %mul3A_710 : i32
      %sub3A_712 = arith.subi %scan3A_670, %mul3A_711 : i32
      %add3A_713 = arith.addi %add3A_637, %select_n3A_695 : i32
      %lt3A_714 = arith.constant 24 : i32
      %lt3A_715 = arith.cmpi slt, %scan3A_563, %lt3A_714 : i32
      %convert_element_type3A_716 = arith.extui %lt3A_715 : i1 to i32
      %cond3A_717 = arith.constant 0 : i32
      %cond3A_718 = arith.cmpi ne, %convert_element_type3A_716, %cond3A_717 : i32
      scf.if %cond3A_718 {
        %mul3A_719 = arith.constant 2 : i32
        %mul3A_720 = arith.muli %mul3A_719, %scan3A_563 : i32
        %add3A_721 = arith.constant 3 : i32
        %add3A_722 = arith.addi %mul3A_720, %add3A_721 : i32
        %mul3A_723 = arith.constant 400 : i32
        %mul3A_724 = arith.muli %add3A_722, %mul3A_723 : i32
        %add3A_725 = arith.addi %mul3A_0, %mul3A_724 : i32
        %dma_start3A_726 = arith.constant 400 : i32
        %dma_start3A_727 = tpu.memref_slice %arg8[%dma_start3A_726] : memref<800xi32, #tpu.memory_space<vmem>> -> memref<400xi32, #tpu.memory_space<vmem>>
        %dma_start3A_728 = tpu.memref_slice %arg3[%add3A_725] : memref<320000xi32, #tpu.memory_space<hbm>> -> memref<400xi32, #tpu.memory_space<hbm>>
        %dma_start3A_729 = arith.constant 400 : i32
        %dma_start3A_730 = tpu.memref_slice %arg8[%dma_start3A_729] : memref<800xi32, #tpu.memory_space<vmem>> -> memref<400xi32, #tpu.memory_space<vmem>>
        %dma_start3A_731 = tpu.memref_slice %arg3[%add3A_725] : memref<320000xi32, #tpu.memory_space<hbm>> -> memref<400xi32, #tpu.memory_space<hbm>>
        tpu.enqueue_dma source(%dma_start3A_731 : memref<400xi32, #tpu.memory_space<hbm>>) target(%dma_start3A_730 : memref<400xi32, #tpu.memory_space<vmem>>) target_semaphore(%arg16 : memref<!tpu.dma_semaphore, #tpu.memory_space<semaphore_mem>>)
        %dma_start3A_732 = arith.constant 400 : i32
        %dma_start3A_733 = tpu.memref_slice %arg9[%dma_start3A_732] : memref<800xi32, #tpu.memory_space<vmem>> -> memref<400xi32, #tpu.memory_space<vmem>>
        %dma_start3A_734 = tpu.memref_slice %arg4[%add3A_725] : memref<320000xi32, #tpu.memory_space<hbm>> -> memref<400xi32, #tpu.memory_space<hbm>>
        %dma_start3A_735 = arith.constant 400 : i32
        %dma_start3A_736 = tpu.memref_slice %arg9[%dma_start3A_735] : memref<800xi32, #tpu.memory_space<vmem>> -> memref<400xi32, #tpu.memory_space<vmem>>
        %dma_start3A_737 = tpu.memref_slice %arg4[%add3A_725] : memref<320000xi32, #tpu.memory_space<hbm>> -> memref<400xi32, #tpu.memory_space<hbm>>
        tpu.enqueue_dma source(%dma_start3A_737 : memref<400xi32, #tpu.memory_space<hbm>>) target(%dma_start3A_736 : memref<400xi32, #tpu.memory_space<vmem>>) target_semaphore(%arg16 : memref<!tpu.dma_semaphore, #tpu.memory_space<semaphore_mem>>)
        %dma_start3A_738 = arith.constant 400 : i32
        %dma_start3A_739 = tpu.memref_slice %arg10[%dma_start3A_738] : memref<800xi32, #tpu.memory_space<vmem>> -> memref<400xi32, #tpu.memory_space<vmem>>
        %dma_start3A_740 = tpu.memref_slice %arg5[%add3A_725] : memref<320000xi32, #tpu.memory_space<hbm>> -> memref<400xi32, #tpu.memory_space<hbm>>
        %dma_start3A_741 = arith.constant 400 : i32
        %dma_start3A_742 = tpu.memref_slice %arg10[%dma_start3A_741] : memref<800xi32, #tpu.memory_space<vmem>> -> memref<400xi32, #tpu.memory_space<vmem>>
        %dma_start3A_743 = tpu.memref_slice %arg5[%add3A_725] : memref<320000xi32, #tpu.memory_space<hbm>> -> memref<400xi32, #tpu.memory_space<hbm>>
        tpu.enqueue_dma source(%dma_start3A_743 : memref<400xi32, #tpu.memory_space<hbm>>) target(%dma_start3A_742 : memref<400xi32, #tpu.memory_space<vmem>>) target_semaphore(%arg16 : memref<!tpu.dma_semaphore, #tpu.memory_space<semaphore_mem>>)
      } else {
      }
      scf.yield %sub3A_712, %add3A_713 : i32, i32
    }
    %scan3A_327 = arith.constant 25 : i32
    %broadcast_in_dim3A_328 = arith.constant 10000 : i32
    %broadcast_in_dim3A_329 = vector.broadcast %broadcast_in_dim3A_328 : i32 to vector<16xi32>
    %add3A_330 = arith.constant 0 : i32
    %add3A_331 = arith.addi %scan3A_326#0, %add3A_330 : i32
    %swap3A_332 = arith.index_cast %add3A_331 : i32 to index
    %swap3A_333 = tpu.vector_load %arg11[%swap3A_332] {strides = array<i32>} : memref<432xi32, #tpu.memory_space<vmem>>, vector<16xi32>,
    tpu.vector_store %arg11[%swap3A_332], %broadcast_in_dim3A_329 {strides = array<i32>} : memref<432xi32, #tpu.memory_space<vmem>>, vector<16xi32>,
    %add3A_334 = arith.constant 16 : i32
    %add3A_335 = arith.addi %scan3A_326#0, %add3A_334 : i32
    %sub3A_336 = arith.constant 1 : i32
    %sub3A_337 = arith.subi %add3A_335, %sub3A_336 : i32
    %jit3A_338 = arith.constant 16 : i32
    %div3A_339 = arith.divsi %sub3A_337, %jit3A_338 : i32
    %sign3A_340 = arith.constant 0 : i32
    %sign3A_341 = arith.cmpi sgt, %sub3A_337, %sign3A_340 : i32
    %sign3A_342 = arith.extui %sign3A_341 : i1 to i32
    %sign3A_343 = arith.constant 0 : i32
    %sign3A_344 = arith.cmpi slt, %sub3A_337, %sign3A_343 : i32
    %sign3A_345 = arith.extui %sign3A_344 : i1 to i32
    %sign3A_346 = arith.subi %sign3A_342, %sign3A_345 : i32
    %sign3A_347 = arith.constant 0 : i32
    %sign3A_348 = arith.cmpi sgt, %jit3A_338, %sign3A_347 : i32
    %sign3A_349 = arith.extui %sign3A_348 : i1 to i32
    %sign3A_350 = arith.constant 0 : i32
    %sign3A_351 = arith.cmpi slt, %jit3A_338, %sign3A_350 : i32
    %sign3A_352 = arith.extui %sign3A_351 : i1 to i32
    %sign3A_353 = arith.subi %sign3A_349, %sign3A_352 : i32
    %ne3A_354 = arith.cmpi ne, %sign3A_346, %sign3A_353 : i32
    %rem3A_355 = arith.remsi %sub3A_337, %jit3A_338 : i32
    %ne3A_356 = arith.constant 0 : i32
    %ne3A_357 = arith.cmpi ne, %rem3A_355, %ne3A_356 : i32
    %and3A_358 = arith.andi %ne3A_354, %ne3A_357 : i1
    %sub3A_359 = arith.constant 1 : i32
    %sub3A_360 = arith.subi %div3A_339, %sub3A_359 : i32
    %select_n3A_361 = arith.select %and3A_358, %sub3A_360, %div3A_339 : i32
    %mul3A_362 = arith.constant 16 : i32
    %mul3A_363 = arith.muli %select_n3A_361, %mul3A_362 : i32
    %jit3A_364 = arith.constant 16 : i32
    %div3A_365 = arith.divsi %mul3A_363, %jit3A_364 : i32
    %sign3A_366 = arith.constant 0 : i32
    %sign3A_367 = arith.cmpi sgt, %mul3A_363, %sign3A_366 : i32
    %sign3A_368 = arith.extui %sign3A_367 : i1 to i32
    %sign3A_369 = arith.constant 0 : i32
    %sign3A_370 = arith.cmpi slt, %mul3A_363, %sign3A_369 : i32
    %sign3A_371 = arith.extui %sign3A_370 : i1 to i32
    %sign3A_372 = arith.subi %sign3A_368, %sign3A_371 : i32
    %sign3A_373 = arith.constant 0 : i32
    %sign3A_374 = arith.cmpi sgt, %jit3A_364, %sign3A_373 : i32
    %sign3A_375 = arith.extui %sign3A_374 : i1 to i32
    %sign3A_376 = arith.constant 0 : i32
    %sign3A_377 = arith.cmpi slt, %jit3A_364, %sign3A_376 : i32
    %sign3A_378 = arith.extui %sign3A_377 : i1 to i32
    %sign3A_379 = arith.subi %sign3A_375, %sign3A_378 : i32
    %ne3A_380 = arith.cmpi ne, %sign3A_372, %sign3A_379 : i32
    %rem3A_381 = arith.remsi %mul3A_363, %jit3A_364 : i32
    %ne3A_382 = arith.constant 0 : i32
    %ne3A_383 = arith.cmpi ne, %rem3A_381, %ne3A_382 : i32
    %and3A_384 = arith.andi %ne3A_380, %ne3A_383 : i1
    %sub3A_385 = arith.constant 1 : i32
    %sub3A_386 = arith.subi %div3A_365, %sub3A_385 : i32
    %select_n3A_387 = arith.select %and3A_384, %sub3A_386, %div3A_365 : i32
    %while3A_388 = arith.constant 0 : i32
    %while3A_389 = arith.subi %select_n3A_387, %while3A_388 : i32
    %while3A_390 = arith.addi %while3A_388, %while3A_389 : i32
    %while3A_391 = arith.constant 1 : i32
    %while3A_392 = arith.divsi %while3A_389, %while3A_391 : i32
    %while3A_393 = arith.muli %while3A_392, %while3A_391 : i32
    %while3A_394 = arith.addi %while3A_388, %while3A_393 : i32
    %while3A_395 = arith.constant 1 : i32
    scf.for %while3A_563 = %while3A_388 to %while3A_394 step %while3A_395  : i32 {
      %add3A_564 = arith.addi %scan3A_326#1, %while3A_563 : i32
      %ge3A_565 = arith.constant 19 : i32
      %ge3A_566 = arith.cmpi sge, %add3A_564, %ge3A_565 : i32
      %convert_element_type3A_567 = arith.extui %ge3A_566 : i1 to i32
      %cond3A_568 = arith.constant 0 : i32
      %cond3A_569 = arith.cmpi ne, %convert_element_type3A_567, %cond3A_568 : i32
      scf.if %cond3A_569 {
        %dma_wait3A_615 = arith.constant 0 : i32
        %dma_wait3A_616 = arith.constant 0 : i32
        %dma_wait3A_617 = tpu.memref_slice %arg14[%dma_wait3A_615, %dma_wait3A_616] : memref<304x128xf32, #tpu.memory_space<vmem>> -> memref<16x128xf32, #tpu.memory_space<vmem>>
        %dma_wait3A_618 = arith.constant 0 : i32
        %dma_wait3A_619 = arith.constant 0 : i32
        %dma_wait3A_620 = tpu.memref_slice %arg6[%dma_wait3A_618, %dma_wait3A_619] : memref<632x128xf32, #tpu.memory_space<hbm>> -> memref<16x128xf32, #tpu.memory_space<hbm>>
        %dma_wait3A_621 = arith.constant 0 : i32
        %dma_wait3A_622 = arith.constant 0 : i32
        %dma_wait3A_623 = tpu.memref_slice %arg14[%dma_wait3A_621, %dma_wait3A_622] : memref<304x128xf32, #tpu.memory_space<vmem>> -> memref<16x128xf32, #tpu.memory_space<vmem>>
        %dma_wait3A_624 = arith.constant 0 : i32
        %dma_wait3A_625 = arith.constant 0 : i32
        %dma_wait3A_626 = tpu.memref_slice %arg6[%dma_wait3A_624, %dma_wait3A_625] : memref<632x128xf32, #tpu.memory_space<hbm>> -> memref<16x128xf32, #tpu.memory_space<hbm>>
        tpu.wait_dma2 semaphore(%arg18 : memref<!tpu.dma_semaphore, #tpu.memory_space<semaphore_mem>>) src(%dma_wait3A_626 : memref<16x128xf32, #tpu.memory_space<hbm>>) dst(%dma_wait3A_623 : memref<16x128xf32, #tpu.memory_space<vmem>>)
      } else {
      }
      %jit3A_570 = arith.constant 19 : i32
      %eq3A = arith.constant 0 : i32
      %eq3A_571 = arith.cmpi eq, %jit3A_570, %eq3A : i32
      %jit3A_572 = arith.constant 1 : i32
      %select_n3A_573 = arith.select %eq3A_571, %jit3A_572, %jit3A_570 : i32
      %rem3A_574 = arith.remsi %add3A_564, %select_n3A_573 : i32
      %ne3A_575 = arith.constant 0 : i32
      %ne3A_576 = arith.cmpi ne, %rem3A_574, %ne3A_575 : i32
      %lt3A = arith.constant 0 : i32
      %lt3A_577 = arith.cmpi slt, %rem3A_574, %lt3A : i32
      %lt3A_578 = arith.constant 0 : i32
      %lt3A_579 = arith.cmpi slt, %select_n3A_573, %lt3A_578 : i32
      %ne3A_580 = arith.xori %lt3A_577, %lt3A_579 : i1
      %and3A_581 = arith.andi %ne3A_580, %ne3A_576 : i1
      %add3A_582 = arith.addi %rem3A_574, %select_n3A_573 : i32
      %select_n3A_583 = arith.select %and3A_581, %add3A_582, %rem3A_574 : i32
      %mul3A_584 = arith.constant 16 : i32
      %mul3A_585 = arith.muli %while3A_563, %mul3A_584 : i32
      %add3A_586 = arith.constant 0 : i32
      %add3A_587 = arith.addi %mul3A_585, %add3A_586 : i32
      %get3A = arith.index_cast %add3A_587 : i32 to index
      %get3A_588 = tpu.vector_load %arg11[%get3A] {strides = array<i32>} : memref<432xi32, #tpu.memory_space<vmem>>, vector<16xi32>,
      %shift_right_arithmetic3A = arith.constant 14 : i32
      %shift_right_arithmetic3A_589 = vector.broadcast %shift_right_arithmetic3A : i32 to vector<16xi32>
      %shift_right_arithmetic3A_590 = arith.shrsi %get3A_588, %shift_right_arithmetic3A_589 : vector<16xi32>
      %swap3A_591 = arith.index_cast %select_n3A_583 : i32 to index
      %swap3A_592 = arith.constant 0 : index
      %swap3A_593 = tpu.vector_load %arg12[%swap3A_591, %swap3A_592] {strides = array<i32>} : memref<19x16xi32, #tpu.memory_space<vmem>>, vector<16xi32>,
      tpu.vector_store %arg12[%swap3A_591, %swap3A_592], %shift_right_arithmetic3A_590 {strides = array<i32>} : memref<19x16xi32, #tpu.memory_space<vmem>>, vector<16xi32>,
      %and3A_594 = arith.constant 16383 : i32
      %and3A_595 = vector.broadcast %and3A_594 : i32 to vector<16xi32>
      %and3A_596 = arith.andi %get3A_588, %and3A_595 : vector<16xi32>
      %swap3A_597 = arith.index_cast %select_n3A_583 : i32 to index
      %swap3A_598 = arith.constant 0 : index
      %swap3A_599 = tpu.vector_load %arg13[%swap3A_597, %swap3A_598] {strides = array<i32>} : memref<19x16xi32, #tpu.memory_space<vmem>>, vector<16xi32>,
      tpu.vector_store %arg13[%swap3A_597, %swap3A_598], %and3A_596 {strides = array<i32>} : memref<19x16xi32, #tpu.memory_space<vmem>>, vector<16xi32>,
      %mul3A_600 = arith.constant 16 : i32
      %mul3A_601 = arith.muli %select_n3A_583, %mul3A_600 : i32
      %dma_start3A_602 = arith.constant 0 : i32
      %dma_start3A_603 = tpu.memref_slice %arg14[%mul3A_601, %dma_start3A_602] : memref<304x128xf32, #tpu.memory_space<vmem>> -> memref<16x128xf32, #tpu.memory_space<vmem>>
      %dma_start3A_604 = arith.constant 0 : i32
      %dma_start3A_605 = tpu.memref_slice %arg12[%select_n3A_583, %dma_start3A_604] : memref<19x16xi32, #tpu.memory_space<vmem>> -> memref<1x16xi32, #tpu.memory_space<vmem>>
      %dma_start3A_606 = tpu.memref_squeeze %dma_start3A_605 : memref<1x16xi32, #tpu.memory_space<vmem>> -> memref<16xi32, #tpu.memory_space<vmem>>
      %dma_start3A_607 = arith.constant 0 : i32
      %dma_start3A_608 = arith.constant 0 : i32
      %dma_start3A_609 = tpu.memref_slice %arg2[%dma_start3A_607, %dma_start3A_608] : memref<40000x128xf32, #tpu.memory_space<hbm>> -> memref<40000x128xf32, #tpu.memory_space<hbm>>
      tpu.enqueue_indirect_dma source(%dma_start3A_609 : memref<40000x128xf32, #tpu.memory_space<hbm>>) target(%dma_start3A_603 : memref<16x128xf32, #tpu.memory_space<vmem>>) offsets(%dma_start3A_606 : memref<16xi32, #tpu.memory_space<vmem>>) semaphore(%arg17 : memref<!tpu.dma_semaphore, #tpu.memory_space<semaphore_mem>>)
      %ge3A_610 = arith.constant 10 : i32
      %ge3A_611 = arith.cmpi sge, %add3A_564, %ge3A_610 : i32
      %convert_element_type3A_612 = arith.extui %ge3A_611 : i1 to i32
      %cond3A_613 = arith.constant 0 : i32
      %cond3A_614 = arith.cmpi ne, %convert_element_type3A_612, %cond3A_613 : i32
      scf.if %cond3A_614 {
        %dma_wait3A_615 = arith.constant 0 : i32
        %dma_wait3A_616 = arith.constant 0 : i32
        %dma_wait3A_617 = tpu.memref_slice %arg14[%dma_wait3A_615, %dma_wait3A_616] : memref<304x128xf32, #tpu.memory_space<vmem>> -> memref<16x128xf32, #tpu.memory_space<vmem>>
        %dma_wait3A_618 = arith.constant 0 : i32
        %dma_wait3A_619 = arith.constant 0 : i32
        %dma_wait3A_620 = tpu.memref_slice %arg6[%dma_wait3A_618, %dma_wait3A_619] : memref<632x128xf32, #tpu.memory_space<hbm>> -> memref<16x128xf32, #tpu.memory_space<hbm>>
        %dma_wait3A_621 = arith.constant 0 : i32
        %dma_wait3A_622 = arith.constant 0 : i32
        %dma_wait3A_623 = tpu.memref_slice %arg14[%dma_wait3A_621, %dma_wait3A_622] : memref<304x128xf32, #tpu.memory_space<vmem>> -> memref<16x128xf32, #tpu.memory_space<vmem>>
        %dma_wait3A_624 = arith.constant 0 : i32
        %dma_wait3A_625 = arith.constant 0 : i32
        %dma_wait3A_626 = tpu.memref_slice %arg6[%dma_wait3A_624, %dma_wait3A_625] : memref<632x128xf32, #tpu.memory_space<hbm>> -> memref<16x128xf32, #tpu.memory_space<hbm>>
        tpu.wait_dma2 semaphore(%arg17 : memref<!tpu.dma_semaphore, #tpu.memory_space<semaphore_mem>>) src(%dma_wait3A_626 : memref<16x128xf32, #tpu.memory_space<hbm>>) dst(%dma_wait3A_623 : memref<16x128xf32, #tpu.memory_space<vmem>>)
        %sub3A_627 = arith.constant 10 : i32
        %sub3A_628 = arith.subi %add3A_564, %sub3A_627 : i32
        %jit3A_629 = arith.constant 19 : i32
        %eq3A_630 = arith.constant 0 : i32
        %eq3A_631 = arith.cmpi eq, %jit3A_629, %eq3A_630 : i32
        %jit3A_632 = arith.constant 1 : i32
        %select_n3A_633 = arith.select %eq3A_631, %jit3A_632, %jit3A_629 : i32
        %rem3A_634 = arith.remsi %sub3A_628, %select_n3A_633 : i32
        %ne3A_635 = arith.constant 0 : i32
        %ne3A_636 = arith.cmpi ne, %rem3A_634, %ne3A_635 : i32
        %lt3A_637 = arith.constant 0 : i32
        %lt3A_638 = arith.cmpi slt, %rem3A_634, %lt3A_637 : i32
        %lt3A_639 = arith.constant 0 : i32
        %lt3A_640 = arith.cmpi slt, %select_n3A_633, %lt3A_639 : i32
        %ne3A_641 = arith.xori %lt3A_638, %lt3A_640 : i1
        %and3A_642 = arith.andi %ne3A_641, %ne3A_636 : i1
        %add3A_643 = arith.addi %rem3A_634, %select_n3A_633 : i32
        %select_n3A_644 = arith.select %and3A_642, %add3A_643, %rem3A_634 : i32
        %mul3A_645 = arith.constant 16 : i32
        %mul3A_646 = arith.muli %select_n3A_644, %mul3A_645 : i32
        %dma_start3A_647 = arith.constant 0 : i32
        %dma_start3A_648 = tpu.memref_slice %arg14[%mul3A_646, %dma_start3A_647] : memref<304x128xf32, #tpu.memory_space<vmem>> -> memref<16x128xf32, #tpu.memory_space<vmem>>
        %dma_start3A_649 = arith.constant 0 : i32
        %dma_start3A_650 = tpu.memref_slice %arg13[%select_n3A_644, %dma_start3A_649] : memref<19x16xi32, #tpu.memory_space<vmem>> -> memref<1x16xi32, #tpu.memory_space<vmem>>
        %dma_start3A_651 = tpu.memref_squeeze %dma_start3A_650 : memref<1x16xi32, #tpu.memory_space<vmem>> -> memref<16xi32, #tpu.memory_space<vmem>>
        %dma_start3A_652 = arith.constant 0 : i32
        %dma_start3A_653 = arith.constant 0 : i32
        %dma_start3A_654 = tpu.memref_slice %arg15[%dma_start3A_652, %dma_start3A_653] : memref<10112x128xf32, #tpu.memory_space<vmem_shared>> -> memref<10112x128xf32, #tpu.memory_space<vmem_shared>>
        tpu.enqueue_indirect_dma source(%dma_start3A_648 : memref<16x128xf32, #tpu.memory_space<vmem>>) target(%dma_start3A_654 : memref<10112x128xf32, #tpu.memory_space<vmem_shared>>) offsets(%dma_start3A_651 : memref<16xi32, #tpu.memory_space<vmem>>) semaphore(%arg18 : memref<!tpu.dma_semaphore, #tpu.memory_space<semaphore_mem>>) {add = true}
      } else {
      }
    }
    %while3A_396 = arith.constant 1 : i32
    scf.for %while3A_563 = %while3A_394 to %while3A_390 step %while3A_396  : i32 {
      %add3A_564 = arith.addi %scan3A_326#1, %while3A_563 : i32
      %ge3A_565 = arith.constant 19 : i32
      %ge3A_566 = arith.cmpi sge, %add3A_564, %ge3A_565 : i32
      %convert_element_type3A_567 = arith.extui %ge3A_566 : i1 to i32
      %cond3A_568 = arith.constant 0 : i32
      %cond3A_569 = arith.cmpi ne, %convert_element_type3A_567, %cond3A_568 : i32
      scf.if %cond3A_569 {
        %dma_wait3A_615 = arith.constant 0 : i32
        %dma_wait3A_616 = arith.constant 0 : i32
        %dma_wait3A_617 = tpu.memref_slice %arg14[%dma_wait3A_615, %dma_wait3A_616] : memref<304x128xf32, #tpu.memory_space<vmem>> -> memref<16x128xf32, #tpu.memory_space<vmem>>
        %dma_wait3A_618 = arith.constant 0 : i32
        %dma_wait3A_619 = arith.constant 0 : i32
        %dma_wait3A_620 = tpu.memref_slice %arg6[%dma_wait3A_618, %dma_wait3A_619] : memref<632x128xf32, #tpu.memory_space<hbm>> -> memref<16x128xf32, #tpu.memory_space<hbm>>
        %dma_wait3A_621 = arith.constant 0 : i32
        %dma_wait3A_622 = arith.constant 0 : i32
        %dma_wait3A_623 = tpu.memref_slice %arg14[%dma_wait3A_621, %dma_wait3A_622] : memref<304x128xf32, #tpu.memory_space<vmem>> -> memref<16x128xf32, #tpu.memory_space<vmem>>
        %dma_wait3A_624 = arith.constant 0 : i32
        %dma_wait3A_625 = arith.constant 0 : i32
        %dma_wait3A_626 = tpu.memref_slice %arg6[%dma_wait3A_624, %dma_wait3A_625] : memref<632x128xf32, #tpu.memory_space<hbm>> -> memref<16x128xf32, #tpu.memory_space<hbm>>
        tpu.wait_dma2 semaphore(%arg18 : memref<!tpu.dma_semaphore, #tpu.memory_space<semaphore_mem>>) src(%dma_wait3A_626 : memref<16x128xf32, #tpu.memory_space<hbm>>) dst(%dma_wait3A_623 : memref<16x128xf32, #tpu.memory_space<vmem>>)
      } else {
      }
      %jit3A_570 = arith.constant 19 : i32
      %eq3A = arith.constant 0 : i32
      %eq3A_571 = arith.cmpi eq, %jit3A_570, %eq3A : i32
      %jit3A_572 = arith.constant 1 : i32
      %select_n3A_573 = arith.select %eq3A_571, %jit3A_572, %jit3A_570 : i32
      %rem3A_574 = arith.remsi %add3A_564, %select_n3A_573 : i32
      %ne3A_575 = arith.constant 0 : i32
      %ne3A_576 = arith.cmpi ne, %rem3A_574, %ne3A_575 : i32
      %lt3A = arith.constant 0 : i32
      %lt3A_577 = arith.cmpi slt, %rem3A_574, %lt3A : i32
      %lt3A_578 = arith.constant 0 : i32
      %lt3A_579 = arith.cmpi slt, %select_n3A_573, %lt3A_578 : i32
      %ne3A_580 = arith.xori %lt3A_577, %lt3A_579 : i1
      %and3A_581 = arith.andi %ne3A_580, %ne3A_576 : i1
      %add3A_582 = arith.addi %rem3A_574, %select_n3A_573 : i32
      %select_n3A_583 = arith.select %and3A_581, %add3A_582, %rem3A_574 : i32
      %mul3A_584 = arith.constant 16 : i32
      %mul3A_585 = arith.muli %while3A_563, %mul3A_584 : i32
      %add3A_586 = arith.constant 0 : i32
      %add3A_587 = arith.addi %mul3A_585, %add3A_586 : i32
      %get3A = arith.index_cast %add3A_587 : i32 to index
      %get3A_588 = tpu.vector_load %arg11[%get3A] {strides = array<i32>} : memref<432xi32, #tpu.memory_space<vmem>>, vector<16xi32>,
      %shift_right_arithmetic3A = arith.constant 14 : i32
      %shift_right_arithmetic3A_589 = vector.broadcast %shift_right_arithmetic3A : i32 to vector<16xi32>
      %shift_right_arithmetic3A_590 = arith.shrsi %get3A_588, %shift_right_arithmetic3A_589 : vector<16xi32>
      %swap3A_591 = arith.index_cast %select_n3A_583 : i32 to index
      %swap3A_592 = arith.constant 0 : index
      %swap3A_593 = tpu.vector_load %arg12[%swap3A_591, %swap3A_592] {strides = array<i32>} : memref<19x16xi32, #tpu.memory_space<vmem>>, vector<16xi32>,
      tpu.vector_store %arg12[%swap3A_591, %swap3A_592], %shift_right_arithmetic3A_590 {strides = array<i32>} : memref<19x16xi32, #tpu.memory_space<vmem>>, vector<16xi32>,
      %and3A_594 = arith.constant 16383 : i32
      %and3A_595 = vector.broadcast %and3A_594 : i32 to vector<16xi32>
      %and3A_596 = arith.andi %get3A_588, %and3A_595 : vector<16xi32>
      %swap3A_597 = arith.index_cast %select_n3A_583 : i32 to index
      %swap3A_598 = arith.constant 0 : index
      %swap3A_599 = tpu.vector_load %arg13[%swap3A_597, %swap3A_598] {strides = array<i32>} : memref<19x16xi32, #tpu.memory_space<vmem>>, vector<16xi32>,
      tpu.vector_store %arg13[%swap3A_597, %swap3A_598], %and3A_596 {strides = array<i32>} : memref<19x16xi32, #tpu.memory_space<vmem>>, vector<16xi32>,
      %mul3A_600 = arith.constant 16 : i32
      %mul3A_601 = arith.muli %select_n3A_583, %mul3A_600 : i32
      %dma_start3A_602 = arith.constant 0 : i32
      %dma_start3A_603 = tpu.memref_slice %arg14[%mul3A_601, %dma_start3A_602] : memref<304x128xf32, #tpu.memory_space<vmem>> -> memref<16x128xf32, #tpu.memory_space<vmem>>
      %dma_start3A_604 = arith.constant 0 : i32
      %dma_start3A_605 = tpu.memref_slice %arg12[%select_n3A_583, %dma_start3A_604] : memref<19x16xi32, #tpu.memory_space<vmem>> -> memref<1x16xi32, #tpu.memory_space<vmem>>
      %dma_start3A_606 = tpu.memref_squeeze %dma_start3A_605 : memref<1x16xi32, #tpu.memory_space<vmem>> -> memref<16xi32, #tpu.memory_space<vmem>>
      %dma_start3A_607 = arith.constant 0 : i32
      %dma_start3A_608 = arith.constant 0 : i32
      %dma_start3A_609 = tpu.memref_slice %arg2[%dma_start3A_607, %dma_start3A_608] : memref<40000x128xf32, #tpu.memory_space<hbm>> -> memref<40000x128xf32, #tpu.memory_space<hbm>>
      tpu.enqueue_indirect_dma source(%dma_start3A_609 : memref<40000x128xf32, #tpu.memory_space<hbm>>) target(%dma_start3A_603 : memref<16x128xf32, #tpu.memory_space<vmem>>) offsets(%dma_start3A_606 : memref<16xi32, #tpu.memory_space<vmem>>) semaphore(%arg17 : memref<!tpu.dma_semaphore, #tpu.memory_space<semaphore_mem>>)
      %ge3A_610 = arith.constant 10 : i32
      %ge3A_611 = arith.cmpi sge, %add3A_564, %ge3A_610 : i32
      %convert_element_type3A_612 = arith.extui %ge3A_611 : i1 to i32
      %cond3A_613 = arith.constant 0 : i32
      %cond3A_614 = arith.cmpi ne, %convert_element_type3A_612, %cond3A_613 : i32
      scf.if %cond3A_614 {
        %dma_wait3A_615 = arith.constant 0 : i32
        %dma_wait3A_616 = arith.constant 0 : i32
        %dma_wait3A_617 = tpu.memref_slice %arg14[%dma_wait3A_615, %dma_wait3A_616] : memref<304x128xf32, #tpu.memory_space<vmem>> -> memref<16x128xf32, #tpu.memory_space<vmem>>
        %dma_wait3A_618 = arith.constant 0 : i32
        %dma_wait3A_619 = arith.constant 0 : i32
        %dma_wait3A_620 = tpu.memref_slice %arg6[%dma_wait3A_618, %dma_wait3A_619] : memref<632x128xf32, #tpu.memory_space<hbm>> -> memref<16x128xf32, #tpu.memory_space<hbm>>
        %dma_wait3A_621 = arith.constant 0 : i32
        %dma_wait3A_622 = arith.constant 0 : i32
        %dma_wait3A_623 = tpu.memref_slice %arg14[%dma_wait3A_621, %dma_wait3A_622] : memref<304x128xf32, #tpu.memory_space<vmem>> -> memref<16x128xf32, #tpu.memory_space<vmem>>
        %dma_wait3A_624 = arith.constant 0 : i32
        %dma_wait3A_625 = arith.constant 0 : i32
        %dma_wait3A_626 = tpu.memref_slice %arg6[%dma_wait3A_624, %dma_wait3A_625] : memref<632x128xf32, #tpu.memory_space<hbm>> -> memref<16x128xf32, #tpu.memory_space<hbm>>
        tpu.wait_dma2 semaphore(%arg17 : memref<!tpu.dma_semaphore, #tpu.memory_space<semaphore_mem>>) src(%dma_wait3A_626 : memref<16x128xf32, #tpu.memory_space<hbm>>) dst(%dma_wait3A_623 : memref<16x128xf32, #tpu.memory_space<vmem>>)
        %sub3A_627 = arith.constant 10 : i32
        %sub3A_628 = arith.subi %add3A_564, %sub3A_627 : i32
        %jit3A_629 = arith.constant 19 : i32
        %eq3A_630 = arith.constant 0 : i32
        %eq3A_631 = arith.cmpi eq, %jit3A_629, %eq3A_630 : i32
        %jit3A_632 = arith.constant 1 : i32
        %select_n3A_633 = arith.select %eq3A_631, %jit3A_632, %jit3A_629 : i32
        %rem3A_634 = arith.remsi %sub3A_628, %select_n3A_633 : i32
        %ne3A_635 = arith.constant 0 : i32
        %ne3A_636 = arith.cmpi ne, %rem3A_634, %ne3A_635 : i32
        %lt3A_637 = arith.constant 0 : i32
        %lt3A_638 = arith.cmpi slt, %rem3A_634, %lt3A_637 : i32
        %lt3A_639 = arith.constant 0 : i32
        %lt3A_640 = arith.cmpi slt, %select_n3A_633, %lt3A_639 : i32
        %ne3A_641 = arith.xori %lt3A_638, %lt3A_640 : i1
        %and3A_642 = arith.andi %ne3A_641, %ne3A_636 : i1
        %add3A_643 = arith.addi %rem3A_634, %select_n3A_633 : i32
        %select_n3A_644 = arith.select %and3A_642, %add3A_643, %rem3A_634 : i32
        %mul3A_645 = arith.constant 16 : i32
        %mul3A_646 = arith.muli %select_n3A_644, %mul3A_645 : i32
        %dma_start3A_647 = arith.constant 0 : i32
        %dma_start3A_648 = tpu.memref_slice %arg14[%mul3A_646, %dma_start3A_647] : memref<304x128xf32, #tpu.memory_space<vmem>> -> memref<16x128xf32, #tpu.memory_space<vmem>>
        %dma_start3A_649 = arith.constant 0 : i32
        %dma_start3A_650 = tpu.memref_slice %arg13[%select_n3A_644, %dma_start3A_649] : memref<19x16xi32, #tpu.memory_space<vmem>> -> memref<1x16xi32, #tpu.memory_space<vmem>>
        %dma_start3A_651 = tpu.memref_squeeze %dma_start3A_650 : memref<1x16xi32, #tpu.memory_space<vmem>> -> memref<16xi32, #tpu.memory_space<vmem>>
        %dma_start3A_652 = arith.constant 0 : i32
        %dma_start3A_653 = arith.constant 0 : i32
        %dma_start3A_654 = tpu.memref_slice %arg15[%dma_start3A_652, %dma_start3A_653] : memref<10112x128xf32, #tpu.memory_space<vmem_shared>> -> memref<10112x128xf32, #tpu.memory_space<vmem_shared>>
        tpu.enqueue_indirect_dma source(%dma_start3A_648 : memref<16x128xf32, #tpu.memory_space<vmem>>) target(%dma_start3A_654 : memref<10112x128xf32, #tpu.memory_space<vmem_shared>>) offsets(%dma_start3A_651 : memref<16xi32, #tpu.memory_space<vmem>>) semaphore(%arg18 : memref<!tpu.dma_semaphore, #tpu.memory_space<semaphore_mem>>) {add = true}
      } else {
      }
    }
    %gt3A_397 = arith.constant 0 : i32
    %gt3A_398 = arith.cmpi sgt, %select_n3A_387, %gt3A_397 : i32
    %convert_element_type3A_399 = arith.extui %gt3A_398 : i1 to i32
    %cond3A_400 = arith.constant 0 : i32
    %cond3A_401 = arith.cmpi ne, %convert_element_type3A_399, %cond3A_400 : i32
    scf.if %cond3A_401 {
      %mul3A_563 = arith.constant 16 : i32
      %mul3A_564 = arith.muli %select_n3A_387, %mul3A_563 : i32
      %add3A_565 = arith.constant 0 : i32
      %add3A_566 = arith.addi %mul3A_564, %add3A_565 : i32
      %get3A = arith.index_cast %add3A_566 : i32 to index
      %get3A_567 = tpu.vector_load %arg11[%get3A] {strides = array<i32>} : memref<432xi32, #tpu.memory_space<vmem>>, vector<16xi32>,
      %swap3A_568 = arith.constant 0 : index
      %swap3A_569 = tpu.vector_load %arg11[%swap3A_568] {strides = array<i32>} : memref<432xi32, #tpu.memory_space<vmem>>, vector<16xi32>,
      tpu.vector_store %arg11[%swap3A_568], %get3A_567 {strides = array<i32>} : memref<432xi32, #tpu.memory_space<vmem>>, vector<16xi32>,
    } else {
    }
    %mul3A_402 = arith.constant 16 : i32
    %mul3A_403 = arith.muli %select_n3A_387, %mul3A_402 : i32
    %sub3A_404 = arith.subi %mul3A_363, %mul3A_403 : i32
    %add3A_405 = arith.addi %scan3A_326#1, %select_n3A_387 : i32
    %ge3A_406 = arith.constant 10 : i32
    %ge3A_407 = arith.cmpi sge, %add3A_405, %ge3A_406 : i32
    %convert_element_type3A_408 = arith.extui %ge3A_407 : i1 to i32
    %cond3A_409 = arith.constant 0 : i32
    %cond3A_410 = arith.cmpi ne, %convert_element_type3A_408, %cond3A_409 : i32
    scf.if %cond3A_410 {
      %dma_wait3A_563 = arith.constant 0 : i32
      %dma_wait3A_564 = arith.constant 0 : i32
      %dma_wait3A_565 = tpu.memref_slice %arg14[%dma_wait3A_563, %dma_wait3A_564] : memref<304x128xf32, #tpu.memory_space<vmem>> -> memref<16x128xf32, #tpu.memory_space<vmem>>
      %dma_wait3A_566 = arith.constant 0 : i32
      %dma_wait3A_567 = arith.constant 0 : i32
      %dma_wait3A_568 = tpu.memref_slice %arg6[%dma_wait3A_566, %dma_wait3A_567] : memref<632x128xf32, #tpu.memory_space<hbm>> -> memref<16x128xf32, #tpu.memory_space<hbm>>
      %dma_wait3A_569 = arith.constant 0 : i32
      %dma_wait3A_570 = arith.constant 0 : i32
      %dma_wait3A_571 = tpu.memref_slice %arg14[%dma_wait3A_569, %dma_wait3A_570] : memref<304x128xf32, #tpu.memory_space<vmem>> -> memref<16x128xf32, #tpu.memory_space<vmem>>
      %dma_wait3A_572 = arith.constant 0 : i32
      %dma_wait3A_573 = arith.constant 0 : i32
      %dma_wait3A_574 = tpu.memref_slice %arg6[%dma_wait3A_572, %dma_wait3A_573] : memref<632x128xf32, #tpu.memory_space<hbm>> -> memref<16x128xf32, #tpu.memory_space<hbm>>
      tpu.wait_dma2 semaphore(%arg17 : memref<!tpu.dma_semaphore, #tpu.memory_space<semaphore_mem>>) src(%dma_wait3A_574 : memref<16x128xf32, #tpu.memory_space<hbm>>) dst(%dma_wait3A_571 : memref<16x128xf32, #tpu.memory_space<vmem>>)
      %sub3A_575 = arith.constant 10 : i32
      %sub3A_576 = arith.subi %add3A_405, %sub3A_575 : i32
      %jit3A_577 = arith.constant 19 : i32
      %eq3A = arith.constant 0 : i32
      %eq3A_578 = arith.cmpi eq, %jit3A_577, %eq3A : i32
      %jit3A_579 = arith.constant 1 : i32
      %select_n3A_580 = arith.select %eq3A_578, %jit3A_579, %jit3A_577 : i32
      %rem3A_581 = arith.remsi %sub3A_576, %select_n3A_580 : i32
      %ne3A_582 = arith.constant 0 : i32
      %ne3A_583 = arith.cmpi ne, %rem3A_581, %ne3A_582 : i32
      %lt3A = arith.constant 0 : i32
      %lt3A_584 = arith.cmpi slt, %rem3A_581, %lt3A : i32
      %lt3A_585 = arith.constant 0 : i32
      %lt3A_586 = arith.cmpi slt, %select_n3A_580, %lt3A_585 : i32
      %ne3A_587 = arith.xori %lt3A_584, %lt3A_586 : i1
      %and3A_588 = arith.andi %ne3A_587, %ne3A_583 : i1
      %add3A_589 = arith.addi %rem3A_581, %select_n3A_580 : i32
      %select_n3A_590 = arith.select %and3A_588, %add3A_589, %rem3A_581 : i32
      %mul3A_591 = arith.constant 16 : i32
      %mul3A_592 = arith.muli %select_n3A_590, %mul3A_591 : i32
      %dma_start3A_593 = arith.constant 0 : i32
      %dma_start3A_594 = tpu.memref_slice %arg14[%mul3A_592, %dma_start3A_593] : memref<304x128xf32, #tpu.memory_space<vmem>> -> memref<16x128xf32, #tpu.memory_space<vmem>>
      %dma_start3A_595 = arith.constant 0 : i32
      %dma_start3A_596 = tpu.memref_slice %arg13[%select_n3A_590, %dma_start3A_595] : memref<19x16xi32, #tpu.memory_space<vmem>> -> memref<1x16xi32, #tpu.memory_space<vmem>>
      %dma_start3A_597 = tpu.memref_squeeze %dma_start3A_596 : memref<1x16xi32, #tpu.memory_space<vmem>> -> memref<16xi32, #tpu.memory_space<vmem>>
      %dma_start3A_598 = arith.constant 0 : i32
      %dma_start3A_599 = arith.constant 0 : i32
      %dma_start3A_600 = tpu.memref_slice %arg15[%dma_start3A_598, %dma_start3A_599] : memref<10112x128xf32, #tpu.memory_space<vmem_shared>> -> memref<10112x128xf32, #tpu.memory_space<vmem_shared>>
      tpu.enqueue_indirect_dma source(%dma_start3A_594 : memref<16x128xf32, #tpu.memory_space<vmem>>) target(%dma_start3A_600 : memref<10112x128xf32, #tpu.memory_space<vmem_shared>>) offsets(%dma_start3A_597 : memref<16xi32, #tpu.memory_space<vmem>>) semaphore(%arg18 : memref<!tpu.dma_semaphore, #tpu.memory_space<semaphore_mem>>) {add = true}
    } else {
    }
    %ge3A_411 = arith.constant 9 : i32
    %ge3A_412 = arith.cmpi sge, %add3A_405, %ge3A_411 : i32
    %convert_element_type3A_413 = arith.extui %ge3A_412 : i1 to i32
    %cond3A_414 = arith.constant 0 : i32
    %cond3A_415 = arith.cmpi ne, %convert_element_type3A_413, %cond3A_414 : i32
    scf.if %cond3A_415 {
      %dma_wait3A_563 = arith.constant 0 : i32
      %dma_wait3A_564 = arith.constant 0 : i32
      %dma_wait3A_565 = tpu.memref_slice %arg14[%dma_wait3A_563, %dma_wait3A_564] : memref<304x128xf32, #tpu.memory_space<vmem>> -> memref<16x128xf32, #tpu.memory_space<vmem>>
      %dma_wait3A_566 = arith.constant 0 : i32
      %dma_wait3A_567 = arith.constant 0 : i32
      %dma_wait3A_568 = tpu.memref_slice %arg6[%dma_wait3A_566, %dma_wait3A_567] : memref<632x128xf32, #tpu.memory_space<hbm>> -> memref<16x128xf32, #tpu.memory_space<hbm>>
      %dma_wait3A_569 = arith.constant 0 : i32
      %dma_wait3A_570 = arith.constant 0 : i32
      %dma_wait3A_571 = tpu.memref_slice %arg14[%dma_wait3A_569, %dma_wait3A_570] : memref<304x128xf32, #tpu.memory_space<vmem>> -> memref<16x128xf32, #tpu.memory_space<vmem>>
      %dma_wait3A_572 = arith.constant 0 : i32
      %dma_wait3A_573 = arith.constant 0 : i32
      %dma_wait3A_574 = tpu.memref_slice %arg6[%dma_wait3A_572, %dma_wait3A_573] : memref<632x128xf32, #tpu.memory_space<hbm>> -> memref<16x128xf32, #tpu.memory_space<hbm>>
      tpu.wait_dma2 semaphore(%arg17 : memref<!tpu.dma_semaphore, #tpu.memory_space<semaphore_mem>>) src(%dma_wait3A_574 : memref<16x128xf32, #tpu.memory_space<hbm>>) dst(%dma_wait3A_571 : memref<16x128xf32, #tpu.memory_space<vmem>>)
      %sub3A_575 = arith.constant 9 : i32
      %sub3A_576 = arith.subi %add3A_405, %sub3A_575 : i32
      %jit3A_577 = arith.constant 19 : i32
      %eq3A = arith.constant 0 : i32
      %eq3A_578 = arith.cmpi eq, %jit3A_577, %eq3A : i32
      %jit3A_579 = arith.constant 1 : i32
      %select_n3A_580 = arith.select %eq3A_578, %jit3A_579, %jit3A_577 : i32
      %rem3A_581 = arith.remsi %sub3A_576, %select_n3A_580 : i32
      %ne3A_582 = arith.constant 0 : i32
      %ne3A_583 = arith.cmpi ne, %rem3A_581, %ne3A_582 : i32
      %lt3A = arith.constant 0 : i32
      %lt3A_584 = arith.cmpi slt, %rem3A_581, %lt3A : i32
      %lt3A_585 = arith.constant 0 : i32
      %lt3A_586 = arith.cmpi slt, %select_n3A_580, %lt3A_585 : i32
      %ne3A_587 = arith.xori %lt3A_584, %lt3A_586 : i1
      %and3A_588 = arith.andi %ne3A_587, %ne3A_583 : i1
      %add3A_589 = arith.addi %rem3A_581, %select_n3A_580 : i32
      %select_n3A_590 = arith.select %and3A_588, %add3A_589, %rem3A_581 : i32
      %mul3A_591 = arith.constant 16 : i32
      %mul3A_592 = arith.muli %select_n3A_590, %mul3A_591 : i32
      %dma_start3A_593 = arith.constant 0 : i32
      %dma_start3A_594 = tpu.memref_slice %arg14[%mul3A_592, %dma_start3A_593] : memref<304x128xf32, #tpu.memory_space<vmem>> -> memref<16x128xf32, #tpu.memory_space<vmem>>
      %dma_start3A_595 = arith.constant 0 : i32
      %dma_start3A_596 = tpu.memref_slice %arg13[%select_n3A_590, %dma_start3A_595] : memref<19x16xi32, #tpu.memory_space<vmem>> -> memref<1x16xi32, #tpu.memory_space<vmem>>
      %dma_start3A_597 = tpu.memref_squeeze %dma_start3A_596 : memref<1x16xi32, #tpu.memory_space<vmem>> -> memref<16xi32, #tpu.memory_space<vmem>>
      %dma_start3A_598 = arith.constant 0 : i32
      %dma_start3A_599 = arith.constant 0 : i32
      %dma_start3A_600 = tpu.memref_slice %arg15[%dma_start3A_598, %dma_start3A_599] : memref<10112x128xf32, #tpu.memory_space<vmem_shared>> -> memref<10112x128xf32, #tpu.memory_space<vmem_shared>>
      tpu.enqueue_indirect_dma source(%dma_start3A_594 : memref<16x128xf32, #tpu.memory_space<vmem>>) target(%dma_start3A_600 : memref<10112x128xf32, #tpu.memory_space<vmem_shared>>) offsets(%dma_start3A_597 : memref<16xi32, #tpu.memory_space<vmem>>) semaphore(%arg18 : memref<!tpu.dma_semaphore, #tpu.memory_space<semaphore_mem>>) {add = true}
    } else {
    }
    %ge3A_416 = arith.constant 8 : i32
    %ge3A_417 = arith.cmpi sge, %add3A_405, %ge3A_416 : i32
    %convert_element_type3A_418 = arith.extui %ge3A_417 : i1 to i32
    %cond3A_419 = arith.constant 0 : i32
    %cond3A_420 = arith.cmpi ne, %convert_element_type3A_418, %cond3A_419 : i32
    scf.if %cond3A_420 {
      %dma_wait3A_563 = arith.constant 0 : i32
      %dma_wait3A_564 = arith.constant 0 : i32
      %dma_wait3A_565 = tpu.memref_slice %arg14[%dma_wait3A_563, %dma_wait3A_564] : memref<304x128xf32, #tpu.memory_space<vmem>> -> memref<16x128xf32, #tpu.memory_space<vmem>>
      %dma_wait3A_566 = arith.constant 0 : i32
      %dma_wait3A_567 = arith.constant 0 : i32
      %dma_wait3A_568 = tpu.memref_slice %arg6[%dma_wait3A_566, %dma_wait3A_567] : memref<632x128xf32, #tpu.memory_space<hbm>> -> memref<16x128xf32, #tpu.memory_space<hbm>>
      %dma_wait3A_569 = arith.constant 0 : i32
      %dma_wait3A_570 = arith.constant 0 : i32
      %dma_wait3A_571 = tpu.memref_slice %arg14[%dma_wait3A_569, %dma_wait3A_570] : memref<304x128xf32, #tpu.memory_space<vmem>> -> memref<16x128xf32, #tpu.memory_space<vmem>>
      %dma_wait3A_572 = arith.constant 0 : i32
      %dma_wait3A_573 = arith.constant 0 : i32
      %dma_wait3A_574 = tpu.memref_slice %arg6[%dma_wait3A_572, %dma_wait3A_573] : memref<632x128xf32, #tpu.memory_space<hbm>> -> memref<16x128xf32, #tpu.memory_space<hbm>>
      tpu.wait_dma2 semaphore(%arg17 : memref<!tpu.dma_semaphore, #tpu.memory_space<semaphore_mem>>) src(%dma_wait3A_574 : memref<16x128xf32, #tpu.memory_space<hbm>>) dst(%dma_wait3A_571 : memref<16x128xf32, #tpu.memory_space<vmem>>)
      %sub3A_575 = arith.constant 8 : i32
      %sub3A_576 = arith.subi %add3A_405, %sub3A_575 : i32
      %jit3A_577 = arith.constant 19 : i32
      %eq3A = arith.constant 0 : i32
      %eq3A_578 = arith.cmpi eq, %jit3A_577, %eq3A : i32
      %jit3A_579 = arith.constant 1 : i32
      %select_n3A_580 = arith.select %eq3A_578, %jit3A_579, %jit3A_577 : i32
      %rem3A_581 = arith.remsi %sub3A_576, %select_n3A_580 : i32
      %ne3A_582 = arith.constant 0 : i32
      %ne3A_583 = arith.cmpi ne, %rem3A_581, %ne3A_582 : i32
      %lt3A = arith.constant 0 : i32
      %lt3A_584 = arith.cmpi slt, %rem3A_581, %lt3A : i32
      %lt3A_585 = arith.constant 0 : i32
      %lt3A_586 = arith.cmpi slt, %select_n3A_580, %lt3A_585 : i32
      %ne3A_587 = arith.xori %lt3A_584, %lt3A_586 : i1
      %and3A_588 = arith.andi %ne3A_587, %ne3A_583 : i1
      %add3A_589 = arith.addi %rem3A_581, %select_n3A_580 : i32
      %select_n3A_590 = arith.select %and3A_588, %add3A_589, %rem3A_581 : i32
      %mul3A_591 = arith.constant 16 : i32
      %mul3A_592 = arith.muli %select_n3A_590, %mul3A_591 : i32
      %dma_start3A_593 = arith.constant 0 : i32
      %dma_start3A_594 = tpu.memref_slice %arg14[%mul3A_592, %dma_start3A_593] : memref<304x128xf32, #tpu.memory_space<vmem>> -> memref<16x128xf32, #tpu.memory_space<vmem>>
      %dma_start3A_595 = arith.constant 0 : i32
      %dma_start3A_596 = tpu.memref_slice %arg13[%select_n3A_590, %dma_start3A_595] : memref<19x16xi32, #tpu.memory_space<vmem>> -> memref<1x16xi32, #tpu.memory_space<vmem>>
      %dma_start3A_597 = tpu.memref_squeeze %dma_start3A_596 : memref<1x16xi32, #tpu.memory_space<vmem>> -> memref<16xi32, #tpu.memory_space<vmem>>
      %dma_start3A_598 = arith.constant 0 : i32
      %dma_start3A_599 = arith.constant 0 : i32
      %dma_start3A_600 = tpu.memref_slice %arg15[%dma_start3A_598, %dma_start3A_599] : memref<10112x128xf32, #tpu.memory_space<vmem_shared>> -> memref<10112x128xf32, #tpu.memory_space<vmem_shared>>
      tpu.enqueue_indirect_dma source(%dma_start3A_594 : memref<16x128xf32, #tpu.memory_space<vmem>>) target(%dma_start3A_600 : memref<10112x128xf32, #tpu.memory_space<vmem_shared>>) offsets(%dma_start3A_597 : memref<16xi32, #tpu.memory_space<vmem>>) semaphore(%arg18 : memref<!tpu.dma_semaphore, #tpu.memory_space<semaphore_mem>>) {add = true}
    } else {
    }
    %ge3A_421 = arith.constant 7 : i32
    %ge3A_422 = arith.cmpi sge, %add3A_405, %ge3A_421 : i32
    %convert_element_type3A_423 = arith.extui %ge3A_422 : i1 to i32
    %cond3A_424 = arith.constant 0 : i32
    %cond3A_425 = arith.cmpi ne, %convert_element_type3A_423, %cond3A_424 : i32
    scf.if %cond3A_425 {
      %dma_wait3A_563 = arith.constant 0 : i32
      %dma_wait3A_564 = arith.constant 0 : i32
      %dma_wait3A_565 = tpu.memref_slice %arg14[%dma_wait3A_563, %dma_wait3A_564] : memref<304x128xf32, #tpu.memory_space<vmem>> -> memref<16x128xf32, #tpu.memory_space<vmem>>
      %dma_wait3A_566 = arith.constant 0 : i32
      %dma_wait3A_567 = arith.constant 0 : i32
      %dma_wait3A_568 = tpu.memref_slice %arg6[%dma_wait3A_566, %dma_wait3A_567] : memref<632x128xf32, #tpu.memory_space<hbm>> -> memref<16x128xf32, #tpu.memory_space<hbm>>
      %dma_wait3A_569 = arith.constant 0 : i32
      %dma_wait3A_570 = arith.constant 0 : i32
      %dma_wait3A_571 = tpu.memref_slice %arg14[%dma_wait3A_569, %dma_wait3A_570] : memref<304x128xf32, #tpu.memory_space<vmem>> -> memref<16x128xf32, #tpu.memory_space<vmem>>
      %dma_wait3A_572 = arith.constant 0 : i32
      %dma_wait3A_573 = arith.constant 0 : i32
      %dma_wait3A_574 = tpu.memref_slice %arg6[%dma_wait3A_572, %dma_wait3A_573] : memref<632x128xf32, #tpu.memory_space<hbm>> -> memref<16x128xf32, #tpu.memory_space<hbm>>
      tpu.wait_dma2 semaphore(%arg17 : memref<!tpu.dma_semaphore, #tpu.memory_space<semaphore_mem>>) src(%dma_wait3A_574 : memref<16x128xf32, #tpu.memory_space<hbm>>) dst(%dma_wait3A_571 : memref<16x128xf32, #tpu.memory_space<vmem>>)
      %sub3A_575 = arith.constant 7 : i32
      %sub3A_576 = arith.subi %add3A_405, %sub3A_575 : i32
      %jit3A_577 = arith.constant 19 : i32
      %eq3A = arith.constant 0 : i32
      %eq3A_578 = arith.cmpi eq, %jit3A_577, %eq3A : i32
      %jit3A_579 = arith.constant 1 : i32
      %select_n3A_580 = arith.select %eq3A_578, %jit3A_579, %jit3A_577 : i32
      %rem3A_581 = arith.remsi %sub3A_576, %select_n3A_580 : i32
      %ne3A_582 = arith.constant 0 : i32
      %ne3A_583 = arith.cmpi ne, %rem3A_581, %ne3A_582 : i32
      %lt3A = arith.constant 0 : i32
      %lt3A_584 = arith.cmpi slt, %rem3A_581, %lt3A : i32
      %lt3A_585 = arith.constant 0 : i32
      %lt3A_586 = arith.cmpi slt, %select_n3A_580, %lt3A_585 : i32
      %ne3A_587 = arith.xori %lt3A_584, %lt3A_586 : i1
      %and3A_588 = arith.andi %ne3A_587, %ne3A_583 : i1
      %add3A_589 = arith.addi %rem3A_581, %select_n3A_580 : i32
      %select_n3A_590 = arith.select %and3A_588, %add3A_589, %rem3A_581 : i32
      %mul3A_591 = arith.constant 16 : i32
      %mul3A_592 = arith.muli %select_n3A_590, %mul3A_591 : i32
      %dma_start3A_593 = arith.constant 0 : i32
      %dma_start3A_594 = tpu.memref_slice %arg14[%mul3A_592, %dma_start3A_593] : memref<304x128xf32, #tpu.memory_space<vmem>> -> memref<16x128xf32, #tpu.memory_space<vmem>>
      %dma_start3A_595 = arith.constant 0 : i32
      %dma_start3A_596 = tpu.memref_slice %arg13[%select_n3A_590, %dma_start3A_595] : memref<19x16xi32, #tpu.memory_space<vmem>> -> memref<1x16xi32, #tpu.memory_space<vmem>>
      %dma_start3A_597 = tpu.memref_squeeze %dma_start3A_596 : memref<1x16xi32, #tpu.memory_space<vmem>> -> memref<16xi32, #tpu.memory_space<vmem>>
      %dma_start3A_598 = arith.constant 0 : i32
      %dma_start3A_599 = arith.constant 0 : i32
      %dma_start3A_600 = tpu.memref_slice %arg15[%dma_start3A_598, %dma_start3A_599] : memref<10112x128xf32, #tpu.memory_space<vmem_shared>> -> memref<10112x128xf32, #tpu.memory_space<vmem_shared>>
      tpu.enqueue_indirect_dma source(%dma_start3A_594 : memref<16x128xf32, #tpu.memory_space<vmem>>) target(%dma_start3A_600 : memref<10112x128xf32, #tpu.memory_space<vmem_shared>>) offsets(%dma_start3A_597 : memref<16xi32, #tpu.memory_space<vmem>>) semaphore(%arg18 : memref<!tpu.dma_semaphore, #tpu.memory_space<semaphore_mem>>) {add = true}
    } else {
    }
    %ge3A_426 = arith.constant 6 : i32
    %ge3A_427 = arith.cmpi sge, %add3A_405, %ge3A_426 : i32
    %convert_element_type3A_428 = arith.extui %ge3A_427 : i1 to i32
    %cond3A_429 = arith.constant 0 : i32
    %cond3A_430 = arith.cmpi ne, %convert_element_type3A_428, %cond3A_429 : i32
    scf.if %cond3A_430 {
      %dma_wait3A_563 = arith.constant 0 : i32
      %dma_wait3A_564 = arith.constant 0 : i32
      %dma_wait3A_565 = tpu.memref_slice %arg14[%dma_wait3A_563, %dma_wait3A_564] : memref<304x128xf32, #tpu.memory_space<vmem>> -> memref<16x128xf32, #tpu.memory_space<vmem>>
      %dma_wait3A_566 = arith.constant 0 : i32
      %dma_wait3A_567 = arith.constant 0 : i32
      %dma_wait3A_568 = tpu.memref_slice %arg6[%dma_wait3A_566, %dma_wait3A_567] : memref<632x128xf32, #tpu.memory_space<hbm>> -> memref<16x128xf32, #tpu.memory_space<hbm>>
      %dma_wait3A_569 = arith.constant 0 : i32
      %dma_wait3A_570 = arith.constant 0 : i32
      %dma_wait3A_571 = tpu.memref_slice %arg14[%dma_wait3A_569, %dma_wait3A_570] : memref<304x128xf32, #tpu.memory_space<vmem>> -> memref<16x128xf32, #tpu.memory_space<vmem>>
      %dma_wait3A_572 = arith.constant 0 : i32
      %dma_wait3A_573 = arith.constant 0 : i32
      %dma_wait3A_574 = tpu.memref_slice %arg6[%dma_wait3A_572, %dma_wait3A_573] : memref<632x128xf32, #tpu.memory_space<hbm>> -> memref<16x128xf32, #tpu.memory_space<hbm>>
      tpu.wait_dma2 semaphore(%arg17 : memref<!tpu.dma_semaphore, #tpu.memory_space<semaphore_mem>>) src(%dma_wait3A_574 : memref<16x128xf32, #tpu.memory_space<hbm>>) dst(%dma_wait3A_571 : memref<16x128xf32, #tpu.memory_space<vmem>>)
      %sub3A_575 = arith.constant 6 : i32
      %sub3A_576 = arith.subi %add3A_405, %sub3A_575 : i32
      %jit3A_577 = arith.constant 19 : i32
      %eq3A = arith.constant 0 : i32
      %eq3A_578 = arith.cmpi eq, %jit3A_577, %eq3A : i32
      %jit3A_579 = arith.constant 1 : i32
      %select_n3A_580 = arith.select %eq3A_578, %jit3A_579, %jit3A_577 : i32
      %rem3A_581 = arith.remsi %sub3A_576, %select_n3A_580 : i32
      %ne3A_582 = arith.constant 0 : i32
      %ne3A_583 = arith.cmpi ne, %rem3A_581, %ne3A_582 : i32
      %lt3A = arith.constant 0 : i32
      %lt3A_584 = arith.cmpi slt, %rem3A_581, %lt3A : i32
      %lt3A_585 = arith.constant 0 : i32
      %lt3A_586 = arith.cmpi slt, %select_n3A_580, %lt3A_585 : i32
      %ne3A_587 = arith.xori %lt3A_584, %lt3A_586 : i1
      %and3A_588 = arith.andi %ne3A_587, %ne3A_583 : i1
      %add3A_589 = arith.addi %rem3A_581, %select_n3A_580 : i32
      %select_n3A_590 = arith.select %and3A_588, %add3A_589, %rem3A_581 : i32
      %mul3A_591 = arith.constant 16 : i32
      %mul3A_592 = arith.muli %select_n3A_590, %mul3A_591 : i32
      %dma_start3A_593 = arith.constant 0 : i32
      %dma_start3A_594 = tpu.memref_slice %arg14[%mul3A_592, %dma_start3A_593] : memref<304x128xf32, #tpu.memory_space<vmem>> -> memref<16x128xf32, #tpu.memory_space<vmem>>
      %dma_start3A_595 = arith.constant 0 : i32
      %dma_start3A_596 = tpu.memref_slice %arg13[%select_n3A_590, %dma_start3A_595] : memref<19x16xi32, #tpu.memory_space<vmem>> -> memref<1x16xi32, #tpu.memory_space<vmem>>
      %dma_start3A_597 = tpu.memref_squeeze %dma_start3A_596 : memref<1x16xi32, #tpu.memory_space<vmem>> -> memref<16xi32, #tpu.memory_space<vmem>>
      %dma_start3A_598 = arith.constant 0 : i32
      %dma_start3A_599 = arith.constant 0 : i32
      %dma_start3A_600 = tpu.memref_slice %arg15[%dma_start3A_598, %dma_start3A_599] : memref<10112x128xf32, #tpu.memory_space<vmem_shared>> -> memref<10112x128xf32, #tpu.memory_space<vmem_shared>>
      tpu.enqueue_indirect_dma source(%dma_start3A_594 : memref<16x128xf32, #tpu.memory_space<vmem>>) target(%dma_start3A_600 : memref<10112x128xf32, #tpu.memory_space<vmem_shared>>) offsets(%dma_start3A_597 : memref<16xi32, #tpu.memory_space<vmem>>) semaphore(%arg18 : memref<!tpu.dma_semaphore, #tpu.memory_space<semaphore_mem>>) {add = true}
    } else {
    }
    %ge3A_431 = arith.constant 5 : i32
    %ge3A_432 = arith.cmpi sge, %add3A_405, %ge3A_431 : i32
    %convert_element_type3A_433 = arith.extui %ge3A_432 : i1 to i32
    %cond3A_434 = arith.constant 0 : i32
    %cond3A_435 = arith.cmpi ne, %convert_element_type3A_433, %cond3A_434 : i32
    scf.if %cond3A_435 {
      %dma_wait3A_563 = arith.constant 0 : i32
      %dma_wait3A_564 = arith.constant 0 : i32
      %dma_wait3A_565 = tpu.memref_slice %arg14[%dma_wait3A_563, %dma_wait3A_564] : memref<304x128xf32, #tpu.memory_space<vmem>> -> memref<16x128xf32, #tpu.memory_space<vmem>>
      %dma_wait3A_566 = arith.constant 0 : i32
      %dma_wait3A_567 = arith.constant 0 : i32
      %dma_wait3A_568 = tpu.memref_slice %arg6[%dma_wait3A_566, %dma_wait3A_567] : memref<632x128xf32, #tpu.memory_space<hbm>> -> memref<16x128xf32, #tpu.memory_space<hbm>>
      %dma_wait3A_569 = arith.constant 0 : i32
      %dma_wait3A_570 = arith.constant 0 : i32
      %dma_wait3A_571 = tpu.memref_slice %arg14[%dma_wait3A_569, %dma_wait3A_570] : memref<304x128xf32, #tpu.memory_space<vmem>> -> memref<16x128xf32, #tpu.memory_space<vmem>>
      %dma_wait3A_572 = arith.constant 0 : i32
      %dma_wait3A_573 = arith.constant 0 : i32
      %dma_wait3A_574 = tpu.memref_slice %arg6[%dma_wait3A_572, %dma_wait3A_573] : memref<632x128xf32, #tpu.memory_space<hbm>> -> memref<16x128xf32, #tpu.memory_space<hbm>>
      tpu.wait_dma2 semaphore(%arg17 : memref<!tpu.dma_semaphore, #tpu.memory_space<semaphore_mem>>) src(%dma_wait3A_574 : memref<16x128xf32, #tpu.memory_space<hbm>>) dst(%dma_wait3A_571 : memref<16x128xf32, #tpu.memory_space<vmem>>)
      %sub3A_575 = arith.constant 5 : i32
      %sub3A_576 = arith.subi %add3A_405, %sub3A_575 : i32
      %jit3A_577 = arith.constant 19 : i32
      %eq3A = arith.constant 0 : i32
      %eq3A_578 = arith.cmpi eq, %jit3A_577, %eq3A : i32
      %jit3A_579 = arith.constant 1 : i32
      %select_n3A_580 = arith.select %eq3A_578, %jit3A_579, %jit3A_577 : i32
      %rem3A_581 = arith.remsi %sub3A_576, %select_n3A_580 : i32
      %ne3A_582 = arith.constant 0 : i32
      %ne3A_583 = arith.cmpi ne, %rem3A_581, %ne3A_582 : i32
      %lt3A = arith.constant 0 : i32
      %lt3A_584 = arith.cmpi slt, %rem3A_581, %lt3A : i32
      %lt3A_585 = arith.constant 0 : i32
      %lt3A_586 = arith.cmpi slt, %select_n3A_580, %lt3A_585 : i32
      %ne3A_587 = arith.xori %lt3A_584, %lt3A_586 : i1
      %and3A_588 = arith.andi %ne3A_587, %ne3A_583 : i1
      %add3A_589 = arith.addi %rem3A_581, %select_n3A_580 : i32
      %select_n3A_590 = arith.select %and3A_588, %add3A_589, %rem3A_581 : i32
      %mul3A_591 = arith.constant 16 : i32
      %mul3A_592 = arith.muli %select_n3A_590, %mul3A_591 : i32
      %dma_start3A_593 = arith.constant 0 : i32
      %dma_start3A_594 = tpu.memref_slice %arg14[%mul3A_592, %dma_start3A_593] : memref<304x128xf32, #tpu.memory_space<vmem>> -> memref<16x128xf32, #tpu.memory_space<vmem>>
      %dma_start3A_595 = arith.constant 0 : i32
      %dma_start3A_596 = tpu.memref_slice %arg13[%select_n3A_590, %dma_start3A_595] : memref<19x16xi32, #tpu.memory_space<vmem>> -> memref<1x16xi32, #tpu.memory_space<vmem>>
      %dma_start3A_597 = tpu.memref_squeeze %dma_start3A_596 : memref<1x16xi32, #tpu.memory_space<vmem>> -> memref<16xi32, #tpu.memory_space<vmem>>
      %dma_start3A_598 = arith.constant 0 : i32
      %dma_start3A_599 = arith.constant 0 : i32
      %dma_start3A_600 = tpu.memref_slice %arg15[%dma_start3A_598, %dma_start3A_599] : memref<10112x128xf32, #tpu.memory_space<vmem_shared>> -> memref<10112x128xf32, #tpu.memory_space<vmem_shared>>
      tpu.enqueue_indirect_dma source(%dma_start3A_594 : memref<16x128xf32, #tpu.memory_space<vmem>>) target(%dma_start3A_600 : memref<10112x128xf32, #tpu.memory_space<vmem_shared>>) offsets(%dma_start3A_597 : memref<16xi32, #tpu.memory_space<vmem>>) semaphore(%arg18 : memref<!tpu.dma_semaphore, #tpu.memory_space<semaphore_mem>>) {add = true}
    } else {
    }
    %ge3A_436 = arith.constant 4 : i32
    %ge3A_437 = arith.cmpi sge, %add3A_405, %ge3A_436 : i32
    %convert_element_type3A_438 = arith.extui %ge3A_437 : i1 to i32
    %cond3A_439 = arith.constant 0 : i32
    %cond3A_440 = arith.cmpi ne, %convert_element_type3A_438, %cond3A_439 : i32
    scf.if %cond3A_440 {
      %dma_wait3A_563 = arith.constant 0 : i32
      %dma_wait3A_564 = arith.constant 0 : i32
      %dma_wait3A_565 = tpu.memref_slice %arg14[%dma_wait3A_563, %dma_wait3A_564] : memref<304x128xf32, #tpu.memory_space<vmem>> -> memref<16x128xf32, #tpu.memory_space<vmem>>
      %dma_wait3A_566 = arith.constant 0 : i32
      %dma_wait3A_567 = arith.constant 0 : i32
      %dma_wait3A_568 = tpu.memref_slice %arg6[%dma_wait3A_566, %dma_wait3A_567] : memref<632x128xf32, #tpu.memory_space<hbm>> -> memref<16x128xf32, #tpu.memory_space<hbm>>
      %dma_wait3A_569 = arith.constant 0 : i32
      %dma_wait3A_570 = arith.constant 0 : i32
      %dma_wait3A_571 = tpu.memref_slice %arg14[%dma_wait3A_569, %dma_wait3A_570] : memref<304x128xf32, #tpu.memory_space<vmem>> -> memref<16x128xf32, #tpu.memory_space<vmem>>
      %dma_wait3A_572 = arith.constant 0 : i32
      %dma_wait3A_573 = arith.constant 0 : i32
      %dma_wait3A_574 = tpu.memref_slice %arg6[%dma_wait3A_572, %dma_wait3A_573] : memref<632x128xf32, #tpu.memory_space<hbm>> -> memref<16x128xf32, #tpu.memory_space<hbm>>
      tpu.wait_dma2 semaphore(%arg17 : memref<!tpu.dma_semaphore, #tpu.memory_space<semaphore_mem>>) src(%dma_wait3A_574 : memref<16x128xf32, #tpu.memory_space<hbm>>) dst(%dma_wait3A_571 : memref<16x128xf32, #tpu.memory_space<vmem>>)
      %sub3A_575 = arith.constant 4 : i32
      %sub3A_576 = arith.subi %add3A_405, %sub3A_575 : i32
      %jit3A_577 = arith.constant 19 : i32
      %eq3A = arith.constant 0 : i32
      %eq3A_578 = arith.cmpi eq, %jit3A_577, %eq3A : i32
      %jit3A_579 = arith.constant 1 : i32
      %select_n3A_580 = arith.select %eq3A_578, %jit3A_579, %jit3A_577 : i32
      %rem3A_581 = arith.remsi %sub3A_576, %select_n3A_580 : i32
      %ne3A_582 = arith.constant 0 : i32
      %ne3A_583 = arith.cmpi ne, %rem3A_581, %ne3A_582 : i32
      %lt3A = arith.constant 0 : i32
      %lt3A_584 = arith.cmpi slt, %rem3A_581, %lt3A : i32
      %lt3A_585 = arith.constant 0 : i32
      %lt3A_586 = arith.cmpi slt, %select_n3A_580, %lt3A_585 : i32
      %ne3A_587 = arith.xori %lt3A_584, %lt3A_586 : i1
      %and3A_588 = arith.andi %ne3A_587, %ne3A_583 : i1
      %add3A_589 = arith.addi %rem3A_581, %select_n3A_580 : i32
      %select_n3A_590 = arith.select %and3A_588, %add3A_589, %rem3A_581 : i32
      %mul3A_591 = arith.constant 16 : i32
      %mul3A_592 = arith.muli %select_n3A_590, %mul3A_591 : i32
      %dma_start3A_593 = arith.constant 0 : i32
      %dma_start3A_594 = tpu.memref_slice %arg14[%mul3A_592, %dma_start3A_593] : memref<304x128xf32, #tpu.memory_space<vmem>> -> memref<16x128xf32, #tpu.memory_space<vmem>>
      %dma_start3A_595 = arith.constant 0 : i32
      %dma_start3A_596 = tpu.memref_slice %arg13[%select_n3A_590, %dma_start3A_595] : memref<19x16xi32, #tpu.memory_space<vmem>> -> memref<1x16xi32, #tpu.memory_space<vmem>>
      %dma_start3A_597 = tpu.memref_squeeze %dma_start3A_596 : memref<1x16xi32, #tpu.memory_space<vmem>> -> memref<16xi32, #tpu.memory_space<vmem>>
      %dma_start3A_598 = arith.constant 0 : i32
      %dma_start3A_599 = arith.constant 0 : i32
      %dma_start3A_600 = tpu.memref_slice %arg15[%dma_start3A_598, %dma_start3A_599] : memref<10112x128xf32, #tpu.memory_space<vmem_shared>> -> memref<10112x128xf32, #tpu.memory_space<vmem_shared>>
      tpu.enqueue_indirect_dma source(%dma_start3A_594 : memref<16x128xf32, #tpu.memory_space<vmem>>) target(%dma_start3A_600 : memref<10112x128xf32, #tpu.memory_space<vmem_shared>>) offsets(%dma_start3A_597 : memref<16xi32, #tpu.memory_space<vmem>>) semaphore(%arg18 : memref<!tpu.dma_semaphore, #tpu.memory_space<semaphore_mem>>) {add = true}
    } else {
    }
    %ge3A_441 = arith.constant 3 : i32
    %ge3A_442 = arith.cmpi sge, %add3A_405, %ge3A_441 : i32
    %convert_element_type3A_443 = arith.extui %ge3A_442 : i1 to i32
    %cond3A_444 = arith.constant 0 : i32
    %cond3A_445 = arith.cmpi ne, %convert_element_type3A_443, %cond3A_444 : i32
    scf.if %cond3A_445 {
      %dma_wait3A_563 = arith.constant 0 : i32
      %dma_wait3A_564 = arith.constant 0 : i32
      %dma_wait3A_565 = tpu.memref_slice %arg14[%dma_wait3A_563, %dma_wait3A_564] : memref<304x128xf32, #tpu.memory_space<vmem>> -> memref<16x128xf32, #tpu.memory_space<vmem>>
      %dma_wait3A_566 = arith.constant 0 : i32
      %dma_wait3A_567 = arith.constant 0 : i32
      %dma_wait3A_568 = tpu.memref_slice %arg6[%dma_wait3A_566, %dma_wait3A_567] : memref<632x128xf32, #tpu.memory_space<hbm>> -> memref<16x128xf32, #tpu.memory_space<hbm>>
      %dma_wait3A_569 = arith.constant 0 : i32
      %dma_wait3A_570 = arith.constant 0 : i32
      %dma_wait3A_571 = tpu.memref_slice %arg14[%dma_wait3A_569, %dma_wait3A_570] : memref<304x128xf32, #tpu.memory_space<vmem>> -> memref<16x128xf32, #tpu.memory_space<vmem>>
      %dma_wait3A_572 = arith.constant 0 : i32
      %dma_wait3A_573 = arith.constant 0 : i32
      %dma_wait3A_574 = tpu.memref_slice %arg6[%dma_wait3A_572, %dma_wait3A_573] : memref<632x128xf32, #tpu.memory_space<hbm>> -> memref<16x128xf32, #tpu.memory_space<hbm>>
      tpu.wait_dma2 semaphore(%arg17 : memref<!tpu.dma_semaphore, #tpu.memory_space<semaphore_mem>>) src(%dma_wait3A_574 : memref<16x128xf32, #tpu.memory_space<hbm>>) dst(%dma_wait3A_571 : memref<16x128xf32, #tpu.memory_space<vmem>>)
      %sub3A_575 = arith.constant 3 : i32
      %sub3A_576 = arith.subi %add3A_405, %sub3A_575 : i32
      %jit3A_577 = arith.constant 19 : i32
      %eq3A = arith.constant 0 : i32
      %eq3A_578 = arith.cmpi eq, %jit3A_577, %eq3A : i32
      %jit3A_579 = arith.constant 1 : i32
      %select_n3A_580 = arith.select %eq3A_578, %jit3A_579, %jit3A_577 : i32
      %rem3A_581 = arith.remsi %sub3A_576, %select_n3A_580 : i32
      %ne3A_582 = arith.constant 0 : i32
      %ne3A_583 = arith.cmpi ne, %rem3A_581, %ne3A_582 : i32
      %lt3A = arith.constant 0 : i32
      %lt3A_584 = arith.cmpi slt, %rem3A_581, %lt3A : i32
      %lt3A_585 = arith.constant 0 : i32
      %lt3A_586 = arith.cmpi slt, %select_n3A_580, %lt3A_585 : i32
      %ne3A_587 = arith.xori %lt3A_584, %lt3A_586 : i1
      %and3A_588 = arith.andi %ne3A_587, %ne3A_583 : i1
      %add3A_589 = arith.addi %rem3A_581, %select_n3A_580 : i32
      %select_n3A_590 = arith.select %and3A_588, %add3A_589, %rem3A_581 : i32
      %mul3A_591 = arith.constant 16 : i32
      %mul3A_592 = arith.muli %select_n3A_590, %mul3A_591 : i32
      %dma_start3A_593 = arith.constant 0 : i32
      %dma_start3A_594 = tpu.memref_slice %arg14[%mul3A_592, %dma_start3A_593] : memref<304x128xf32, #tpu.memory_space<vmem>> -> memref<16x128xf32, #tpu.memory_space<vmem>>
      %dma_start3A_595 = arith.constant 0 : i32
      %dma_start3A_596 = tpu.memref_slice %arg13[%select_n3A_590, %dma_start3A_595] : memref<19x16xi32, #tpu.memory_space<vmem>> -> memref<1x16xi32, #tpu.memory_space<vmem>>
      %dma_start3A_597 = tpu.memref_squeeze %dma_start3A_596 : memref<1x16xi32, #tpu.memory_space<vmem>> -> memref<16xi32, #tpu.memory_space<vmem>>
      %dma_start3A_598 = arith.constant 0 : i32
      %dma_start3A_599 = arith.constant 0 : i32
      %dma_start3A_600 = tpu.memref_slice %arg15[%dma_start3A_598, %dma_start3A_599] : memref<10112x128xf32, #tpu.memory_space<vmem_shared>> -> memref<10112x128xf32, #tpu.memory_space<vmem_shared>>
      tpu.enqueue_indirect_dma source(%dma_start3A_594 : memref<16x128xf32, #tpu.memory_space<vmem>>) target(%dma_start3A_600 : memref<10112x128xf32, #tpu.memory_space<vmem_shared>>) offsets(%dma_start3A_597 : memref<16xi32, #tpu.memory_space<vmem>>) semaphore(%arg18 : memref<!tpu.dma_semaphore, #tpu.memory_space<semaphore_mem>>) {add = true}
    } else {
    }
    %ge3A_446 = arith.constant 2 : i32
    %ge3A_447 = arith.cmpi sge, %add3A_405, %ge3A_446 : i32
    %convert_element_type3A_448 = arith.extui %ge3A_447 : i1 to i32
    %cond3A_449 = arith.constant 0 : i32
    %cond3A_450 = arith.cmpi ne, %convert_element_type3A_448, %cond3A_449 : i32
    scf.if %cond3A_450 {
      %dma_wait3A_563 = arith.constant 0 : i32
      %dma_wait3A_564 = arith.constant 0 : i32
      %dma_wait3A_565 = tpu.memref_slice %arg14[%dma_wait3A_563, %dma_wait3A_564] : memref<304x128xf32, #tpu.memory_space<vmem>> -> memref<16x128xf32, #tpu.memory_space<vmem>>
      %dma_wait3A_566 = arith.constant 0 : i32
      %dma_wait3A_567 = arith.constant 0 : i32
      %dma_wait3A_568 = tpu.memref_slice %arg6[%dma_wait3A_566, %dma_wait3A_567] : memref<632x128xf32, #tpu.memory_space<hbm>> -> memref<16x128xf32, #tpu.memory_space<hbm>>
      %dma_wait3A_569 = arith.constant 0 : i32
      %dma_wait3A_570 = arith.constant 0 : i32
      %dma_wait3A_571 = tpu.memref_slice %arg14[%dma_wait3A_569, %dma_wait3A_570] : memref<304x128xf32, #tpu.memory_space<vmem>> -> memref<16x128xf32, #tpu.memory_space<vmem>>
      %dma_wait3A_572 = arith.constant 0 : i32
      %dma_wait3A_573 = arith.constant 0 : i32
      %dma_wait3A_574 = tpu.memref_slice %arg6[%dma_wait3A_572, %dma_wait3A_573] : memref<632x128xf32, #tpu.memory_space<hbm>> -> memref<16x128xf32, #tpu.memory_space<hbm>>
      tpu.wait_dma2 semaphore(%arg17 : memref<!tpu.dma_semaphore, #tpu.memory_space<semaphore_mem>>) src(%dma_wait3A_574 : memref<16x128xf32, #tpu.memory_space<hbm>>) dst(%dma_wait3A_571 : memref<16x128xf32, #tpu.memory_space<vmem>>)
      %sub3A_575 = arith.constant 2 : i32
      %sub3A_576 = arith.subi %add3A_405, %sub3A_575 : i32
      %jit3A_577 = arith.constant 19 : i32
      %eq3A = arith.constant 0 : i32
      %eq3A_578 = arith.cmpi eq, %jit3A_577, %eq3A : i32
      %jit3A_579 = arith.constant 1 : i32
      %select_n3A_580 = arith.select %eq3A_578, %jit3A_579, %jit3A_577 : i32
      %rem3A_581 = arith.remsi %sub3A_576, %select_n3A_580 : i32
      %ne3A_582 = arith.constant 0 : i32
      %ne3A_583 = arith.cmpi ne, %rem3A_581, %ne3A_582 : i32
      %lt3A = arith.constant 0 : i32
      %lt3A_584 = arith.cmpi slt, %rem3A_581, %lt3A : i32
      %lt3A_585 = arith.constant 0 : i32
      %lt3A_586 = arith.cmpi slt, %select_n3A_580, %lt3A_585 : i32
      %ne3A_587 = arith.xori %lt3A_584, %lt3A_586 : i1
      %and3A_588 = arith.andi %ne3A_587, %ne3A_583 : i1
      %add3A_589 = arith.addi %rem3A_581, %select_n3A_580 : i32
      %select_n3A_590 = arith.select %and3A_588, %add3A_589, %rem3A_581 : i32
      %mul3A_591 = arith.constant 16 : i32
      %mul3A_592 = arith.muli %select_n3A_590, %mul3A_591 : i32
      %dma_start3A_593 = arith.constant 0 : i32
      %dma_start3A_594 = tpu.memref_slice %arg14[%mul3A_592, %dma_start3A_593] : memref<304x128xf32, #tpu.memory_space<vmem>> -> memref<16x128xf32, #tpu.memory_space<vmem>>
      %dma_start3A_595 = arith.constant 0 : i32
      %dma_start3A_596 = tpu.memref_slice %arg13[%select_n3A_590, %dma_start3A_595] : memref<19x16xi32, #tpu.memory_space<vmem>> -> memref<1x16xi32, #tpu.memory_space<vmem>>
      %dma_start3A_597 = tpu.memref_squeeze %dma_start3A_596 : memref<1x16xi32, #tpu.memory_space<vmem>> -> memref<16xi32, #tpu.memory_space<vmem>>
      %dma_start3A_598 = arith.constant 0 : i32
      %dma_start3A_599 = arith.constant 0 : i32
      %dma_start3A_600 = tpu.memref_slice %arg15[%dma_start3A_598, %dma_start3A_599] : memref<10112x128xf32, #tpu.memory_space<vmem_shared>> -> memref<10112x128xf32, #tpu.memory_space<vmem_shared>>
      tpu.enqueue_indirect_dma source(%dma_start3A_594 : memref<16x128xf32, #tpu.memory_space<vmem>>) target(%dma_start3A_600 : memref<10112x128xf32, #tpu.memory_space<vmem_shared>>) offsets(%dma_start3A_597 : memref<16xi32, #tpu.memory_space<vmem>>) semaphore(%arg18 : memref<!tpu.dma_semaphore, #tpu.memory_space<semaphore_mem>>) {add = true}
    } else {
    }
    %ge3A_451 = arith.constant 1 : i32
    %ge3A_452 = arith.cmpi sge, %add3A_405, %ge3A_451 : i32
    %convert_element_type3A_453 = arith.extui %ge3A_452 : i1 to i32
    %cond3A_454 = arith.constant 0 : i32
    %cond3A_455 = arith.cmpi ne, %convert_element_type3A_453, %cond3A_454 : i32
    scf.if %cond3A_455 {
      %dma_wait3A_563 = arith.constant 0 : i32
      %dma_wait3A_564 = arith.constant 0 : i32
      %dma_wait3A_565 = tpu.memref_slice %arg14[%dma_wait3A_563, %dma_wait3A_564] : memref<304x128xf32, #tpu.memory_space<vmem>> -> memref<16x128xf32, #tpu.memory_space<vmem>>
      %dma_wait3A_566 = arith.constant 0 : i32
      %dma_wait3A_567 = arith.constant 0 : i32
      %dma_wait3A_568 = tpu.memref_slice %arg6[%dma_wait3A_566, %dma_wait3A_567] : memref<632x128xf32, #tpu.memory_space<hbm>> -> memref<16x128xf32, #tpu.memory_space<hbm>>
      %dma_wait3A_569 = arith.constant 0 : i32
      %dma_wait3A_570 = arith.constant 0 : i32
      %dma_wait3A_571 = tpu.memref_slice %arg14[%dma_wait3A_569, %dma_wait3A_570] : memref<304x128xf32, #tpu.memory_space<vmem>> -> memref<16x128xf32, #tpu.memory_space<vmem>>
      %dma_wait3A_572 = arith.constant 0 : i32
      %dma_wait3A_573 = arith.constant 0 : i32
      %dma_wait3A_574 = tpu.memref_slice %arg6[%dma_wait3A_572, %dma_wait3A_573] : memref<632x128xf32, #tpu.memory_space<hbm>> -> memref<16x128xf32, #tpu.memory_space<hbm>>
      tpu.wait_dma2 semaphore(%arg17 : memref<!tpu.dma_semaphore, #tpu.memory_space<semaphore_mem>>) src(%dma_wait3A_574 : memref<16x128xf32, #tpu.memory_space<hbm>>) dst(%dma_wait3A_571 : memref<16x128xf32, #tpu.memory_space<vmem>>)
      %sub3A_575 = arith.constant 1 : i32
      %sub3A_576 = arith.subi %add3A_405, %sub3A_575 : i32
      %jit3A_577 = arith.constant 19 : i32
      %eq3A = arith.constant 0 : i32
      %eq3A_578 = arith.cmpi eq, %jit3A_577, %eq3A : i32
      %jit3A_579 = arith.constant 1 : i32
      %select_n3A_580 = arith.select %eq3A_578, %jit3A_579, %jit3A_577 : i32
      %rem3A_581 = arith.remsi %sub3A_576, %select_n3A_580 : i32
      %ne3A_582 = arith.constant 0 : i32
      %ne3A_583 = arith.cmpi ne, %rem3A_581, %ne3A_582 : i32
      %lt3A = arith.constant 0 : i32
      %lt3A_584 = arith.cmpi slt, %rem3A_581, %lt3A : i32
      %lt3A_585 = arith.constant 0 : i32
      %lt3A_586 = arith.cmpi slt, %select_n3A_580, %lt3A_585 : i32
      %ne3A_587 = arith.xori %lt3A_584, %lt3A_586 : i1
      %and3A_588 = arith.andi %ne3A_587, %ne3A_583 : i1
      %add3A_589 = arith.addi %rem3A_581, %select_n3A_580 : i32
      %select_n3A_590 = arith.select %and3A_588, %add3A_589, %rem3A_581 : i32
      %mul3A_591 = arith.constant 16 : i32
      %mul3A_592 = arith.muli %select_n3A_590, %mul3A_591 : i32
      %dma_start3A_593 = arith.constant 0 : i32
      %dma_start3A_594 = tpu.memref_slice %arg14[%mul3A_592, %dma_start3A_593] : memref<304x128xf32, #tpu.memory_space<vmem>> -> memref<16x128xf32, #tpu.memory_space<vmem>>
      %dma_start3A_595 = arith.constant 0 : i32
      %dma_start3A_596 = tpu.memref_slice %arg13[%select_n3A_590, %dma_start3A_595] : memref<19x16xi32, #tpu.memory_space<vmem>> -> memref<1x16xi32, #tpu.memory_space<vmem>>
      %dma_start3A_597 = tpu.memref_squeeze %dma_start3A_596 : memref<1x16xi32, #tpu.memory_space<vmem>> -> memref<16xi32, #tpu.memory_space<vmem>>
      %dma_start3A_598 = arith.constant 0 : i32
      %dma_start3A_599 = arith.constant 0 : i32
      %dma_start3A_600 = tpu.memref_slice %arg15[%dma_start3A_598, %dma_start3A_599] : memref<10112x128xf32, #tpu.memory_space<vmem_shared>> -> memref<10112x128xf32, #tpu.memory_space<vmem_shared>>
      tpu.enqueue_indirect_dma source(%dma_start3A_594 : memref<16x128xf32, #tpu.memory_space<vmem>>) target(%dma_start3A_600 : memref<10112x128xf32, #tpu.memory_space<vmem_shared>>) offsets(%dma_start3A_597 : memref<16xi32, #tpu.memory_space<vmem>>) semaphore(%arg18 : memref<!tpu.dma_semaphore, #tpu.memory_space<semaphore_mem>>) {add = true}
    } else {
    }
    %ge3A_456 = arith.constant 19 : i32
    %ge3A_457 = arith.cmpi sge, %add3A_405, %ge3A_456 : i32
    %convert_element_type3A_458 = arith.extui %ge3A_457 : i1 to i32
    %cond3A_459 = arith.constant 0 : i32
    %cond3A_460 = arith.cmpi ne, %convert_element_type3A_458, %cond3A_459 : i32
    scf.if %cond3A_460 {
      %dma_wait3A_563 = arith.constant 0 : i32
      %dma_wait3A_564 = arith.constant 0 : i32
      %dma_wait3A_565 = tpu.memref_slice %arg14[%dma_wait3A_563, %dma_wait3A_564] : memref<304x128xf32, #tpu.memory_space<vmem>> -> memref<16x128xf32, #tpu.memory_space<vmem>>
      %dma_wait3A_566 = arith.constant 0 : i32
      %dma_wait3A_567 = arith.constant 0 : i32
      %dma_wait3A_568 = tpu.memref_slice %arg6[%dma_wait3A_566, %dma_wait3A_567] : memref<632x128xf32, #tpu.memory_space<hbm>> -> memref<16x128xf32, #tpu.memory_space<hbm>>
      %dma_wait3A_569 = arith.constant 0 : i32
      %dma_wait3A_570 = arith.constant 0 : i32
      %dma_wait3A_571 = tpu.memref_slice %arg14[%dma_wait3A_569, %dma_wait3A_570] : memref<304x128xf32, #tpu.memory_space<vmem>> -> memref<16x128xf32, #tpu.memory_space<vmem>>
      %dma_wait3A_572 = arith.constant 0 : i32
      %dma_wait3A_573 = arith.constant 0 : i32
      %dma_wait3A_574 = tpu.memref_slice %arg6[%dma_wait3A_572, %dma_wait3A_573] : memref<632x128xf32, #tpu.memory_space<hbm>> -> memref<16x128xf32, #tpu.memory_space<hbm>>
      tpu.wait_dma2 semaphore(%arg18 : memref<!tpu.dma_semaphore, #tpu.memory_space<semaphore_mem>>) src(%dma_wait3A_574 : memref<16x128xf32, #tpu.memory_space<hbm>>) dst(%dma_wait3A_571 : memref<16x128xf32, #tpu.memory_space<vmem>>)
    } else {
    }
    %ge3A_461 = arith.constant 18 : i32
    %ge3A_462 = arith.cmpi sge, %add3A_405, %ge3A_461 : i32
    %convert_element_type3A_463 = arith.extui %ge3A_462 : i1 to i32
    %cond3A_464 = arith.constant 0 : i32
    %cond3A_465 = arith.cmpi ne, %convert_element_type3A_463, %cond3A_464 : i32
    scf.if %cond3A_465 {
      %dma_wait3A_563 = arith.constant 0 : i32
      %dma_wait3A_564 = arith.constant 0 : i32
      %dma_wait3A_565 = tpu.memref_slice %arg14[%dma_wait3A_563, %dma_wait3A_564] : memref<304x128xf32, #tpu.memory_space<vmem>> -> memref<16x128xf32, #tpu.memory_space<vmem>>
      %dma_wait3A_566 = arith.constant 0 : i32
      %dma_wait3A_567 = arith.constant 0 : i32
      %dma_wait3A_568 = tpu.memref_slice %arg6[%dma_wait3A_566, %dma_wait3A_567] : memref<632x128xf32, #tpu.memory_space<hbm>> -> memref<16x128xf32, #tpu.memory_space<hbm>>
      %dma_wait3A_569 = arith.constant 0 : i32
      %dma_wait3A_570 = arith.constant 0 : i32
      %dma_wait3A_571 = tpu.memref_slice %arg14[%dma_wait3A_569, %dma_wait3A_570] : memref<304x128xf32, #tpu.memory_space<vmem>> -> memref<16x128xf32, #tpu.memory_space<vmem>>
      %dma_wait3A_572 = arith.constant 0 : i32
      %dma_wait3A_573 = arith.constant 0 : i32
      %dma_wait3A_574 = tpu.memref_slice %arg6[%dma_wait3A_572, %dma_wait3A_573] : memref<632x128xf32, #tpu.memory_space<hbm>> -> memref<16x128xf32, #tpu.memory_space<hbm>>
      tpu.wait_dma2 semaphore(%arg18 : memref<!tpu.dma_semaphore, #tpu.memory_space<semaphore_mem>>) src(%dma_wait3A_574 : memref<16x128xf32, #tpu.memory_space<hbm>>) dst(%dma_wait3A_571 : memref<16x128xf32, #tpu.memory_space<vmem>>)
    } else {
    }
    %ge3A_466 = arith.constant 17 : i32
    %ge3A_467 = arith.cmpi sge, %add3A_405, %ge3A_466 : i32
    %convert_element_type3A_468 = arith.extui %ge3A_467 : i1 to i32
    %cond3A_469 = arith.constant 0 : i32
    %cond3A_470 = arith.cmpi ne, %convert_element_type3A_468, %cond3A_469 : i32
    scf.if %cond3A_470 {
      %dma_wait3A_563 = arith.constant 0 : i32
      %dma_wait3A_564 = arith.constant 0 : i32
      %dma_wait3A_565 = tpu.memref_slice %arg14[%dma_wait3A_563, %dma_wait3A_564] : memref<304x128xf32, #tpu.memory_space<vmem>> -> memref<16x128xf32, #tpu.memory_space<vmem>>
      %dma_wait3A_566 = arith.constant 0 : i32
      %dma_wait3A_567 = arith.constant 0 : i32
      %dma_wait3A_568 = tpu.memref_slice %arg6[%dma_wait3A_566, %dma_wait3A_567] : memref<632x128xf32, #tpu.memory_space<hbm>> -> memref<16x128xf32, #tpu.memory_space<hbm>>
      %dma_wait3A_569 = arith.constant 0 : i32
      %dma_wait3A_570 = arith.constant 0 : i32
      %dma_wait3A_571 = tpu.memref_slice %arg14[%dma_wait3A_569, %dma_wait3A_570] : memref<304x128xf32, #tpu.memory_space<vmem>> -> memref<16x128xf32, #tpu.memory_space<vmem>>
      %dma_wait3A_572 = arith.constant 0 : i32
      %dma_wait3A_573 = arith.constant 0 : i32
      %dma_wait3A_574 = tpu.memref_slice %arg6[%dma_wait3A_572, %dma_wait3A_573] : memref<632x128xf32, #tpu.memory_space<hbm>> -> memref<16x128xf32, #tpu.memory_space<hbm>>
      tpu.wait_dma2 semaphore(%arg18 : memref<!tpu.dma_semaphore, #tpu.memory_space<semaphore_mem>>) src(%dma_wait3A_574 : memref<16x128xf32, #tpu.memory_space<hbm>>) dst(%dma_wait3A_571 : memref<16x128xf32, #tpu.memory_space<vmem>>)
    } else {
    }
    %ge3A_471 = arith.constant 16 : i32
    %ge3A_472 = arith.cmpi sge, %add3A_405, %ge3A_471 : i32
    %convert_element_type3A_473 = arith.extui %ge3A_472 : i1 to i32
    %cond3A_474 = arith.constant 0 : i32
    %cond3A_475 = arith.cmpi ne, %convert_element_type3A_473, %cond3A_474 : i32
    scf.if %cond3A_475 {
      %dma_wait3A_563 = arith.constant 0 : i32
      %dma_wait3A_564 = arith.constant 0 : i32
      %dma_wait3A_565 = tpu.memref_slice %arg14[%dma_wait3A_563, %dma_wait3A_564] : memref<304x128xf32, #tpu.memory_space<vmem>> -> memref<16x128xf32, #tpu.memory_space<vmem>>
      %dma_wait3A_566 = arith.constant 0 : i32
      %dma_wait3A_567 = arith.constant 0 : i32
      %dma_wait3A_568 = tpu.memref_slice %arg6[%dma_wait3A_566, %dma_wait3A_567] : memref<632x128xf32, #tpu.memory_space<hbm>> -> memref<16x128xf32, #tpu.memory_space<hbm>>
      %dma_wait3A_569 = arith.constant 0 : i32
      %dma_wait3A_570 = arith.constant 0 : i32
      %dma_wait3A_571 = tpu.memref_slice %arg14[%dma_wait3A_569, %dma_wait3A_570] : memref<304x128xf32, #tpu.memory_space<vmem>> -> memref<16x128xf32, #tpu.memory_space<vmem>>
      %dma_wait3A_572 = arith.constant 0 : i32
      %dma_wait3A_573 = arith.constant 0 : i32
      %dma_wait3A_574 = tpu.memref_slice %arg6[%dma_wait3A_572, %dma_wait3A_573] : memref<632x128xf32, #tpu.memory_space<hbm>> -> memref<16x128xf32, #tpu.memory_space<hbm>>
      tpu.wait_dma2 semaphore(%arg18 : memref<!tpu.dma_semaphore, #tpu.memory_space<semaphore_mem>>) src(%dma_wait3A_574 : memref<16x128xf32, #tpu.memory_space<hbm>>) dst(%dma_wait3A_571 : memref<16x128xf32, #tpu.memory_space<vmem>>)
    } else {
    }
    %ge3A_476 = arith.constant 15 : i32
    %ge3A_477 = arith.cmpi sge, %add3A_405, %ge3A_476 : i32
    %convert_element_type3A_478 = arith.extui %ge3A_477 : i1 to i32
    %cond3A_479 = arith.constant 0 : i32
    %cond3A_480 = arith.cmpi ne, %convert_element_type3A_478, %cond3A_479 : i32
    scf.if %cond3A_480 {
      %dma_wait3A_563 = arith.constant 0 : i32
      %dma_wait3A_564 = arith.constant 0 : i32
      %dma_wait3A_565 = tpu.memref_slice %arg14[%dma_wait3A_563, %dma_wait3A_564] : memref<304x128xf32, #tpu.memory_space<vmem>> -> memref<16x128xf32, #tpu.memory_space<vmem>>
      %dma_wait3A_566 = arith.constant 0 : i32
      %dma_wait3A_567 = arith.constant 0 : i32
      %dma_wait3A_568 = tpu.memref_slice %arg6[%dma_wait3A_566, %dma_wait3A_567] : memref<632x128xf32, #tpu.memory_space<hbm>> -> memref<16x128xf32, #tpu.memory_space<hbm>>
      %dma_wait3A_569 = arith.constant 0 : i32
      %dma_wait3A_570 = arith.constant 0 : i32
      %dma_wait3A_571 = tpu.memref_slice %arg14[%dma_wait3A_569, %dma_wait3A_570] : memref<304x128xf32, #tpu.memory_space<vmem>> -> memref<16x128xf32, #tpu.memory_space<vmem>>
      %dma_wait3A_572 = arith.constant 0 : i32
      %dma_wait3A_573 = arith.constant 0 : i32
      %dma_wait3A_574 = tpu.memref_slice %arg6[%dma_wait3A_572, %dma_wait3A_573] : memref<632x128xf32, #tpu.memory_space<hbm>> -> memref<16x128xf32, #tpu.memory_space<hbm>>
      tpu.wait_dma2 semaphore(%arg18 : memref<!tpu.dma_semaphore, #tpu.memory_space<semaphore_mem>>) src(%dma_wait3A_574 : memref<16x128xf32, #tpu.memory_space<hbm>>) dst(%dma_wait3A_571 : memref<16x128xf32, #tpu.memory_space<vmem>>)
    } else {
    }
    %ge3A_481 = arith.constant 14 : i32
    %ge3A_482 = arith.cmpi sge, %add3A_405, %ge3A_481 : i32
    %convert_element_type3A_483 = arith.extui %ge3A_482 : i1 to i32
    %cond3A_484 = arith.constant 0 : i32
    %cond3A_485 = arith.cmpi ne, %convert_element_type3A_483, %cond3A_484 : i32
    scf.if %cond3A_485 {
      %dma_wait3A_563 = arith.constant 0 : i32
      %dma_wait3A_564 = arith.constant 0 : i32
      %dma_wait3A_565 = tpu.memref_slice %arg14[%dma_wait3A_563, %dma_wait3A_564] : memref<304x128xf32, #tpu.memory_space<vmem>> -> memref<16x128xf32, #tpu.memory_space<vmem>>
      %dma_wait3A_566 = arith.constant 0 : i32
      %dma_wait3A_567 = arith.constant 0 : i32
      %dma_wait3A_568 = tpu.memref_slice %arg6[%dma_wait3A_566, %dma_wait3A_567] : memref<632x128xf32, #tpu.memory_space<hbm>> -> memref<16x128xf32, #tpu.memory_space<hbm>>
      %dma_wait3A_569 = arith.constant 0 : i32
      %dma_wait3A_570 = arith.constant 0 : i32
      %dma_wait3A_571 = tpu.memref_slice %arg14[%dma_wait3A_569, %dma_wait3A_570] : memref<304x128xf32, #tpu.memory_space<vmem>> -> memref<16x128xf32, #tpu.memory_space<vmem>>
      %dma_wait3A_572 = arith.constant 0 : i32
      %dma_wait3A_573 = arith.constant 0 : i32
      %dma_wait3A_574 = tpu.memref_slice %arg6[%dma_wait3A_572, %dma_wait3A_573] : memref<632x128xf32, #tpu.memory_space<hbm>> -> memref<16x128xf32, #tpu.memory_space<hbm>>
      tpu.wait_dma2 semaphore(%arg18 : memref<!tpu.dma_semaphore, #tpu.memory_space<semaphore_mem>>) src(%dma_wait3A_574 : memref<16x128xf32, #tpu.memory_space<hbm>>) dst(%dma_wait3A_571 : memref<16x128xf32, #tpu.memory_space<vmem>>)
    } else {
    }
    %ge3A_486 = arith.constant 13 : i32
    %ge3A_487 = arith.cmpi sge, %add3A_405, %ge3A_486 : i32
    %convert_element_type3A_488 = arith.extui %ge3A_487 : i1 to i32
    %cond3A_489 = arith.constant 0 : i32
    %cond3A_490 = arith.cmpi ne, %convert_element_type3A_488, %cond3A_489 : i32
    scf.if %cond3A_490 {
      %dma_wait3A_563 = arith.constant 0 : i32
      %dma_wait3A_564 = arith.constant 0 : i32
      %dma_wait3A_565 = tpu.memref_slice %arg14[%dma_wait3A_563, %dma_wait3A_564] : memref<304x128xf32, #tpu.memory_space<vmem>> -> memref<16x128xf32, #tpu.memory_space<vmem>>
      %dma_wait3A_566 = arith.constant 0 : i32
      %dma_wait3A_567 = arith.constant 0 : i32
      %dma_wait3A_568 = tpu.memref_slice %arg6[%dma_wait3A_566, %dma_wait3A_567] : memref<632x128xf32, #tpu.memory_space<hbm>> -> memref<16x128xf32, #tpu.memory_space<hbm>>
      %dma_wait3A_569 = arith.constant 0 : i32
      %dma_wait3A_570 = arith.constant 0 : i32
      %dma_wait3A_571 = tpu.memref_slice %arg14[%dma_wait3A_569, %dma_wait3A_570] : memref<304x128xf32, #tpu.memory_space<vmem>> -> memref<16x128xf32, #tpu.memory_space<vmem>>
      %dma_wait3A_572 = arith.constant 0 : i32
      %dma_wait3A_573 = arith.constant 0 : i32
      %dma_wait3A_574 = tpu.memref_slice %arg6[%dma_wait3A_572, %dma_wait3A_573] : memref<632x128xf32, #tpu.memory_space<hbm>> -> memref<16x128xf32, #tpu.memory_space<hbm>>
      tpu.wait_dma2 semaphore(%arg18 : memref<!tpu.dma_semaphore, #tpu.memory_space<semaphore_mem>>) src(%dma_wait3A_574 : memref<16x128xf32, #tpu.memory_space<hbm>>) dst(%dma_wait3A_571 : memref<16x128xf32, #tpu.memory_space<vmem>>)
    } else {
    }
    %ge3A_491 = arith.constant 12 : i32
    %ge3A_492 = arith.cmpi sge, %add3A_405, %ge3A_491 : i32
    %convert_element_type3A_493 = arith.extui %ge3A_492 : i1 to i32
    %cond3A_494 = arith.constant 0 : i32
    %cond3A_495 = arith.cmpi ne, %convert_element_type3A_493, %cond3A_494 : i32
    scf.if %cond3A_495 {
      %dma_wait3A_563 = arith.constant 0 : i32
      %dma_wait3A_564 = arith.constant 0 : i32
      %dma_wait3A_565 = tpu.memref_slice %arg14[%dma_wait3A_563, %dma_wait3A_564] : memref<304x128xf32, #tpu.memory_space<vmem>> -> memref<16x128xf32, #tpu.memory_space<vmem>>
      %dma_wait3A_566 = arith.constant 0 : i32
      %dma_wait3A_567 = arith.constant 0 : i32
      %dma_wait3A_568 = tpu.memref_slice %arg6[%dma_wait3A_566, %dma_wait3A_567] : memref<632x128xf32, #tpu.memory_space<hbm>> -> memref<16x128xf32, #tpu.memory_space<hbm>>
      %dma_wait3A_569 = arith.constant 0 : i32
      %dma_wait3A_570 = arith.constant 0 : i32
      %dma_wait3A_571 = tpu.memref_slice %arg14[%dma_wait3A_569, %dma_wait3A_570] : memref<304x128xf32, #tpu.memory_space<vmem>> -> memref<16x128xf32, #tpu.memory_space<vmem>>
      %dma_wait3A_572 = arith.constant 0 : i32
      %dma_wait3A_573 = arith.constant 0 : i32
      %dma_wait3A_574 = tpu.memref_slice %arg6[%dma_wait3A_572, %dma_wait3A_573] : memref<632x128xf32, #tpu.memory_space<hbm>> -> memref<16x128xf32, #tpu.memory_space<hbm>>
      tpu.wait_dma2 semaphore(%arg18 : memref<!tpu.dma_semaphore, #tpu.memory_space<semaphore_mem>>) src(%dma_wait3A_574 : memref<16x128xf32, #tpu.memory_space<hbm>>) dst(%dma_wait3A_571 : memref<16x128xf32, #tpu.memory_space<vmem>>)
    } else {
    }
    %ge3A_496 = arith.constant 11 : i32
    %ge3A_497 = arith.cmpi sge, %add3A_405, %ge3A_496 : i32
    %convert_element_type3A_498 = arith.extui %ge3A_497 : i1 to i32
    %cond3A_499 = arith.constant 0 : i32
    %cond3A_500 = arith.cmpi ne, %convert_element_type3A_498, %cond3A_499 : i32
    scf.if %cond3A_500 {
      %dma_wait3A_563 = arith.constant 0 : i32
      %dma_wait3A_564 = arith.constant 0 : i32
      %dma_wait3A_565 = tpu.memref_slice %arg14[%dma_wait3A_563, %dma_wait3A_564] : memref<304x128xf32, #tpu.memory_space<vmem>> -> memref<16x128xf32, #tpu.memory_space<vmem>>
      %dma_wait3A_566 = arith.constant 0 : i32
      %dma_wait3A_567 = arith.constant 0 : i32
      %dma_wait3A_568 = tpu.memref_slice %arg6[%dma_wait3A_566, %dma_wait3A_567] : memref<632x128xf32, #tpu.memory_space<hbm>> -> memref<16x128xf32, #tpu.memory_space<hbm>>
      %dma_wait3A_569 = arith.constant 0 : i32
      %dma_wait3A_570 = arith.constant 0 : i32
      %dma_wait3A_571 = tpu.memref_slice %arg14[%dma_wait3A_569, %dma_wait3A_570] : memref<304x128xf32, #tpu.memory_space<vmem>> -> memref<16x128xf32, #tpu.memory_space<vmem>>
      %dma_wait3A_572 = arith.constant 0 : i32
      %dma_wait3A_573 = arith.constant 0 : i32
      %dma_wait3A_574 = tpu.memref_slice %arg6[%dma_wait3A_572, %dma_wait3A_573] : memref<632x128xf32, #tpu.memory_space<hbm>> -> memref<16x128xf32, #tpu.memory_space<hbm>>
      tpu.wait_dma2 semaphore(%arg18 : memref<!tpu.dma_semaphore, #tpu.memory_space<semaphore_mem>>) src(%dma_wait3A_574 : memref<16x128xf32, #tpu.memory_space<hbm>>) dst(%dma_wait3A_571 : memref<16x128xf32, #tpu.memory_space<vmem>>)
    } else {
    }
    %ge3A_501 = arith.constant 10 : i32
    %ge3A_502 = arith.cmpi sge, %add3A_405, %ge3A_501 : i32
    %convert_element_type3A_503 = arith.extui %ge3A_502 : i1 to i32
    %cond3A_504 = arith.constant 0 : i32
    %cond3A_505 = arith.cmpi ne, %convert_element_type3A_503, %cond3A_504 : i32
    scf.if %cond3A_505 {
      %dma_wait3A_563 = arith.constant 0 : i32
      %dma_wait3A_564 = arith.constant 0 : i32
      %dma_wait3A_565 = tpu.memref_slice %arg14[%dma_wait3A_563, %dma_wait3A_564] : memref<304x128xf32, #tpu.memory_space<vmem>> -> memref<16x128xf32, #tpu.memory_space<vmem>>
      %dma_wait3A_566 = arith.constant 0 : i32
      %dma_wait3A_567 = arith.constant 0 : i32
      %dma_wait3A_568 = tpu.memref_slice %arg6[%dma_wait3A_566, %dma_wait3A_567] : memref<632x128xf32, #tpu.memory_space<hbm>> -> memref<16x128xf32, #tpu.memory_space<hbm>>
      %dma_wait3A_569 = arith.constant 0 : i32
      %dma_wait3A_570 = arith.constant 0 : i32
      %dma_wait3A_571 = tpu.memref_slice %arg14[%dma_wait3A_569, %dma_wait3A_570] : memref<304x128xf32, #tpu.memory_space<vmem>> -> memref<16x128xf32, #tpu.memory_space<vmem>>
      %dma_wait3A_572 = arith.constant 0 : i32
      %dma_wait3A_573 = arith.constant 0 : i32
      %dma_wait3A_574 = tpu.memref_slice %arg6[%dma_wait3A_572, %dma_wait3A_573] : memref<632x128xf32, #tpu.memory_space<hbm>> -> memref<16x128xf32, #tpu.memory_space<hbm>>
      tpu.wait_dma2 semaphore(%arg18 : memref<!tpu.dma_semaphore, #tpu.memory_space<semaphore_mem>>) src(%dma_wait3A_574 : memref<16x128xf32, #tpu.memory_space<hbm>>) dst(%dma_wait3A_571 : memref<16x128xf32, #tpu.memory_space<vmem>>)
    } else {
    }
    %ge3A_506 = arith.constant 9 : i32
    %ge3A_507 = arith.cmpi sge, %add3A_405, %ge3A_506 : i32
    %convert_element_type3A_508 = arith.extui %ge3A_507 : i1 to i32
    %cond3A_509 = arith.constant 0 : i32
    %cond3A_510 = arith.cmpi ne, %convert_element_type3A_508, %cond3A_509 : i32
    scf.if %cond3A_510 {
      %dma_wait3A_563 = arith.constant 0 : i32
      %dma_wait3A_564 = arith.constant 0 : i32
      %dma_wait3A_565 = tpu.memref_slice %arg14[%dma_wait3A_563, %dma_wait3A_564] : memref<304x128xf32, #tpu.memory_space<vmem>> -> memref<16x128xf32, #tpu.memory_space<vmem>>
      %dma_wait3A_566 = arith.constant 0 : i32
      %dma_wait3A_567 = arith.constant 0 : i32
      %dma_wait3A_568 = tpu.memref_slice %arg6[%dma_wait3A_566, %dma_wait3A_567] : memref<632x128xf32, #tpu.memory_space<hbm>> -> memref<16x128xf32, #tpu.memory_space<hbm>>
      %dma_wait3A_569 = arith.constant 0 : i32
      %dma_wait3A_570 = arith.constant 0 : i32
      %dma_wait3A_571 = tpu.memref_slice %arg14[%dma_wait3A_569, %dma_wait3A_570] : memref<304x128xf32, #tpu.memory_space<vmem>> -> memref<16x128xf32, #tpu.memory_space<vmem>>
      %dma_wait3A_572 = arith.constant 0 : i32
      %dma_wait3A_573 = arith.constant 0 : i32
      %dma_wait3A_574 = tpu.memref_slice %arg6[%dma_wait3A_572, %dma_wait3A_573] : memref<632x128xf32, #tpu.memory_space<hbm>> -> memref<16x128xf32, #tpu.memory_space<hbm>>
      tpu.wait_dma2 semaphore(%arg18 : memref<!tpu.dma_semaphore, #tpu.memory_space<semaphore_mem>>) src(%dma_wait3A_574 : memref<16x128xf32, #tpu.memory_space<hbm>>) dst(%dma_wait3A_571 : memref<16x128xf32, #tpu.memory_space<vmem>>)
    } else {
    }
    %ge3A_511 = arith.constant 8 : i32
    %ge3A_512 = arith.cmpi sge, %add3A_405, %ge3A_511 : i32
    %convert_element_type3A_513 = arith.extui %ge3A_512 : i1 to i32
    %cond3A_514 = arith.constant 0 : i32
    %cond3A_515 = arith.cmpi ne, %convert_element_type3A_513, %cond3A_514 : i32
    scf.if %cond3A_515 {
      %dma_wait3A_563 = arith.constant 0 : i32
      %dma_wait3A_564 = arith.constant 0 : i32
      %dma_wait3A_565 = tpu.memref_slice %arg14[%dma_wait3A_563, %dma_wait3A_564] : memref<304x128xf32, #tpu.memory_space<vmem>> -> memref<16x128xf32, #tpu.memory_space<vmem>>
      %dma_wait3A_566 = arith.constant 0 : i32
      %dma_wait3A_567 = arith.constant 0 : i32
      %dma_wait3A_568 = tpu.memref_slice %arg6[%dma_wait3A_566, %dma_wait3A_567] : memref<632x128xf32, #tpu.memory_space<hbm>> -> memref<16x128xf32, #tpu.memory_space<hbm>>
      %dma_wait3A_569 = arith.constant 0 : i32
      %dma_wait3A_570 = arith.constant 0 : i32
      %dma_wait3A_571 = tpu.memref_slice %arg14[%dma_wait3A_569, %dma_wait3A_570] : memref<304x128xf32, #tpu.memory_space<vmem>> -> memref<16x128xf32, #tpu.memory_space<vmem>>
      %dma_wait3A_572 = arith.constant 0 : i32
      %dma_wait3A_573 = arith.constant 0 : i32
      %dma_wait3A_574 = tpu.memref_slice %arg6[%dma_wait3A_572, %dma_wait3A_573] : memref<632x128xf32, #tpu.memory_space<hbm>> -> memref<16x128xf32, #tpu.memory_space<hbm>>
      tpu.wait_dma2 semaphore(%arg18 : memref<!tpu.dma_semaphore, #tpu.memory_space<semaphore_mem>>) src(%dma_wait3A_574 : memref<16x128xf32, #tpu.memory_space<hbm>>) dst(%dma_wait3A_571 : memref<16x128xf32, #tpu.memory_space<vmem>>)
    } else {
    }
    %ge3A_516 = arith.constant 7 : i32
    %ge3A_517 = arith.cmpi sge, %add3A_405, %ge3A_516 : i32
    %convert_element_type3A_518 = arith.extui %ge3A_517 : i1 to i32
    %cond3A_519 = arith.constant 0 : i32
    %cond3A_520 = arith.cmpi ne, %convert_element_type3A_518, %cond3A_519 : i32
    scf.if %cond3A_520 {
      %dma_wait3A_563 = arith.constant 0 : i32
      %dma_wait3A_564 = arith.constant 0 : i32
      %dma_wait3A_565 = tpu.memref_slice %arg14[%dma_wait3A_563, %dma_wait3A_564] : memref<304x128xf32, #tpu.memory_space<vmem>> -> memref<16x128xf32, #tpu.memory_space<vmem>>
      %dma_wait3A_566 = arith.constant 0 : i32
      %dma_wait3A_567 = arith.constant 0 : i32
      %dma_wait3A_568 = tpu.memref_slice %arg6[%dma_wait3A_566, %dma_wait3A_567] : memref<632x128xf32, #tpu.memory_space<hbm>> -> memref<16x128xf32, #tpu.memory_space<hbm>>
      %dma_wait3A_569 = arith.constant 0 : i32
      %dma_wait3A_570 = arith.constant 0 : i32
      %dma_wait3A_571 = tpu.memref_slice %arg14[%dma_wait3A_569, %dma_wait3A_570] : memref<304x128xf32, #tpu.memory_space<vmem>> -> memref<16x128xf32, #tpu.memory_space<vmem>>
      %dma_wait3A_572 = arith.constant 0 : i32
      %dma_wait3A_573 = arith.constant 0 : i32
      %dma_wait3A_574 = tpu.memref_slice %arg6[%dma_wait3A_572, %dma_wait3A_573] : memref<632x128xf32, #tpu.memory_space<hbm>> -> memref<16x128xf32, #tpu.memory_space<hbm>>
      tpu.wait_dma2 semaphore(%arg18 : memref<!tpu.dma_semaphore, #tpu.memory_space<semaphore_mem>>) src(%dma_wait3A_574 : memref<16x128xf32, #tpu.memory_space<hbm>>) dst(%dma_wait3A_571 : memref<16x128xf32, #tpu.memory_space<vmem>>)
    } else {
    }
    %ge3A_521 = arith.constant 6 : i32
    %ge3A_522 = arith.cmpi sge, %add3A_405, %ge3A_521 : i32
    %convert_element_type3A_523 = arith.extui %ge3A_522 : i1 to i32
    %cond3A_524 = arith.constant 0 : i32
    %cond3A_525 = arith.cmpi ne, %convert_element_type3A_523, %cond3A_524 : i32
    scf.if %cond3A_525 {
      %dma_wait3A_563 = arith.constant 0 : i32
      %dma_wait3A_564 = arith.constant 0 : i32
      %dma_wait3A_565 = tpu.memref_slice %arg14[%dma_wait3A_563, %dma_wait3A_564] : memref<304x128xf32, #tpu.memory_space<vmem>> -> memref<16x128xf32, #tpu.memory_space<vmem>>
      %dma_wait3A_566 = arith.constant 0 : i32
      %dma_wait3A_567 = arith.constant 0 : i32
      %dma_wait3A_568 = tpu.memref_slice %arg6[%dma_wait3A_566, %dma_wait3A_567] : memref<632x128xf32, #tpu.memory_space<hbm>> -> memref<16x128xf32, #tpu.memory_space<hbm>>
      %dma_wait3A_569 = arith.constant 0 : i32
      %dma_wait3A_570 = arith.constant 0 : i32
      %dma_wait3A_571 = tpu.memref_slice %arg14[%dma_wait3A_569, %dma_wait3A_570] : memref<304x128xf32, #tpu.memory_space<vmem>> -> memref<16x128xf32, #tpu.memory_space<vmem>>
      %dma_wait3A_572 = arith.constant 0 : i32
      %dma_wait3A_573 = arith.constant 0 : i32
      %dma_wait3A_574 = tpu.memref_slice %arg6[%dma_wait3A_572, %dma_wait3A_573] : memref<632x128xf32, #tpu.memory_space<hbm>> -> memref<16x128xf32, #tpu.memory_space<hbm>>
      tpu.wait_dma2 semaphore(%arg18 : memref<!tpu.dma_semaphore, #tpu.memory_space<semaphore_mem>>) src(%dma_wait3A_574 : memref<16x128xf32, #tpu.memory_space<hbm>>) dst(%dma_wait3A_571 : memref<16x128xf32, #tpu.memory_space<vmem>>)
    } else {
    }
    %ge3A_526 = arith.constant 5 : i32
    %ge3A_527 = arith.cmpi sge, %add3A_405, %ge3A_526 : i32
    %convert_element_type3A_528 = arith.extui %ge3A_527 : i1 to i32
    %cond3A_529 = arith.constant 0 : i32
    %cond3A_530 = arith.cmpi ne, %convert_element_type3A_528, %cond3A_529 : i32
    scf.if %cond3A_530 {
      %dma_wait3A_563 = arith.constant 0 : i32
      %dma_wait3A_564 = arith.constant 0 : i32
      %dma_wait3A_565 = tpu.memref_slice %arg14[%dma_wait3A_563, %dma_wait3A_564] : memref<304x128xf32, #tpu.memory_space<vmem>> -> memref<16x128xf32, #tpu.memory_space<vmem>>
      %dma_wait3A_566 = arith.constant 0 : i32
      %dma_wait3A_567 = arith.constant 0 : i32
      %dma_wait3A_568 = tpu.memref_slice %arg6[%dma_wait3A_566, %dma_wait3A_567] : memref<632x128xf32, #tpu.memory_space<hbm>> -> memref<16x128xf32, #tpu.memory_space<hbm>>
      %dma_wait3A_569 = arith.constant 0 : i32
      %dma_wait3A_570 = arith.constant 0 : i32
      %dma_wait3A_571 = tpu.memref_slice %arg14[%dma_wait3A_569, %dma_wait3A_570] : memref<304x128xf32, #tpu.memory_space<vmem>> -> memref<16x128xf32, #tpu.memory_space<vmem>>
      %dma_wait3A_572 = arith.constant 0 : i32
      %dma_wait3A_573 = arith.constant 0 : i32
      %dma_wait3A_574 = tpu.memref_slice %arg6[%dma_wait3A_572, %dma_wait3A_573] : memref<632x128xf32, #tpu.memory_space<hbm>> -> memref<16x128xf32, #tpu.memory_space<hbm>>
      tpu.wait_dma2 semaphore(%arg18 : memref<!tpu.dma_semaphore, #tpu.memory_space<semaphore_mem>>) src(%dma_wait3A_574 : memref<16x128xf32, #tpu.memory_space<hbm>>) dst(%dma_wait3A_571 : memref<16x128xf32, #tpu.memory_space<vmem>>)
    } else {
    }
    %ge3A_531 = arith.constant 4 : i32
    %ge3A_532 = arith.cmpi sge, %add3A_405, %ge3A_531 : i32
    %convert_element_type3A_533 = arith.extui %ge3A_532 : i1 to i32
    %cond3A_534 = arith.constant 0 : i32
    %cond3A_535 = arith.cmpi ne, %convert_element_type3A_533, %cond3A_534 : i32
    scf.if %cond3A_535 {
      %dma_wait3A_563 = arith.constant 0 : i32
      %dma_wait3A_564 = arith.constant 0 : i32
      %dma_wait3A_565 = tpu.memref_slice %arg14[%dma_wait3A_563, %dma_wait3A_564] : memref<304x128xf32, #tpu.memory_space<vmem>> -> memref<16x128xf32, #tpu.memory_space<vmem>>
      %dma_wait3A_566 = arith.constant 0 : i32
      %dma_wait3A_567 = arith.constant 0 : i32
      %dma_wait3A_568 = tpu.memref_slice %arg6[%dma_wait3A_566, %dma_wait3A_567] : memref<632x128xf32, #tpu.memory_space<hbm>> -> memref<16x128xf32, #tpu.memory_space<hbm>>
      %dma_wait3A_569 = arith.constant 0 : i32
      %dma_wait3A_570 = arith.constant 0 : i32
      %dma_wait3A_571 = tpu.memref_slice %arg14[%dma_wait3A_569, %dma_wait3A_570] : memref<304x128xf32, #tpu.memory_space<vmem>> -> memref<16x128xf32, #tpu.memory_space<vmem>>
      %dma_wait3A_572 = arith.constant 0 : i32
      %dma_wait3A_573 = arith.constant 0 : i32
      %dma_wait3A_574 = tpu.memref_slice %arg6[%dma_wait3A_572, %dma_wait3A_573] : memref<632x128xf32, #tpu.memory_space<hbm>> -> memref<16x128xf32, #tpu.memory_space<hbm>>
      tpu.wait_dma2 semaphore(%arg18 : memref<!tpu.dma_semaphore, #tpu.memory_space<semaphore_mem>>) src(%dma_wait3A_574 : memref<16x128xf32, #tpu.memory_space<hbm>>) dst(%dma_wait3A_571 : memref<16x128xf32, #tpu.memory_space<vmem>>)
    } else {
    }
    %ge3A_536 = arith.constant 3 : i32
    %ge3A_537 = arith.cmpi sge, %add3A_405, %ge3A_536 : i32
    %convert_element_type3A_538 = arith.extui %ge3A_537 : i1 to i32
    %cond3A_539 = arith.constant 0 : i32
    %cond3A_540 = arith.cmpi ne, %convert_element_type3A_538, %cond3A_539 : i32
    scf.if %cond3A_540 {
      %dma_wait3A_563 = arith.constant 0 : i32
      %dma_wait3A_564 = arith.constant 0 : i32
      %dma_wait3A_565 = tpu.memref_slice %arg14[%dma_wait3A_563, %dma_wait3A_564] : memref<304x128xf32, #tpu.memory_space<vmem>> -> memref<16x128xf32, #tpu.memory_space<vmem>>
      %dma_wait3A_566 = arith.constant 0 : i32
      %dma_wait3A_567 = arith.constant 0 : i32
      %dma_wait3A_568 = tpu.memref_slice %arg6[%dma_wait3A_566, %dma_wait3A_567] : memref<632x128xf32, #tpu.memory_space<hbm>> -> memref<16x128xf32, #tpu.memory_space<hbm>>
      %dma_wait3A_569 = arith.constant 0 : i32
      %dma_wait3A_570 = arith.constant 0 : i32
      %dma_wait3A_571 = tpu.memref_slice %arg14[%dma_wait3A_569, %dma_wait3A_570] : memref<304x128xf32, #tpu.memory_space<vmem>> -> memref<16x128xf32, #tpu.memory_space<vmem>>
      %dma_wait3A_572 = arith.constant 0 : i32
      %dma_wait3A_573 = arith.constant 0 : i32
      %dma_wait3A_574 = tpu.memref_slice %arg6[%dma_wait3A_572, %dma_wait3A_573] : memref<632x128xf32, #tpu.memory_space<hbm>> -> memref<16x128xf32, #tpu.memory_space<hbm>>
      tpu.wait_dma2 semaphore(%arg18 : memref<!tpu.dma_semaphore, #tpu.memory_space<semaphore_mem>>) src(%dma_wait3A_574 : memref<16x128xf32, #tpu.memory_space<hbm>>) dst(%dma_wait3A_571 : memref<16x128xf32, #tpu.memory_space<vmem>>)
    } else {
    }
    %ge3A_541 = arith.constant 2 : i32
    %ge3A_542 = arith.cmpi sge, %add3A_405, %ge3A_541 : i32
    %convert_element_type3A_543 = arith.extui %ge3A_542 : i1 to i32
    %cond3A_544 = arith.constant 0 : i32
    %cond3A_545 = arith.cmpi ne, %convert_element_type3A_543, %cond3A_544 : i32
    scf.if %cond3A_545 {
      %dma_wait3A_563 = arith.constant 0 : i32
      %dma_wait3A_564 = arith.constant 0 : i32
      %dma_wait3A_565 = tpu.memref_slice %arg14[%dma_wait3A_563, %dma_wait3A_564] : memref<304x128xf32, #tpu.memory_space<vmem>> -> memref<16x128xf32, #tpu.memory_space<vmem>>
      %dma_wait3A_566 = arith.constant 0 : i32
      %dma_wait3A_567 = arith.constant 0 : i32
      %dma_wait3A_568 = tpu.memref_slice %arg6[%dma_wait3A_566, %dma_wait3A_567] : memref<632x128xf32, #tpu.memory_space<hbm>> -> memref<16x128xf32, #tpu.memory_space<hbm>>
      %dma_wait3A_569 = arith.constant 0 : i32
      %dma_wait3A_570 = arith.constant 0 : i32
      %dma_wait3A_571 = tpu.memref_slice %arg14[%dma_wait3A_569, %dma_wait3A_570] : memref<304x128xf32, #tpu.memory_space<vmem>> -> memref<16x128xf32, #tpu.memory_space<vmem>>
      %dma_wait3A_572 = arith.constant 0 : i32
      %dma_wait3A_573 = arith.constant 0 : i32
      %dma_wait3A_574 = tpu.memref_slice %arg6[%dma_wait3A_572, %dma_wait3A_573] : memref<632x128xf32, #tpu.memory_space<hbm>> -> memref<16x128xf32, #tpu.memory_space<hbm>>
      tpu.wait_dma2 semaphore(%arg18 : memref<!tpu.dma_semaphore, #tpu.memory_space<semaphore_mem>>) src(%dma_wait3A_574 : memref<16x128xf32, #tpu.memory_space<hbm>>) dst(%dma_wait3A_571 : memref<16x128xf32, #tpu.memory_space<vmem>>)
    } else {
    }
    %ge3A_546 = arith.constant 1 : i32
    %ge3A_547 = arith.cmpi sge, %add3A_405, %ge3A_546 : i32
    %convert_element_type3A_548 = arith.extui %ge3A_547 : i1 to i32
    %cond3A_549 = arith.constant 0 : i32
    %cond3A_550 = arith.cmpi ne, %convert_element_type3A_548, %cond3A_549 : i32
    scf.if %cond3A_550 {
      %dma_wait3A_563 = arith.constant 0 : i32
      %dma_wait3A_564 = arith.constant 0 : i32
      %dma_wait3A_565 = tpu.memref_slice %arg14[%dma_wait3A_563, %dma_wait3A_564] : memref<304x128xf32, #tpu.memory_space<vmem>> -> memref<16x128xf32, #tpu.memory_space<vmem>>
      %dma_wait3A_566 = arith.constant 0 : i32
      %dma_wait3A_567 = arith.constant 0 : i32
      %dma_wait3A_568 = tpu.memref_slice %arg6[%dma_wait3A_566, %dma_wait3A_567] : memref<632x128xf32, #tpu.memory_space<hbm>> -> memref<16x128xf32, #tpu.memory_space<hbm>>
      %dma_wait3A_569 = arith.constant 0 : i32
      %dma_wait3A_570 = arith.constant 0 : i32
      %dma_wait3A_571 = tpu.memref_slice %arg14[%dma_wait3A_569, %dma_wait3A_570] : memref<304x128xf32, #tpu.memory_space<vmem>> -> memref<16x128xf32, #tpu.memory_space<vmem>>
      %dma_wait3A_572 = arith.constant 0 : i32
      %dma_wait3A_573 = arith.constant 0 : i32
      %dma_wait3A_574 = tpu.memref_slice %arg6[%dma_wait3A_572, %dma_wait3A_573] : memref<632x128xf32, #tpu.memory_space<hbm>> -> memref<16x128xf32, #tpu.memory_space<hbm>>
      tpu.wait_dma2 semaphore(%arg18 : memref<!tpu.dma_semaphore, #tpu.memory_space<semaphore_mem>>) src(%dma_wait3A_574 : memref<16x128xf32, #tpu.memory_space<hbm>>) dst(%dma_wait3A_571 : memref<16x128xf32, #tpu.memory_space<vmem>>)
    } else {
    }
    %barrier3A_551 = arith.constant 0 : index
    tpu.barrier barrier_id(%barrier3A_551)
    %mul3A_552 = arith.constant 10112 : i32
    %mul3A_553 = arith.muli %add3A_270, %mul3A_552 : i32
    %add3A_554 = arith.addi %mul3A_553, %mul3A_2 : i32
    %dma_start3A_555 = arith.constant 0 : i32
    %dma_start3A_556 = tpu.memref_slice %arg7[%add3A_554, %dma_start3A_555] : memref<40448x128xf32, #tpu.memory_space<hbm>> -> memref<632x128xf32, #tpu.memory_space<hbm>>
    %dma_start3A_557 = arith.constant 0 : i32
    %dma_start3A_558 = tpu.memref_slice %arg15[%mul3A_2, %dma_start3A_557] : memref<10112x128xf32, #tpu.memory_space<vmem_shared>> -> memref<632x128xf32, #tpu.memory_space<vmem_shared>>
    tpu.enqueue_dma source(%dma_start3A_558 : memref<632x128xf32, #tpu.memory_space<vmem_shared>>) target(%dma_start3A_556 : memref<632x128xf32, #tpu.memory_space<hbm>>) target_semaphore(%arg19 : memref<!tpu.dma_semaphore, #tpu.memory_space<semaphore_mem>>)
    %dma_wait3A_559 = arith.constant 0 : i32
    %dma_wait3A_560 = tpu.memref_slice %arg7[%mul3A_2, %dma_wait3A_559] : memref<40448x128xf32, #tpu.memory_space<hbm>> -> memref<632x128xf32, #tpu.memory_space<hbm>>
    %dma_wait3A_561 = arith.constant 0 : i32
    %dma_wait3A_562 = tpu.memref_slice %arg15[%mul3A_2, %dma_wait3A_561] : memref<10112x128xf32, #tpu.memory_space<vmem_shared>> -> memref<632x128xf32, #tpu.memory_space<vmem_shared>>
    tpu.wait_dma2 semaphore(%arg19 : memref<!tpu.dma_semaphore, #tpu.memory_space<semaphore_mem>>) src(%dma_wait3A_562 : memref<632x128xf32, #tpu.memory_space<vmem_shared>>) dst(%dma_wait3A_560 : memref<632x128xf32, #tpu.memory_space<hbm>>)
    return
  }
}

module attributes {stable_mosaic.version = 14 : i64} {
  func.func @_wh_body(%arg0: i32, %arg1: memref<2000x128xf32, #tpu.memory_space<vmem>>, %arg2: memref<4x128x128xf32, #tpu.memory_space<vmem>>, %arg3: memref<2000x1xf32, #tpu.memory_space<vmem>>, %arg4: memref<4x2000x128xf32, #tpu.memory_space<vmem>>) attributes {dimension_semantics = [#tpu.dimension_semantics<arbitrary>], iteration_bounds = array<i64: 5>, scalar_prefetch = 0 : i64, scratch_operands = 0 : i64, tpu.core_type = #tpu.core_type<tc>, window_params = [{transform_indices = @transform_0, window_bounds = array<i64: 2000, 128>}, {pipeline_mode = #tpu.pipeline_mode<synchronous>, transform_indices = @transform_1, window_bounds = array<i64: 4, 128, 128>}, {transform_indices = @transform_2, window_bounds = array<i64: 2000, 1>}, {transform_indices = @transform_3, window_bounds = array<i64: 4, 2000, 128>}]} {
    %get3A = arith.constant 0 : index
    %get3A_0 = arith.constant 0 : index
    %get3A_1 = vector.load %arg1[%get3A, %get3A_0] : memref<2000x128xf32, #tpu.memory_space<vmem>>, vector<2000x128xf32>
    %get3A_2 = arith.constant 0 : index
    %get3A_3 = arith.constant 0 : index
    %get3A_4 = vector.load %arg3[%get3A_2, %get3A_3] : memref<2000x1xf32, #tpu.memory_space<vmem>>, vector<2000x1xf32>
    %get3A_5 = arith.constant 0 : index
    %get3A_6 = arith.constant 0 : index
    %get3A_7 = arith.constant 0 : index
    %get3A_8 = vector.load %arg2[%get3A_5, %get3A_6, %get3A_7] : memref<4x128x128xf32, #tpu.memory_space<vmem>>, vector<1x128x128xf32>
    %get3A_9 = vector.shape_cast %get3A_8 : vector<1x128x128xf32> to vector<128x128xf32>
    %dot_general3A = arith.constant dense<0.000000e+00> : vector<2000x128xf32>
    %dot_general3A_10 = tpu.matmul %get3A_1, %get3A_9, %dot_general3A {dimension_numbers = #tpu.dot_dimension_numbers<[1], [1], [0], [0], [0, 0, 1, 0], [], []>, transpose_lhs_hint = false} : vector<2000x128xf32>, vector<128x128xf32>, vector<2000x128xf32> -> vector<2000x128xf32>
    %mul3A = vector.broadcast %get3A_4 : vector<2000x1xf32> to vector<2000x128xf32>
    %mul3A_11 = arith.mulf %dot_general3A_10, %mul3A : vector<2000x128xf32>
    %swap3A = arith.constant 0 : index
    %swap3A_12 = arith.constant 0 : index
    %swap3A_13 = arith.constant 0 : index
    %swap3A_14 = vector.load %arg4[%swap3A, %swap3A_12, %swap3A_13] : memref<4x2000x128xf32, #tpu.memory_space<vmem>>, vector<1x2000x128xf32>
    %swap3A_15 = vector.shape_cast %swap3A_14 : vector<1x2000x128xf32> to vector<2000x128xf32>
    %swap3A_16 = vector.shape_cast %mul3A_11 : vector<2000x128xf32> to vector<1x2000x128xf32>
    tpu.vector_store %arg4[%swap3A, %swap3A_12, %swap3A_13], %swap3A_16 {strides = array<i32>} : memref<4x2000x128xf32, #tpu.memory_space<vmem>>, vector<1x2000x128xf32>,
    %get3A_17 = arith.constant 1 : index
    %get3A_18 = arith.constant 0 : index
    %get3A_19 = arith.constant 0 : index
    %get3A_20 = vector.load %arg2[%get3A_17, %get3A_18, %get3A_19] : memref<4x128x128xf32, #tpu.memory_space<vmem>>, vector<1x128x128xf32>
    %get3A_21 = vector.shape_cast %get3A_20 : vector<1x128x128xf32> to vector<128x128xf32>
    %dot_general3A_22 = arith.constant dense<0.000000e+00> : vector<2000x128xf32>
    %dot_general3A_23 = tpu.matmul %get3A_1, %get3A_21, %dot_general3A_22 {dimension_numbers = #tpu.dot_dimension_numbers<[1], [1], [0], [0], [0, 0, 1, 0], [], []>, transpose_lhs_hint = false} : vector<2000x128xf32>, vector<128x128xf32>, vector<2000x128xf32> -> vector<2000x128xf32>
    %mul3A_24 = vector.broadcast %get3A_4 : vector<2000x1xf32> to vector<2000x128xf32>
    %mul3A_25 = arith.mulf %dot_general3A_23, %mul3A_24 : vector<2000x128xf32>
    %swap3A_26 = arith.constant 1 : index
    %swap3A_27 = arith.constant 0 : index
    %swap3A_28 = arith.constant 0 : index
    %swap3A_29 = vector.load %arg4[%swap3A_26, %swap3A_27, %swap3A_28] : memref<4x2000x128xf32, #tpu.memory_space<vmem>>, vector<1x2000x128xf32>
    %swap3A_30 = vector.shape_cast %swap3A_29 : vector<1x2000x128xf32> to vector<2000x128xf32>
    %swap3A_31 = vector.shape_cast %mul3A_25 : vector<2000x128xf32> to vector<1x2000x128xf32>
    tpu.vector_store %arg4[%swap3A_26, %swap3A_27, %swap3A_28], %swap3A_31 {strides = array<i32>} : memref<4x2000x128xf32, #tpu.memory_space<vmem>>, vector<1x2000x128xf32>,
    %get3A_32 = arith.constant 2 : index
    %get3A_33 = arith.constant 0 : index
    %get3A_34 = arith.constant 0 : index
    %get3A_35 = vector.load %arg2[%get3A_32, %get3A_33, %get3A_34] : memref<4x128x128xf32, #tpu.memory_space<vmem>>, vector<1x128x128xf32>
    %get3A_36 = vector.shape_cast %get3A_35 : vector<1x128x128xf32> to vector<128x128xf32>
    %dot_general3A_37 = arith.constant dense<0.000000e+00> : vector<2000x128xf32>
    %dot_general3A_38 = tpu.matmul %get3A_1, %get3A_36, %dot_general3A_37 {dimension_numbers = #tpu.dot_dimension_numbers<[1], [1], [0], [0], [0, 0, 1, 0], [], []>, transpose_lhs_hint = false} : vector<2000x128xf32>, vector<128x128xf32>, vector<2000x128xf32> -> vector<2000x128xf32>
    %mul3A_39 = vector.broadcast %get3A_4 : vector<2000x1xf32> to vector<2000x128xf32>
    %mul3A_40 = arith.mulf %dot_general3A_38, %mul3A_39 : vector<2000x128xf32>
    %swap3A_41 = arith.constant 2 : index
    %swap3A_42 = arith.constant 0 : index
    %swap3A_43 = arith.constant 0 : index
    %swap3A_44 = vector.load %arg4[%swap3A_41, %swap3A_42, %swap3A_43] : memref<4x2000x128xf32, #tpu.memory_space<vmem>>, vector<1x2000x128xf32>
    %swap3A_45 = vector.shape_cast %swap3A_44 : vector<1x2000x128xf32> to vector<2000x128xf32>
    %swap3A_46 = vector.shape_cast %mul3A_40 : vector<2000x128xf32> to vector<1x2000x128xf32>
    tpu.vector_store %arg4[%swap3A_41, %swap3A_42, %swap3A_43], %swap3A_46 {strides = array<i32>} : memref<4x2000x128xf32, #tpu.memory_space<vmem>>, vector<1x2000x128xf32>,
    %get3A_47 = arith.constant 3 : index
    %get3A_48 = arith.constant 0 : index
    %get3A_49 = arith.constant 0 : index
    %get3A_50 = vector.load %arg2[%get3A_47, %get3A_48, %get3A_49] : memref<4x128x128xf32, #tpu.memory_space<vmem>>, vector<1x128x128xf32>
    %get3A_51 = vector.shape_cast %get3A_50 : vector<1x128x128xf32> to vector<128x128xf32>
    %dot_general3A_52 = arith.constant dense<0.000000e+00> : vector<2000x128xf32>
    %dot_general3A_53 = tpu.matmul %get3A_1, %get3A_51, %dot_general3A_52 {dimension_numbers = #tpu.dot_dimension_numbers<[1], [1], [0], [0], [0, 0, 1, 0], [], []>, transpose_lhs_hint = false} : vector<2000x128xf32>, vector<128x128xf32>, vector<2000x128xf32> -> vector<2000x128xf32>
    %mul3A_54 = vector.broadcast %get3A_4 : vector<2000x1xf32> to vector<2000x128xf32>
    %mul3A_55 = arith.mulf %dot_general3A_53, %mul3A_54 : vector<2000x128xf32>
    %swap3A_56 = arith.constant 3 : index
    %swap3A_57 = arith.constant 0 : index
    %swap3A_58 = arith.constant 0 : index
    %swap3A_59 = vector.load %arg4[%swap3A_56, %swap3A_57, %swap3A_58] : memref<4x2000x128xf32, #tpu.memory_space<vmem>>, vector<1x2000x128xf32>
    %swap3A_60 = vector.shape_cast %swap3A_59 : vector<1x2000x128xf32> to vector<2000x128xf32>
    %swap3A_61 = vector.shape_cast %mul3A_55 : vector<2000x128xf32> to vector<1x2000x128xf32>
    tpu.vector_store %arg4[%swap3A_56, %swap3A_57, %swap3A_58], %swap3A_61 {strides = array<i32>} : memref<4x2000x128xf32, #tpu.memory_space<vmem>>, vector<1x2000x128xf32>,
    return
  }
  func.func @transform_0(%arg0: i32) -> (i32, i32) {
    %c0_i32 = arith.constant 0 : i32
    %c0_i32_0 = arith.constant 0 : i32
    return %arg0, %c0_i32 : i32, i32
  }
  func.func @transform_1(%arg0: i32) -> (i32, i32, i32) {
    %c0_i32 = arith.constant 0 : i32
    %c0_i32_0 = arith.constant 0 : i32
    %c0_i32_1 = arith.constant 0 : i32
    %c0_i32_2 = arith.constant 0 : i32
    return %c0_i32, %c0_i32_0, %c0_i32_1 : i32, i32, i32
  }
  func.func @transform_2(%arg0: i32) -> (i32, i32) {
    %c0_i32 = arith.constant 0 : i32
    %c0_i32_0 = arith.constant 0 : i32
    return %arg0, %c0_i32 : i32, i32
  }
  func.func @transform_3(%arg0: i32) -> (i32, i32, i32) {
    %c0_i32 = arith.constant 0 : i32
    %c0_i32_0 = arith.constant 0 : i32
    %c0_i32_1 = arith.constant 0 : i32
    return %c0_i32, %arg0, %c0_i32_0 : i32, i32, i32
  }
}

module attributes {stable_mosaic.version = 14 : i64} {
  func.func @_post_body(%arg0: i32, %arg1: memref<4x2000x128xf32, #tpu.memory_space<vmem>>, %arg2: memref<2000x1xf32, #tpu.memory_space<vmem>>, %arg3: memref<2000x512xf32, #tpu.memory_space<vmem>>) attributes {dimension_semantics = [#tpu.dimension_semantics<arbitrary>], iteration_bounds = array<i64: 5>, scalar_prefetch = 0 : i64, scratch_operands = 0 : i64, tpu.core_type = #tpu.core_type<tc>, window_params = [{transform_indices = @transform_0, window_bounds = array<i64: 4, 2000, 128>}, {transform_indices = @transform_1, window_bounds = array<i64: 2000, 1>}, {transform_indices = @transform_2, window_bounds = array<i64: 2000, 512>}]} {
    %get3A = arith.constant 0 : index
    %get3A_0 = arith.constant 0 : index
    %get3A_1 = vector.load %arg2[%get3A, %get3A_0] : memref<2000x1xf32, #tpu.memory_space<vmem>>, vector<2000x1xf32>
    %get3A_2 = arith.constant 0 : index
    %get3A_3 = arith.constant 0 : index
    %get3A_4 = arith.constant 0 : index
    %get3A_5 = vector.load %arg1[%get3A_2, %get3A_3, %get3A_4] : memref<4x2000x128xf32, #tpu.memory_space<vmem>>, vector<1x2000x128xf32>
    %get3A_6 = vector.shape_cast %get3A_5 : vector<1x2000x128xf32> to vector<2000x128xf32>
    %mul3A = vector.broadcast %get3A_1 : vector<2000x1xf32> to vector<2000x128xf32>
    %mul3A_7 = arith.mulf %get3A_6, %mul3A : vector<2000x128xf32>
    %max3A = arith.constant 0.000000e+00 : f32
    %max3A_8 = vector.broadcast %max3A : f32 to vector<2000x128xf32>
    %max3A_9 = arith.maximumf %mul3A_7, %max3A_8 : vector<2000x128xf32>
    %swap3A = arith.constant 0 : index
    %swap3A_10 = arith.constant 0 : index
    %swap3A_11 = vector.load %arg3[%swap3A, %swap3A_10] : memref<2000x512xf32, #tpu.memory_space<vmem>>, vector<2000x128xf32>
    tpu.vector_store %arg3[%swap3A, %swap3A_10], %max3A_9 {strides = array<i32>} : memref<2000x512xf32, #tpu.memory_space<vmem>>, vector<2000x128xf32>,
    %get3A_12 = arith.constant 1 : index
    %get3A_13 = arith.constant 0 : index
    %get3A_14 = arith.constant 0 : index
    %get3A_15 = vector.load %arg1[%get3A_12, %get3A_13, %get3A_14] : memref<4x2000x128xf32, #tpu.memory_space<vmem>>, vector<1x2000x128xf32>
    %get3A_16 = vector.shape_cast %get3A_15 : vector<1x2000x128xf32> to vector<2000x128xf32>
    %mul3A_17 = vector.broadcast %get3A_1 : vector<2000x1xf32> to vector<2000x128xf32>
    %mul3A_18 = arith.mulf %get3A_16, %mul3A_17 : vector<2000x128xf32>
    %max3A_19 = arith.constant 0.000000e+00 : f32
    %max3A_20 = vector.broadcast %max3A_19 : f32 to vector<2000x128xf32>
    %max3A_21 = arith.maximumf %mul3A_18, %max3A_20 : vector<2000x128xf32>
    %swap3A_22 = arith.constant 0 : index
    %swap3A_23 = arith.constant 128 : index
    %swap3A_24 = vector.load %arg3[%swap3A_22, %swap3A_23] : memref<2000x512xf32, #tpu.memory_space<vmem>>, vector<2000x128xf32>
    tpu.vector_store %arg3[%swap3A_22, %swap3A_23], %max3A_21 {strides = array<i32>} : memref<2000x512xf32, #tpu.memory_space<vmem>>, vector<2000x128xf32>,
    %get3A_25 = arith.constant 2 : index
    %get3A_26 = arith.constant 0 : index
    %get3A_27 = arith.constant 0 : index
    %get3A_28 = vector.load %arg1[%get3A_25, %get3A_26, %get3A_27] : memref<4x2000x128xf32, #tpu.memory_space<vmem>>, vector<1x2000x128xf32>
    %get3A_29 = vector.shape_cast %get3A_28 : vector<1x2000x128xf32> to vector<2000x128xf32>
    %mul3A_30 = vector.broadcast %get3A_1 : vector<2000x1xf32> to vector<2000x128xf32>
    %mul3A_31 = arith.mulf %get3A_29, %mul3A_30 : vector<2000x128xf32>
    %max3A_32 = arith.constant 0.000000e+00 : f32
    %max3A_33 = vector.broadcast %max3A_32 : f32 to vector<2000x128xf32>
    %max3A_34 = arith.maximumf %mul3A_31, %max3A_33 : vector<2000x128xf32>
    %swap3A_35 = arith.constant 0 : index
    %swap3A_36 = arith.constant 256 : index
    %swap3A_37 = vector.load %arg3[%swap3A_35, %swap3A_36] : memref<2000x512xf32, #tpu.memory_space<vmem>>, vector<2000x128xf32>
    tpu.vector_store %arg3[%swap3A_35, %swap3A_36], %max3A_34 {strides = array<i32>} : memref<2000x512xf32, #tpu.memory_space<vmem>>, vector<2000x128xf32>,
    %get3A_38 = arith.constant 3 : index
    %get3A_39 = arith.constant 0 : index
    %get3A_40 = arith.constant 0 : index
    %get3A_41 = vector.load %arg1[%get3A_38, %get3A_39, %get3A_40] : memref<4x2000x128xf32, #tpu.memory_space<vmem>>, vector<1x2000x128xf32>
    %get3A_42 = vector.shape_cast %get3A_41 : vector<1x2000x128xf32> to vector<2000x128xf32>
    %mul3A_43 = vector.broadcast %get3A_1 : vector<2000x1xf32> to vector<2000x128xf32>
    %mul3A_44 = arith.mulf %get3A_42, %mul3A_43 : vector<2000x128xf32>
    %max3A_45 = arith.constant 0.000000e+00 : f32
    %max3A_46 = vector.broadcast %max3A_45 : f32 to vector<2000x128xf32>
    %max3A_47 = arith.maximumf %mul3A_44, %max3A_46 : vector<2000x128xf32>
    %swap3A_48 = arith.constant 0 : index
    %swap3A_49 = arith.constant 384 : index
    %swap3A_50 = vector.load %arg3[%swap3A_48, %swap3A_49] : memref<2000x512xf32, #tpu.memory_space<vmem>>, vector<2000x128xf32>
    tpu.vector_store %arg3[%swap3A_48, %swap3A_49], %max3A_47 {strides = array<i32>} : memref<2000x512xf32, #tpu.memory_space<vmem>>, vector<2000x128xf32>,
    return
  }
  func.func @transform_0(%arg0: i32) -> (i32, i32, i32) {
    %c0_i32 = arith.constant 0 : i32
    %c0_i32_0 = arith.constant 0 : i32
    %c0_i32_1 = arith.constant 0 : i32
    return %c0_i32, %arg0, %c0_i32_0 : i32, i32, i32
  }
  func.func @transform_1(%arg0: i32) -> (i32, i32) {
    %c0_i32 = arith.constant 0 : i32
    %c0_i32_0 = arith.constant 0 : i32
    return %arg0, %c0_i32 : i32, i32
  }
  func.func @transform_2(%arg0: i32) -> (i32, i32) {
    %c0_i32 = arith.constant 0 : i32
    %c0_i32_0 = arith.constant 0 : i32
    return %arg0, %c0_i32 : i32, i32
  }
}

</mosaic_0001>

<sc_bundles>
// kernel: kernel.5.cloned.1.call-start
scs
__scs_entry_jumppad:
0x0: {  	(pc) =	sbr.rel $0x88, $3  }
0x1: {  	(tag) =	ssettag $0x0;
	lr =	simm.s32 $0x1  }
0x2: {  	[smem:$0x3F9C] =	sst lr;
	_ =	strace $0xD0000000  }
0x3: {  	_ = 	snop  }
0x4: {  	_ = 	snop  }
0x5: {  	_ = 	snop  }
0x6: {  	_ = 	snop  }
0x7: {  	_ = 	snop  }
__scs_overlays_trampoline_lowered:
0x8: {  	[smem:$0x3FAB] =	sst s0  }
0x9: {  	[smem:$0x3FAC] =	sst s1  }
0xa: {  	[smem:$0x3FAD] =	sst s2  }
0xb: {  	[smem:$0x3FAE] =	sst s3  }
0xc: {  	[smem:$0x3FAF] =	sst s4  }
0xd: {  	[smem:$0x3FB0] =	sst s5  }
0xe: {  	[smem:$0x3FB1] =	sst s6  }
0xf: {  	[smem:$0x3FB2] =	sst s7  }
0x10: {  	[smem:$0x3FB3] =	sst s8  }
0x11: {  	[smem:$0x3FB4] =	sst s9;
	s0 =	simm.s32 @!p0 $0x0  }
0x12: {  	s1 =	sld [smem:$0x3F9A];
	s0 =	simm.s32 @p0 $0x1  }
0x13: {  	[smem:$0x3FB5] =	sst s0;
	s0 =	simm.s32 @!p1 $0x0  }
0x14: {  	s2 =	sld [smem:$0x3F99];
	s0 =	simm.s32 @p1 $0x1  }
0x15: {  	[smem:$0x3FB6] =	sst s0;
	s0 =	simm.s32 @!p2 $0x0  }
0x16: {  	s3 =	sld [smem:$0x3FDB];
	s0 =	simm.s32 @p2 $0x1  }
0x17: {  	s4 =	simm.s32 $0x1BF5;
	[smem:$0x3FB8] =	sst s0  }
0x18: {  	s0 =	sld [smem:$0x3F9B];
	_ =	swait.ge [sflag:s4], $0x0  }
0x19: {  	s7 =	sld [smem:$0x3F9C]  }
0x1a: {  	s8 =	sadd.s32 $0xFFFFE003, lr  }
0x1b: {  	s9 =	sadd.s32 $0xFFFFFEF7, lr;
	s5 =	simm.s32 $0xFFFFFFFF;
	p2 =	slt.u32 s8, $0xFFFFF086  }
0x1c: {  	p1 =	slt.u32 s9, $0xF7A;
	s5 =	simm.s32 @!p2 $0x0  }
0x1d: {  	s5 =	simm.s32 @p1 $0x1;
	p0 =	seq.s32 s7, s2  }
0x1e: {  	s7 =	smul.u32 @!p0 $0xF7A, s2;
	p2 =	seq.s32 @!p0 s5, $0x0  }
0x1f: {  	s9 =	smul.u32 $0xF7A, s1;
	s8 =	simm.s32 @!p0 $0x1BF5;
	p2 =	por !p2, p0  }
0x20: {  	[sflag:s8] =	ssyncset.s32 @!p0 $0xFFFFF086;
	s6 =	sadd.s32 @!p0 s3, s7;
	s7 =	simm.s32 @!p0 $0x108  }
0x21: {  	s3 =	sadd.s32 s3, s9;
	s6 =	sadd.s32 @!p0 $0x88, s6;
	s7 =	simm.s32 @p2 $0x1082  }
0x22: {  	[simem:s7], [sflag:s8] =	dma.local @!p0 [hbm:s6], $0xF7A  }
0x23: {  	s9 =	sor.u32 $0xD0000000, s2;
	s6 =	simm.s32 $0x108;
	_ =	swait.ge @!p0 [sflag:s8], $0x0  }
0x24: {  	s3 =	sadd.s32 $0x88, s3;
	s6 =	simm.s32 @!p1 $0x1082;
	[sflag:s4] =	ssyncset.s32 $0xFFFFF086  }
0x25: {  	[simem:s6], [sflag:s4] =	dma.local [hbm:s3], $0xF7A  }
0x26: {  	[smem:$0x3F9C] =	sst s1;
	(tag) =	ssettag s2;
	_ =	strace s9  }
0x27: {  	s1 =	sld [smem:$0x3FAC]  }
0x28: {  	s2 =	sld [smem:$0x3FAD]  }
0x29: {  	s4 =	sld [smem:$0x3FAF]  }
0x2a: {  	p0 =	seq.s32 s5, $0x0;
	s5 =	sld [smem:$0x3FB0]  }
0x2b: {  	s6 =	sld [smem:$0x3FB1]  }
0x2c: {  	s7 =	sld [smem:$0x3FB2]  }
0x2d: {  	s3 =	simm.s32 $0x108;
	s8 =	sld [smem:$0x3FB3]  }
0x2e: {  	s3 =	simm.s32 @!p0 $0x1082;
	s9 =	sld [smem:$0x3FB4]  }
0x2f: {  	lr =	sadd.s32 s0, s3;
	s0 =	sld [smem:$0x3FAB]  }
0x30: {  	s3 =	sld [smem:$0x3FAE]  }
0x31: {  	[smem:$0x3FB7] =	sst s10  }
0x32: {  	s10 =	sld [smem:$0x3FB5];
	_ =	sdelay $0x3  }
0x33: {  	p0 =	seq.s32 s10, $0x1;
	s10 =	sld [smem:$0x3FB7];
	_ =	sdelay $0x3  }
0x34: {  	[smem:$0x3FB7] =	sst s10  }
0x35: {  	s10 =	sld [smem:$0x3FB6];
	_ =	sdelay $0x3  }
0x36: {  	p1 =	seq.s32 s10, $0x1;
	s10 =	sld [smem:$0x3FB7];
	_ =	sdelay $0x3  }
0x37: {  	[smem:$0x3FB7] =	sst s10  }
0x38: {  	s10 =	sld [smem:$0x3FB8]  }
0x39: {  	_ = 	snop;
	(pc) =	sbr.ind lr, $3  }
0x3a: {  	_ = 	snop  }
0x3b: {  	_ = 	snop  }
0x3c: {  	p2 =	seq.s32 s10, $0x1;
	s10 =	sld [smem:$0x3FB7]  }
0x3d: {  	_ =	shalt  }
0x3e: {  	_ =	shalt  }
0x3f: {  	_ =	shalt  }
0x40: {  	_ =	shalt  }
0x41: {  	_ =	shalt  }
0x42: {  	_ =	shalt  }
0x43: {  	_ =	shalt  }
0x44: {  	_ =	shalt  }
0x45: {  	_ =	shalt  }
0x46: {  	_ =	shalt  }
0x47: {  	_ =	shalt  }
0x48: {  	_ =	shalt  }
0x49: {  	_ =	shalt  }
0x4a: {  	_ =	shalt  }
0x4b: {  	_ =	shalt  }
0x4c: {  	_ =	shalt  }
0x4d: {  	_ =	shalt  }
0x4e: {  	_ =	shalt  }
0x4f: {  	_ =	shalt  }
0x50: {  	_ =	shalt  }
0x51: {  	_ =	shalt  }
0x52: {  	_ =	shalt  }
0x53: {  	_ =	shalt  }
0x54: {  	_ =	shalt  }
0x55: {  	_ =	shalt  }
0x56: {  	_ =	shalt  }
0x57: {  	_ =	shalt  }
0x58: {  	_ =	shalt  }
0x59: {  	_ =	shalt  }
0x5a: {  	_ =	shalt  }
0x5b: {  	_ =	shalt  }
0x5c: {  	_ =	shalt  }
0x5d: {  	_ =	shalt  }
0x5e: {  	_ =	shalt  }
0x5f: {  	_ =	shalt  }
0x60: {  	_ =	shalt  }
0x61: {  	_ =	shalt  }
0x62: {  	_ =	shalt  }
0x63: {  	_ =	shalt  }
0x64: {  	_ =	shalt  }
0x65: {  	_ =	shalt  }
0x66: {  	_ =	shalt  }
0x67: {  	_ =	shalt  }
0x68: {  	_ =	shalt  }
0x69: {  	_ =	shalt  }
0x6a: {  	_ =	shalt  }
0x6b: {  	_ =	shalt  }
0x6c: {  	_ =	shalt  }
0x6d: {  	_ =	shalt  }
0x6e: {  	_ =	shalt  }
0x6f: {  	_ =	shalt  }
0x70: {  	_ =	shalt  }
0x71: {  	_ =	shalt  }
0x72: {  	_ =	shalt  }
0x73: {  	_ =	shalt  }
0x74: {  	_ =	shalt  }
0x75: {  	_ =	shalt  }
0x76: {  	_ =	shalt  }
0x77: {  	_ =	shalt  }
0x78: {  	_ =	shalt  }
0x79: {  	_ =	shalt  }
0x7a: {  	_ =	shalt  }
0x7b: {  	_ =	shalt  }
0x7c: {  	_ =	shalt  }
0x7d: {  	_ =	shalt  }
0x7e: {  	_ =	shalt  }
0x7f: {  	_ =	shalt  }
0x80: {  	_ =	shalt  }
0x81: {  	_ =	shalt  }
0x82: {  	_ =	shalt  }
0x83: {  	_ =	shalt  }
0x84: {  	_ =	shalt  }
0x85: {  	_ =	shalt  }
0x86: {  	_ =	shalt  }
0x87: {  	_ =	shalt  }
.Lfunc_end0:
.L_simem_size_0:
called_computation_lowered:
.L_overlay_start_0:
0x88: {  	s2 =	sld [smem:$0x3FD9]  }
0x89: {  	s3 =	sld [smem:$0x3FFE];
	_ =	sdelay $0x1  }
0x8a: {  	s1 =	srdreg.scid  }
0x8b: {  	s0 =	sand.u32 $0x1, s1  }
0x8c: {  	s17 =	sshll.u32 s0, $0xA;
	s2 =	sadd.s32 s3, s2  }
0x8d: {  	s2 =	sadd.s32 s2, s17  }
0x8e: {  	[smem:$0x3FC3] =	sst s2  }
0x8f: {  	_ = 	snop  }
0x90: {  	s2 =	sld [smem:$0x3FC7]  }
0x91: {  	s18 =	sld [smem:$0x3FD0];
	(tm) =	ssettm $0x1  }
0x92: {  	s4 =	sld [smem:$0x3FFB];
	_ =	sdelay $0x3  }
0x93: {  	_ =	strace s4  }
0x94: {  	s4 =	sld [smem:$0x3FFC];
	_ =	sdelay $0x3  }
0x95: {  	_ =	strace s4  }
0x96: {  	s4 =	sld [smem:$0x3FFD];
	_ =	sdelay $0x3  }
0x97: {  	_ =	strace s4  }
0x98: {  	_ =	strace $0x8FFFFFFF  }
0x99: {  	s19 =	sld [smem:$0x3FDB];
	_ =	sdelay $0x1  }
0x9a: {  	s5 =	simm.s32 $_scs_section_size  }
0x9b: {  	s6 =	simm.s32 $_size__tile_overlayer_lowered;
	s7 =	simm.s32 $_tile_overlayer_lowered  }
0x9c: {  	s22 =	simm.s32 $0x1BFF;
	s21 =	sshll.u32 s7, $0x1;
	s4 =	sadd.s32 s5, s19  }
0x9d: {  	s8 =	simm.s32 $0x0;
	s20 =	sshll.u32 s6, $0x1;
	s6 =	sadd.s32 s21, s4  }
0x9e: {  	[timem:s8], [sflag:s22] =	dma.local [hbm:s6], s20  }
0x9f: {  	_ =	swait.ge [sflag:s22], s20  }
0xa0: {  	s5 =	ssub.s32 $0x0, s20;
	[sflag:s22] =	ssyncset.done $0x0  }
0xa1: {  	[sflag:s22] =	ssyncadd.s32 s5;
	_ =	sdelay $0x1  }
0xa2: {  	s23 =	simm.s32 $0x1B8B  }
0xa3: {  	_ =	swait.ge [sflag:s23], $0x1  }
0xa4: {  	[sflag:s23] =	ssyncset.done $0x0  }
0xa5: {  	s25 =	simm.s32 $0x1B8E;
	s24 =	sld [smem:$0x3FFE];
	[sflag:s23] =	ssyncadd.s32 $0xFFFFFFFF  }
0xa6: {  	s26 =	simm.s32 $execute0_lowered;
	[smem:$0x3FD2] =	sst s25  }
0xa7: {  	s6 =	sshll.u32 s26, $0x1;
	_ =	strace $0x80000046;
	[dreg:$0x1] =	wrdreg $0xFFFFFFFF  }
0xa8: {  	s28 =	simm.s32 $_size_execute0_lowered;
	s4 =	sadd.s32 s4, s6;
	[dreg:$0x0] =	wrdreg $0x0  }
0xa9: {  	s6 =	sshll.u32 s28, $0x1;
	[dreg:$0x2] =	wrdreg s4  }
0xaa: {  	[dreg:$0x3] =	wrdreg s6  }
0xab: {  	[dreg:$0x4] =	wrdreg $0xC0  }
0xac: {  	_ =	task [dreg:s8], $0x5FFFF  }
0xad: {  	[dreg:$0x1] =	wrdreg $0xFFFFFFFF  }
0xae: {  	[dreg:$0x0] =	wrdreg $0x60  }
0xaf: {  	[dreg:$0x2] =	wrdreg s18  }
0xb0: {  	[dreg:$0x3] =	wrdreg s24  }
0xb1: {  	[dreg:$0x4] =	wrdreg s2  }
0xb2: {  	[dreg:$0x5] =	wrdreg $0xBC800  }
0xb3: {  	[dreg:$0x6] =	wrdreg $0x9  }
0xb4: {  	_ =	task.clear_ibuf [dreg:s8], $0x7FFFF;
	_ =	strace $0x90000046  }
0xb5: {  	s29 =	simm.s32 $0x9;
	_ =	strace $0x80000048  }
0xb6: {  	_ =	swait.ge [sflag:s29], $0x1  }
0xb7: {  	[sflag:s29] =	ssyncadd.s32 $0xFFFFFFFF  }
0xb8: {  	_ =	strace $0x90000048  }
0xb9: {  	_ =	sfence  }
0xba: {  	s30 =	sld [smem:$0x0];
	_ =	sdelay $0x2  }
0xbb: {  	s31 =	sshll.u32 s1, $0xD;
	s1 =	sshrl.u32 s1, $0x2  }
0xbc: {  	s3 =	sand.u32 $0x4000, s31;
	s1 =	sadd.s32 s1, s30  }
0xbd: {  	s0 =	sor.u32 s3, s0;
	s1 =	sshll.u32 s1, $0x11  }
0xbe: {  	s0 =	sor.u32 s1, s0  }
0xbf: {  	s0 =	sadd.s32 $0x8F2B, s0  }
0xc0: {  	[sflag:s0] =	ssyncadd.remote.s32 $0x1  }
0xc1: {  	_ =	sfence.sel $0xFFFF  }
0xc2: {  	[dreg:$0x0] =	wrdreg $0xFFFFFFFF;
	(pc) =	sbr.abs _section_cstart, $3  }
0xc3: {  	[dreg:$0x1] =	wrdreg $0xFFFFFFFF  }
0xc4: {  	_ =	task.clear_ibuf [dreg:s8], $0x2FFFF;
	_ =	strace $0x9FFFFFFF  }
0xc5: {  	(tm) =	ssettm $0x7FFFFFFF  }
tec
execute0_lowered:
.L_overlay_start_1:
0x0: {  	(tag) =	ssettag $0x1  }
0x1: {  	s1 =	rddreg [dreg:$0x0]  }
0x2: {  	s0 =	rddreg [dreg:$0x1]  }
0x3: {  	s2 =	rddreg [dreg:$0x2]  }
0x4: {  	s3 =	rddreg [dreg:$0x3];
	s5 =	simm.s32 $0x0;
	s4 =	srdreg.scid  }
0x5: {  	s14 =	stileid.u32;
	s29 =	simm.s32 $0x1;
	[smem:$0x7FF] =	sst s5  }
0x6: {  	s6 =	sadd.s32 $0xA000, s0;
	s4 =	sand.u32 $0x1, s4;
	s8 =	smul.u32 $0x4E20, s14  }
0x7: {  	s7 =	sadd.s32 $0x200, s0;
	s9 =	sadd.s32 $0x13E00, s0;
	s18 =	smul.u32 $0x278, s14  }
0x8: {  	s0 =	sadd.s32 $0x16600, s0;
	s23 =	smul.u32 $0x4F000, s14;
	s14 =	sshll.u32 s14, $0x6  }
0x9: {  	_ =	strace $0x80000047;
	[dreg:$0x5] =	wrdreg s9;
	s17 =	ssub.s32 $0x2, s4  }
0xa: {  	s24 =	smul.u32 $0x2780, s4;
	s13 =	sor.u32 $0x2, s4;
	s14 =	sor.u32 $0x1C04, s14  }
0xb: {  	s25 =	smul.u32 $0x2710, s4;
	s10 =	sshrl.u32 s17, $0x1;
	s11 =	sshrl.u32 s8, $0x3  }
0xc: {  	s15 =	smul.u32 $0x2780, s13;
	[dreg:$0xd] =	wrdreg s14;
	s12 =	sadd.s32 s6, s11  }
0xd: {  	s9 =	ssub.s32 s17, s10;
	s19 =	sadd.s32 s7, s11;
	[dreg:$0x6] =	wrdreg s12  }
0xe: {  	s20 =	sadd.s32 s2, s11;
	s11 =	sadd.s32 $0x32, s11;
	[dreg:$0x7] =	wrdreg s19  }
0xf: {  	s17 =	sadd.s32 $0x320, s8;
	s8 =	sadd.s32 $0x4B0, s8;
	[dreg:$0x8] =	wrdreg s20  }
0x10: {  	s28 =	smul.u32 $0x2710, s13;
	s21 =	sadd.s32 s6, s11;
	[dreg:$0xe] =	wrdreg s8  }
0x11: {  	s22 =	sadd.s32 s7, s11;
	s11 =	sadd.s32 s2, s11;
	[dreg:$0x9] =	wrdreg s21  }
0x12: {  	s12 =	sshrl.u32 s23, $0x2;
	s10 =	sadd.s32 s18, s15;
	[dreg:$0xa] =	wrdreg s22  }
0x13: {  	s31 =	smax.u32 s9, $0x1;
	[dreg:$0xb] =	wrdreg s11;
	s11 =	sadd.s32 s18, s24  }
0x14: {  	s12 =	sadd.s32 s12, s3;
	[dreg:$0x11] =	wrdreg s31;
	s26 =	sshll.u32 s11, $0x4  }
0x15: {  	s10 =	sshll.u32 s10, $0x4;
	[dreg:$0xc] =	wrdreg s12;
	s8 =	sadd.s32 s0, s26  }
0x16: {  	s30 =	simm.s32 $0x10;
	v4 =	vimm.s32 $0x0;
	v5 =	vimm.s32 $0x2710;
	v0 =	vmov s4;
	s0 =	sadd.s32 s0, s10;
	[dreg:$0xf] =	wrdreg s8  }
0x17: {  	s4 =	simm.s32 $0x0;
	v2 =	vmov s13;
	v1 =	vmov s25;
	v3 =	vmov s28;
	[dreg:$0x10] =	wrdreg s0;
	s8 =	simm.s32 $0x4  }
.LBB2_1:
0x18: {  	[dreg:$0x12] =	wrdreg s4  }
0x19: {  	s0 =	rddreg [dreg:$0x6]  }
0x1a: {  	s15 =	rddreg [dreg:$0x7]  }
0x1b: {  	s18 =	rddreg [dreg:$0x8]  }
0x1c: {  	s20 =	rddreg [dreg:$0x9]  }
0x1d: {  	[tilespmem:s5], [sflag:$0x1] =	stream.linear.gather [hbm4b:s0+s5], $0x190, $0x38;
	[tilespmem:$0x1F880] =	vst v63  }
0x1e: {  	s16 =	simm.s32 $0x380;
	s22 =	rddreg [dreg:$0xa]  }
0x1f: {  	[tilespmem:s16], [sflag:$0x1] =	stream.linear.gather [hbm4b:s15+s5], $0x190, $0x38;
	[tilespmem:$0x1F880] =	vst v63  }
0x20: {  	s19 =	simm.s32 $0x700;
	s24 =	rddreg [dreg:$0xb]  }
0x21: {  	[tilespmem:s19], [sflag:$0x1] =	stream.linear.gather [hbm4b:s18+s5], $0x190, $0x38;
	[tilespmem:$0x1F880] =	vst v63  }
0x22: {  	s21 =	simm.s32 $0x190;
	s26 =	rddreg [dreg:$0xc]  }
0x23: {  	[tilespmem:s21], [sflag:$0x1] =	stream.linear.gather [hbm4b:s20+s5], $0x190, $0x38;
	[tilespmem:$0x1F880] =	vst v63  }
0x24: {  	s23 =	simm.s32 $0x510;
	s31 =	rddreg [dreg:$0x5];
	s28 =	sshrl.u32 s26, $0x3  }
0x25: {  	[tilespmem:s23], [sflag:$0x1] =	stream.linear.gather [hbm4b:s22+s5], $0x190, $0x38;
	[tilespmem:$0x1F880] =	vst v63  }
0x26: {  	s25 =	simm.s32 $0x890;
	[dreg:$0x13] =	wrdreg s28  }
0x27: {  	[tilespmem:s25], [sflag:$0x1] =	stream.linear.gather [hbm4b:s24+s5], $0x190, $0x38;
	[tilespmem:$0x1F880] =	vst v63  }
0x28: {  	[spmem:s28], [sflag:s14] =	dma.local [hbm:s31], $0x2780  }
0x29: {  	_ =	swait.ge [sflag:s8], $0x2780  }
0x2a: {  	[sflag:s8] =	ssyncset.done $0x0  }
0x2b: {  	s10 =	simm.s32 $0x0;
	[sflag:s8] =	ssyncadd.s32 $0xFFFFD880  }
0x2c: {  	s15 =	simm.s32 $0x0;
	s23 =	simm.s32 $0x0;
	[bflag:$0x0] =	sbarrier.arrive $0xFFFF  }
.LBB2_2:
0x2d: {  	_ =	swait.ge [sflag:s29], $0x190  }
0x2e: {  	[sflag:s29] =	ssyncset.done $0x0  }
0x2f: {  	[sflag:s29] =	ssyncadd.s32 $0xFFFFFE70  }
0x30: {  	_ =	swait.ge [sflag:s29], $0x190  }
0x31: {  	[sflag:s29] =	ssyncset.done $0x0  }
0x32: {  	[sflag:s29] =	ssyncadd.s32 $0xFFFFFE70  }
0x33: {  	_ =	swait.ge [sflag:s29], $0x190  }
0x34: {  	[sflag:s29] =	ssyncset.done $0x0  }
0x35: {  	s4 =	simm.s32 $0x0;
	[sflag:s29] =	ssyncadd.s32 $0xFFFFFE70  }
0x36: {  	v6 =	vld [tilespmem:s4+$0x700];
	_ =	sdelay $0x4  }
0x37: {  	vm0 =	veq.s32 v6, v0  }
0x38: {  	v6 =	vsel vm0, $0x1, v4  }
0x39: {  	v7 =	vld [tilespmem:s4+$0x0];
	(xrf0) =	vadd.scan.msk.s32 $0xffff, v6;
	_ =	sdelay $0x1  }
0x3a: {  	v6 =	vld [tilespmem:s4+$0x380];
	_ =	sdelay $0x2  }
0x3b: {  	v7 =	vadd.s32 v1, v7  }
0x3c: {  	v7 =	vshll.u32 v7, $0xE;
	v8, _, _ =	vpop (xrf0)  }
0x3d: {  	v6 =	vor.u32 v6, v7;
	(v2sf) =	vpush v8, $0xF  }
0x3e: {  	s8 =	simm.s32 $0x80;
	s4 =	simm.s32 $0x10;
	[tilespmem:s10+$0xA80] =	vst.msk vm0, v6  }
.LBB2_3:
0x3f: {  	p0 =	sne.s32 s8, $0x600;
	v6 =	vld [tilespmem:s4+$0x700];
	_ =	sdelay $0x4  }
0x40: {  	vm0 =	veq.s32 v6, v0  }
0x41: {  	v6 =	vsel vm0, $0x1, v4  }
0x42: {  	v7 =	vld [tilespmem:s4+$0x0];
	(xrf0) =	vadd.scan.msk.s32 $0xffff, v6;
	_ =	sdelay $0x1  }
0x43: {  	v6 =	vld [tilespmem:s4+$0x380];
	_ =	sdelay $0x1  }
.Ltmp0:
0x44: {  	(pc) =	sbr.rel @p0 .LBB2_3-.Ltmp0, $4  }
0x45: {  	v7 =	vadd.s32 v1, v7  }
0x46: {  	v7 =	vshll.u32 v7, $0xE;
	v8, _, _ =	vpop (xrf0);
	s4 =	spop (v2sf)  }
0x47: {  	v6 =	vor.u32 v6, v7;
	(v2sf) =	vpush v8, $0xF;
	s10 =	sadd.s32 s10, s4  }
0x48: {  	s4 =	sshra.s32 s8, $0x2;
	s8 =	sadd.s32 $0x40, s8;
	[tilespmem:s10+$0xA80] =	vst.msk vm0, v6  }
0x49: {  	v6 =	vld [tilespmem:s4+$0x700];
	_ =	sdelay $0x4  }
0x4a: {  	vm0 =	veq.s32 v6, v0  }
0x4b: {  	v6 =	vsel vm0, $0x1, v4  }
0x4c: {  	(xrf0) =	vadd.scan.msk.s32 $0xffff, v6;
	_ =	sdelay $0x5  }
0x4d: {  	v6, _, _ =	vpop (xrf0)  }
0x4e: {  	(v2sf) =	vpush v6, $0xF;
	_ =	sdelay $0xd  }
0x4f: {  	s8 =	spop (v2sf)  }
0x50: {  	s8 =	sadd.s32 s10, s8;
	s9 =	spop (v2sf)  }
0x51: {  	s20 =	sadd.s32 s8, s9  }
0x52: {  	s9 =	sand.u32 $0xF, s20;
	p0 =	slt.s32 s20, $0x1  }
0x53: {  	v7 =	vld [tilespmem:s4+$0x380];
	s31 =	sshra.s32 s20, $0x1F;
	p1 =	sne.s32 s9, $0x0;
	s0 =	simm.s32 @!p0 $0x0  }
0x54: {  	v6 =	vld [tilespmem:s4+$0x0];
	s4 =	sshrl.u32 s31, $0x1C;
	s0 =	simm.s32 @p0 $0x1;
	p0 =	por !p0, !p1  }
0x55: {  	s9 =	simm.s32 $0x1;
	s4 =	sadd.s32 s4, s20;
	p3 =	por !p0, !p0  }
0x56: {  	s19 =	sshra.s32 s4, $0x4;
	s9 =	simm.s32 @!p3 $0x0  }
0x57: {  	s21 =	ssub.s32 s19, s9  }
0x58: {  	p0 =	slt.s32 s21, $0x1  }
.Ltmp1:
0x59: {  	_ = 	snop;
	(pc) =	sbr.rel @p0 .LBB2_8-.Ltmp1, $4  }
0x5a: {  	v6 =	vadd.s32 v1, v6  }
0x5b: {  	v6 =	vshll.u32 v6, $0xE  }
0x5c: {  	v6 =	vor.u32 v7, v6  }
0x5d: {  	[tilespmem:s8+$0xA80] =	vst.msk vm0, v6;
	[smem:$0x7FD] =	sst s0  }
0x5e: {  	s4 =	smulhi.u32 $0x6BCA1AF3, s23;
	s8 =	sshra.s32 s23, $0x1F  }
0x5f: {  	s9 =	sshll.u32 s23, $0xD;
	s16 =	sshll.u32 s23, $0x9;
	s11 =	sadd.s32 $0xFFFFFFF6, s23  }
0x60: {  	p0 =	slt.s32 s23, $0x13;
	s10 =	simm.s32 $0xA80;
	s8 =	smul.u32 $0x6BCA1AF3, s8  }
0x61: {  	s9 =	sshra.s32 s9, $0x2;
	s12 =	simm.s32 @!p0 $0x3;
	s13 =	smulhi.u32 $0xAF286BCB, s11  }
0x62: {  	s25 =	sadd.s32 $0xFFFFD480, s9;
	s9 =	sadd.s32 $0xFFFFFFFF, s21;
	s4 =	sadd.s32 s8, s4  }
0x63: {  	_ =	swait.ge @!p0 [sflag:s12], $0x800;
	s18 =	sshrl.u32 s4, $0x1F;
	s4 =	sshra.s32 s4, $0x3  }
0x64: {  	s8 =	sshra.s32 s16, $0x2;
	[sflag:s12] =	ssyncset.done @!p0 $0x0;
	s4 =	sadd.s32 s18, s4  }
0x65: {  	s16 =	ssub.s32 s11, s13;
	s11 =	sadd.s32 $0x1, s11;
	s4 =	smul.u32 $0x13, s4  }
0x66: {  	s8 =	sadd.s32 $0x1380, s8;
	[sflag:s12] =	ssyncadd.s32 @!p0 $0xFFFFF800;
	s22 =	sshrl.u32 s16, $0x1  }
0x67: {  	p0 =	sne.s32 s9, $0x0;
	s12 =	sadd.s32 s13, s22;
	s4 =	ssub.s32 s23, s4  }
0x68: {  	v6 =	vld [tilespmem:s10+$0x0];
	s10 =	sadd.s32 $0x80, s8;
	p2 =	slt.s32 s4, $0x0;
	s14 =	sadd.s32 $0x13, s4  }
0x69: {  	s13 =	simm.s32 $0xA90;
	s31 =	sshrl.u32 s12, $0x4;
	s4 =	smov.u32 @p2 s14  }
.Ltmp2:
0x6a: {  	s12 =	sadd.s32 $0x800, s25;
	s24 =	sshll.u32 s4, $0xD;
	(pc) =	sbr.rel @!p0 .LBB2_7-.Ltmp2, $4  }
0x6b: {  	p2 =	slt.s32 s23, $0xA;
	s26 =	sshra.s32 s24, $0x2;
	s24 =	smul.u32 $0xFFFDA000, s31  }
0x6c: {  	s14 =	sadd.s32 $0x1, s23;
	s22 =	sadd.s32 $0x2480, s26;
	s26 =	smul.u32 $0xFFFFDA00, s31  }
0x6d: {  	v7 =	vand.u32 $0x3FFF, v6;
	s16 =	simm.s32 @!p2 $0x2;
	s28 =	sshra.s32 s24, $0x2;
	s24 =	sshll.u32 s4, $0x7  }
0x6e: {  	v6 =	vshra.s32 v6, $0xE;
	s28 =	sadd.s32 s28, s25;
	s4 =	sshra.s32 s26, $0x2;
	s25 =	sadd.s32 $0xC80, s24;
	[tilespmem:s24+$0x1880] =	vst v7  }
.LBB2_6:
0x6f: {  	s26 =	smulhi.u32 $0x6BCA1AF3, s14;
	s31 =	sshra.s32 s14, $0x1F;
	s9 =	sadd.s32 $0xFFFFFFFF, s9;
	[tilespmem:s24+$0xC80] =	vst v6  }
0x70: {  	[tilespmem:s22], [sflag:$0x2] =	stream.indirect.gather [hbm4b:s1+s30], $0x80, s25, s30, $0xb8;
	[tilespmem:$0x1F880] =	vst v63  }
0x71: {  	p5 =	slt.s32 s14, $0x13;
	s22 =	smul.u32 $0x6BCA1AF3, s31;
	_ =	swait.ge @!p2 [sflag:s16], $0x800  }
0x72: {  	p4 =	sne.s32 s9, $0x0;
	s25 =	smov.u32 s12;
	[sflag:s16] =	ssyncset.done @!p2 $0x0  }
0x73: {  	s24 =	simm.s32 @!p5 $0x3;
	s22 =	sadd.s32 s22, s26;
	[sflag:s16] =	ssyncadd.s32 @!p2 $0xFFFFF800  }
0x74: {  	s16 =	sshrl.u32 s22, $0x1F;
	s22 =	sshra.s32 s22, $0x3  }
0x75: {  	s4 =	sadd.s32 s4, s8;
	s16 =	sadd.s32 s16, s22;
	s22 =	simm.s32 @!p2 $0x10  }
0x76: {  	s8 =	smov.u32 s10;
	s16 =	smul.u32 $0x13, s16  }
0x77: {  	[spmem:s3] =	stream.indirect.scatter.add.f32 @!p2 [tilespmem:s28], [sflag:$0x3], $0x80, s4, s22, $0xb8;
	[tilespmem:$0x1F880] =	vst v63  }
0x78: {  	s4 =	smulhi.u32 $0xAF286BCB, s11;
	s26 =	ssub.s32 s14, s16;
	_ =	swait.ge @!p5 [sflag:s24], $0x800  }
0x79: {  	p0 =	slt.s32 s26, $0x0;
	s16 =	sadd.s32 $0x13, s26;
	[sflag:s24] =	ssyncset.done @!p5 $0x0  }
0x7a: {  	s22 =	ssub.s32 s11, s4;
	s26 =	smov.u32 @p0 s16;
	[sflag:s24] =	ssyncadd.s32 @!p5 $0xFFFFF800  }
0x7b: {  	s10 =	sadd.s32 $0x80, s10;
	s16 =	sshrl.u32 s22, $0x1;
	s22 =	sshll.u32 s26, $0xD;
	v7 =	vld [tilespmem:s13+$0x0]  }
0x7c: {  	s11 =	sadd.s32 $0x1, s11;
	s4 =	sadd.s32 s4, s16;
	s16 =	sshra.s32 s22, $0x2  }
.Ltmp3:
0x7d: {  	s4 =	sshrl.u32 s4, $0x4;
	s22 =	sadd.s32 $0x2480, s16;
	(pc) =	sbr.rel @p4 .LBB2_6-.Ltmp3, $4  }
0x7e: {  	s12 =	sadd.s32 $0x800, s12;
	p2 =	slt.s32 s14, $0xA;
	s24 =	smul.u32 $0xFFFDA000, s4  }
0x7f: {  	s13 =	sadd.s32 $0x10, s13;
	s16 =	simm.s32 @!p2 $0x2;
	s4 =	smul.u32 $0xFFFFDA00, s4  }
0x80: {  	s14 =	sadd.s32 $0x1, s14;
	s28 =	sshra.s32 s24, $0x2;
	s24 =	sshll.u32 s26, $0x7;
	v6 =	vshra.s32 v7, $0xE;
	v7 =	vand.u32 $0x3FFF, v7  }
0x81: {  	s4 =	sshra.s32 s4, $0x2;
	s28 =	sadd.s32 s28, s25;
	s25 =	sadd.s32 $0xC80, s24;
	[tilespmem:s24+$0x1880] =	vst v7  }
.LBB2_7:
0x82: {  	[tilespmem:s24+$0xC80] =	vst v6  }
0x83: {  	[tilespmem:s22], [sflag:$0x2] =	stream.indirect.gather [hbm4b:s1+s30], $0x80, s25, s30, $0xb8;
	[tilespmem:$0x1F880] =	vst v63  }
0x84: {  	_ =	swait.ge @!p2 [sflag:s16], $0x800  }
0x85: {  	s4 =	sadd.s32 s4, s8;
	[sflag:s16] =	ssyncset.done @!p2 $0x0  }
0x86: {  	s8 =	simm.s32 @!p2 $0x10;
	s31 =	sshll.u32 s21, $0x6;
	[sflag:s16] =	ssyncadd.s32 @!p2 $0xFFFFF800  }
0x87: {  	[spmem:s3] =	stream.indirect.scatter.add.f32 @!p2 [tilespmem:s28], [sflag:$0x3], $0x80, s4, s8, $0xb8;
	[tilespmem:$0x1F880] =	vst v63  }
0x88: {  	s4 =	sshra.s32 s31, $0x2  }
0x89: {  	v6 =	vld [tilespmem:s4+$0xA80];
	_ =	sdelay $0x4  }
0x8a: {  	[tilespmem:$0xA80] =	vst v6  }
.LBB2_8:
0x8b: {  	p2 =	seq.s32 s15, $0x18  }
0x8c: {  	s4 =	smul.u32 @!p2 $0x320, s15;
	_ =	sdelay $0x1  }
0x8d: {  	s4 =	sadd.s32 @!p2 s4, s17  }
0x8e: {  	s4 =	sshrl.u32 @!p2 s4, $0x3  }
0x8f: {  	s9 =	simm.s32 @!p2 $0x0;
	s8 =	sadd.s32 @!p2 s6, s4  }
0x90: {  	[tilespmem:s9], [sflag:$0x1] =	stream.linear.gather @!p2 [hbm4b:s8+s9], $0x190, $0x38;
	[tilespmem:$0x1F880] =	vst v63  }
0x91: {  	s10 =	simm.s32 @!p2 $0x380;
	s8 =	sadd.s32 @!p2 s7, s4  }
0x92: {  	[tilespmem:s10], [sflag:$0x1] =	stream.linear.gather @!p2 [hbm4b:s8+s9], $0x190, $0x38;
	[tilespmem:$0x1F880] =	vst v63  }
0x93: {  	s4 =	sadd.s32 @!p2 s2, s4;
	s8 =	simm.s32 @!p2 $0x700  }
0x94: {  	[tilespmem:s8], [sflag:$0x1] =	stream.linear.gather @!p2 [hbm4b:s4+s9], $0x190, $0x38;
	[tilespmem:$0x1F880] =	vst v63  }
0x95: {  	_ =	swait.ge [sflag:s29], $0x190  }
0x96: {  	[sflag:s29] =	ssyncset.done $0x0  }
0x97: {  	[sflag:s29] =	ssyncadd.s32 $0xFFFFFE70  }
0x98: {  	_ =	swait.ge [sflag:s29], $0x190  }
0x99: {  	[sflag:s29] =	ssyncset.done $0x0  }
0x9a: {  	[sflag:s29] =	ssyncadd.s32 $0xFFFFFE70  }
0x9b: {  	_ =	swait.ge [sflag:s29], $0x190  }
0x9c: {  	[sflag:s29] =	ssyncset.done $0x0  }
0x9d: {  	s28 =	simm.s32 $0x0;
	[sflag:s29] =	ssyncadd.s32 $0xFFFFFE70  }
0x9e: {  	v6 =	vld [tilespmem:s28+$0x890];
	_ =	sdelay $0x4  }
0x9f: {  	vm0 =	veq.s32 v6, v0  }
0xa0: {  	v6 =	vsel vm0, $0x1, v4  }
0xa1: {  	v7 =	vld [tilespmem:s28+$0x190];
	(xrf0) =	vadd.scan.msk.s32 $0xffff, v6;
	_ =	sdelay $0x1  }
0xa2: {  	v6 =	vld [tilespmem:s28+$0x510];
	_ =	sdelay $0x2  }
0xa3: {  	v7 =	vadd.s32 v1, v7  }
0xa4: {  	s31 =	sshll.u32 s21, $0x4;
	s10 =	simm.s32 $0xFFFFFFFF;
	v7 =	vshll.u32 v7, $0xE;
	v8, _, _ =	vpop (xrf0)  }
0xa5: {  	s10 =	simm.s32 @!p3 $0x0;
	s8 =	ssub.s32 s20, s31;
	v6 =	vor.u32 v6, v7;
	(v2sf) =	vpush v8, $0xF  }
0xa6: {  	s20 =	sadd.s32 s23, s21;
	s4 =	simm.s32 $0x10;
	s9 =	simm.s32 $0x80;
	[tilespmem:s8+$0xA80] =	vst.msk vm0, v6  }
.LBB2_9:
0xa7: {  	p0 =	sne.s32 s9, $0x600;
	v6 =	vld [tilespmem:s4+$0x890];
	_ =	sdelay $0x4  }
0xa8: {  	vm0 =	veq.s32 v6, v0  }
0xa9: {  	v6 =	vsel vm0, $0x1, v4  }
0xaa: {  	v7 =	vld [tilespmem:s4+$0x190];
	(xrf0) =	vadd.scan.msk.s32 $0xffff, v6;
	_ =	sdelay $0x1  }
0xab: {  	v6 =	vld [tilespmem:s4+$0x510];
	_ =	sdelay $0x1  }
.Ltmp4:
0xac: {  	(pc) =	sbr.rel @p0 .LBB2_9-.Ltmp4, $4  }
0xad: {  	v7 =	vadd.s32 v1, v7  }
0xae: {  	v7 =	vshll.u32 v7, $0xE;
	v8, _, _ =	vpop (xrf0);
	s4 =	spop (v2sf)  }
0xaf: {  	v6 =	vor.u32 v6, v7;
	(v2sf) =	vpush v8, $0xF;
	s8 =	sadd.s32 s8, s4  }
0xb0: {  	s4 =	sshra.s32 s9, $0x2;
	s9 =	sadd.s32 $0x40, s9;
	[tilespmem:s8+$0xA80] =	vst.msk vm0, v6  }
0xb1: {  	v6 =	vld [tilespmem:s4+$0x890];
	_ =	sdelay $0x4  }
0xb2: {  	vm0 =	veq.s32 v6, v0  }
0xb3: {  	v6 =	vsel vm0, $0x1, v4  }
0xb4: {  	(xrf0) =	vadd.scan.msk.s32 $0xffff, v6;
	_ =	sdelay $0x5  }
0xb5: {  	v6, _, _ =	vpop (xrf0)  }
0xb6: {  	(v2sf) =	vpush v6, $0xF;
	_ =	sdelay $0xd  }
0xb7: {  	s9 =	spop (v2sf)  }
0xb8: {  	s11 =	sadd.s32 s8, s9;
	s26 =	spop (v2sf)  }
0xb9: {  	s8 =	sadd.s32 s11, s26  }
0xba: {  	s28 =	sand.u32 $0xF, s8  }
0xbb: {  	v7 =	vld [tilespmem:s4+$0x510];
	s31 =	sshra.s32 s8, $0x1F;
	p3 =	slt.s32 s8, $0x1;
	p4 =	sne.s32 s28, $0x0  }
0xbc: {  	v6 =	vld [tilespmem:s4+$0x190];
	s4 =	sshrl.u32 s31, $0x1C;
	p0 =	por !p3, !p4  }
0xbd: {  	s9 =	simm.s32 $0x1;
	s4 =	sadd.s32 s4, s8;
	p0 =	por !p0, !p0  }
0xbe: {  	s21 =	sshra.s32 s4, $0x4;
	s9 =	simm.s32 @!p0 $0x0  }
0xbf: {  	s9 =	ssub.s32 s21, s9  }
0xc0: {  	p0 =	slt.s32 s9, $0x1  }
.Ltmp5:
0xc1: {  	_ = 	snop;
	(pc) =	sbr.rel @p0 .LBB2_14-.Ltmp5, $4  }
0xc2: {  	v6 =	vadd.s32 v1, v6  }
0xc3: {  	v6 =	vshll.u32 v6, $0xE  }
0xc4: {  	v6 =	vor.u32 v7, v6  }
0xc5: {  	[tilespmem:s11+$0xA80] =	vst.msk vm0, v6  }
0xc6: {  	s4 =	smulhi.u32 $0x6BCA1AF3, s20  }
0xc7: {  	s11 =	sshra.s32 s20, $0x1F;
	s12 =	sshll.u32 s20, $0xD;
	s13 =	sadd.s32 s19, s23  }
0xc8: {  	p0 =	slt.s32 s20, $0x13;
	s11 =	smul.u32 $0x6BCA1AF3, s11;
	s12 =	sshra.s32 s12, $0x2  }
0xc9: {  	s18 =	simm.s32 $0xA80;
	s10 =	sadd.s32 s10, s13;
	s24 =	sadd.s32 $0xFFFFD480, s12  }
0xca: {  	s12 =	sshll.u32 s20, $0x9;
	s13 =	sadd.s32 $0xFFFFFFF6, s10;
	s4 =	sadd.s32 s11, s4  }
0xcb: {  	s16 =	sshra.s32 s12, $0x2;
	s11 =	sadd.s32 $0xFFFFFFFF, s9;
	s14 =	sshrl.u32 s4, $0x1F  }
0xcc: {  	s4 =	sshra.s32 s4, $0x3;
	s10 =	sadd.s32 $0x1380, s16;
	s16 =	smulhi.u32 $0xAF286BCB, s13  }
0xcd: {  	s4 =	sadd.s32 s14, s4;
	s14 =	simm.s32 @!p0 $0x3;
	s12 =	sadd.s32 $0x80, s10  }
0xce: {  	s4 =	smul.u32 $0x13, s4;
	_ =	swait.ge @!p0 [sflag:s14], $0x800;
	s25 =	ssub.s32 s13, s16  }
0xcf: {  	s13 =	sadd.s32 $0x1, s13;
	[sflag:s14] =	ssyncset.done @!p0 $0x0;
	s25 =	sshrl.u32 s25, $0x1  }
0xd0: {  	s22 =	ssub.s32 s20, s4;
	[sflag:s14] =	ssyncadd.s32 @!p0 $0xFFFFF800;
	p0 =	sne.s32 s11, $0x0  }
0xd1: {  	s14 =	sadd.s32 $0x800, s24;
	p5 =	slt.s32 s22, $0x0;
	s4 =	sadd.s32 $0x13, s22;
	v6 =	vld [tilespmem:s18+$0x0]  }
0xd2: {  	s22 =	smov.u32 @p5 s4;
	s4 =	sadd.s32 s16, s25;
	p5 =	slt.s32 s20, $0xA  }
.Ltmp6:
0xd3: {  	s26 =	sshll.u32 s22, $0xD;
	s16 =	sshrl.u32 s4, $0x4;
	(pc) =	sbr.rel @!p0 .LBB2_13-.Ltmp6, $4  }
0xd4: {  	s28 =	simm.s32 @!p5 $0x2;
	s25 =	sshll.u32 s22, $0x7;
	s18 =	smul.u32 $0xFFFDA000, s16  }
0xd5: {  	s22 =	sadd.s32 $0x1, s20;
	s0 =	sshra.s32 s26, $0x2;
	s26 =	smul.u32 $0xFFFFDA00, s16  }
0xd6: {  	s16 =	simm.s32 $0xA90;
	s4 =	sadd.s32 $0x2480, s0;
	s31 =	sshra.s32 s18, $0x2;
	v7 =	vand.u32 $0x3FFF, v6  }
0xd7: {  	v6 =	vshra.s32 v6, $0xE;
	s31 =	sadd.s32 s31, s24;
	s24 =	sshra.s32 s26, $0x2;
	s26 =	sadd.s32 $0xC80, s25;
	[tilespmem:s25+$0x1880] =	vst v7  }
.LBB2_12:
0xd8: {  	s0 =	smulhi.u32 $0x6BCA1AF3, s22;
	s18 =	sshra.s32 s22, $0x1F;
	s11 =	sadd.s32 $0xFFFFFFFF, s11;
	[tilespmem:s25+$0xC80] =	vst v6  }
0xd9: {  	[tilespmem:s4], [sflag:$0x2] =	stream.indirect.gather [hbm4b:s1+s30], $0x80, s26, s30, $0xb8;
	[tilespmem:$0x1F880] =	vst v63  }
0xda: {  	p0 =	slt.s32 s22, $0x13;
	s4 =	smul.u32 $0x6BCA1AF3, s18;
	_ =	swait.ge @!p5 [sflag:s28], $0x800  }
0xdb: {  	p6 =	sne.s32 s11, $0x0;
	s18 =	smov.u32 s14;
	[sflag:s28] =	ssyncset.done @!p5 $0x0  }
0xdc: {  	s25 =	simm.s32 @!p0 $0x3;
	s0 =	sadd.s32 s4, s0;
	[sflag:s28] =	ssyncadd.s32 @!p5 $0xFFFFF800  }
0xdd: {  	s4 =	sshrl.u32 s0, $0x1F;
	s0 =	sshra.s32 s0, $0x3  }
0xde: {  	s0 =	sadd.s32 s4, s0;
	s4 =	sadd.s32 s24, s10;
	s24 =	simm.s32 @!p5 $0x10  }
0xdf: {  	s10 =	smov.u32 s12;
	s0 =	smul.u32 $0x13, s0  }
0xe0: {  	[spmem:s3] =	stream.indirect.scatter.add.f32 @!p5 [tilespmem:s31], [sflag:$0x3], $0x80, s4, s24, $0xb8;
	[tilespmem:$0x1F880] =	vst v63  }
0xe1: {  	s4 =	smulhi.u32 $0xAF286BCB, s13;
	s0 =	ssub.s32 s22, s0;
	_ =	swait.ge @!p0 [sflag:s25], $0x800  }
0xe2: {  	p5 =	slt.s32 s0, $0x0;
	s24 =	sadd.s32 $0x13, s0;
	[sflag:s25] =	ssyncset.done @!p0 $0x0  }
0xe3: {  	s26 =	ssub.s32 s13, s4;
	s0 =	smov.u32 @p5 s24;
	[sflag:s25] =	ssyncadd.s32 @!p0 $0xFFFFF800  }
0xe4: {  	s12 =	sadd.s32 $0x80, s12;
	s24 =	sshrl.u32 s26, $0x1;
	s25 =	sshll.u32 s0, $0xD;
	v7 =	vld [tilespmem:s16+$0x0]  }
0xe5: {  	s13 =	sadd.s32 $0x1, s13;
	s4 =	sadd.s32 s4, s24;
	s24 =	sshra.s32 s25, $0x2  }
.Ltmp7:
0xe6: {  	s25 =	sshrl.u32 s4, $0x4;
	s4 =	sadd.s32 $0x2480, s24;
	(pc) =	sbr.rel @p6 .LBB2_12-.Ltmp7, $4  }
0xe7: {  	s14 =	sadd.s32 $0x800, s14;
	p5 =	slt.s32 s22, $0xA;
	s24 =	smul.u32 $0xFFFDA000, s25  }
0xe8: {  	s28 =	simm.s32 @!p5 $0x2;
	s16 =	sadd.s32 $0x10, s16;
	s26 =	smul.u32 $0xFFFFDA00, s25  }
0xe9: {  	s22 =	sadd.s32 $0x1, s22;
	s25 =	sshll.u32 s0, $0x7;
	s24 =	sshra.s32 s24, $0x2;
	v6 =	vshra.s32 v7, $0xE;
	v7 =	vand.u32 $0x3FFF, v7  }
0xea: {  	s31 =	sadd.s32 s24, s18;
	s24 =	sshra.s32 s26, $0x2;
	s26 =	sadd.s32 $0xC80, s25;
	[tilespmem:s25+$0x1880] =	vst v7  }
.LBB2_13:
0xeb: {  	[tilespmem:s25+$0xC80] =	vst v6  }
0xec: {  	[tilespmem:s4], [sflag:$0x2] =	stream.indirect.gather [hbm4b:s1+s30], $0x80, s26, s30, $0xb8;
	[tilespmem:$0x1F880] =	vst v63  }
0xed: {  	_ =	swait.ge @!p5 [sflag:s28], $0x800  }
0xee: {  	[sflag:s28] =	ssyncset.done @!p5 $0x0  }
0xef: {  	s0 =	sadd.s32 s24, s10;
	s4 =	simm.s32 @!p5 $0x10;
	[sflag:s28] =	ssyncadd.s32 @!p5 $0xFFFFF800  }
0xf0: {  	[spmem:s3] =	stream.indirect.scatter.add.f32 @!p5 [tilespmem:s31], [sflag:$0x3], $0x80, s0, s4, $0xb8;
	[tilespmem:$0x1F880] =	vst v63  }
0xf1: {  	s31 =	sshll.u32 s9, $0x6  }
0xf2: {  	s0 =	sshra.s32 s31, $0x2  }
0xf3: {  	v6 =	vld [tilespmem:s0+$0xA80];
	_ =	sdelay $0x4  }
0xf4: {  	[tilespmem:$0xA80] =	vst v6  }
.LBB2_14:
.Ltmp8:
0xf5: {  	(pc) =	sbr.rel @p2 .LBB2_16-.Ltmp8, $3  }
0xf6: {  	_ =	sdelay $0x1  }
0xf7: {  	s0 =	sshll.u32 s9, $0x4  }
0xf8: {  	s20 =	sadd.s32 s20, s9;
	s10 =	ssub.s32 s8, s0  }
0xf9: {  	s0 =	smul.u32 $0x320, s15  }
0xfa: {  	s4 =	rddreg [dreg:$0xe]  }
0xfb: {  	s0 =	sadd.s32 s0, s4  }
0xfc: {  	s0 =	sshrl.u32 s0, $0x3  }
0xfd: {  	s8 =	simm.s32 $0x190;
	s25 =	sadd.s32 s6, s0  }
0xfe: {  	[tilespmem:s8], [sflag:$0x1] =	stream.linear.gather [hbm4b:s25+s5], $0x190, $0x38;
	[tilespmem:$0x1F880] =	vst v63  }
.Ltmp9:
0xff: {  	_ = 	snop;
	(pc) =	sbr.rel .LBB2_2-.Ltmp9, $4  }
0x100: {  	s28 =	simm.s32 $0x510;
	s31 =	simm.s32 $0x890;
	s26 =	sadd.s32 s7, s0  }
0x101: {  	[tilespmem:s28], [sflag:$0x1] =	stream.linear.gather [hbm4b:s26+s5], $0x190, $0x38;
	[tilespmem:$0x1F880] =	vst v63  }
0x102: {  	s15 =	sadd.s32 $0x1, s15;
	s23 =	smov.u32 s20;
	s0 =	sadd.s32 s2, s0  }
0x103: {  	[tilespmem:s31], [sflag:$0x1] =	stream.linear.gather [hbm4b:s0+s5], $0x190, $0x38;
	[tilespmem:$0x1F880] =	vst v63  }
.LBB2_16:
0x104: {  	s0 =	sadd.s32 $0xF, s10  }
0x105: {  	s4 =	sand.u32 $0xF, s0  }
0x106: {  	s31 =	sshra.s32 s0, $0x1F;
	p2 =	slt.s32 s0, $0x1;
	p0 =	sne.s32 s4, $0x0  }
0x107: {  	s4 =	sshrl.u32 s31, $0x1C;
	p0 =	por !p2, !p0  }
0x108: {  	s0 =	sadd.s32 s4, s0;
	s4 =	simm.s32 $0x1;
	p0 =	por !p0, !p0  }
0x109: {  	s0 =	sshrl.u32 s0, $0x4;
	s4 =	simm.s32 @!p0 $0x0  }
0x10a: {  	s0 =	ssub.s32 s0, s4  }
0x10b: {  	s15 =	sshll.u32 s0, $0x4  }
0x10c: {  	s8 =	sshra.s32 s15, $0x4  }
0x10d: {  	p0 =	slt.s32 s8, $0x1  }
.Ltmp10:
0x10e: {  	_ = 	snop;
	(pc) =	sbr.rel @p0 .LBB2_20-.Ltmp10, $2  }
0x10f: {  	_ =	sdelay $0x2  }
0x110: {  	[tilespmem:s10+$0xA80] =	vst v5  }
0x111: {  	s4 =	sld [smem:$0x7FD];
	_ =	sdelay $0x2  }
0x112: {  	p0 =	seq.s32 s4, $0x1  }
0x113: {  	s0 =	sadd.s32 s19, s23;
	p6 =	por !p4, !p3;
	p0 =	por !p1, !p0  }
0x114: {  	s9 =	simm.s32 $0x1;
	s4 =	simm.s32 $0x1;
	p0 =	por !p0, !p0  }
0x115: {  	s0 =	sadd.s32 s21, s0;
	p1 =	por !p6, !p6;
	s4 =	simm.s32 @!p0 $0x0  }
0x116: {  	s9 =	simm.s32 @!p1 $0x0;
	s0 =	ssub.s32 s0, s4  }
0x117: {  	s0 =	ssub.s32 s0, s9  }
0x118: {  	s11 =	simm.s32 $0xA80;
	s21 =	smulhi.u32 $0x6BCA1AF3, s0  }
0x119: {  	s9 =	sshra.s32 s0, $0x1F;
	s10 =	sshll.u32 s0, $0xD;
	s22 =	sshll.u32 s0, $0x9  }
0x11a: {  	s12 =	sadd.s32 $0xFFFFFFF6, s0;
	p0 =	slt.s32 s0, $0x13;
	s9 =	smul.u32 $0x6BCA1AF3, s9  }
0x11b: {  	s10 =	sshra.s32 s10, $0x2;
	s13 =	simm.s32 @!p0 $0x3;
	s14 =	smulhi.u32 $0xAF286BCB, s12  }
0x11c: {  	s18 =	sadd.s32 $0xFFFFD480, s10;
	s10 =	sadd.s32 $0xFFFFFFFF, s8;
	s4 =	sadd.s32 s9, s21  }
0x11d: {  	_ =	swait.ge @!p0 [sflag:s13], $0x800;
	s23 =	sshrl.u32 s4, $0x1F;
	s4 =	sshra.s32 s4, $0x3  }
0x11e: {  	s9 =	sshra.s32 s22, $0x2;
	[sflag:s13] =	ssyncset.done @!p0 $0x0;
	s4 =	sadd.s32 s23, s4  }
0x11f: {  	s24 =	ssub.s32 s12, s14;
	s12 =	sadd.s32 $0x1, s12;
	s4 =	smul.u32 $0x13, s4  }
0x120: {  	s9 =	sadd.s32 $0x1380, s9;
	[sflag:s13] =	ssyncadd.s32 @!p0 $0xFFFFF800;
	s25 =	sshrl.u32 s24, $0x1  }
0x121: {  	p0 =	slt.s32 s0, $0xA;
	s13 =	sadd.s32 $0x800, s18;
	s16 =	ssub.s32 s0, s4  }
0x122: {  	v6 =	vld [tilespmem:s11+$0x0];
	s11 =	sadd.s32 $0x80, s9;
	p1 =	slt.s32 s16, $0x0;
	s4 =	sadd.s32 $0x13, s16  }
0x123: {  	s16 =	smov.u32 @p1 s4;
	p1 =	sne.s32 s10, $0x0;
	s4 =	sadd.s32 s14, s25  }
.Ltmp11:
0x124: {  	s19 =	simm.s32 @!p0 $0x2;
	s14 =	sshrl.u32 s4, $0x4;
	(pc) =	sbr.rel @!p1 .LBB2_19-.Ltmp11, $4  }
0x125: {  	s26 =	sshll.u32 s16, $0xD;
	s23 =	sshll.u32 s16, $0x7;
	s31 =	smul.u32 $0xFFFDA000, s14  }
0x126: {  	s16 =	sadd.s32 $0x1, s0;
	s28 =	sshra.s32 s26, $0x2;
	s22 =	smul.u32 $0xFFFFDA00, s14  }
0x127: {  	v7 =	vand.u32 $0x3FFF, v6;
	s14 =	simm.s32 $0xA90;
	s24 =	sadd.s32 $0xC80, s23;
	s21 =	sshra.s32 s31, $0x2  }
0x128: {  	v6 =	vshra.s32 v6, $0xE;
	[tilespmem:s23+$0x1880] =	vst v7;
	s4 =	sadd.s32 $0x2480, s28;
	s22 =	sshra.s32 s22, $0x2;
	s21 =	sadd.s32 s21, s18  }
.LBB2_18:
0x129: {  	s0 =	smulhi.u32 $0x6BCA1AF3, s16;
	s18 =	sshra.s32 s16, $0x1F;
	s10 =	sadd.s32 $0xFFFFFFFF, s10;
	[tilespmem:s23+$0xC80] =	vst v6  }
0x12a: {  	[tilespmem:s4], [sflag:$0x2] =	stream.indirect.gather [hbm4b:s1+s30], $0x80, s24, s30, $0xb8;
	[tilespmem:$0x1F880] =	vst v63  }
0x12b: {  	p2 =	slt.s32 s16, $0x13;
	s4 =	smul.u32 $0x6BCA1AF3, s18;
	_ =	swait.ge @!p0 [sflag:s19], $0x800  }
0x12c: {  	p1 =	sne.s32 s10, $0x0;
	s18 =	smov.u32 s13;
	[sflag:s19] =	ssyncset.done @!p0 $0x0  }
0x12d: {  	s23 =	simm.s32 @!p2 $0x3;
	s0 =	sadd.s32 s4, s0;
	[sflag:s19] =	ssyncadd.s32 @!p0 $0xFFFFF800  }
0x12e: {  	s4 =	sshrl.u32 s0, $0x1F;
	s0 =	sshra.s32 s0, $0x3  }
0x12f: {  	s19 =	simm.s32 @!p0 $0x10;
	s0 =	sadd.s32 s4, s0;
	s4 =	sadd.s32 s22, s9  }
0x130: {  	s9 =	smov.u32 s11;
	s0 =	smul.u32 $0x13, s0  }
0x131: {  	[spmem:s3] =	stream.indirect.scatter.add.f32 @!p0 [tilespmem:s21], [sflag:$0x3], $0x80, s4, s19, $0xb8;
	[tilespmem:$0x1F880] =	vst v63  }
0x132: {  	s4 =	smulhi.u32 $0xAF286BCB, s12;
	s0 =	ssub.s32 s16, s0;
	_ =	swait.ge @!p2 [sflag:s23], $0x800  }
0x133: {  	p0 =	slt.s32 s0, $0x0;
	s19 =	sadd.s32 $0x13, s0;
	[sflag:s23] =	ssyncset.done @!p2 $0x0  }
0x134: {  	s21 =	ssub.s32 s12, s4;
	s0 =	smov.u32 @p0 s19;
	[sflag:s23] =	ssyncadd.s32 @!p2 $0xFFFFF800  }
0x135: {  	s11 =	sadd.s32 $0x80, s11;
	s19 =	sshrl.u32 s21, $0x1;
	s21 =	sshll.u32 s0, $0xD;
	v7 =	vld [tilespmem:s14+$0x0]  }
0x136: {  	s12 =	sadd.s32 $0x1, s12;
	s4 =	sadd.s32 s4, s19;
	s19 =	sshra.s32 s21, $0x2  }
.Ltmp12:
0x137: {  	s21 =	sshrl.u32 s4, $0x4;
	s4 =	sadd.s32 $0x2480, s19;
	(pc) =	sbr.rel @p1 .LBB2_18-.Ltmp12, $4  }
0x138: {  	s13 =	sadd.s32 $0x800, s13;
	p0 =	slt.s32 s16, $0xA;
	s22 =	smul.u32 $0xFFFDA000, s21  }
0x139: {  	s14 =	sadd.s32 $0x10, s14;
	s19 =	simm.s32 @!p0 $0x2;
	s24 =	smul.u32 $0xFFFFDA00, s21  }
0x13a: {  	s16 =	sadd.s32 $0x1, s16;
	s23 =	sshll.u32 s0, $0x7;
	s21 =	sshra.s32 s22, $0x2;
	v6 =	vshra.s32 v7, $0xE;
	v7 =	vand.u32 $0x3FFF, v7  }
0x13b: {  	s22 =	sshra.s32 s24, $0x2;
	s24 =	sadd.s32 $0xC80, s23;
	s21 =	sadd.s32 s21, s18;
	[tilespmem:s23+$0x1880] =	vst v7  }
.LBB2_19:
0x13c: {  	[tilespmem:s23+$0xC80] =	vst v6  }
0x13d: {  	[tilespmem:s4], [sflag:$0x2] =	stream.indirect.gather [hbm4b:s1+s30], $0x80, s24, s30, $0xb8;
	[tilespmem:$0x1F880] =	vst v63  }
0x13e: {  	_ =	swait.ge @!p0 [sflag:s19], $0x800  }
0x13f: {  	[sflag:s19] =	ssyncset.done @!p0 $0x0  }
0x140: {  	s0 =	sadd.s32 s22, s9;
	s4 =	simm.s32 @!p0 $0x10;
	[sflag:s19] =	ssyncadd.s32 @!p0 $0xFFFFF800  }
0x141: {  	[spmem:s3] =	stream.indirect.scatter.add.f32 @!p0 [tilespmem:s21], [sflag:$0x3], $0x80, s0, s4, $0xb8;
	[tilespmem:$0x1F880] =	vst v63  }
0x142: {  	v6 =	vld [tilespmem:s15+$0xA80];
	_ =	sdelay $0x4  }
0x143: {  	[tilespmem:$0xA80] =	vst v6  }
.LBB2_20:
0x144: {  	s15 =	sadd.s32 s20, s8  }
0x145: {  	p3 =	slt.s32 s15, $0xA  }
.Ltmp13:
0x146: {  	_ = 	snop;
	(pc) =	sbr.rel @p3 .LBB2_22-.Ltmp13, $1  }
0x147: {  	_ =	sdelay $0x3  }
0x148: {  	s0 =	sadd.s32 $0xFFFFFFF6, s15  }
0x149: {  	s4 =	smulhi.u32 $0xAF286BCB, s0;
	_ =	sdelay $0x1  }
0x14a: {  	s8 =	ssub.s32 s0, s4  }
0x14b: {  	s8 =	sshrl.u32 s8, $0x1  }
0x14c: {  	s4 =	sadd.s32 s4, s8  }
0x14d: {  	s4 =	sshrl.u32 s4, $0x4  }
0x14e: {  	s10 =	simm.s32 $0x2;
	s4 =	smul.u32 $0x13, s4  }
.Ltmp14:
0x14f: {  	_ =	swait.ge [sflag:s10], $0x800;
	(pc) =	sbr.rel .LBB2_23-.Ltmp14, $4  }
0x150: {  	[sflag:s10] =	ssyncset.done $0x0;
	s0 =	ssub.s32 s0, s4  }
0x151: {  	s9 =	rddreg [dreg:$0xd];
	s4 =	sshll.u32 s0, $0xB;
	s0 =	sshll.u32 s0, $0x7  }
0x152: {  	[sflag:s10] =	ssyncadd.s32 $0xFFFFF800;
	s4 =	sadd.s32 $0x2480, s4;
	s0 =	sadd.s32 $0x1880, s0  }
0x153: {  	[spmem:s3] =	stream.indirect.scatter.add.f32 [tilespmem:s4], [sflag:$0x3], $0x80, s0, s30, $0xb8;
	[tilespmem:$0x1F880] =	vst v63  }
.LBB2_22:
0x154: {  	p0 =	sne.s32 s15, $0x9  }
.Ltmp15:
0x155: {  	_ = 	snop;
	(pc) =	sbr.rel @p0 .LBB2_24-.Ltmp15, $2  }
0x156: {  	_ =	sdelay $0x2  }
0x157: {  	s9 =	rddreg [dreg:$0xd];
	s10 =	simm.s32 $0x2  }
.LBB2_23:
0x158: {  	s0 =	sadd.s32 $0xFFFFFFF7, s15  }
0x159: {  	s4 =	smulhi.u32 $0xAF286BCB, s0;
	_ =	sdelay $0x1  }
0x15a: {  	s8 =	ssub.s32 s0, s4  }
0x15b: {  	s8 =	sshrl.u32 s8, $0x1  }
0x15c: {  	s4 =	sadd.s32 s4, s8  }
0x15d: {  	s4 =	sshrl.u32 s4, $0x4  }
0x15e: {  	s4 =	smul.u32 $0x13, s4;
	_ =	sdelay $0x1  }
0x15f: {  	_ =	swait.ge [sflag:s10], $0x800;
	p1 =	por $0x1, $0x1;
	s0 =	ssub.s32 s0, s4  }
0x160: {  	[sflag:s10] =	ssyncset.done $0x0;
	s4 =	sshll.u32 s0, $0xB;
	s0 =	sshll.u32 s0, $0x7  }
0x161: {  	[sflag:s10] =	ssyncadd.s32 $0xFFFFF800;
	s4 =	sadd.s32 $0x2480, s4;
	s0 =	sadd.s32 $0x1880, s0  }
0x162: {  	[spmem:s3] =	stream.indirect.scatter.add.f32 [tilespmem:s4], [sflag:$0x3], $0x80, s0, s30, $0xb8;
	[tilespmem:$0x1F880] =	vst v63  }
.LBB2_25:
0x163: {  	s0 =	sadd.s32 $0xFFFFFFF8, s15  }
0x164: {  	s4 =	smulhi.u32 $0xAF286BCB, s0;
	_ =	sdelay $0x1  }
0x165: {  	s8 =	ssub.s32 s0, s4  }
0x166: {  	s8 =	sshrl.u32 s8, $0x1  }
0x167: {  	s4 =	sadd.s32 s4, s8  }
0x168: {  	s4 =	sshrl.u32 s4, $0x4  }
0x169: {  	s4 =	smul.u32 $0x13, s4;
	_ =	sdelay $0x1  }
0x16a: {  	_ =	swait.ge [sflag:s10], $0x800;
	p4 =	por $0x1, $0x1;
	s0 =	ssub.s32 s0, s4  }
0x16b: {  	[sflag:s10] =	ssyncset.done $0x0;
	s4 =	sshll.u32 s0, $0xB;
	s0 =	sshll.u32 s0, $0x7  }
0x16c: {  	[sflag:s10] =	ssyncadd.s32 $0xFFFFF800;
	s4 =	sadd.s32 $0x2480, s4;
	s0 =	sadd.s32 $0x1880, s0  }
0x16d: {  	[spmem:s3] =	stream.indirect.scatter.add.f32 [tilespmem:s4], [sflag:$0x3], $0x80, s0, s30, $0xb8;
	[tilespmem:$0x1F880] =	vst v63  }
.LBB2_27:
0x16e: {  	s0 =	sadd.s32 $0xFFFFFFF9, s15  }
0x16f: {  	s4 =	smulhi.u32 $0xAF286BCB, s0;
	_ =	sdelay $0x1  }
0x170: {  	s8 =	ssub.s32 s0, s4  }
0x171: {  	s8 =	sshrl.u32 s8, $0x1  }
0x172: {  	s4 =	sadd.s32 s4, s8  }
0x173: {  	s4 =	sshrl.u32 s4, $0x4  }
0x174: {  	s4 =	smul.u32 $0x13, s4;
	_ =	sdelay $0x1  }
0x175: {  	_ =	swait.ge [sflag:s10], $0x800;
	p5 =	por $0x1, $0x1;
	s0 =	ssub.s32 s0, s4  }
0x176: {  	[sflag:s10] =	ssyncset.done $0x0;
	s4 =	sshll.u32 s0, $0xB;
	s0 =	sshll.u32 s0, $0x7  }
0x177: {  	[sflag:s10] =	ssyncadd.s32 $0xFFFFF800;
	s4 =	sadd.s32 $0x2480, s4;
	s0 =	sadd.s32 $0x1880, s0  }
0x178: {  	[spmem:s3] =	stream.indirect.scatter.add.f32 [tilespmem:s4], [sflag:$0x3], $0x80, s0, s30, $0xb8;
	[tilespmem:$0x1F880] =	vst v63  }
.LBB2_29:
0x179: {  	s0 =	sadd.s32 $0xFFFFFFFA, s15  }
0x17a: {  	s4 =	smulhi.u32 $0xAF286BCB, s0;
	_ =	sdelay $0x1  }
0x17b: {  	s8 =	ssub.s32 s0, s4  }
0x17c: {  	s8 =	sshrl.u32 s8, $0x1  }
0x17d: {  	s4 =	sadd.s32 s4, s8  }
0x17e: {  	s4 =	sshrl.u32 s4, $0x4  }
0x17f: {  	s4 =	smul.u32 $0x13, s4;
	_ =	sdelay $0x1  }
0x180: {  	_ =	swait.ge [sflag:s10], $0x800;
	p6 =	por $0x1, $0x1;
	s0 =	ssub.s32 s0, s4  }
0x181: {  	[sflag:s10] =	ssyncset.done $0x0;
	s4 =	sshll.u32 s0, $0xB;
	s0 =	sshll.u32 s0, $0x7  }
0x182: {  	[sflag:s10] =	ssyncadd.s32 $0xFFFFF800;
	s4 =	sadd.s32 $0x2480, s4;
	s0 =	sadd.s32 $0x1880, s0  }
0x183: {  	[spmem:s3] =	stream.indirect.scatter.add.f32 [tilespmem:s4], [sflag:$0x3], $0x80, s0, s30, $0xb8;
	[tilespmem:$0x1F880] =	vst v63  }
.LBB2_31:
0x184: {  	s0 =	sadd.s32 $0xFFFFFFFB, s15  }
0x185: {  	s4 =	smulhi.u32 $0xAF286BCB, s0;
	_ =	sdelay $0x1  }
0x186: {  	s8 =	ssub.s32 s0, s4  }
0x187: {  	s8 =	sshrl.u32 s8, $0x1  }
0x188: {  	s4 =	sadd.s32 s4, s8  }
0x189: {  	s4 =	sshrl.u32 s4, $0x4  }
0x18a: {  	s4 =	smul.u32 $0x13, s4;
	_ =	sdelay $0x1  }
0x18b: {  	_ =	swait.ge [sflag:s10], $0x800;
	p2 =	por $0x1, $0x1;
	s0 =	ssub.s32 s0, s4  }
0x18c: {  	[sflag:s10] =	ssyncset.done $0x0;
	s4 =	sshll.u32 s0, $0xB;
	s0 =	sshll.u32 s0, $0x7  }
0x18d: {  	[sflag:s10] =	ssyncadd.s32 $0xFFFFF800;
	s4 =	sadd.s32 $0x2480, s4;
	s0 =	sadd.s32 $0x1880, s0  }
0x18e: {  	[spmem:s3] =	stream.indirect.scatter.add.f32 [tilespmem:s4], [sflag:$0x3], $0x80, s0, s30, $0xb8;
	[tilespmem:$0x1F880] =	vst v63  }
.LBB2_33:
0x18f: {  	s0 =	sadd.s32 $0xFFFFFFFC, s15  }
0x190: {  	s4 =	smulhi.u32 $0xAF286BCB, s0;
	_ =	sdelay $0x1  }
0x191: {  	s8 =	ssub.s32 s0, s4  }
0x192: {  	s8 =	sshrl.u32 s8, $0x1  }
0x193: {  	s4 =	sadd.s32 s4, s8  }
0x194: {  	s4 =	sshrl.u32 s4, $0x4  }
0x195: {  	s4 =	smul.u32 $0x13, s4;
	_ =	sdelay $0x1  }
0x196: {  	_ =	swait.ge [sflag:s10], $0x800;
	p0 =	por $0x1, $0x1;
	s0 =	ssub.s32 s0, s4  }
0x197: {  	[sflag:s10] =	ssyncset.done $0x0;
	s4 =	sshll.u32 s0, $0xB;
	s0 =	sshll.u32 s0, $0x7  }
0x198: {  	[sflag:s10] =	ssyncadd.s32 $0xFFFFF800;
	s4 =	sadd.s32 $0x2480, s4;
	s0 =	sadd.s32 $0x1880, s0  }
0x199: {  	[spmem:s3] =	stream.indirect.scatter.add.f32 [tilespmem:s4], [sflag:$0x3], $0x80, s0, s30, $0xb8;
	[tilespmem:$0x1F880] =	vst v63  }
0x19a: {  	s0 =	simm.s32 @!p0 $0x0  }
0x19b: {  	s0 =	simm.s32 @p0 $0x1  }
0x19c: {  	[smem:$0x7FC] =	sst s0  }
.LBB2_35:
0x19d: {  	s31 =	sadd.s32 $0xFFFFFFFD, s15  }
0x19e: {  	s4 =	smulhi.u32 $0xAF286BCB, s31;
	_ =	sdelay $0x1  }
0x19f: {  	s8 =	ssub.s32 s31, s4  }
0x1a0: {  	s8 =	sshrl.u32 s8, $0x1  }
0x1a1: {  	s4 =	sadd.s32 s4, s8  }
0x1a2: {  	s0 =	simm.s32 @!p2 $0x0;
	s4 =	sshrl.u32 s4, $0x4  }
0x1a3: {  	s0 =	simm.s32 @p2 $0x1;
	s4 =	smul.u32 $0x13, s4  }
0x1a4: {  	[smem:$0x7FA] =	sst s0  }
0x1a5: {  	p0 =	por $0x1, $0x1;
	_ =	swait.ge [sflag:s10], $0x800;
	s0 =	ssub.s32 s31, s4  }
0x1a6: {  	[sflag:s10] =	ssyncset.done $0x0;
	s4 =	sshll.u32 s0, $0xB;
	s0 =	sshll.u32 s0, $0x7  }
0x1a7: {  	[sflag:s10] =	ssyncadd.s32 $0xFFFFF800;
	s4 =	sadd.s32 $0x2480, s4;
	s0 =	sadd.s32 $0x1880, s0  }
0x1a8: {  	[spmem:s3] =	stream.indirect.scatter.add.f32 [tilespmem:s4], [sflag:$0x3], $0x80, s0, s30, $0xb8;
	[tilespmem:$0x1F880] =	vst v63  }
.LBB2_37:
0x1a9: {  	s31 =	sadd.s32 $0xFFFFFFFE, s15  }
0x1aa: {  	s4 =	smulhi.u32 $0xAF286BCB, s31;
	_ =	sdelay $0x1  }
0x1ab: {  	s8 =	ssub.s32 s31, s4  }
0x1ac: {  	s8 =	sshrl.u32 s8, $0x1  }
0x1ad: {  	s4 =	sadd.s32 s4, s8  }
0x1ae: {  	s0 =	simm.s32 @!p0 $0x0;
	s4 =	sshrl.u32 s4, $0x4  }
0x1af: {  	s0 =	simm.s32 @p0 $0x1;
	s4 =	smul.u32 $0x13, s4  }
0x1b0: {  	[smem:$0x7F9] =	sst s0  }
0x1b1: {  	p2 =	por $0x1, $0x1;
	_ =	swait.ge [sflag:s10], $0x800;
	s0 =	ssub.s32 s31, s4  }
0x1b2: {  	[sflag:s10] =	ssyncset.done $0x0;
	s4 =	sshll.u32 s0, $0xB;
	s0 =	sshll.u32 s0, $0x7  }
0x1b3: {  	[sflag:s10] =	ssyncadd.s32 $0xFFFFF800;
	s4 =	sadd.s32 $0x2480, s4;
	s0 =	sadd.s32 $0x1880, s0  }
0x1b4: {  	[spmem:s3] =	stream.indirect.scatter.add.f32 [tilespmem:s4], [sflag:$0x3], $0x80, s0, s30, $0xb8;
	[tilespmem:$0x1F880] =	vst v63  }
.LBB2_39:
0x1b5: {  	s0 =	sadd.s32 $0xFFFFFFFF, s15  }
0x1b6: {  	s4 =	smulhi.u32 $0xAF286BCB, s0;
	_ =	sdelay $0x1  }
0x1b7: {  	s8 =	ssub.s32 s0, s4  }
0x1b8: {  	s8 =	sshrl.u32 s8, $0x1  }
0x1b9: {  	s4 =	sadd.s32 s4, s8  }
0x1ba: {  	p0 =	por p6, p6;
	s4 =	sshrl.u32 s4, $0x4  }
0x1bb: {  	p6 =	por p3, p3;
	p3 =	slt.u32 s15, $0x13;
	s4 =	smul.u32 $0x13, s4  }
.Ltmp16:
0x1bc: {  	_ = 	snop;
	(pc) =	sbr.rel @p3 .LBB2_41-.Ltmp16, $4  }
0x1bd: {  	_ =	swait.ge [sflag:s10], $0x800;
	s0 =	ssub.s32 s0, s4  }
0x1be: {  	[sflag:s10] =	ssyncset.done $0x0;
	s4 =	sshll.u32 s0, $0xB;
	s0 =	sshll.u32 s0, $0x7  }
0x1bf: {  	[sflag:s10] =	ssyncadd.s32 $0xFFFFF800;
	s4 =	sadd.s32 $0x2480, s4;
	s0 =	sadd.s32 $0x1880, s0  }
0x1c0: {  	[spmem:s3] =	stream.indirect.scatter.add.f32 [tilespmem:s4], [sflag:$0x3], $0x80, s0, s30, $0xb8;
	[tilespmem:$0x1F880] =	vst v63  }
.Ltmp17:
0x1c1: {  	(pc) =	sbr.rel .LBB2_42-.Ltmp17, $4  }
0x1c2: {  	s0 =	simm.s32 $0x3  }
0x1c3: {  	_ =	swait.ge [sflag:s0], $0x800  }
0x1c4: {  	[sflag:s0] =	ssyncset.done $0x0  }
0x1c5: {  	[sflag:s0] =	ssyncadd.s32 $0xFFFFF800  }
.LBB2_41:
0x1c6: {  	p3 =	sne.s32 s15, $0x12  }
.Ltmp18:
0x1c7: {  	_ = 	snop;
	(pc) =	sbr.rel @p3 .LBB2_43-.Ltmp18, $2  }
0x1c8: {  	_ =	sdelay $0x2  }
0x1c9: {  	s0 =	simm.s32 $0x3  }
.LBB2_42:
0x1ca: {  	_ =	swait.ge [sflag:s0], $0x800  }
0x1cb: {  	[sflag:s0] =	ssyncset.done $0x0  }
0x1cc: {  	[sflag:s0] =	ssyncadd.s32 $0xFFFFF800  }
.LBB2_44:
0x1cd: {  	_ =	swait.ge [sflag:s0], $0x800  }
0x1ce: {  	[sflag:s0] =	ssyncset.done $0x0  }
0x1cf: {  	[sflag:s0] =	ssyncadd.s32 $0xFFFFF800  }
.LBB2_46:
0x1d0: {  	_ =	swait.ge [sflag:s0], $0x800  }
0x1d1: {  	[sflag:s0] =	ssyncset.done $0x0  }
0x1d2: {  	[sflag:s0] =	ssyncadd.s32 $0xFFFFF800  }
.LBB2_48:
0x1d3: {  	_ =	swait.ge [sflag:s0], $0x800  }
0x1d4: {  	[sflag:s0] =	ssyncset.done $0x0  }
0x1d5: {  	[sflag:s0] =	ssyncadd.s32 $0xFFFFF800  }
.LBB2_50:
0x1d6: {  	_ =	swait.ge [sflag:s0], $0x800  }
0x1d7: {  	[sflag:s0] =	ssyncset.done $0x0  }
0x1d8: {  	[sflag:s0] =	ssyncadd.s32 $0xFFFFF800  }
.LBB2_52:
0x1d9: {  	_ =	swait.ge [sflag:s0], $0x800  }
0x1da: {  	[sflag:s0] =	ssyncset.done $0x0  }
0x1db: {  	[sflag:s0] =	ssyncadd.s32 $0xFFFFF800  }
.LBB2_54:
0x1dc: {  	_ =	swait.ge [sflag:s0], $0x800  }
0x1dd: {  	[sflag:s0] =	ssyncset.done $0x0  }
0x1de: {  	[sflag:s0] =	ssyncadd.s32 $0xFFFFF800  }
.LBB2_56:
0x1df: {  	_ =	swait.ge [sflag:s0], $0x800  }
.Ltmp19:
0x1e0: {  	[sflag:s0] =	ssyncset.done $0x0;
	(pc) =	sbr.rel @!p1 .LBB2_59-.Ltmp19, $4  }
0x1e1: {  	[sflag:s0] =	ssyncadd.s32 $0xFFFFF800  }
0x1e2: {  	_ =	swait.ge [sflag:s0], $0x800  }
0x1e3: {  	[sflag:s0] =	ssyncset.done $0x0  }
0x1e4: {  	[sflag:s0] =	ssyncadd.s32 $0xFFFFF800  }
.LBB2_67:
.Ltmp20:
0x1e5: {  	(pc) =	sbr.rel @p4 .LBB2_68-.Ltmp20, $4  }
0x1e6: {  	_ = 	snop  }
0x1e7: {  	_ =	swait.ge [sflag:s0], $0x800  }
0x1e8: {  	[sflag:s0] =	ssyncset.done $0x0  }
0x1e9: {  	[sflag:s0] =	ssyncadd.s32 $0xFFFFF800  }
.LBB2_60:
.Ltmp21:
0x1ea: {  	(pc) =	sbr.rel @!p5 .LBB2_61-.Ltmp21, $1  }
0x1eb: {  	_ =	sdelay $0x3  }
.LBB2_69:
.Ltmp22:
0x1ec: {  	(pc) =	sbr.rel @p0 .LBB2_70-.Ltmp22, $4  }
0x1ed: {  	_ = 	snop  }
0x1ee: {  	_ =	swait.ge [sflag:s0], $0x800  }
0x1ef: {  	[sflag:s0] =	ssyncset.done $0x0  }
0x1f0: {  	[sflag:s0] =	ssyncadd.s32 $0xFFFFF800  }
.LBB2_62:
0x1f1: {  	s4 =	sld [smem:$0x7FA];
	_ =	sdelay $0x2  }
0x1f2: {  	p0 =	seq.s32 s4, $0x1  }
.Ltmp23:
0x1f3: {  	_ = 	snop;
	(pc) =	sbr.rel @!p0 .LBB2_63-.Ltmp23, $1  }
0x1f4: {  	_ =	sdelay $0x3  }
.LBB2_71:
0x1f5: {  	_ =	swait.ge [sflag:s0], $0x800  }
0x1f6: {  	s4 =	sld [smem:$0x7FC];
	_ =	sdelay $0x2  }
0x1f7: {  	p0 =	seq.s32 s4, $0x1  }
.Ltmp24:
0x1f8: {  	_ = 	snop;
	(pc) =	sbr.rel @p0 .LBB2_72-.Ltmp24, $3  }
0x1f9: {  	_ =	sdelay $0x1  }
0x1fa: {  	[sflag:s0] =	ssyncset.done $0x0  }
0x1fb: {  	[sflag:s0] =	ssyncadd.s32 $0xFFFFF800  }
.LBB2_64:
0x1fc: {  	s4 =	sld [smem:$0x7F9];
	_ =	sdelay $0x2  }
0x1fd: {  	p0 =	seq.s32 s4, $0x1  }
.Ltmp25:
0x1fe: {  	_ = 	snop;
	(pc) =	sbr.rel @!p0 .LBB2_65-.Ltmp25, $1  }
0x1ff: {  	_ =	sdelay $0x3  }
.LBB2_73:
.Ltmp26:
0x200: {  	(pc) =	sbr.rel @!p2 .LBB2_75-.Ltmp26, $4  }
.Ltmp27:
0x201: {  	(pc) =	sbr.rel @p2 .LBB2_74-.Ltmp27, $4  }
0x202: {  	_ =	swait.ge [sflag:s0], $0x800  }
0x203: {  	[sflag:s0] =	ssyncset.done $0x0  }
0x204: {  	[sflag:s0] =	ssyncadd.s32 $0xFFFFF800  }
0x205: {  	_ = 	snop  }
.LBB2_24:
0x206: {  	p0 =	slt.s32 s15, $0x8  }
.Ltmp28:
0x207: {  	_ = 	snop;
	(pc) =	sbr.rel @!p0 .LBB2_25-.Ltmp28, $2  }
0x208: {  	_ =	sdelay $0x2  }
0x209: {  	p1 =	por $0x0, $0x0  }
0x20a: {  	p0 =	sne.s32 s15, $0x7  }
.Ltmp29:
0x20b: {  	_ = 	snop;
	(pc) =	sbr.rel @!p0 .LBB2_27-.Ltmp29, $2  }
0x20c: {  	_ =	sdelay $0x2  }
0x20d: {  	p1 =	por $0x0, $0x0;
	p4 =	por $0x0, $0x0  }
0x20e: {  	p0 =	slt.s32 s15, $0x6  }
.Ltmp30:
0x20f: {  	_ = 	snop;
	(pc) =	sbr.rel @!p0 .LBB2_29-.Ltmp30, $2  }
0x210: {  	_ =	sdelay $0x2  }
0x211: {  	p4 =	por $0x0, $0x0;
	p1 =	por $0x0, $0x0;
	p5 =	por $0x0, $0x0  }
0x212: {  	p0 =	sne.s32 s15, $0x5  }
.Ltmp31:
0x213: {  	_ = 	snop;
	(pc) =	sbr.rel @!p0 .LBB2_31-.Ltmp31, $3  }
0x214: {  	_ =	sdelay $0x1  }
0x215: {  	p5 =	por $0x0, $0x0  }
0x216: {  	p1 =	por $0x0, $0x0;
	p4 =	por $0x0, $0x0;
	p6 =	por $0x0, $0x0  }
0x217: {  	p0 =	slt.s32 s15, $0x4  }
.Ltmp32:
0x218: {  	_ = 	snop;
	(pc) =	sbr.rel @!p0 .LBB2_33-.Ltmp32, $3  }
0x219: {  	_ =	sdelay $0x1  }
0x21a: {  	p6 =	por $0x0, $0x0;
	p4 =	por $0x0, $0x0  }
0x21b: {  	p1 =	por $0x0, $0x0;
	p5 =	por $0x0, $0x0;
	p2 =	por $0x0, $0x0  }
0x21c: {  	p0 =	sne.s32 s15, $0x3  }
0x21d: {  	s0 =	simm.s32 @!p0 $0x0  }
0x21e: {  	s0 =	simm.s32 @p0 $0x1  }
0x21f: {  	[smem:$0x7FB] =	sst s0  }
0x220: {  	s31 =	sld [smem:$0x7FB]  }
0x221: {  	p0 =	por $0x0, $0x0  }
0x222: {  	s0 =	simm.s32 @!p0 $0x0  }
0x223: {  	s0 =	simm.s32 @p0 $0x1;
	p0 =	seq.s32 s31, $0x1  }
.Ltmp33:
0x224: {  	_ = 	snop;
	(pc) =	sbr.rel @!p0 .LBB2_35-.Ltmp33, $3  }
0x225: {  	_ =	sdelay $0x1  }
0x226: {  	p2 =	por $0x0, $0x0;
	p5 =	por $0x0, $0x0;
	p1 =	por $0x0, $0x0  }
0x227: {  	p4 =	por $0x0, $0x0;
	p6 =	por $0x0, $0x0;
	[smem:$0x7FC] =	sst s0  }
0x228: {  	p2 =	slt.s32 s15, $0x2;
	p0 =	por $0x0, $0x0  }
.Ltmp34:
0x229: {  	s0 =	simm.s32 @!p0 $0x0;
	(pc) =	sbr.rel @!p2 .LBB2_37-.Ltmp34, $4  }
0x22a: {  	s0 =	simm.s32 @p0 $0x1;
	p0 =	por $0x0, $0x0  }
0x22b: {  	p6 =	por $0x0, $0x0;
	[smem:$0x7FC] =	sst s0;
	s0 =	simm.s32 @!p0 $0x0  }
0x22c: {  	p4 =	por $0x0, $0x0;
	p1 =	por $0x0, $0x0;
	s0 =	simm.s32 @p0 $0x1  }
0x22d: {  	p5 =	por $0x0, $0x0;
	p0 =	por $0x0, $0x0;
	[smem:$0x7FA] =	sst s0  }
0x22e: {  	p0 =	sne.s32 s15, $0x1  }
0x22f: {  	s0 =	simm.s32 @!p0 $0x0  }
0x230: {  	s0 =	simm.s32 @p0 $0x1;
	p0 =	por $0x0, $0x0  }
0x231: {  	[smem:$0x7F8] =	sst s0;
	s0 =	simm.s32 @!p0 $0x0  }
0x232: {  	s0 =	simm.s32 @p0 $0x1;
	p0 =	por $0x0, $0x0;
	s31 =	sld [smem:$0x7F8]  }
0x233: {  	[smem:$0x7F9] =	sst s0;
	s0 =	simm.s32 @!p0 $0x0  }
0x234: {  	s0 =	simm.s32 @p0 $0x1;
	p0 =	por $0x0, $0x0  }
0x235: {  	[smem:$0x7FA] =	sst s0;
	s0 =	simm.s32 @!p0 $0x0  }
0x236: {  	s0 =	simm.s32 @p0 $0x1;
	p0 =	seq.s32 s31, $0x1  }
.Ltmp35:
0x237: {  	_ = 	snop;
	(pc) =	sbr.rel @p0 .LBB2_76-.Ltmp35, $4  }
.Ltmp36:
0x238: {  	_ = 	snop;
	(pc) =	sbr.rel @!p0 .LBB2_39-.Ltmp36, $4  }
0x239: {  	_ = 	snop  }
0x23a: {  	p5 =	por $0x0, $0x0;
	p1 =	por $0x0, $0x0;
	p4 =	por $0x0, $0x0  }
0x23b: {  	p6 =	por $0x0, $0x0;
	p2 =	por $0x0, $0x0;
	[smem:$0x7FC] =	sst s0  }
0x23c: {  	_ = 	snop  }
.LBB2_43:
0x23d: {  	p3 =	slt.u32 s15, $0x11  }
.Ltmp37:
0x23e: {  	_ = 	snop;
	(pc) =	sbr.rel @!p3 .LBB2_44-.Ltmp37, $1  }
0x23f: {  	_ =	sdelay $0x3  }
0x240: {  	p3 =	sne.s32 s15, $0x10  }
.Ltmp38:
0x241: {  	_ = 	snop;
	(pc) =	sbr.rel @!p3 .LBB2_46-.Ltmp38, $1  }
0x242: {  	_ =	sdelay $0x3  }
0x243: {  	p3 =	slt.u32 s15, $0xF  }
.Ltmp39:
0x244: {  	_ = 	snop;
	(pc) =	sbr.rel @!p3 .LBB2_48-.Ltmp39, $1  }
0x245: {  	_ =	sdelay $0x3  }
0x246: {  	p3 =	sne.s32 s15, $0xE  }
.Ltmp40:
0x247: {  	_ = 	snop;
	(pc) =	sbr.rel @!p3 .LBB2_50-.Ltmp40, $1  }
0x248: {  	_ =	sdelay $0x3  }
0x249: {  	p3 =	slt.u32 s15, $0xD  }
.Ltmp41:
0x24a: {  	_ = 	snop;
	(pc) =	sbr.rel @!p3 .LBB2_52-.Ltmp41, $1  }
0x24b: {  	_ =	sdelay $0x3  }
0x24c: {  	p3 =	sne.s32 s15, $0xC  }
.Ltmp42:
0x24d: {  	_ = 	snop;
	(pc) =	sbr.rel @!p3 .LBB2_54-.Ltmp42, $1  }
0x24e: {  	_ =	sdelay $0x3  }
0x24f: {  	p3 =	slt.u32 s15, $0xB  }
.Ltmp43:
0x250: {  	_ = 	snop;
	(pc) =	sbr.rel @!p3 .LBB2_56-.Ltmp43, $1  }
0x251: {  	_ =	sdelay $0x3  }
.Ltmp44:
0x252: {  	(pc) =	sbr.rel @p6 .LBB2_66-.Ltmp44, $1  }
0x253: {  	_ =	sdelay $0x3  }
.Ltmp45:
0x254: {  	(pc) =	sbr.rel @p1 .LBB2_67-.Ltmp45, $4  }
.Ltmp46:
0x255: {  	(pc) =	sbr.rel @!p1 .LBB2_59-.Ltmp46, $4  }
0x256: {  	_ =	swait.ge [sflag:s0], $0x800  }
0x257: {  	[sflag:s0] =	ssyncset.done $0x0  }
0x258: {  	[sflag:s0] =	ssyncadd.s32 $0xFFFFF800  }
0x259: {  	_ = 	snop  }
.LBB2_66:
.Ltmp47:
0x25a: {  	(pc) =	sbr.rel @p1 .LBB2_67-.Ltmp47, $1  }
0x25b: {  	_ =	sdelay $0x3  }
.LBB2_59:
.Ltmp48:
0x25c: {  	(pc) =	sbr.rel @!p4 .LBB2_60-.Ltmp48, $1  }
0x25d: {  	_ =	sdelay $0x3  }
.LBB2_68:
.Ltmp49:
0x25e: {  	(pc) =	sbr.rel @p5 .LBB2_69-.Ltmp49, $4  }
0x25f: {  	_ = 	snop  }
0x260: {  	_ =	swait.ge [sflag:s0], $0x800  }
0x261: {  	[sflag:s0] =	ssyncset.done $0x0  }
0x262: {  	[sflag:s0] =	ssyncadd.s32 $0xFFFFF800  }
.LBB2_61:
.Ltmp50:
0x263: {  	(pc) =	sbr.rel @!p0 .LBB2_62-.Ltmp50, $1  }
0x264: {  	_ =	sdelay $0x3  }
.LBB2_70:
0x265: {  	_ =	swait.ge [sflag:s0], $0x800  }
0x266: {  	s4 =	sld [smem:$0x7FA];
	_ =	sdelay $0x2  }
0x267: {  	p0 =	seq.s32 s4, $0x1  }
.Ltmp51:
0x268: {  	_ = 	snop;
	(pc) =	sbr.rel @p0 .LBB2_71-.Ltmp51, $3  }
0x269: {  	_ =	sdelay $0x1  }
0x26a: {  	[sflag:s0] =	ssyncset.done $0x0  }
0x26b: {  	[sflag:s0] =	ssyncadd.s32 $0xFFFFF800  }
.LBB2_63:
0x26c: {  	s4 =	sld [smem:$0x7FC];
	_ =	sdelay $0x2  }
0x26d: {  	p0 =	seq.s32 s4, $0x1  }
.Ltmp52:
0x26e: {  	_ = 	snop;
	(pc) =	sbr.rel @!p0 .LBB2_64-.Ltmp52, $1  }
0x26f: {  	_ =	sdelay $0x3  }
.LBB2_72:
0x270: {  	_ =	swait.ge [sflag:s0], $0x800  }
0x271: {  	s4 =	sld [smem:$0x7F9];
	_ =	sdelay $0x2  }
0x272: {  	p0 =	seq.s32 s4, $0x1  }
.Ltmp53:
0x273: {  	_ = 	snop;
	(pc) =	sbr.rel @p0 .LBB2_73-.Ltmp53, $3  }
0x274: {  	_ =	sdelay $0x1  }
0x275: {  	[sflag:s0] =	ssyncset.done $0x0  }
0x276: {  	[sflag:s0] =	ssyncadd.s32 $0xFFFFF800  }
.LBB2_65:
.Ltmp54:
0x277: {  	(pc) =	sbr.rel @!p2 .LBB2_75-.Ltmp54, $1  }
0x278: {  	_ =	sdelay $0x3  }
.LBB2_74:
0x279: {  	_ =	swait.ge [sflag:s0], $0x800  }
0x27a: {  	[sflag:s0] =	ssyncset.done $0x0  }
0x27b: {  	[sflag:s0] =	ssyncadd.s32 $0xFFFFF800  }
.LBB2_75:
0x27c: {  	_ =	swait.ge [sflag:s0], $0x800  }
0x27d: {  	[sflag:s0] =	ssyncset.done $0x0  }
0x27e: {  	[sflag:s0] =	ssyncadd.s32 $0xFFFFF800  }
.LBB2_76:
0x27f: {  	[bflag:$0x0] =	sbarrier.arrive $0xFFFF  }
0x280: {  	s0 =	rddreg [dreg:$0xf]  }
0x281: {  	s8 =	rddreg [dreg:$0x13]  }
0x282: {  	[hbm:s0], [sflag:s9] =	dma.local [spmem:s8], $0x2780  }
0x283: {  	s23 =	simm.s32 $0x0;
	s0 =	rddreg [dreg:$0x6]  }
0x284: {  	[tilespmem:s23], [sflag:$0x1] =	stream.linear.gather [hbm4b:s0+s23], $0x190, $0x38;
	[tilespmem:$0x1F880] =	vst v63  }
0x285: {  	s4 =	simm.s32 $0x380;
	s16 =	rddreg [dreg:$0x7]  }
0x286: {  	[tilespmem:s4], [sflag:$0x1] =	stream.linear.gather [hbm4b:s16+s23], $0x190, $0x38;
	[tilespmem:$0x1F880] =	vst v63  }
0x287: {  	s19 =	simm.s32 $0x700;
	s18 =	rddreg [dreg:$0x8]  }
0x288: {  	[tilespmem:s19], [sflag:$0x1] =	stream.linear.gather [hbm4b:s18+s23], $0x190, $0x38;
	[tilespmem:$0x1F880] =	vst v63  }
0x289: {  	s21 =	simm.s32 $0x190;
	s20 =	rddreg [dreg:$0x9]  }
0x28a: {  	[tilespmem:s21], [sflag:$0x1] =	stream.linear.gather [hbm4b:s20+s23], $0x190, $0x38;
	[tilespmem:$0x1F880] =	vst v63  }
0x28b: {  	s24 =	simm.s32 $0x510;
	s22 =	rddreg [dreg:$0xa]  }
0x28c: {  	[tilespmem:s24], [sflag:$0x1] =	stream.linear.gather [hbm4b:s22+s23], $0x190, $0x38;
	[tilespmem:$0x1F880] =	vst v63  }
0x28d: {  	s26 =	simm.s32 $0x890;
	s28 =	simm.s32 $0x4;
	s25 =	rddreg [dreg:$0xb]  }
0x28e: {  	[tilespmem:s26], [sflag:$0x1] =	stream.linear.gather [hbm4b:s25+s23], $0x190, $0x38;
	[tilespmem:$0x1F880] =	vst v63  }
0x28f: {  	_ =	swait.ge [sflag:s28], $0x2780  }
0x290: {  	[sflag:s28] =	ssyncset.done $0x0  }
0x291: {  	s31 =	rddreg [dreg:$0x5];
	[sflag:s28] =	ssyncadd.s32 $0xFFFFD880  }
0x292: {  	[spmem:s8], [sflag:s9] =	dma.local [hbm:s31], $0x2780  }
0x293: {  	_ =	swait.ge [sflag:s28], $0x2780  }
0x294: {  	[sflag:s28] =	ssyncset.done $0x0  }
0x295: {  	[sflag:s28] =	ssyncadd.s32 $0xFFFFD880  }
0x296: {  	s10 =	simm.s32 $0x0;
	s15 =	simm.s32 $0x0;
	[bflag:$0x0] =	sbarrier.arrive $0xFFFF  }
.LBB2_77:
0x297: {  	_ =	swait.ge [sflag:s29], $0x190  }
0x298: {  	[sflag:s29] =	ssyncset.done $0x0  }
0x299: {  	[sflag:s29] =	ssyncadd.s32 $0xFFFFFE70  }
0x29a: {  	_ =	swait.ge [sflag:s29], $0x190  }
0x29b: {  	[sflag:s29] =	ssyncset.done $0x0  }
0x29c: {  	[sflag:s29] =	ssyncadd.s32 $0xFFFFFE70  }
0x29d: {  	_ =	swait.ge [sflag:s29], $0x190  }
0x29e: {  	[sflag:s29] =	ssyncset.done $0x0  }
0x29f: {  	s0 =	simm.s32 $0x0;
	[sflag:s29] =	ssyncadd.s32 $0xFFFFFE70  }
0x2a0: {  	v6 =	vld [tilespmem:s0+$0x700];
	_ =	sdelay $0x4  }
0x2a1: {  	vm0 =	veq.s32 v6, v2  }
0x2a2: {  	v6 =	vsel vm0, $0x1, v4  }
0x2a3: {  	v7 =	vld [tilespmem:s0+$0x0];
	(xrf0) =	vadd.scan.msk.s32 $0xffff, v6;
	_ =	sdelay $0x1  }
0x2a4: {  	v6 =	vld [tilespmem:s0+$0x380];
	_ =	sdelay $0x2  }
0x2a5: {  	v7 =	vadd.s32 v3, v7  }
0x2a6: {  	v7 =	vshll.u32 v7, $0xE;
	v8, _, _ =	vpop (xrf0)  }
0x2a7: {  	v6 =	vor.u32 v6, v7;
	(v2sf) =	vpush v8, $0xF  }
0x2a8: {  	s4 =	simm.s32 $0x10;
	s8 =	simm.s32 $0x80;
	[tilespmem:s10+$0xA80] =	vst.msk vm0, v6  }
.LBB2_78:
0x2a9: {  	p0 =	sne.s32 s8, $0x600;
	v6 =	vld [tilespmem:s4+$0x700];
	_ =	sdelay $0x4  }
0x2aa: {  	vm0 =	veq.s32 v6, v2  }
0x2ab: {  	v6 =	vsel vm0, $0x1, v4  }
0x2ac: {  	v7 =	vld [tilespmem:s4+$0x0];
	(xrf0) =	vadd.scan.msk.s32 $0xffff, v6;
	_ =	sdelay $0x1  }
0x2ad: {  	v6 =	vld [tilespmem:s4+$0x380];
	_ =	sdelay $0x1  }
.Ltmp55:
0x2ae: {  	(pc) =	sbr.rel @p0 .LBB2_78-.Ltmp55, $4  }
0x2af: {  	v7 =	vadd.s32 v3, v7  }
0x2b0: {  	v7 =	vshll.u32 v7, $0xE;
	v8, _, _ =	vpop (xrf0);
	s0 =	spop (v2sf)  }
0x2b1: {  	v6 =	vor.u32 v6, v7;
	(v2sf) =	vpush v8, $0xF;
	s10 =	sadd.s32 s10, s0  }
0x2b2: {  	s4 =	sshra.s32 s8, $0x2;
	s8 =	sadd.s32 $0x40, s8;
	[tilespmem:s10+$0xA80] =	vst.msk vm0, v6  }
0x2b3: {  	v6 =	vld [tilespmem:s4+$0x700];
	_ =	sdelay $0x4  }
0x2b4: {  	vm0 =	veq.s32 v6, v2  }
0x2b5: {  	v6 =	vsel vm0, $0x1, v4  }
0x2b6: {  	(xrf0) =	vadd.scan.msk.s32 $0xffff, v6;
	_ =	sdelay $0x5  }
0x2b7: {  	v6, _, _ =	vpop (xrf0)  }
0x2b8: {  	(v2sf) =	vpush v6, $0xF;
	_ =	sdelay $0xd  }
0x2b9: {  	s0 =	spop (v2sf)  }
0x2ba: {  	s0 =	sadd.s32 s10, s0;
	s8 =	spop (v2sf)  }
0x2bb: {  	s20 =	sadd.s32 s0, s8  }
0x2bc: {  	v7 =	vld [tilespmem:s4+$0x380];
	s8 =	sand.u32 $0xF, s20;
	s31 =	sshra.s32 s20, $0x1F;
	p0 =	slt.s32 s20, $0x1  }
0x2bd: {  	v6 =	vld [tilespmem:s4+$0x0];
	p1 =	sne.s32 s8, $0x0;
	s4 =	sshrl.u32 s31, $0x1C;
	s8 =	simm.s32 @!p0 $0x0  }
0x2be: {  	s8 =	simm.s32 @p0 $0x1;
	p0 =	por !p0, !p1;
	s4 =	sadd.s32 s4, s20  }
0x2bf: {  	[smem:$0x7F7] =	sst s8;
	p3 =	por !p0, !p0;
	s8 =	simm.s32 $0x1  }
0x2c0: {  	s19 =	sshra.s32 s4, $0x4;
	s8 =	simm.s32 @!p3 $0x0  }
0x2c1: {  	s21 =	ssub.s32 s19, s8  }
0x2c2: {  	p0 =	slt.s32 s21, $0x1  }
.Ltmp56:
0x2c3: {  	_ = 	snop;
	(pc) =	sbr.rel @p0 .LBB2_83-.Ltmp56, $4  }
0x2c4: {  	v6 =	vadd.s32 v3, v6  }
0x2c5: {  	v6 =	vshll.u32 v6, $0xE  }
0x2c6: {  	v6 =	vor.u32 v7, v6  }
0x2c7: {  	[tilespmem:s0+$0xA80] =	vst.msk vm0, v6  }
0x2c8: {  	s0 =	smulhi.u32 $0x6BCA1AF3, s23;
	s4 =	sshra.s32 s23, $0x1F  }
0x2c9: {  	s8 =	sshll.u32 s23, $0xD;
	s16 =	sshll.u32 s23, $0x9;
	s11 =	sadd.s32 $0xFFFFFFF6, s23  }
0x2ca: {  	p0 =	slt.s32 s23, $0x13;
	s24 =	simm.s32 $0xA80;
	s9 =	sadd.s32 $0xFFFFFFFF, s21  }
0x2cb: {  	s4 =	smul.u32 $0x6BCA1AF3, s4;
	s8 =	sshra.s32 s8, $0x2;
	s10 =	simm.s32 @!p0 $0x3  }
0x2cc: {  	s12 =	smulhi.u32 $0xAF286BCB, s11;
	s18 =	sadd.s32 $0xFFFFD480, s8;
	_ =	swait.ge @!p0 [sflag:s10], $0x800  }
0x2cd: {  	s0 =	sadd.s32 s4, s0;
	s4 =	sshra.s32 s16, $0x2;
	[sflag:s10] =	ssyncset.done @!p0 $0x0  }
0x2ce: {  	s14 =	ssub.s32 s11, s12;
	s11 =	sadd.s32 $0x1, s11;
	s22 =	sshrl.u32 s0, $0x1F  }
0x2cf: {  	s0 =	sshra.s32 s0, $0x3;
	s8 =	sadd.s32 $0x1380, s4;
	s25 =	sshrl.u32 s14, $0x1  }
0x2d0: {  	[sflag:s10] =	ssyncadd.s32 @!p0 $0xFFFFF800;
	s0 =	sadd.s32 s22, s0;
	s12 =	sadd.s32 s12, s25  }
0x2d1: {  	p0 =	sne.s32 s9, $0x0;
	s0 =	smul.u32 $0x13, s0;
	s28 =	sshrl.u32 s12, $0x4  }
0x2d2: {  	s14 =	sadd.s32 $0x1, s23;
	v6 =	vld [tilespmem:s24+$0x0];
	s10 =	sadd.s32 $0x80, s8;
	s31 =	smul.u32 $0xFFFDA000, s28  }
0x2d3: {  	s12 =	sadd.s32 $0x800, s18;
	s24 =	smul.u32 $0xFFFFDA00, s28;
	s0 =	ssub.s32 s23, s0  }
.Ltmp57:
0x2d4: {  	p2 =	slt.s32 s0, $0x0;
	s13 =	sadd.s32 $0x13, s0;
	(pc) =	sbr.rel @!p0 .LBB2_82-.Ltmp57, $4  }
0x2d5: {  	s22 =	sshra.s32 s31, $0x2;
	s24 =	sshra.s32 s24, $0x2;
	s0 =	smov.u32 @p2 s13  }
0x2d6: {  	p2 =	slt.s32 s23, $0xA;
	s13 =	simm.s32 $0xA90;
	s26 =	sshll.u32 s0, $0xD  }
0x2d7: {  	v7 =	vand.u32 $0x3FFF, v6;
	s22 =	sadd.s32 s22, s18;
	s25 =	sshll.u32 s0, $0x7;
	s4 =	sshra.s32 s26, $0x2  }
0x2d8: {  	v6 =	vshra.s32 v6, $0xE;
	s16 =	simm.s32 @!p2 $0x2;
	s26 =	sadd.s32 $0xC80, s25;
	[tilespmem:s25+$0x1880] =	vst v7;
	s4 =	sadd.s32 $0x2480, s4  }
.LBB2_81:
0x2d9: {  	s0 =	smulhi.u32 $0x6BCA1AF3, s14;
	s18 =	sshra.s32 s14, $0x1F;
	s9 =	sadd.s32 $0xFFFFFFFF, s9;
	[tilespmem:s25+$0xC80] =	vst v6  }
0x2da: {  	[tilespmem:s4], [sflag:$0x2] =	stream.indirect.gather [hbm4b:s1+s30], $0x80, s26, s30, $0xb8;
	[tilespmem:$0x1F880] =	vst v63  }
0x2db: {  	p5 =	slt.s32 s14, $0x13;
	s4 =	smul.u32 $0x6BCA1AF3, s18;
	_ =	swait.ge @!p2 [sflag:s16], $0x800  }
0x2dc: {  	p4 =	sne.s32 s9, $0x0;
	s18 =	smov.u32 s12;
	[sflag:s16] =	ssyncset.done @!p2 $0x0  }
0x2dd: {  	s25 =	simm.s32 @!p5 $0x3;
	s0 =	sadd.s32 s4, s0;
	[sflag:s16] =	ssyncadd.s32 @!p2 $0xFFFFF800  }
0x2de: {  	s4 =	sshrl.u32 s0, $0x1F;
	s0 =	sshra.s32 s0, $0x3  }
0x2df: {  	s16 =	simm.s32 @!p2 $0x10;
	s0 =	sadd.s32 s4, s0;
	s4 =	sadd.s32 s24, s8  }
0x2e0: {  	s8 =	smov.u32 s10;
	s0 =	smul.u32 $0x13, s0  }
0x2e1: {  	[spmem:s3] =	stream.indirect.scatter.add.f32 @!p2 [tilespmem:s22], [sflag:$0x3], $0x80, s4, s16, $0xb8;
	[tilespmem:$0x1F880] =	vst v63  }
0x2e2: {  	s4 =	smulhi.u32 $0xAF286BCB, s11;
	s0 =	ssub.s32 s14, s0;
	_ =	swait.ge @!p5 [sflag:s25], $0x800  }
0x2e3: {  	p0 =	slt.s32 s0, $0x0;
	s16 =	sadd.s32 $0x13, s0;
	[sflag:s25] =	ssyncset.done @!p5 $0x0  }
0x2e4: {  	s22 =	ssub.s32 s11, s4;
	s0 =	smov.u32 @p0 s16;
	[sflag:s25] =	ssyncadd.s32 @!p5 $0xFFFFF800  }
0x2e5: {  	s10 =	sadd.s32 $0x80, s10;
	s16 =	sshrl.u32 s22, $0x1;
	s22 =	sshll.u32 s0, $0xD;
	v7 =	vld [tilespmem:s13+$0x0]  }
0x2e6: {  	s11 =	sadd.s32 $0x1, s11;
	s4 =	sadd.s32 s4, s16;
	s16 =	sshra.s32 s22, $0x2  }
.Ltmp58:
0x2e7: {  	s22 =	sshrl.u32 s4, $0x4;
	s4 =	sadd.s32 $0x2480, s16;
	(pc) =	sbr.rel @p4 .LBB2_81-.Ltmp58, $4  }
0x2e8: {  	s12 =	sadd.s32 $0x800, s12;
	p2 =	slt.s32 s14, $0xA;
	s24 =	smul.u32 $0xFFFDA000, s22  }
0x2e9: {  	s13 =	sadd.s32 $0x10, s13;
	s16 =	simm.s32 @!p2 $0x2;
	s26 =	smul.u32 $0xFFFFDA00, s22  }
0x2ea: {  	s14 =	sadd.s32 $0x1, s14;
	s25 =	sshll.u32 s0, $0x7;
	s22 =	sshra.s32 s24, $0x2;
	v6 =	vshra.s32 v7, $0xE;
	v7 =	vand.u32 $0x3FFF, v7  }
0x2eb: {  	s24 =	sshra.s32 s26, $0x2;
	s26 =	sadd.s32 $0xC80, s25;
	s22 =	sadd.s32 s22, s18;
	[tilespmem:s25+$0x1880] =	vst v7  }
.LBB2_82:
0x2ec: {  	[tilespmem:s25+$0xC80] =	vst v6  }
0x2ed: {  	[tilespmem:s4], [sflag:$0x2] =	stream.indirect.gather [hbm4b:s1+s30], $0x80, s26, s30, $0xb8;
	[tilespmem:$0x1F880] =	vst v63  }
0x2ee: {  	_ =	swait.ge @!p2 [sflag:s16], $0x800  }
0x2ef: {  	s0 =	sadd.s32 s24, s8;
	[sflag:s16] =	ssyncset.done @!p2 $0x0  }
0x2f0: {  	s31 =	sshll.u32 s21, $0x6;
	s4 =	simm.s32 @!p2 $0x10;
	[sflag:s16] =	ssyncadd.s32 @!p2 $0xFFFFF800  }
0x2f1: {  	[spmem:s3] =	stream.indirect.scatter.add.f32 @!p2 [tilespmem:s22], [sflag:$0x3], $0x80, s0, s4, $0xb8;
	[tilespmem:$0x1F880] =	vst v63  }
0x2f2: {  	s0 =	sshra.s32 s31, $0x2  }
0x2f3: {  	v6 =	vld [tilespmem:s0+$0xA80];
	_ =	sdelay $0x4  }
0x2f4: {  	[tilespmem:$0xA80] =	vst v6  }
.LBB2_83:
0x2f5: {  	p2 =	seq.s32 s15, $0x18  }
0x2f6: {  	s0 =	smul.u32 @!p2 $0x320, s15;
	_ =	sdelay $0x1  }
0x2f7: {  	s0 =	sadd.s32 @!p2 s0, s17  }
0x2f8: {  	s0 =	sshrl.u32 @!p2 s0, $0x3  }
0x2f9: {  	s8 =	simm.s32 @!p2 $0x0;
	s4 =	sadd.s32 @!p2 s6, s0  }
0x2fa: {  	[tilespmem:s8], [sflag:$0x1] =	stream.linear.gather @!p2 [hbm4b:s4+s8], $0x190, $0x38;
	[tilespmem:$0x1F880] =	vst v63  }
0x2fb: {  	s9 =	simm.s32 @!p2 $0x380;
	s4 =	sadd.s32 @!p2 s7, s0  }
0x2fc: {  	[tilespmem:s9], [sflag:$0x1] =	stream.linear.gather @!p2 [hbm4b:s4+s8], $0x190, $0x38;
	[tilespmem:$0x1F880] =	vst v63  }
0x2fd: {  	s0 =	sadd.s32 @!p2 s2, s0;
	s4 =	simm.s32 @!p2 $0x700  }
0x2fe: {  	[tilespmem:s4], [sflag:$0x1] =	stream.linear.gather @!p2 [hbm4b:s0+s8], $0x190, $0x38;
	[tilespmem:$0x1F880] =	vst v63  }
0x2ff: {  	_ =	swait.ge [sflag:s29], $0x190  }
0x300: {  	[sflag:s29] =	ssyncset.done $0x0  }
0x301: {  	[sflag:s29] =	ssyncadd.s32 $0xFFFFFE70  }
0x302: {  	_ =	swait.ge [sflag:s29], $0x190  }
0x303: {  	[sflag:s29] =	ssyncset.done $0x0  }
0x304: {  	[sflag:s29] =	ssyncadd.s32 $0xFFFFFE70  }
0x305: {  	_ =	swait.ge [sflag:s29], $0x190  }
0x306: {  	[sflag:s29] =	ssyncset.done $0x0  }
0x307: {  	s28 =	simm.s32 $0x0;
	[sflag:s29] =	ssyncadd.s32 $0xFFFFFE70  }
0x308: {  	v6 =	vld [tilespmem:s28+$0x890];
	_ =	sdelay $0x4  }
0x309: {  	vm0 =	veq.s32 v6, v2  }
0x30a: {  	v6 =	vsel vm0, $0x1, v4  }
0x30b: {  	v7 =	vld [tilespmem:s28+$0x190];
	(xrf0) =	vadd.scan.msk.s32 $0xffff, v6;
	_ =	sdelay $0x1  }
0x30c: {  	v6 =	vld [tilespmem:s28+$0x510];
	_ =	sdelay $0x2  }
0x30d: {  	v7 =	vadd.s32 v3, v7  }
0x30e: {  	s10 =	simm.s32 $0xFFFFFFFF;
	s31 =	sshll.u32 s21, $0x4;
	v7 =	vshll.u32 v7, $0xE;
	v8, _, _ =	vpop (xrf0)  }
0x30f: {  	s10 =	simm.s32 @!p3 $0x0;
	s8 =	ssub.s32 s20, s31;
	v6 =	vor.u32 v6, v7;
	(v2sf) =	vpush v8, $0xF  }
0x310: {  	s9 =	simm.s32 $0x80;
	s20 =	sadd.s32 s23, s21;
	s4 =	simm.s32 $0x10;
	[tilespmem:s8+$0xA80] =	vst.msk vm0, v6  }
.LBB2_84:
0x311: {  	p0 =	sne.s32 s9, $0x600;
	v6 =	vld [tilespmem:s4+$0x890];
	_ =	sdelay $0x4  }
0x312: {  	vm0 =	veq.s32 v6, v2  }
0x313: {  	v6 =	vsel vm0, $0x1, v4  }
0x314: {  	v7 =	vld [tilespmem:s4+$0x190];
	(xrf0) =	vadd.scan.msk.s32 $0xffff, v6;
	_ =	sdelay $0x1  }
0x315: {  	v6 =	vld [tilespmem:s4+$0x510];
	_ =	sdelay $0x1  }
.Ltmp59:
0x316: {  	(pc) =	sbr.rel @p0 .LBB2_84-.Ltmp59, $4  }
0x317: {  	v7 =	vadd.s32 v3, v7  }
0x318: {  	v7 =	vshll.u32 v7, $0xE;
	v8, _, _ =	vpop (xrf0);
	s0 =	spop (v2sf)  }
0x319: {  	v6 =	vor.u32 v6, v7;
	(v2sf) =	vpush v8, $0xF;
	s8 =	sadd.s32 s8, s0  }
0x31a: {  	s4 =	sshra.s32 s9, $0x2;
	s9 =	sadd.s32 $0x40, s9;
	[tilespmem:s8+$0xA80] =	vst.msk vm0, v6  }
0x31b: {  	v6 =	vld [tilespmem:s4+$0x890];
	_ =	sdelay $0x4  }
0x31c: {  	vm0 =	veq.s32 v6, v2  }
0x31d: {  	v6 =	vsel vm0, $0x1, v4  }
0x31e: {  	(xrf0) =	vadd.scan.msk.s32 $0xffff, v6;
	_ =	sdelay $0x5  }
0x31f: {  	v6, _, _ =	vpop (xrf0)  }
0x320: {  	(v2sf) =	vpush v6, $0xF;
	_ =	sdelay $0xd  }
0x321: {  	s0 =	spop (v2sf)  }
0x322: {  	s0 =	sadd.s32 s8, s0;
	s28 =	spop (v2sf)  }
0x323: {  	s8 =	sadd.s32 s0, s28  }
0x324: {  	s9 =	sand.u32 $0xF, s8  }
0x325: {  	v7 =	vld [tilespmem:s4+$0x510];
	s31 =	sshra.s32 s8, $0x1F;
	p3 =	slt.s32 s8, $0x1;
	p4 =	sne.s32 s9, $0x0  }
0x326: {  	v6 =	vld [tilespmem:s4+$0x190];
	s4 =	sshrl.u32 s31, $0x1C;
	p0 =	por !p3, !p4  }
0x327: {  	s9 =	simm.s32 $0x1;
	s4 =	sadd.s32 s4, s8;
	p0 =	por !p0, !p0  }
0x328: {  	s21 =	sshra.s32 s4, $0x4;
	s9 =	simm.s32 @!p0 $0x0  }
0x329: {  	s9 =	ssub.s32 s21, s9  }
0x32a: {  	p0 =	slt.s32 s9, $0x1  }
.Ltmp60:
0x32b: {  	_ = 	snop;
	(pc) =	sbr.rel @p0 .LBB2_89-.Ltmp60, $4  }
0x32c: {  	v6 =	vadd.s32 v3, v6  }
0x32d: {  	v6 =	vshll.u32 v6, $0xE  }
0x32e: {  	v6 =	vor.u32 v7, v6  }
0x32f: {  	[tilespmem:s0+$0xA80] =	vst.msk vm0, v6  }
0x330: {  	s0 =	smulhi.u32 $0x6BCA1AF3, s20  }
0x331: {  	s4 =	sshra.s32 s20, $0x1F;
	s11 =	sshll.u32 s20, $0xD;
	s12 =	sadd.s32 s19, s23  }
0x332: {  	s24 =	sshll.u32 s20, $0x9;
	p0 =	slt.s32 s20, $0x13;
	s26 =	simm.s32 $0xA80  }
0x333: {  	s4 =	smul.u32 $0x6BCA1AF3, s4;
	s11 =	sshra.s32 s11, $0x2;
	s10 =	sadd.s32 s10, s12  }
0x334: {  	s12 =	simm.s32 @!p0 $0x3;
	s18 =	sadd.s32 $0xFFFFD480, s11;
	s13 =	sadd.s32 $0xFFFFFFF6, s10  }
0x335: {  	s11 =	sadd.s32 $0xFFFFFFFF, s9;
	_ =	swait.ge @!p0 [sflag:s12], $0x800;
	s0 =	sadd.s32 s4, s0  }
0x336: {  	s4 =	sshra.s32 s24, $0x2;
	s14 =	smulhi.u32 $0xAF286BCB, s13;
	[sflag:s12] =	ssyncset.done @!p0 $0x0  }
0x337: {  	s25 =	sshrl.u32 s0, $0x1F;
	s0 =	sshra.s32 s0, $0x3;
	s10 =	sadd.s32 $0x1380, s4  }
0x338: {  	[sflag:s12] =	ssyncadd.s32 @!p0 $0xFFFFF800;
	s0 =	sadd.s32 s25, s0;
	s22 =	ssub.s32 s13, s14  }
0x339: {  	p0 =	sne.s32 s11, $0x0;
	s0 =	smul.u32 $0x13, s0;
	s22 =	sshrl.u32 s22, $0x1  }
0x33a: {  	s12 =	sadd.s32 $0x80, s10;
	s13 =	sadd.s32 $0x1, s13;
	s14 =	sadd.s32 s14, s22  }
0x33b: {  	v6 =	vld [tilespmem:s26+$0x0];
	s22 =	sadd.s32 $0x1, s20;
	s0 =	ssub.s32 s20, s0;
	s25 =	sshrl.u32 s14, $0x4  }
0x33c: {  	p5 =	slt.s32 s0, $0x0;
	s16 =	sadd.s32 $0x13, s0;
	s26 =	smul.u32 $0xFFFDA000, s25  }
.Ltmp61:
0x33d: {  	s14 =	sadd.s32 $0x800, s18;
	s0 =	smov.u32 @p5 s16;
	(pc) =	sbr.rel @!p0 .LBB2_88-.Ltmp61, $4  }
0x33e: {  	p5 =	slt.s32 s20, $0xA;
	s16 =	simm.s32 $0xA90;
	s24 =	sshll.u32 s0, $0xD  }
0x33f: {  	s26 =	sshra.s32 s26, $0x2;
	s4 =	sshra.s32 s24, $0x2;
	s24 =	smul.u32 $0xFFFFDA00, s25  }
0x340: {  	v7 =	vand.u32 $0x3FFF, v6;
	s28 =	simm.s32 @!p5 $0x2;
	s25 =	sshll.u32 s0, $0x7;
	s31 =	sadd.s32 s26, s18  }
0x341: {  	v6 =	vshra.s32 v6, $0xE;
	s4 =	sadd.s32 $0x2480, s4;
	s26 =	sadd.s32 $0xC80, s25;
	[tilespmem:s25+$0x1880] =	vst v7;
	s24 =	sshra.s32 s24, $0x2  }
.LBB2_87:
0x342: {  	s0 =	smulhi.u32 $0x6BCA1AF3, s22;
	s18 =	sshra.s32 s22, $0x1F;
	s11 =	sadd.s32 $0xFFFFFFFF, s11;
	[tilespmem:s25+$0xC80] =	vst v6  }
0x343: {  	[tilespmem:s4], [sflag:$0x2] =	stream.indirect.gather [hbm4b:s1+s30], $0x80, s26, s30, $0xb8;
	[tilespmem:$0x1F880] =	vst v63  }
0x344: {  	p0 =	slt.s32 s22, $0x13;
	s4 =	smul.u32 $0x6BCA1AF3, s18;
	_ =	swait.ge @!p5 [sflag:s28], $0x800  }
0x345: {  	p6 =	sne.s32 s11, $0x0;
	s18 =	smov.u32 s14;
	[sflag:s28] =	ssyncset.done @!p5 $0x0  }
0x346: {  	s25 =	simm.s32 @!p0 $0x3;
	s0 =	sadd.s32 s4, s0;
	[sflag:s28] =	ssyncadd.s32 @!p5 $0xFFFFF800  }
0x347: {  	s4 =	sshrl.u32 s0, $0x1F;
	s0 =	sshra.s32 s0, $0x3  }
0x348: {  	s0 =	sadd.s32 s4, s0;
	s4 =	sadd.s32 s24, s10;
	s24 =	simm.s32 @!p5 $0x10  }
0x349: {  	s10 =	smov.u32 s12;
	s0 =	smul.u32 $0x13, s0  }
0x34a: {  	[spmem:s3] =	stream.indirect.scatter.add.f32 @!p5 [tilespmem:s31], [sflag:$0x3], $0x80, s4, s24, $0xb8;
	[tilespmem:$0x1F880] =	vst v63  }
0x34b: {  	s4 =	smulhi.u32 $0xAF286BCB, s13;
	s0 =	ssub.s32 s22, s0;
	_ =	swait.ge @!p0 [sflag:s25], $0x800  }
0x34c: {  	p5 =	slt.s32 s0, $0x0;
	s24 =	sadd.s32 $0x13, s0;
	[sflag:s25] =	ssyncset.done @!p0 $0x0  }
0x34d: {  	s26 =	ssub.s32 s13, s4;
	s0 =	smov.u32 @p5 s24;
	[sflag:s25] =	ssyncadd.s32 @!p0 $0xFFFFF800  }
0x34e: {  	s12 =	sadd.s32 $0x80, s12;
	s24 =	sshrl.u32 s26, $0x1;
	s25 =	sshll.u32 s0, $0xD;
	v7 =	vld [tilespmem:s16+$0x0]  }
0x34f: {  	s13 =	sadd.s32 $0x1, s13;
	s4 =	sadd.s32 s4, s24;
	s24 =	sshra.s32 s25, $0x2  }
.Ltmp62:
0x350: {  	s25 =	sshrl.u32 s4, $0x4;
	s4 =	sadd.s32 $0x2480, s24;
	(pc) =	sbr.rel @p6 .LBB2_87-.Ltmp62, $4  }
0x351: {  	s14 =	sadd.s32 $0x800, s14;
	p5 =	slt.s32 s22, $0xA;
	s24 =	smul.u32 $0xFFFDA000, s25  }
0x352: {  	s28 =	simm.s32 @!p5 $0x2;
	s16 =	sadd.s32 $0x10, s16;
	s26 =	smul.u32 $0xFFFFDA00, s25  }
0x353: {  	s22 =	sadd.s32 $0x1, s22;
	s25 =	sshll.u32 s0, $0x7;
	s24 =	sshra.s32 s24, $0x2;
	v6 =	vshra.s32 v7, $0xE;
	v7 =	vand.u32 $0x3FFF, v7  }
0x354: {  	s31 =	sadd.s32 s24, s18;
	s24 =	sshra.s32 s26, $0x2;
	s26 =	sadd.s32 $0xC80, s25;
	[tilespmem:s25+$0x1880] =	vst v7  }
.LBB2_88:
0x355: {  	[tilespmem:s25+$0xC80] =	vst v6  }
0x356: {  	[tilespmem:s4], [sflag:$0x2] =	stream.indirect.gather [hbm4b:s1+s30], $0x80, s26, s30, $0xb8;
	[tilespmem:$0x1F880] =	vst v63  }
0x357: {  	_ =	swait.ge @!p5 [sflag:s28], $0x800  }
0x358: {  	[sflag:s28] =	ssyncset.done @!p5 $0x0  }
0x359: {  	s0 =	sadd.s32 s24, s10;
	s4 =	simm.s32 @!p5 $0x10;
	[sflag:s28] =	ssyncadd.s32 @!p5 $0xFFFFF800  }
0x35a: {  	[spmem:s3] =	stream.indirect.scatter.add.f32 @!p5 [tilespmem:s31], [sflag:$0x3], $0x80, s0, s4, $0xb8;
	[tilespmem:$0x1F880] =	vst v63  }
0x35b: {  	s31 =	sshll.u32 s9, $0x6  }
0x35c: {  	s0 =	sshra.s32 s31, $0x2  }
0x35d: {  	v6 =	vld [tilespmem:s0+$0xA80];
	_ =	sdelay $0x4  }
0x35e: {  	[tilespmem:$0xA80] =	vst v6  }
.LBB2_89:
.Ltmp63:
0x35f: {  	(pc) =	sbr.rel @p2 .LBB2_91-.Ltmp63, $3  }
0x360: {  	_ =	sdelay $0x1  }
0x361: {  	s0 =	sshll.u32 s9, $0x4  }
0x362: {  	s20 =	sadd.s32 s20, s9;
	s10 =	ssub.s32 s8, s0  }
0x363: {  	s0 =	smul.u32 $0x320, s15  }
0x364: {  	s4 =	rddreg [dreg:$0xe]  }
0x365: {  	s0 =	sadd.s32 s0, s4  }
0x366: {  	s0 =	sshrl.u32 s0, $0x3  }
0x367: {  	s8 =	simm.s32 $0x190;
	s25 =	sadd.s32 s6, s0  }
0x368: {  	[tilespmem:s8], [sflag:$0x1] =	stream.linear.gather [hbm4b:s25+s5], $0x190, $0x38;
	[tilespmem:$0x1F880] =	vst v63  }
.Ltmp64:
0x369: {  	_ = 	snop;
	(pc) =	sbr.rel .LBB2_77-.Ltmp64, $4  }
0x36a: {  	s28 =	simm.s32 $0x510;
	s31 =	simm.s32 $0x890;
	s26 =	sadd.s32 s7, s0  }
0x36b: {  	[tilespmem:s28], [sflag:$0x1] =	stream.linear.gather [hbm4b:s26+s5], $0x190, $0x38;
	[tilespmem:$0x1F880] =	vst v63  }
0x36c: {  	s15 =	sadd.s32 $0x1, s15;
	s23 =	smov.u32 s20;
	s0 =	sadd.s32 s2, s0  }
0x36d: {  	[tilespmem:s31], [sflag:$0x1] =	stream.linear.gather [hbm4b:s0+s5], $0x190, $0x38;
	[tilespmem:$0x1F880] =	vst v63  }
.LBB2_91:
0x36e: {  	s0 =	sadd.s32 $0xF, s10  }
0x36f: {  	s4 =	sand.u32 $0xF, s0  }
0x370: {  	s31 =	sshra.s32 s0, $0x1F;
	p2 =	slt.s32 s0, $0x1;
	p0 =	sne.s32 s4, $0x0  }
0x371: {  	s4 =	sshrl.u32 s31, $0x1C;
	p0 =	por !p2, !p0  }
0x372: {  	s0 =	sadd.s32 s4, s0;
	s4 =	simm.s32 $0x1;
	p0 =	por !p0, !p0  }
0x373: {  	s0 =	sshrl.u32 s0, $0x4;
	s4 =	simm.s32 @!p0 $0x0  }
0x374: {  	s0 =	ssub.s32 s0, s4  }
0x375: {  	s15 =	sshll.u32 s0, $0x4  }
0x376: {  	s8 =	sshra.s32 s15, $0x4  }
0x377: {  	p0 =	slt.s32 s8, $0x1  }
.Ltmp65:
0x378: {  	_ = 	snop;
	(pc) =	sbr.rel @p0 .LBB2_95-.Ltmp65, $2  }
0x379: {  	_ =	sdelay $0x2  }
0x37a: {  	[tilespmem:s10+$0xA80] =	vst v5  }
0x37b: {  	s4 =	sld [smem:$0x7F7];
	_ =	sdelay $0x2  }
0x37c: {  	p0 =	seq.s32 s4, $0x1  }
0x37d: {  	s0 =	sadd.s32 s19, s23;
	p6 =	por !p4, !p3;
	p0 =	por !p1, !p0  }
0x37e: {  	s9 =	simm.s32 $0x1;
	s4 =	simm.s32 $0x1;
	p0 =	por !p0, !p0  }
0x37f: {  	s0 =	sadd.s32 s21, s0;
	p1 =	por !p6, !p6;
	s4 =	simm.s32 @!p0 $0x0  }
0x380: {  	s9 =	simm.s32 @!p1 $0x0;
	s0 =	ssub.s32 s0, s4  }
0x381: {  	s0 =	ssub.s32 s0, s9  }
0x382: {  	s11 =	simm.s32 $0xA80;
	s21 =	smulhi.u32 $0x6BCA1AF3, s0  }
0x383: {  	s9 =	sshra.s32 s0, $0x1F;
	s10 =	sshll.u32 s0, $0xD;
	s22 =	sshll.u32 s0, $0x9  }
0x384: {  	s12 =	sadd.s32 $0xFFFFFFF6, s0;
	p0 =	slt.s32 s0, $0x13;
	s9 =	smul.u32 $0x6BCA1AF3, s9  }
0x385: {  	s10 =	sshra.s32 s10, $0x2;
	s13 =	simm.s32 @!p0 $0x3;
	s14 =	smulhi.u32 $0xAF286BCB, s12  }
0x386: {  	s18 =	sadd.s32 $0xFFFFD480, s10;
	s10 =	sadd.s32 $0xFFFFFFFF, s8;
	s4 =	sadd.s32 s9, s21  }
0x387: {  	_ =	swait.ge @!p0 [sflag:s13], $0x800;
	s23 =	sshrl.u32 s4, $0x1F;
	s4 =	sshra.s32 s4, $0x3  }
0x388: {  	s9 =	sshra.s32 s22, $0x2;
	[sflag:s13] =	ssyncset.done @!p0 $0x0;
	s4 =	sadd.s32 s23, s4  }
0x389: {  	s24 =	ssub.s32 s12, s14;
	s12 =	sadd.s32 $0x1, s12;
	s4 =	smul.u32 $0x13, s4  }
0x38a: {  	s9 =	sadd.s32 $0x1380, s9;
	[sflag:s13] =	ssyncadd.s32 @!p0 $0xFFFFF800;
	s25 =	sshrl.u32 s24, $0x1  }
0x38b: {  	p0 =	slt.s32 s0, $0xA;
	s13 =	sadd.s32 $0x800, s18;
	s16 =	ssub.s32 s0, s4  }
0x38c: {  	v6 =	vld [tilespmem:s11+$0x0];
	s11 =	sadd.s32 $0x80, s9;
	p1 =	slt.s32 s16, $0x0;
	s4 =	sadd.s32 $0x13, s16  }
0x38d: {  	s16 =	smov.u32 @p1 s4;
	p1 =	sne.s32 s10, $0x0;
	s4 =	sadd.s32 s14, s25  }
.Ltmp66:
0x38e: {  	s19 =	simm.s32 @!p0 $0x2;
	s14 =	sshrl.u32 s4, $0x4;
	(pc) =	sbr.rel @!p1 .LBB2_94-.Ltmp66, $4  }
0x38f: {  	s26 =	sshll.u32 s16, $0xD;
	s23 =	sshll.u32 s16, $0x7;
	s31 =	smul.u32 $0xFFFDA000, s14  }
0x390: {  	s16 =	sadd.s32 $0x1, s0;
	s28 =	sshra.s32 s26, $0x2;
	s22 =	smul.u32 $0xFFFFDA00, s14  }
0x391: {  	v7 =	vand.u32 $0x3FFF, v6;
	s14 =	simm.s32 $0xA90;
	s24 =	sadd.s32 $0xC80, s23;
	s21 =	sshra.s32 s31, $0x2  }
0x392: {  	v6 =	vshra.s32 v6, $0xE;
	[tilespmem:s23+$0x1880] =	vst v7;
	s4 =	sadd.s32 $0x2480, s28;
	s22 =	sshra.s32 s22, $0x2;
	s21 =	sadd.s32 s21, s18  }
.LBB2_93:
0x393: {  	s0 =	smulhi.u32 $0x6BCA1AF3, s16;
	s18 =	sshra.s32 s16, $0x1F;
	s10 =	sadd.s32 $0xFFFFFFFF, s10;
	[tilespmem:s23+$0xC80] =	vst v6  }
0x394: {  	[tilespmem:s4], [sflag:$0x2] =	stream.indirect.gather [hbm4b:s1+s30], $0x80, s24, s30, $0xb8;
	[tilespmem:$0x1F880] =	vst v63  }
0x395: {  	p2 =	slt.s32 s16, $0x13;
	s4 =	smul.u32 $0x6BCA1AF3, s18;
	_ =	swait.ge @!p0 [sflag:s19], $0x800  }
0x396: {  	p1 =	sne.s32 s10, $0x0;
	s18 =	smov.u32 s13;
	[sflag:s19] =	ssyncset.done @!p0 $0x0  }
0x397: {  	s23 =	simm.s32 @!p2 $0x3;
	s0 =	sadd.s32 s4, s0;
	[sflag:s19] =	ssyncadd.s32 @!p0 $0xFFFFF800  }
0x398: {  	s4 =	sshrl.u32 s0, $0x1F;
	s0 =	sshra.s32 s0, $0x3  }
0x399: {  	s19 =	simm.s32 @!p0 $0x10;
	s0 =	sadd.s32 s4, s0;
	s4 =	sadd.s32 s22, s9  }
0x39a: {  	s9 =	smov.u32 s11;
	s0 =	smul.u32 $0x13, s0  }
0x39b: {  	[spmem:s3] =	stream.indirect.scatter.add.f32 @!p0 [tilespmem:s21], [sflag:$0x3], $0x80, s4, s19, $0xb8;
	[tilespmem:$0x1F880] =	vst v63  }
0x39c: {  	s4 =	smulhi.u32 $0xAF286BCB, s12;
	s0 =	ssub.s32 s16, s0;
	_ =	swait.ge @!p2 [sflag:s23], $0x800  }
0x39d: {  	p0 =	slt.s32 s0, $0x0;
	s19 =	sadd.s32 $0x13, s0;
	[sflag:s23] =	ssyncset.done @!p2 $0x0  }
0x39e: {  	s21 =	ssub.s32 s12, s4;
	s0 =	smov.u32 @p0 s19;
	[sflag:s23] =	ssyncadd.s32 @!p2 $0xFFFFF800  }
0x39f: {  	s11 =	sadd.s32 $0x80, s11;
	s19 =	sshrl.u32 s21, $0x1;
	s21 =	sshll.u32 s0, $0xD;
	v7 =	vld [tilespmem:s14+$0x0]  }
0x3a0: {  	s12 =	sadd.s32 $0x1, s12;
	s4 =	sadd.s32 s4, s19;
	s19 =	sshra.s32 s21, $0x2  }
.Ltmp67:
0x3a1: {  	s21 =	sshrl.u32 s4, $0x4;
	s4 =	sadd.s32 $0x2480, s19;
	(pc) =	sbr.rel @p1 .LBB2_93-.Ltmp67, $4  }
0x3a2: {  	s13 =	sadd.s32 $0x800, s13;
	p0 =	slt.s32 s16, $0xA;
	s22 =	smul.u32 $0xFFFDA000, s21  }
0x3a3: {  	s14 =	sadd.s32 $0x10, s14;
	s19 =	simm.s32 @!p0 $0x2;
	s24 =	smul.u32 $0xFFFFDA00, s21  }
0x3a4: {  	s16 =	sadd.s32 $0x1, s16;
	s23 =	sshll.u32 s0, $0x7;
	s21 =	sshra.s32 s22, $0x2;
	v6 =	vshra.s32 v7, $0xE;
	v7 =	vand.u32 $0x3FFF, v7  }
0x3a5: {  	s22 =	sshra.s32 s24, $0x2;
	s24 =	sadd.s32 $0xC80, s23;
	s21 =	sadd.s32 s21, s18;
	[tilespmem:s23+$0x1880] =	vst v7  }
.LBB2_94:
0x3a6: {  	[tilespmem:s23+$0xC80] =	vst v6  }
0x3a7: {  	[tilespmem:s4], [sflag:$0x2] =	stream.indirect.gather [hbm4b:s1+s30], $0x80, s24, s30, $0xb8;
	[tilespmem:$0x1F880] =	vst v63  }
0x3a8: {  	_ =	swait.ge @!p0 [sflag:s19], $0x800  }
0x3a9: {  	[sflag:s19] =	ssyncset.done @!p0 $0x0  }
0x3aa: {  	s0 =	sadd.s32 s22, s9;
	s4 =	simm.s32 @!p0 $0x10;
	[sflag:s19] =	ssyncadd.s32 @!p0 $0xFFFFF800  }
0x3ab: {  	[spmem:s3] =	stream.indirect.scatter.add.f32 @!p0 [tilespmem:s21], [sflag:$0x3], $0x80, s0, s4, $0xb8;
	[tilespmem:$0x1F880] =	vst v63  }
0x3ac: {  	v6 =	vld [tilespmem:s15+$0xA80];
	_ =	sdelay $0x4  }
0x3ad: {  	[tilespmem:$0xA80] =	vst v6  }
.LBB2_95:
0x3ae: {  	s15 =	sadd.s32 s20, s8  }
0x3af: {  	p3 =	slt.s32 s15, $0xA  }
.Ltmp68:
0x3b0: {  	_ = 	snop;
	(pc) =	sbr.rel @p3 .LBB2_97-.Ltmp68, $1  }
0x3b1: {  	_ =	sdelay $0x3  }
0x3b2: {  	s0 =	sadd.s32 $0xFFFFFFF6, s15  }
0x3b3: {  	s4 =	smulhi.u32 $0xAF286BCB, s0;
	_ =	sdelay $0x1  }
0x3b4: {  	s8 =	ssub.s32 s0, s4  }
0x3b5: {  	s8 =	sshrl.u32 s8, $0x1  }
0x3b6: {  	s4 =	sadd.s32 s4, s8  }
0x3b7: {  	s4 =	sshrl.u32 s4, $0x4  }
0x3b8: {  	s9 =	simm.s32 $0x2;
	s4 =	smul.u32 $0x13, s4  }
.Ltmp69:
0x3b9: {  	_ =	swait.ge [sflag:s9], $0x800;
	(pc) =	sbr.rel .LBB2_98-.Ltmp69, $4  }
0x3ba: {  	s10 =	simm.s32 $0x3;
	[sflag:s9] =	ssyncset.done $0x0;
	s0 =	ssub.s32 s0, s4  }
0x3bb: {  	s14 =	rddreg [dreg:$0xd];
	s4 =	sshll.u32 s0, $0xB;
	s0 =	sshll.u32 s0, $0x7  }
0x3bc: {  	[sflag:s9] =	ssyncadd.s32 $0xFFFFF800;
	s4 =	sadd.s32 $0x2480, s4;
	s0 =	sadd.s32 $0x1880, s0  }
0x3bd: {  	[spmem:s3] =	stream.indirect.scatter.add.f32 [tilespmem:s4], [sflag:$0x3], $0x80, s0, s30, $0xb8;
	[tilespmem:$0x1F880] =	vst v63  }
.LBB2_97:
0x3be: {  	p0 =	sne.s32 s15, $0x9  }
.Ltmp70:
0x3bf: {  	_ = 	snop;
	(pc) =	sbr.rel @p0 .LBB2_99-.Ltmp70, $2  }
0x3c0: {  	_ =	sdelay $0x2  }
0x3c1: {  	s14 =	rddreg [dreg:$0xd];
	s9 =	simm.s32 $0x2;
	s10 =	simm.s32 $0x3  }
.LBB2_98:
0x3c2: {  	s0 =	sadd.s32 $0xFFFFFFF7, s15  }
0x3c3: {  	s4 =	smulhi.u32 $0xAF286BCB, s0;
	_ =	sdelay $0x1  }
0x3c4: {  	s8 =	ssub.s32 s0, s4  }
0x3c5: {  	s8 =	sshrl.u32 s8, $0x1  }
0x3c6: {  	s4 =	sadd.s32 s4, s8  }
0x3c7: {  	s4 =	sshrl.u32 s4, $0x4  }
0x3c8: {  	s4 =	smul.u32 $0x13, s4;
	_ =	sdelay $0x1  }
0x3c9: {  	_ =	swait.ge [sflag:s9], $0x800;
	p1 =	por $0x1, $0x1;
	s0 =	ssub.s32 s0, s4  }
0x3ca: {  	[sflag:s9] =	ssyncset.done $0x0;
	s4 =	sshll.u32 s0, $0xB;
	s0 =	sshll.u32 s0, $0x7  }
0x3cb: {  	[sflag:s9] =	ssyncadd.s32 $0xFFFFF800;
	s4 =	sadd.s32 $0x2480, s4;
	s0 =	sadd.s32 $0x1880, s0  }
0x3cc: {  	[spmem:s3] =	stream.indirect.scatter.add.f32 [tilespmem:s4], [sflag:$0x3], $0x80, s0, s30, $0xb8;
	[tilespmem:$0x1F880] =	vst v63  }
.LBB2_100:
0x3cd: {  	s0 =	sadd.s32 $0xFFFFFFF8, s15  }
0x3ce: {  	s4 =	smulhi.u32 $0xAF286BCB, s0;
	_ =	sdelay $0x1  }
0x3cf: {  	s8 =	ssub.s32 s0, s4  }
0x3d0: {  	s8 =	sshrl.u32 s8, $0x1  }
0x3d1: {  	s4 =	sadd.s32 s4, s8  }
0x3d2: {  	s4 =	sshrl.u32 s4, $0x4  }
0x3d3: {  	s4 =	smul.u32 $0x13, s4;
	_ =	sdelay $0x1  }
0x3d4: {  	_ =	swait.ge [sflag:s9], $0x800;
	p4 =	por $0x1, $0x1;
	s0 =	ssub.s32 s0, s4  }
0x3d5: {  	[sflag:s9] =	ssyncset.done $0x0;
	s4 =	sshll.u32 s0, $0xB;
	s0 =	sshll.u32 s0, $0x7  }
0x3d6: {  	[sflag:s9] =	ssyncadd.s32 $0xFFFFF800;
	s4 =	sadd.s32 $0x2480, s4;
	s0 =	sadd.s32 $0x1880, s0  }
0x3d7: {  	[spmem:s3] =	stream.indirect.scatter.add.f32 [tilespmem:s4], [sflag:$0x3], $0x80, s0, s30, $0xb8;
	[tilespmem:$0x1F880] =	vst v63  }
.LBB2_102:
0x3d8: {  	s0 =	sadd.s32 $0xFFFFFFF9, s15  }
0x3d9: {  	s4 =	smulhi.u32 $0xAF286BCB, s0;
	_ =	sdelay $0x1  }
0x3da: {  	s8 =	ssub.s32 s0, s4  }
0x3db: {  	s8 =	sshrl.u32 s8, $0x1  }
0x3dc: {  	s4 =	sadd.s32 s4, s8  }
0x3dd: {  	s4 =	sshrl.u32 s4, $0x4  }
0x3de: {  	s4 =	smul.u32 $0x13, s4;
	_ =	sdelay $0x1  }
0x3df: {  	_ =	swait.ge [sflag:s9], $0x800;
	p5 =	por $0x1, $0x1;
	s0 =	ssub.s32 s0, s4  }
0x3e0: {  	[sflag:s9] =	ssyncset.done $0x0;
	s4 =	sshll.u32 s0, $0xB;
	s0 =	sshll.u32 s0, $0x7  }
0x3e1: {  	[sflag:s9] =	ssyncadd.s32 $0xFFFFF800;
	s4 =	sadd.s32 $0x2480, s4;
	s0 =	sadd.s32 $0x1880, s0  }
0x3e2: {  	[spmem:s3] =	stream.indirect.scatter.add.f32 [tilespmem:s4], [sflag:$0x3], $0x80, s0, s30, $0xb8;
	[tilespmem:$0x1F880] =	vst v63  }
.LBB2_104:
0x3e3: {  	s0 =	sadd.s32 $0xFFFFFFFA, s15  }
0x3e4: {  	s4 =	smulhi.u32 $0xAF286BCB, s0;
	_ =	sdelay $0x1  }
0x3e5: {  	s8 =	ssub.s32 s0, s4  }
0x3e6: {  	s8 =	sshrl.u32 s8, $0x1  }
0x3e7: {  	s4 =	sadd.s32 s4, s8  }
0x3e8: {  	s4 =	sshrl.u32 s4, $0x4  }
0x3e9: {  	s4 =	smul.u32 $0x13, s4;
	_ =	sdelay $0x1  }
0x3ea: {  	_ =	swait.ge [sflag:s9], $0x800;
	p6 =	por $0x1, $0x1;
	s0 =	ssub.s32 s0, s4  }
0x3eb: {  	[sflag:s9] =	ssyncset.done $0x0;
	s4 =	sshll.u32 s0, $0xB;
	s0 =	sshll.u32 s0, $0x7  }
0x3ec: {  	[sflag:s9] =	ssyncadd.s32 $0xFFFFF800;
	s4 =	sadd.s32 $0x2480, s4;
	s0 =	sadd.s32 $0x1880, s0  }
0x3ed: {  	[spmem:s3] =	stream.indirect.scatter.add.f32 [tilespmem:s4], [sflag:$0x3], $0x80, s0, s30, $0xb8;
	[tilespmem:$0x1F880] =	vst v63  }
.LBB2_106:
0x3ee: {  	s0 =	sadd.s32 $0xFFFFFFFB, s15  }
0x3ef: {  	s4 =	smulhi.u32 $0xAF286BCB, s0;
	_ =	sdelay $0x1  }
0x3f0: {  	s8 =	ssub.s32 s0, s4  }
0x3f1: {  	s8 =	sshrl.u32 s8, $0x1  }
0x3f2: {  	s4 =	sadd.s32 s4, s8  }
0x3f3: {  	s4 =	sshrl.u32 s4, $0x4  }
0x3f4: {  	s4 =	smul.u32 $0x13, s4;
	_ =	sdelay $0x1  }
0x3f5: {  	_ =	swait.ge [sflag:s9], $0x800;
	p2 =	por $0x1, $0x1;
	s0 =	ssub.s32 s0, s4  }
0x3f6: {  	[sflag:s9] =	ssyncset.done $0x0;
	s4 =	sshll.u32 s0, $0xB;
	s0 =	sshll.u32 s0, $0x7  }
0x3f7: {  	[sflag:s9] =	ssyncadd.s32 $0xFFFFF800;
	s4 =	sadd.s32 $0x2480, s4;
	s0 =	sadd.s32 $0x1880, s0  }
0x3f8: {  	[spmem:s3] =	stream.indirect.scatter.add.f32 [tilespmem:s4], [sflag:$0x3], $0x80, s0, s30, $0xb8;
	[tilespmem:$0x1F880] =	vst v63  }
.LBB2_108:
0x3f9: {  	s0 =	sadd.s32 $0xFFFFFFFC, s15  }
0x3fa: {  	s4 =	smulhi.u32 $0xAF286BCB, s0;
	_ =	sdelay $0x1  }
0x3fb: {  	s8 =	ssub.s32 s0, s4  }
0x3fc: {  	s8 =	sshrl.u32 s8, $0x1  }
0x3fd: {  	s4 =	sadd.s32 s4, s8  }
0x3fe: {  	s4 =	sshrl.u32 s4, $0x4  }
0x3ff: {  	s4 =	smul.u32 $0x13, s4;
	_ =	sdelay $0x1  }
0x400: {  	_ =	swait.ge [sflag:s9], $0x800;
	p0 =	por $0x1, $0x1;
	s0 =	ssub.s32 s0, s4  }
0x401: {  	[sflag:s9] =	ssyncset.done $0x0;
	s4 =	sshll.u32 s0, $0xB;
	s0 =	sshll.u32 s0, $0x7  }
0x402: {  	[sflag:s9] =	ssyncadd.s32 $0xFFFFF800;
	s4 =	sadd.s32 $0x2480, s4;
	s0 =	sadd.s32 $0x1880, s0  }
0x403: {  	[spmem:s3] =	stream.indirect.scatter.add.f32 [tilespmem:s4], [sflag:$0x3], $0x80, s0, s30, $0xb8;
	[tilespmem:$0x1F880] =	vst v63  }
0x404: {  	s0 =	simm.s32 @!p0 $0x0  }
0x405: {  	s0 =	simm.s32 @p0 $0x1  }
0x406: {  	[smem:$0x7F6] =	sst s0  }
.LBB2_110:
0x407: {  	s31 =	sadd.s32 $0xFFFFFFFD, s15  }
0x408: {  	s4 =	smulhi.u32 $0xAF286BCB, s31;
	_ =	sdelay $0x1  }
0x409: {  	s8 =	ssub.s32 s31, s4  }
0x40a: {  	s8 =	sshrl.u32 s8, $0x1  }
0x40b: {  	s4 =	sadd.s32 s4, s8  }
0x40c: {  	s0 =	simm.s32 @!p2 $0x0;
	s4 =	sshrl.u32 s4, $0x4  }
0x40d: {  	s0 =	simm.s32 @p2 $0x1;
	s4 =	smul.u32 $0x13, s4  }
0x40e: {  	[smem:$0x7F4] =	sst s0  }
0x40f: {  	p0 =	por $0x1, $0x1;
	_ =	swait.ge [sflag:s9], $0x800;
	s0 =	ssub.s32 s31, s4  }
0x410: {  	[sflag:s9] =	ssyncset.done $0x0;
	s4 =	sshll.u32 s0, $0xB;
	s0 =	sshll.u32 s0, $0x7  }
0x411: {  	[sflag:s9] =	ssyncadd.s32 $0xFFFFF800;
	s4 =	sadd.s32 $0x2480, s4;
	s0 =	sadd.s32 $0x1880, s0  }
0x412: {  	[spmem:s3] =	stream.indirect.scatter.add.f32 [tilespmem:s4], [sflag:$0x3], $0x80, s0, s30, $0xb8;
	[tilespmem:$0x1F880] =	vst v63  }
.LBB2_112:
0x413: {  	s31 =	sadd.s32 $0xFFFFFFFE, s15  }
0x414: {  	s4 =	smulhi.u32 $0xAF286BCB, s31;
	_ =	sdelay $0x1  }
0x415: {  	s8 =	ssub.s32 s31, s4  }
0x416: {  	s8 =	sshrl.u32 s8, $0x1  }
0x417: {  	s4 =	sadd.s32 s4, s8  }
0x418: {  	s0 =	simm.s32 @!p0 $0x0;
	s4 =	sshrl.u32 s4, $0x4  }
0x419: {  	s0 =	simm.s32 @p0 $0x1;
	s4 =	smul.u32 $0x13, s4  }
0x41a: {  	[smem:$0x7F3] =	sst s0  }
0x41b: {  	p2 =	por $0x1, $0x1;
	_ =	swait.ge [sflag:s9], $0x800;
	s0 =	ssub.s32 s31, s4  }
0x41c: {  	[sflag:s9] =	ssyncset.done $0x0;
	s4 =	sshll.u32 s0, $0xB;
	s0 =	sshll.u32 s0, $0x7  }
0x41d: {  	[sflag:s9] =	ssyncadd.s32 $0xFFFFF800;
	s4 =	sadd.s32 $0x2480, s4;
	s0 =	sadd.s32 $0x1880, s0  }
0x41e: {  	[spmem:s3] =	stream.indirect.scatter.add.f32 [tilespmem:s4], [sflag:$0x3], $0x80, s0, s30, $0xb8;
	[tilespmem:$0x1F880] =	vst v63  }
.LBB2_114:
0x41f: {  	s0 =	sadd.s32 $0xFFFFFFFF, s15  }
0x420: {  	s4 =	smulhi.u32 $0xAF286BCB, s0;
	_ =	sdelay $0x1  }
0x421: {  	s8 =	ssub.s32 s0, s4  }
0x422: {  	s8 =	sshrl.u32 s8, $0x1  }
0x423: {  	s4 =	sadd.s32 s4, s8  }
0x424: {  	p0 =	por p6, p6;
	s4 =	sshrl.u32 s4, $0x4  }
0x425: {  	p6 =	por p3, p3;
	p3 =	slt.u32 s15, $0x13;
	s4 =	smul.u32 $0x13, s4  }
.Ltmp71:
0x426: {  	_ = 	snop;
	(pc) =	sbr.rel @p3 .LBB2_116-.Ltmp71, $4  }
0x427: {  	_ =	swait.ge [sflag:s9], $0x800;
	s0 =	ssub.s32 s0, s4  }
0x428: {  	[sflag:s9] =	ssyncset.done $0x0;
	s4 =	sshll.u32 s0, $0xB;
	s0 =	sshll.u32 s0, $0x7  }
0x429: {  	[sflag:s9] =	ssyncadd.s32 $0xFFFFF800;
	s4 =	sadd.s32 $0x2480, s4;
	s0 =	sadd.s32 $0x1880, s0  }
0x42a: {  	[spmem:s3] =	stream.indirect.scatter.add.f32 [tilespmem:s4], [sflag:$0x3], $0x80, s0, s30, $0xb8;
	[tilespmem:$0x1F880] =	vst v63  }
.Ltmp72:
0x42b: {  	(pc) =	sbr.rel .LBB2_117-.Ltmp72, $4  }
0x42c: {  	_ = 	snop  }
0x42d: {  	_ =	swait.ge [sflag:s10], $0x800  }
0x42e: {  	[sflag:s10] =	ssyncset.done $0x0  }
0x42f: {  	[sflag:s10] =	ssyncadd.s32 $0xFFFFF800  }
.LBB2_116:
0x430: {  	p3 =	sne.s32 s15, $0x12  }
.Ltmp73:
0x431: {  	_ = 	snop;
	(pc) =	sbr.rel @p3 .LBB2_118-.Ltmp73, $1  }
0x432: {  	_ =	sdelay $0x3  }
.LBB2_117:
0x433: {  	_ =	swait.ge [sflag:s10], $0x800  }
0x434: {  	[sflag:s10] =	ssyncset.done $0x0  }
0x435: {  	[sflag:s10] =	ssyncadd.s32 $0xFFFFF800  }
.LBB2_119:
0x436: {  	_ =	swait.ge [sflag:s10], $0x800  }
0x437: {  	[sflag:s10] =	ssyncset.done $0x0  }
0x438: {  	[sflag:s10] =	ssyncadd.s32 $0xFFFFF800  }
.LBB2_121:
0x439: {  	_ =	swait.ge [sflag:s10], $0x800  }
0x43a: {  	[sflag:s10] =	ssyncset.done $0x0  }
0x43b: {  	[sflag:s10] =	ssyncadd.s32 $0xFFFFF800  }
.LBB2_123:
0x43c: {  	_ =	swait.ge [sflag:s10], $0x800  }
0x43d: {  	[sflag:s10] =	ssyncset.done $0x0  }
0x43e: {  	[sflag:s10] =	ssyncadd.s32 $0xFFFFF800  }
.LBB2_125:
0x43f: {  	_ =	swait.ge [sflag:s10], $0x800  }
0x440: {  	[sflag:s10] =	ssyncset.done $0x0  }
0x441: {  	[sflag:s10] =	ssyncadd.s32 $0xFFFFF800  }
.LBB2_127:
0x442: {  	_ =	swait.ge [sflag:s10], $0x800  }
0x443: {  	[sflag:s10] =	ssyncset.done $0x0  }
0x444: {  	[sflag:s10] =	ssyncadd.s32 $0xFFFFF800  }
.LBB2_129:
0x445: {  	_ =	swait.ge [sflag:s10], $0x800  }
0x446: {  	[sflag:s10] =	ssyncset.done $0x0  }
0x447: {  	[sflag:s10] =	ssyncadd.s32 $0xFFFFF800  }
.LBB2_131:
0x448: {  	_ =	swait.ge [sflag:s10], $0x800  }
.Ltmp74:
0x449: {  	[sflag:s10] =	ssyncset.done $0x0;
	(pc) =	sbr.rel @!p1 .LBB2_134-.Ltmp74, $4  }
0x44a: {  	[sflag:s10] =	ssyncadd.s32 $0xFFFFF800  }
0x44b: {  	_ =	swait.ge [sflag:s10], $0x800  }
0x44c: {  	[sflag:s10] =	ssyncset.done $0x0  }
0x44d: {  	[sflag:s10] =	ssyncadd.s32 $0xFFFFF800  }
.LBB2_142:
.Ltmp75:
0x44e: {  	(pc) =	sbr.rel @p4 .LBB2_143-.Ltmp75, $4  }
0x44f: {  	_ = 	snop  }
0x450: {  	_ =	swait.ge [sflag:s10], $0x800  }
0x451: {  	[sflag:s10] =	ssyncset.done $0x0  }
0x452: {  	[sflag:s10] =	ssyncadd.s32 $0xFFFFF800  }
.LBB2_135:
.Ltmp76:
0x453: {  	(pc) =	sbr.rel @!p5 .LBB2_136-.Ltmp76, $1  }
0x454: {  	_ =	sdelay $0x3  }
.LBB2_144:
.Ltmp77:
0x455: {  	(pc) =	sbr.rel @p0 .LBB2_145-.Ltmp77, $4  }
0x456: {  	_ = 	snop  }
0x457: {  	_ =	swait.ge [sflag:s10], $0x800  }
0x458: {  	[sflag:s10] =	ssyncset.done $0x0  }
0x459: {  	[sflag:s10] =	ssyncadd.s32 $0xFFFFF800  }
.LBB2_137:
0x45a: {  	s0 =	sld [smem:$0x7F4];
	_ =	sdelay $0x2  }
0x45b: {  	p0 =	seq.s32 s0, $0x1  }
.Ltmp78:
0x45c: {  	_ = 	snop;
	(pc) =	sbr.rel @!p0 .LBB2_138-.Ltmp78, $1  }
0x45d: {  	_ =	sdelay $0x3  }
.LBB2_146:
0x45e: {  	_ =	swait.ge [sflag:s10], $0x800  }
0x45f: {  	s0 =	sld [smem:$0x7F6];
	_ =	sdelay $0x2  }
0x460: {  	p0 =	seq.s32 s0, $0x1  }
.Ltmp79:
0x461: {  	_ = 	snop;
	(pc) =	sbr.rel @p0 .LBB2_147-.Ltmp79, $3  }
0x462: {  	_ =	sdelay $0x1  }
0x463: {  	[sflag:s10] =	ssyncset.done $0x0  }
0x464: {  	[sflag:s10] =	ssyncadd.s32 $0xFFFFF800  }
.LBB2_139:
0x465: {  	s0 =	sld [smem:$0x7F3];
	_ =	sdelay $0x2  }
0x466: {  	p0 =	seq.s32 s0, $0x1  }
.Ltmp80:
0x467: {  	_ = 	snop;
	(pc) =	sbr.rel @!p0 .LBB2_140-.Ltmp80, $1  }
0x468: {  	_ =	sdelay $0x3  }
.LBB2_148:
.Ltmp81:
0x469: {  	(pc) =	sbr.rel @!p2 .LBB2_150-.Ltmp81, $4  }
.Ltmp82:
0x46a: {  	(pc) =	sbr.rel @p2 .LBB2_149-.Ltmp82, $4  }
0x46b: {  	_ =	swait.ge [sflag:s10], $0x800  }
0x46c: {  	[sflag:s10] =	ssyncset.done $0x0  }
0x46d: {  	[sflag:s10] =	ssyncadd.s32 $0xFFFFF800  }
0x46e: {  	_ = 	snop  }
.LBB2_99:
0x46f: {  	p0 =	slt.s32 s15, $0x8  }
.Ltmp83:
0x470: {  	_ = 	snop;
	(pc) =	sbr.rel @!p0 .LBB2_100-.Ltmp83, $2  }
0x471: {  	_ =	sdelay $0x2  }
0x472: {  	p1 =	por $0x0, $0x0  }
0x473: {  	p0 =	sne.s32 s15, $0x7  }
.Ltmp84:
0x474: {  	_ = 	snop;
	(pc) =	sbr.rel @!p0 .LBB2_102-.Ltmp84, $2  }
0x475: {  	_ =	sdelay $0x2  }
0x476: {  	p1 =	por $0x0, $0x0;
	p4 =	por $0x0, $0x0  }
0x477: {  	p0 =	slt.s32 s15, $0x6  }
.Ltmp85:
0x478: {  	_ = 	snop;
	(pc) =	sbr.rel @!p0 .LBB2_104-.Ltmp85, $2  }
0x479: {  	_ =	sdelay $0x2  }
0x47a: {  	p4 =	por $0x0, $0x0;
	p1 =	por $0x0, $0x0;
	p5 =	por $0x0, $0x0  }
0x47b: {  	p0 =	sne.s32 s15, $0x5  }
.Ltmp86:
0x47c: {  	_ = 	snop;
	(pc) =	sbr.rel @!p0 .LBB2_106-.Ltmp86, $3  }
0x47d: {  	_ =	sdelay $0x1  }
0x47e: {  	p5 =	por $0x0, $0x0  }
0x47f: {  	p1 =	por $0x0, $0x0;
	p4 =	por $0x0, $0x0;
	p6 =	por $0x0, $0x0  }
0x480: {  	p0 =	slt.s32 s15, $0x4  }
.Ltmp87:
0x481: {  	_ = 	snop;
	(pc) =	sbr.rel @!p0 .LBB2_108-.Ltmp87, $3  }
0x482: {  	_ =	sdelay $0x1  }
0x483: {  	p6 =	por $0x0, $0x0;
	p4 =	por $0x0, $0x0  }
0x484: {  	p1 =	por $0x0, $0x0;
	p5 =	por $0x0, $0x0;
	p2 =	por $0x0, $0x0  }
0x485: {  	p0 =	sne.s32 s15, $0x3  }
0x486: {  	s0 =	simm.s32 @!p0 $0x0  }
0x487: {  	s0 =	simm.s32 @p0 $0x1  }
0x488: {  	[smem:$0x7F5] =	sst s0  }
0x489: {  	s31 =	sld [smem:$0x7F5]  }
0x48a: {  	p0 =	por $0x0, $0x0  }
0x48b: {  	s0 =	simm.s32 @!p0 $0x0  }
0x48c: {  	s0 =	simm.s32 @p0 $0x1;
	p0 =	seq.s32 s31, $0x1  }
.Ltmp88:
0x48d: {  	_ = 	snop;
	(pc) =	sbr.rel @!p0 .LBB2_110-.Ltmp88, $3  }
0x48e: {  	_ =	sdelay $0x1  }
0x48f: {  	p2 =	por $0x0, $0x0;
	p5 =	por $0x0, $0x0;
	p1 =	por $0x0, $0x0  }
0x490: {  	p4 =	por $0x0, $0x0;
	p6 =	por $0x0, $0x0;
	[smem:$0x7F6] =	sst s0  }
0x491: {  	p2 =	slt.s32 s15, $0x2;
	p0 =	por $0x0, $0x0  }
.Ltmp89:
0x492: {  	s0 =	simm.s32 @!p0 $0x0;
	(pc) =	sbr.rel @!p2 .LBB2_112-.Ltmp89, $4  }
0x493: {  	s0 =	simm.s32 @p0 $0x1;
	p0 =	por $0x0, $0x0  }
0x494: {  	p6 =	por $0x0, $0x0;
	[smem:$0x7F6] =	sst s0;
	s0 =	simm.s32 @!p0 $0x0  }
0x495: {  	p4 =	por $0x0, $0x0;
	p1 =	por $0x0, $0x0;
	s0 =	simm.s32 @p0 $0x1  }
0x496: {  	p5 =	por $0x0, $0x0;
	p0 =	por $0x0, $0x0;
	[smem:$0x7F4] =	sst s0  }
0x497: {  	p0 =	sne.s32 s15, $0x1  }
0x498: {  	s0 =	simm.s32 @!p0 $0x0  }
0x499: {  	s0 =	simm.s32 @p0 $0x1;
	p0 =	por $0x0, $0x0  }
0x49a: {  	[smem:$0x7F2] =	sst s0;
	s0 =	simm.s32 @!p0 $0x0  }
0x49b: {  	s0 =	simm.s32 @p0 $0x1;
	p0 =	por $0x0, $0x0;
	s31 =	sld [smem:$0x7F2]  }
0x49c: {  	[smem:$0x7F3] =	sst s0;
	s0 =	simm.s32 @!p0 $0x0  }
0x49d: {  	s0 =	simm.s32 @p0 $0x1;
	p0 =	por $0x0, $0x0  }
0x49e: {  	[smem:$0x7F4] =	sst s0;
	s0 =	simm.s32 @!p0 $0x0  }
0x49f: {  	s0 =	simm.s32 @p0 $0x1;
	p0 =	seq.s32 s31, $0x1  }
.Ltmp90:
0x4a0: {  	_ = 	snop;
	(pc) =	sbr.rel @p0 .LBB2_151-.Ltmp90, $4  }
.Ltmp91:
0x4a1: {  	_ = 	snop;
	(pc) =	sbr.rel @!p0 .LBB2_114-.Ltmp91, $4  }
0x4a2: {  	p5 =	por $0x0, $0x0  }
0x4a3: {  	p1 =	por $0x0, $0x0;
	p4 =	por $0x0, $0x0;
	s4 =	rddreg [dreg:$0x12]  }
0x4a4: {  	p6 =	por $0x0, $0x0;
	p2 =	por $0x0, $0x0;
	[smem:$0x7F6] =	sst s0  }
0x4a5: {  	_ = 	snop  }
.LBB2_118:
0x4a6: {  	p3 =	slt.u32 s15, $0x11  }
.Ltmp92:
0x4a7: {  	_ = 	snop;
	(pc) =	sbr.rel @!p3 .LBB2_119-.Ltmp92, $1  }
0x4a8: {  	_ =	sdelay $0x3  }
0x4a9: {  	p3 =	sne.s32 s15, $0x10  }
.Ltmp93:
0x4aa: {  	_ = 	snop;
	(pc) =	sbr.rel @!p3 .LBB2_121-.Ltmp93, $1  }
0x4ab: {  	_ =	sdelay $0x3  }
0x4ac: {  	p3 =	slt.u32 s15, $0xF  }
.Ltmp94:
0x4ad: {  	_ = 	snop;
	(pc) =	sbr.rel @!p3 .LBB2_123-.Ltmp94, $1  }
0x4ae: {  	_ =	sdelay $0x3  }
0x4af: {  	p3 =	sne.s32 s15, $0xE  }
.Ltmp95:
0x4b0: {  	_ = 	snop;
	(pc) =	sbr.rel @!p3 .LBB2_125-.Ltmp95, $1  }
0x4b1: {  	_ =	sdelay $0x3  }
0x4b2: {  	p3 =	slt.u32 s15, $0xD  }
.Ltmp96:
0x4b3: {  	_ = 	snop;
	(pc) =	sbr.rel @!p3 .LBB2_127-.Ltmp96, $1  }
0x4b4: {  	_ =	sdelay $0x3  }
0x4b5: {  	p3 =	sne.s32 s15, $0xC  }
.Ltmp97:
0x4b6: {  	_ = 	snop;
	(pc) =	sbr.rel @!p3 .LBB2_129-.Ltmp97, $1  }
0x4b7: {  	_ =	sdelay $0x3  }
0x4b8: {  	p3 =	slt.u32 s15, $0xB  }
.Ltmp98:
0x4b9: {  	_ = 	snop;
	(pc) =	sbr.rel @!p3 .LBB2_131-.Ltmp98, $1  }
0x4ba: {  	_ =	sdelay $0x3  }
.Ltmp99:
0x4bb: {  	(pc) =	sbr.rel @p6 .LBB2_141-.Ltmp99, $1  }
0x4bc: {  	_ =	sdelay $0x3  }
.Ltmp100:
0x4bd: {  	(pc) =	sbr.rel @p1 .LBB2_142-.Ltmp100, $4  }
.Ltmp101:
0x4be: {  	(pc) =	sbr.rel @!p1 .LBB2_134-.Ltmp101, $4  }
0x4bf: {  	_ =	swait.ge [sflag:s10], $0x800  }
0x4c0: {  	[sflag:s10] =	ssyncset.done $0x0  }
0x4c1: {  	[sflag:s10] =	ssyncadd.s32 $0xFFFFF800  }
0x4c2: {  	_ = 	snop  }
.LBB2_141:
.Ltmp102:
0x4c3: {  	(pc) =	sbr.rel @p1 .LBB2_142-.Ltmp102, $1  }
0x4c4: {  	_ =	sdelay $0x3  }
.LBB2_134:
.Ltmp103:
0x4c5: {  	(pc) =	sbr.rel @!p4 .LBB2_135-.Ltmp103, $1  }
0x4c6: {  	_ =	sdelay $0x3  }
.LBB2_143:
.Ltmp104:
0x4c7: {  	(pc) =	sbr.rel @p5 .LBB2_144-.Ltmp104, $4  }
0x4c8: {  	_ = 	snop  }
0x4c9: {  	_ =	swait.ge [sflag:s10], $0x800  }
0x4ca: {  	[sflag:s10] =	ssyncset.done $0x0  }
0x4cb: {  	[sflag:s10] =	ssyncadd.s32 $0xFFFFF800  }
.LBB2_136:
.Ltmp105:
0x4cc: {  	(pc) =	sbr.rel @!p0 .LBB2_137-.Ltmp105, $1  }
0x4cd: {  	_ =	sdelay $0x3  }
.LBB2_145:
0x4ce: {  	_ =	swait.ge [sflag:s10], $0x800  }
0x4cf: {  	s0 =	sld [smem:$0x7F4];
	_ =	sdelay $0x2  }
0x4d0: {  	p0 =	seq.s32 s0, $0x1  }
.Ltmp106:
0x4d1: {  	_ = 	snop;
	(pc) =	sbr.rel @p0 .LBB2_146-.Ltmp106, $3  }
0x4d2: {  	_ =	sdelay $0x1  }
0x4d3: {  	[sflag:s10] =	ssyncset.done $0x0  }
0x4d4: {  	[sflag:s10] =	ssyncadd.s32 $0xFFFFF800  }
.LBB2_138:
0x4d5: {  	s0 =	sld [smem:$0x7F6];
	_ =	sdelay $0x2  }
0x4d6: {  	p0 =	seq.s32 s0, $0x1  }
.Ltmp107:
0x4d7: {  	_ = 	snop;
	(pc) =	sbr.rel @!p0 .LBB2_139-.Ltmp107, $1  }
0x4d8: {  	_ =	sdelay $0x3  }
.LBB2_147:
0x4d9: {  	_ =	swait.ge [sflag:s10], $0x800  }
0x4da: {  	s0 =	sld [smem:$0x7F3];
	_ =	sdelay $0x2  }
0x4db: {  	p0 =	seq.s32 s0, $0x1  }
.Ltmp108:
0x4dc: {  	_ = 	snop;
	(pc) =	sbr.rel @p0 .LBB2_148-.Ltmp108, $3  }
0x4dd: {  	_ =	sdelay $0x1  }
0x4de: {  	[sflag:s10] =	ssyncset.done $0x0  }
0x4df: {  	[sflag:s10] =	ssyncadd.s32 $0xFFFFF800  }
.LBB2_140:
.Ltmp109:
0x4e0: {  	(pc) =	sbr.rel @!p2 .LBB2_150-.Ltmp109, $1  }
0x4e1: {  	_ =	sdelay $0x3  }
.LBB2_149:
0x4e2: {  	_ =	swait.ge [sflag:s10], $0x800  }
0x4e3: {  	[sflag:s10] =	ssyncset.done $0x0  }
0x4e4: {  	[sflag:s10] =	ssyncadd.s32 $0xFFFFF800  }
.LBB2_150:
0x4e5: {  	_ =	swait.ge [sflag:s10], $0x800  }
0x4e6: {  	[sflag:s10] =	ssyncset.done $0x0  }
0x4e7: {  	s4 =	rddreg [dreg:$0x12];
	[sflag:s10] =	ssyncadd.s32 $0xFFFFF800  }
.LBB2_151:
0x4e8: {  	[bflag:$0x0] =	sbarrier.arrive $0xFFFF  }
0x4e9: {  	s0 =	rddreg [dreg:$0x10]  }
0x4ea: {  	s8 =	rddreg [dreg:$0x13]  }
0x4eb: {  	[hbm:s0], [sflag:s14] =	dma.local [spmem:s8], $0x2780  }
0x4ec: {  	s8 =	simm.s32 $0x4  }
0x4ed: {  	_ =	swait.ge [sflag:s8], $0x2780  }
0x4ee: {  	s4 =	sadd.s32 $0x1, s4;
	s31 =	rddreg [dreg:$0x11]  }
0x4ef: {  	p0 =	sne.s32 s4, s31  }
.Ltmp110:
0x4f0: {  	_ = 	snop;
	(pc) =	sbr.rel @p0 .LBB2_1-.Ltmp110, $3  }
0x4f1: {  	_ =	sdelay $0x1  }
0x4f2: {  	[sflag:s8] =	ssyncset.done $0x0  }
0x4f3: {  	[sflag:s8] =	ssyncadd.s32 $0xFFFFD880  }
0x4f4: {  	_ =	sfence.sel $0x180000  }
0x4f5: {  	[bflag:$0x0] =	sbarrier.arrive $0xFFFF  }
0x4f6: {  	_ =	strace $0x90000047  }
0x4f7: {  	s0 =	stileid.u32;
	[bflag:$0x2] =	sbarrier.arrive $0xFFFF  }
0x4f8: {  	p0 =	sne.s32 s0, $0x0;
	s0 =	rddreg [dreg:$0x4]  }
0x4f9: {  	s0 =	sadd.s32 @!p0 $0x100000, s0  }
0x4fa: {  	[sflag:s0] =	ssyncadd.tile.s32 @!p0 $0x1;
	_ =	shalt  }
.Lfunc_end2:
_tile_overlayer_lowered:
.L_overlay_start_2:
0x4fb: {  	(tag) =	ssettag $0x2  }
0x4fc: {  	s0 =	rddreg [dreg:$0x0];
	s2 =	stileid.u32  }
0x4fd: {  	s1 =	rddreg [dreg:$0x1];
	p0 =	sne.s32 s2, $0x0  }
0x4fe: {  	s3 =	rddreg [dreg:$0x2];
	[bflag:$0x3] =	sbarrier.arrive $0xFFFF;
	s2 =	simm.s32 @!p0 $0x1C05  }
0x4ff: {  	[timem:s3], [sflag:s2] =	dma.local @!p0 [hbm:s0], s1  }
0x500: {  	s0 =	simm.s32 @!p0 $0x5  }
0x501: {  	_ =	swait.ge @!p0 [sflag:s0], s1  }
0x502: {  	s1 =	ssub.s32 @!p0 $0x0, s1;
	[sflag:s0] =	ssyncset.done @!p0 $0x0  }
0x503: {  	[sflag:s0] =	ssyncadd.s32 @!p0 s1  }
0x504: {  	[bflag:$0x3] =	sbarrier.arrive $0xFFFF  }
0x505: {  	_ =	shalt  }

</sc_bundles>
